<compile_context>
chip_gen: v7x
topology: tpu7x:2x2x1
jax: 0.10.2.dev20260603
libtpu: 0.0.44.dev20260713+nightly
codegen_flags: <defaults>
</compile_context>

<pallas_src>
import functools
import math

import jax
import jax.numpy as jnp
import numpy as np
from jax import lax
from jax.experimental import pallas as pl
from jax.experimental.pallas import tpu as pltpu
from jax.experimental.pallas import tpu_sc as plsc

_NB = 32
_MAXD = 128
_H = 8
_S = 2048
_W = 2 * _S
_ILEN = 6160
_NC, _NS = 2, 16
_NQ = 4
_QROWS = _S // _NQ
_NBLK = _QROWS // 8
_BQLEN = 4608
_NCHUNK = _BQLEN // 16


def _bucket_table() -> np.ndarray:
    m = np.arange(_ILEN)
    n = np.maximum(4095 - m, 0).astype(np.int32)
    max_exact = _NB // 2
    nf = n.astype(np.float32)
    q = np.log(np.maximum(nf, np.float32(1.0)) / np.float32(max_exact))
    q = q / np.float32(math.log(_MAXD / max_exact)) * np.float32(_NB - max_exact)
    val = max_exact + q.astype(np.int32)
    val = np.minimum(val, _NB - 1)
    return np.where(n < max_exact, n, val).astype(np.int32)


_IDX_TABLE = _bucket_table()


@functools.cache
def _build_sc_kernel():
    mesh = plsc.VectorSubcoreMesh(core_axis_name="c", subcore_axis_name="s")
    return functools.partial(
        pl.kernel,
        mesh=mesh,
        out_type=jax.ShapeDtypeStruct((_S * _H // 8, 8, _W), jnp.float32),
        scratch_types=[
            pltpu.VMEM((_ILEN,), jnp.int32),
            pltpu.VMEM((_NB * _H,), jnp.float32),
            pltpu.VMEM((_BQLEN,), jnp.float32),
            pltpu.VMEM((8, _W), jnp.float32),
            pltpu.VMEM((8, _W), jnp.float32),
            pltpu.SemaphoreType.DMA,
            pltpu.SemaphoreType.DMA,
        ],
        compiler_params=pltpu.CompilerParams(needs_layout_passes=False),
    )(_rp_bias_sc)


def _rp_bias_sc(emb_hbm, idx_hbm, out_hbm, idx_v, emb_v, bq_v, st0, st1, sem0, sem1):
    cid = lax.axis_index("c")
    sid = lax.axis_index("s")
    wid = sid * _NC + cid
    h = wid // _NQ
    q = wid % _NQ
    lo = (_S - _QROWS) - _QROWS * q

    pltpu.sync_copy(idx_hbm, idx_v)
    pltpu.sync_copy(emb_hbm, emb_v)

    lanes = lax.iota(jnp.int32, 16)
    hvec = jnp.full((16,), h, jnp.int32)

    @plsc.parallel_loop(0, _NCHUNK, 1, unroll=4)
    def build(c):
        bkt = plsc.load_gather(idx_v, [lanes + (c * 16 + lo)])
        bq_v[pl.ds(c * 16, 16)] = plsc.load_gather(emb_v, [bkt * 8 + hvec])

    stages = (st0, st1)
    sems = (sem0, sem1)

    def block(tt, carry):
        for b in range(2):
            t = tt * 2 + b
            st, sem = stages[b], sems[b]

            @pl.when(tt > 0)
            def _wait_prev():
                pltpu.make_async_copy(out_hbm.at[0], st, sem).wait()

            u0 = 511 - 8 * t
            rowidx = [lanes + (u0 - r) for r in range(8)]

            @plsc.parallel_loop(0, _W // 128, 1, unroll=1)
            def repack(cc):
                col = cc * 128
                for k in range(8):
                    base = k * 16
                    for r in range(8):
                        st[r, pl.ds(col + base, 16)] = plsc.load_gather(
                            bq_v, [rowidx[r] + (col + base)]
                        )

            blk = (h * _NQ + q) * _NBLK + t
            pltpu.async_copy(st, out_hbm.at[blk], sem)
        return carry

    lax.fori_loop(0, _NBLK // 2, block, 0)

    pltpu.make_async_copy(out_hbm.at[0], st0, sem0).wait()
    pltpu.make_async_copy(out_hbm.at[0], st1, sem1).wait()


def kernel(sequence_length, embedding):
    del sequence_length
    out = _build_sc_kernel()(
        embedding.astype(jnp.float32).reshape(_NB * _H),
        jnp.asarray(_IDX_TABLE),
    )
    return out.reshape(1, _H, _S, _W)

# --- scband reference (transcript-rebuilt; emitter-appended) ---
"""Pipeline reference for scband-relative-position-53085795779504 (READ-ONLY COPY).

The authoritative reference and input builder live on the scoring server;
editing this copy changes nothing except your own understanding.
"""

import jax, jax.numpy as jnp
import numpy as np
import math

NUM_BUCKETS = 32
RP_MAX_DISTANCE = 128
HEADS = 8
SCALE = 1.0
SEQUENCE_LENGTH = 2048


def setup_inputs(seed: int = 0) -> dict:
    key = jax.random.key(seed)
    embedding = jax.random.normal(key, (NUM_BUCKETS, HEADS), dtype=jnp.float32)
    return {"sequence_length": 2048, "embedding": embedding}


def _relative_position_bucket(relative_position_matrix):
    n = -relative_position_matrix
    n = jnp.maximum(n, jnp.zeros_like(n))
    max_exact = NUM_BUCKETS // 2
    is_small = n < max_exact
    val_if_large = max_exact + (
        jnp.log(n.astype(jnp.float32) / max_exact)
        / math.log(RP_MAX_DISTANCE / max_exact)
        * (NUM_BUCKETS - max_exact)
    ).astype(jnp.int32)
    val_if_large = jnp.minimum(val_if_large, jnp.full_like(val_if_large, NUM_BUCKETS - 1))
    return jnp.where(is_small, n, val_if_large)


def reference(sequence_length, embedding):
    offset = jnp.asarray(sequence_length, dtype=jnp.int32) - SEQUENCE_LENGTH
    sequence_pos = jnp.arange(SEQUENCE_LENGTH, dtype=jnp.int32) + offset
    context_pos = jnp.arange(-SEQUENCE_LENGTH, SEQUENCE_LENGTH, dtype=jnp.int32) + offset
    sequence_pos = sequence_pos.reshape(sequence_pos.shape[0], 1)
    rel_pos = context_pos[None, :] - sequence_pos
    position_bucket_indices = _relative_position_bucket(rel_pos)
    rp_values = jnp.take(embedding, position_bucket_indices, axis=0)  # [S, 2S, H]
    rp_values = jnp.transpose(rp_values, (2, 0, 1))[None, :, :, :]    # [1, H, S, 2S]
    return rp_values * SCALE

if __name__ == "__main__":
    import jax
    _d = setup_inputs()
    print(jax.jit(kernel)(*tuple(_d.values())))

</pallas_src>

<mosaic_0001>
#map = affine_map<(d0, d1) -> (0)>
#map1 = affine_map<(d0, d1) -> (0, 0, 0)>
module attributes {stable_mosaic.version = 14 : i64} {
  func.func @_rp_bias_sc(%arg0: i32, %arg1: i32, %arg2: memref<256xf32, #tpu.memory_space<hbm>>, %arg3: memref<6160xi32, #tpu.memory_space<hbm>>, %arg4: memref<2048x8x4096xf32, #tpu.memory_space<hbm>>, %arg5: memref<6160xi32, #tpu.memory_space<vmem>>, %arg6: memref<256xf32, #tpu.memory_space<vmem>>, %arg7: memref<4608xf32, #tpu.memory_space<vmem>>, %arg8: memref<8x4096xf32, #tpu.memory_space<vmem>>, %arg9: memref<8x4096xf32, #tpu.memory_space<vmem>>, %arg10: memref<!tpu.dma_semaphore, #tpu.memory_space<semaphore_mem>>, %arg11: memref<!tpu.dma_semaphore, #tpu.memory_space<semaphore_mem>>) attributes {dimension_semantics = [#tpu.dimension_semantics<core_parallel>, #tpu.dimension_semantics<subcore_parallel>], iteration_bounds = array<i64: 2, 16>, scalar_prefetch = 0 : i64, scratch_operands = 7 : i64, tpu.core_type = #tpu.core_type<sc_vector_subcore>, window_params = [{transform_indices = #map}, {transform_indices = #map}, {transform_indices = #map1}]} {
    %mul3A = arith.constant 2 : i32
    %mul3A_0 = arith.muli %arg1, %mul3A : i32
    %add3A = arith.addi %mul3A_0, %arg0 : i32
    %jit3A = arith.constant 4 : i32
    %div3A = arith.divsi %add3A, %jit3A : i32
    %sign3A = arith.constant 0 : i32
    %sign3A_1 = arith.cmpi sgt, %add3A, %sign3A : i32
    %sign3A_2 = arith.extui %sign3A_1 : i1 to i32
    %sign3A_3 = arith.constant 0 : i32
    %sign3A_4 = arith.cmpi slt, %add3A, %sign3A_3 : i32
    %sign3A_5 = arith.extui %sign3A_4 : i1 to i32
    %sign3A_6 = arith.subi %sign3A_2, %sign3A_5 : i32
    %sign3A_7 = arith.constant 0 : i32
    %sign3A_8 = arith.cmpi sgt, %jit3A, %sign3A_7 : i32
    %sign3A_9 = arith.extui %sign3A_8 : i1 to i32
    %sign3A_10 = arith.constant 0 : i32
    %sign3A_11 = arith.cmpi slt, %jit3A, %sign3A_10 : i32
    %sign3A_12 = arith.extui %sign3A_11 : i1 to i32
    %sign3A_13 = arith.subi %sign3A_9, %sign3A_12 : i32
    %ne3A = arith.cmpi ne, %sign3A_6, %sign3A_13 : i32
    %rem3A = arith.remsi %add3A, %jit3A : i32
    %ne3A_14 = arith.constant 0 : i32
    %ne3A_15 = arith.cmpi ne, %rem3A, %ne3A_14 : i32
    %and3A = arith.andi %ne3A, %ne3A_15 : i1
    %sub3A = arith.constant 1 : i32
    %sub3A_16 = arith.subi %div3A, %sub3A : i32
    %select_n3A = arith.select %and3A, %sub3A_16, %div3A : i32
    %jit3A_17 = arith.constant 4 : i32
    %eq3A = arith.constant 0 : i32
    %eq3A_18 = arith.cmpi eq, %jit3A_17, %eq3A : i32
    %jit3A_19 = arith.constant 1 : i32
    %select_n3A_20 = arith.select %eq3A_18, %jit3A_19, %jit3A_17 : i32
    %rem3A_21 = arith.remsi %add3A, %select_n3A_20 : i32
    %ne3A_22 = arith.constant 0 : i32
    %ne3A_23 = arith.cmpi ne, %rem3A_21, %ne3A_22 : i32
    %lt3A = arith.constant 0 : i32
    %lt3A_24 = arith.cmpi slt, %rem3A_21, %lt3A : i32
    %lt3A_25 = arith.constant 0 : i32
    %lt3A_26 = arith.cmpi slt, %select_n3A_20, %lt3A_25 : i32
    %ne3A_27 = arith.xori %lt3A_24, %lt3A_26 : i1
    %and3A_28 = arith.andi %ne3A_27, %ne3A_23 : i1
    %add3A_29 = arith.addi %rem3A_21, %select_n3A_20 : i32
    %select_n3A_30 = arith.select %and3A_28, %add3A_29, %rem3A_21 : i32
    %mul3A_31 = arith.constant 512 : i32
    %mul3A_32 = arith.muli %mul3A_31, %select_n3A_30 : i32
    %sub3A_33 = arith.constant 1536 : i32
    %sub3A_34 = arith.subi %sub3A_33, %mul3A_32 : i32
    "tpu.region"() ({
      %run_scoped3A = tpu.sem_alloc : memref<!tpu.dma_semaphore, #tpu.memory_space<semaphore_mem>>
      tpu.enqueue_dma source(%arg3 : memref<6160xi32, #tpu.memory_space<hbm>>) target(%arg5 : memref<6160xi32, #tpu.memory_space<vmem>>) target_semaphore(%run_scoped3A : memref<!tpu.dma_semaphore, #tpu.memory_space<semaphore_mem>>)
      tpu.wait_dma2 semaphore(%run_scoped3A : memref<!tpu.dma_semaphore, #tpu.memory_space<semaphore_mem>>) src(%arg3 : memref<6160xi32, #tpu.memory_space<hbm>>) dst(%arg5 : memref<6160xi32, #tpu.memory_space<vmem>>)
      tpu.yield
    }) : () -> ()
    "tpu.region"() ({
      %run_scoped3A = tpu.sem_alloc : memref<!tpu.dma_semaphore, #tpu.memory_space<semaphore_mem>>
      tpu.enqueue_dma source(%arg2 : memref<256xf32, #tpu.memory_space<hbm>>) target(%arg6 : memref<256xf32, #tpu.memory_space<vmem>>) target_semaphore(%run_scoped3A : memref<!tpu.dma_semaphore, #tpu.memory_space<semaphore_mem>>)
      tpu.wait_dma2 semaphore(%run_scoped3A : memref<!tpu.dma_semaphore, #tpu.memory_space<semaphore_mem>>) src(%arg2 : memref<256xf32, #tpu.memory_space<hbm>>) dst(%arg6 : memref<256xf32, #tpu.memory_space<vmem>>)
      tpu.yield
    }) : () -> ()
    %iota3A = tpu.iota {dimensions = array<i32: 0>} : vector<16xi32>
    %broadcast_in_dim3A = vector.broadcast %select_n3A : i32 to vector<16xi32>
    %parallel_loop3A = arith.constant 0 : i32
    %parallel_loop3A_35 = arith.constant 288 : i32
    %parallel_loop3A_36 = arith.constant 1 : i32
    scf.for %parallel_loop3A_59 = %parallel_loop3A to %parallel_loop3A_35 step %parallel_loop3A_36  : i32 {
      %parallel_loop3A_60 = arith.constant 16 : i32
      %parallel_loop3A_61 = arith.muli %parallel_loop3A_59, %parallel_loop3A_60 : i32
      %parallel_loop3A_62 = arith.addi %parallel_loop3A_61, %sub3A_34 : i32
      %parallel_loop3A_63 = vector.broadcast %parallel_loop3A_62 : i32 to vector<16xi32>
      %parallel_loop3A_64 = arith.addi %iota3A, %parallel_loop3A_63 : vector<16xi32>
      %parallel_loop3A_65 = tpu.vector_load_idx %arg5[%parallel_loop3A_64] : memref<6160xi32, #tpu.memory_space<vmem>>[vector<16xi32>], vector<16xi32>,
      %parallel_loop3A_66 = arith.constant 8 : i32
      %parallel_loop3A_67 = vector.broadcast %parallel_loop3A_66 : i32 to vector<16xi32>
      %parallel_loop3A_68 = arith.muli %parallel_loop3A_65, %parallel_loop3A_67 : vector<16xi32>
      %parallel_loop3A_69 = arith.addi %parallel_loop3A_68, %broadcast_in_dim3A : vector<16xi32>
      %parallel_loop3A_70 = tpu.vector_load_idx %arg6[%parallel_loop3A_69] : memref<256xf32, #tpu.memory_space<vmem>>[vector<16xi32>], vector<16xf32>,
      %parallel_loop3A_71 = arith.constant 16 : i32
      %parallel_loop3A_72 = arith.muli %parallel_loop3A_59, %parallel_loop3A_71 : i32
      %parallel_loop3A_73 = arith.index_cast %parallel_loop3A_72 : i32 to index
      %parallel_loop3A_74 = tpu.vector_load %arg7[%parallel_loop3A_73] {strides = array<i32>} : memref<4608xf32, #tpu.memory_space<vmem>>, vector<16xf32>,
      tpu.vector_store %arg7[%parallel_loop3A_73], %parallel_loop3A_70 {strides = array<i32>} : memref<4608xf32, #tpu.memory_space<vmem>>, vector<16xf32>,
    } {sc.loop_unroll_factor = 4 : i64, sc.parallel_access}
    %scan3A = arith.constant 0 : i32
    %scan3A_37 = arith.constant 0 : i32
    %scan3A_38 = arith.constant 32 : i32
    %scan3A_39 = arith.addi %scan3A_37, %scan3A_38 : i32
    %scan3A_40 = arith.constant 1 : i32
    scf.for %scan3A_59 = %scan3A_37 to %scan3A_39 step %scan3A_40  : i32 {
      %mul3A_60 = arith.constant 2 : i32
      %mul3A_61 = arith.muli %scan3A_59, %mul3A_60 : i32
      %add3A_62 = arith.constant 0 : i32
      %add3A_63 = arith.addi %mul3A_61, %add3A_62 : i32
      %gt3A = arith.constant 0 : i32
      %gt3A_64 = arith.cmpi sgt, %scan3A_59, %gt3A : i32
      %convert_element_type3A = arith.extui %gt3A_64 : i1 to i32
      %cond3A = arith.constant 0 : i32
      %cond3A_65 = arith.cmpi ne, %convert_element_type3A, %cond3A : i32
      scf.if %cond3A_65 {
        %dma_wait3A_180 = arith.constant 0 : i32
        %dma_wait3A_181 = arith.constant 0 : i32
        %dma_wait3A_182 = arith.constant 0 : i32
        %dma_wait3A_183 = tpu.memref_slice %arg4[%dma_wait3A_180, %dma_wait3A_181, %dma_wait3A_182] : memref<2048x8x4096xf32, #tpu.memory_space<hbm>> -> memref<1x8x4096xf32, #tpu.memory_space<hbm>>
        %dma_wait3A_184 = tpu.memref_squeeze %dma_wait3A_183 : memref<1x8x4096xf32, #tpu.memory_space<hbm>> -> memref<8x4096xf32, #tpu.memory_space<hbm>>
        %dma_wait3A_185 = arith.constant 0 : i32
        %dma_wait3A_186 = arith.constant 0 : i32
        %dma_wait3A_187 = tpu.memref_slice %arg4[%dma_wait3A_180, %dma_wait3A_185, %dma_wait3A_186] : memref<2048x8x4096xf32, #tpu.memory_space<hbm>> -> memref<1x8x4096xf32, #tpu.memory_space<hbm>>
        %dma_wait3A_188 = tpu.memref_squeeze %dma_wait3A_187 : memref<1x8x4096xf32, #tpu.memory_space<hbm>> -> memref<8x4096xf32, #tpu.memory_space<hbm>>
        tpu.wait_dma2 semaphore(%arg10 : memref<!tpu.dma_semaphore, #tpu.memory_space<semaphore_mem>>) src(%dma_wait3A_188 : memref<8x4096xf32, #tpu.memory_space<hbm>>) dst(%arg8 : memref<8x4096xf32, #tpu.memory_space<vmem>>)
      } else {
      }
      %mul3A_66 = arith.constant 8 : i32
      %mul3A_67 = arith.muli %mul3A_66, %add3A_63 : i32
      %sub3A_68 = arith.constant 511 : i32
      %sub3A_69 = arith.subi %sub3A_68, %mul3A_67 : i32
      %sub3A_70 = arith.constant 0 : i32
      %sub3A_71 = arith.subi %sub3A_69, %sub3A_70 : i32
      %add3A_72 = vector.broadcast %sub3A_71 : i32 to vector<16xi32>
      %add3A_73 = arith.addi %iota3A, %add3A_72 : vector<16xi32>
      %sub3A_74 = arith.constant 1 : i32
      %sub3A_75 = arith.subi %sub3A_69, %sub3A_74 : i32
      %add3A_76 = vector.broadcast %sub3A_75 : i32 to vector<16xi32>
      %add3A_77 = arith.addi %iota3A, %add3A_76 : vector<16xi32>
      %sub3A_78 = arith.constant 2 : i32
      %sub3A_79 = arith.subi %sub3A_69, %sub3A_78 : i32
      %add3A_80 = vector.broadcast %sub3A_79 : i32 to vector<16xi32>
      %add3A_81 = arith.addi %iota3A, %add3A_80 : vector<16xi32>
      %sub3A_82 = arith.constant 3 : i32
      %sub3A_83 = arith.subi %sub3A_69, %sub3A_82 : i32
      %add3A_84 = vector.broadcast %sub3A_83 : i32 to vector<16xi32>
      %add3A_85 = arith.addi %iota3A, %add3A_84 : vector<16xi32>
      %sub3A_86 = arith.constant 4 : i32
      %sub3A_87 = arith.subi %sub3A_69, %sub3A_86 : i32
      %add3A_88 = vector.broadcast %sub3A_87 : i32 to vector<16xi32>
      %add3A_89 = arith.addi %iota3A, %add3A_88 : vector<16xi32>
      %sub3A_90 = arith.constant 5 : i32
      %sub3A_91 = arith.subi %sub3A_69, %sub3A_90 : i32
      %add3A_92 = vector.broadcast %sub3A_91 : i32 to vector<16xi32>
      %add3A_93 = arith.addi %iota3A, %add3A_92 : vector<16xi32>
      %sub3A_94 = arith.constant 6 : i32
      %sub3A_95 = arith.subi %sub3A_69, %sub3A_94 : i32
      %add3A_96 = vector.broadcast %sub3A_95 : i32 to vector<16xi32>
      %add3A_97 = arith.addi %iota3A, %add3A_96 : vector<16xi32>
      %sub3A_98 = arith.constant 7 : i32
      %sub3A_99 = arith.subi %sub3A_69, %sub3A_98 : i32
      %add3A_100 = vector.broadcast %sub3A_99 : i32 to vector<16xi32>
      %add3A_101 = arith.addi %iota3A, %add3A_100 : vector<16xi32>
      %parallel_loop3A_102 = arith.constant 0 : i32
      %parallel_loop3A_103 = arith.constant 32 : i32
      %parallel_loop3A_104 = arith.constant 1 : i32
      scf.for %parallel_loop3A_180 = %parallel_loop3A_102 to %parallel_loop3A_103 step %parallel_loop3A_104  : i32 {
        %parallel_loop3A_181 = arith.constant 128 : i32
        %parallel_loop3A_182 = arith.muli %parallel_loop3A_180, %parallel_loop3A_181 : i32
        %parallel_loop3A_183 = arith.constant 0 : i32
        %parallel_loop3A_184 = arith.addi %parallel_loop3A_182, %parallel_loop3A_183 : i32
        %parallel_loop3A_185 = vector.broadcast %parallel_loop3A_184 : i32 to vector<16xi32>
        %parallel_loop3A_186 = arith.addi %add3A_73, %parallel_loop3A_185 : vector<16xi32>
        %parallel_loop3A_187 = tpu.vector_load_idx %arg7[%parallel_loop3A_186] : memref<4608xf32, #tpu.memory_space<vmem>>[vector<16xi32>], vector<16xf32>,
        %parallel_loop3A_188 = arith.constant 0 : i32
        %parallel_loop3A_189 = arith.addi %parallel_loop3A_182, %parallel_loop3A_188 : i32
        %parallel_loop3A_190 = arith.constant 0 : i32
        %parallel_loop3A_191 = arith.index_cast %parallel_loop3A_190 : i32 to index
        %parallel_loop3A_192 = arith.index_cast %parallel_loop3A_189 : i32 to index
        %parallel_loop3A_193 = tpu.vector_load %arg8[%parallel_loop3A_191, %parallel_loop3A_192] {strides = array<i32>} : memref<8x4096xf32, #tpu.memory_space<vmem>>, vector<16xf32>,
        tpu.vector_store %arg8[%parallel_loop3A_191, %parallel_loop3A_192], %parallel_loop3A_187 {strides = array<i32>} : memref<8x4096xf32, #tpu.memory_space<vmem>>, vector<16xf32>,
        %parallel_loop3A_194 = arith.constant 0 : i32
        %parallel_loop3A_195 = arith.addi %parallel_loop3A_182, %parallel_loop3A_194 : i32
        %parallel_loop3A_196 = vector.broadcast %parallel_loop3A_195 : i32 to vector<16xi32>
        %parallel_loop3A_197 = arith.addi %add3A_77, %parallel_loop3A_196 : vector<16xi32>
        %parallel_loop3A_198 = tpu.vector_load_idx %arg7[%parallel_loop3A_197] : memref<4608xf32, #tpu.memory_space<vmem>>[vector<16xi32>], vector<16xf32>,
        %parallel_loop3A_199 = arith.constant 0 : i32
        %parallel_loop3A_200 = arith.addi %parallel_loop3A_182, %parallel_loop3A_199 : i32
        %parallel_loop3A_201 = arith.constant 1 : i32
        %parallel_loop3A_202 = arith.index_cast %parallel_loop3A_201 : i32 to index
        %parallel_loop3A_203 = arith.index_cast %parallel_loop3A_200 : i32 to index
        %parallel_loop3A_204 = tpu.vector_load %arg8[%parallel_loop3A_202, %parallel_loop3A_203] {strides = array<i32>} : memref<8x4096xf32, #tpu.memory_space<vmem>>, vector<16xf32>,
        tpu.vector_store %arg8[%parallel_loop3A_202, %parallel_loop3A_203], %parallel_loop3A_198 {strides = array<i32>} : memref<8x4096xf32, #tpu.memory_space<vmem>>, vector<16xf32>,
        %parallel_loop3A_205 = arith.constant 0 : i32
        %parallel_loop3A_206 = arith.addi %parallel_loop3A_182, %parallel_loop3A_205 : i32
        %parallel_loop3A_207 = vector.broadcast %parallel_loop3A_206 : i32 to vector<16xi32>
        %parallel_loop3A_208 = arith.addi %add3A_81, %parallel_loop3A_207 : vector<16xi32>
        %parallel_loop3A_209 = tpu.vector_load_idx %arg7[%parallel_loop3A_208] : memref<4608xf32, #tpu.memory_space<vmem>>[vector<16xi32>], vector<16xf32>,
        %parallel_loop3A_210 = arith.constant 0 : i32
        %parallel_loop3A_211 = arith.addi %parallel_loop3A_182, %parallel_loop3A_210 : i32
        %parallel_loop3A_212 = arith.constant 2 : i32
        %parallel_loop3A_213 = arith.index_cast %parallel_loop3A_212 : i32 to index
        %parallel_loop3A_214 = arith.index_cast %parallel_loop3A_211 : i32 to index
        %parallel_loop3A_215 = tpu.vector_load %arg8[%parallel_loop3A_213, %parallel_loop3A_214] {strides = array<i32>} : memref<8x4096xf32, #tpu.memory_space<vmem>>, vector<16xf32>,
        tpu.vector_store %arg8[%parallel_loop3A_213, %parallel_loop3A_214], %parallel_loop3A_209 {strides = array<i32>} : memref<8x4096xf32, #tpu.memory_space<vmem>>, vector<16xf32>,
        %parallel_loop3A_216 = arith.constant 0 : i32
        %parallel_loop3A_217 = arith.addi %parallel_loop3A_182, %parallel_loop3A_216 : i32
        %parallel_loop3A_218 = vector.broadcast %parallel_loop3A_217 : i32 to vector<16xi32>
        %parallel_loop3A_219 = arith.addi %add3A_85, %parallel_loop3A_218 : vector<16xi32>
        %parallel_loop3A_220 = tpu.vector_load_idx %arg7[%parallel_loop3A_219] : memref<4608xf32, #tpu.memory_space<vmem>>[vector<16xi32>], vector<16xf32>,
        %parallel_loop3A_221 = arith.constant 0 : i32
        %parallel_loop3A_222 = arith.addi %parallel_loop3A_182, %parallel_loop3A_221 : i32
        %parallel_loop3A_223 = arith.constant 3 : i32
        %parallel_loop3A_224 = arith.index_cast %parallel_loop3A_223 : i32 to index
        %parallel_loop3A_225 = arith.index_cast %parallel_loop3A_222 : i32 to index
        %parallel_loop3A_226 = tpu.vector_load %arg8[%parallel_loop3A_224, %parallel_loop3A_225] {strides = array<i32>} : memref<8x4096xf32, #tpu.memory_space<vmem>>, vector<16xf32>,
        tpu.vector_store %arg8[%parallel_loop3A_224, %parallel_loop3A_225], %parallel_loop3A_220 {strides = array<i32>} : memref<8x4096xf32, #tpu.memory_space<vmem>>, vector<16xf32>,
        %parallel_loop3A_227 = arith.constant 0 : i32
        %parallel_loop3A_228 = arith.addi %parallel_loop3A_182, %parallel_loop3A_227 : i32
        %parallel_loop3A_229 = vector.broadcast %parallel_loop3A_228 : i32 to vector<16xi32>
        %parallel_loop3A_230 = arith.addi %add3A_89, %parallel_loop3A_229 : vector<16xi32>
        %parallel_loop3A_231 = tpu.vector_load_idx %arg7[%parallel_loop3A_230] : memref<4608xf32, #tpu.memory_space<vmem>>[vector<16xi32>], vector<16xf32>,
        %parallel_loop3A_232 = arith.constant 0 : i32
        %parallel_loop3A_233 = arith.addi %parallel_loop3A_182, %parallel_loop3A_232 : i32
        %parallel_loop3A_234 = arith.constant 4 : i32
        %parallel_loop3A_235 = arith.index_cast %parallel_loop3A_234 : i32 to index
        %parallel_loop3A_236 = arith.index_cast %parallel_loop3A_233 : i32 to index
        %parallel_loop3A_237 = tpu.vector_load %arg8[%parallel_loop3A_235, %parallel_loop3A_236] {strides = array<i32>} : memref<8x4096xf32, #tpu.memory_space<vmem>>, vector<16xf32>,
        tpu.vector_store %arg8[%parallel_loop3A_235, %parallel_loop3A_236], %parallel_loop3A_231 {strides = array<i32>} : memref<8x4096xf32, #tpu.memory_space<vmem>>, vector<16xf32>,
        %parallel_loop3A_238 = arith.constant 0 : i32
        %parallel_loop3A_239 = arith.addi %parallel_loop3A_182, %parallel_loop3A_238 : i32
        %parallel_loop3A_240 = vector.broadcast %parallel_loop3A_239 : i32 to vector<16xi32>
        %parallel_loop3A_241 = arith.addi %add3A_93, %parallel_loop3A_240 : vector<16xi32>
        %parallel_loop3A_242 = tpu.vector_load_idx %arg7[%parallel_loop3A_241] : memref<4608xf32, #tpu.memory_space<vmem>>[vector<16xi32>], vector<16xf32>,
        %parallel_loop3A_243 = arith.constant 0 : i32
        %parallel_loop3A_244 = arith.addi %parallel_loop3A_182, %parallel_loop3A_243 : i32
        %parallel_loop3A_245 = arith.constant 5 : i32
        %parallel_loop3A_246 = arith.index_cast %parallel_loop3A_245 : i32 to index
        %parallel_loop3A_247 = arith.index_cast %parallel_loop3A_244 : i32 to index
        %parallel_loop3A_248 = tpu.vector_load %arg8[%parallel_loop3A_246, %parallel_loop3A_247] {strides = array<i32>} : memref<8x4096xf32, #tpu.memory_space<vmem>>, vector<16xf32>,
        tpu.vector_store %arg8[%parallel_loop3A_246, %parallel_loop3A_247], %parallel_loop3A_242 {strides = array<i32>} : memref<8x4096xf32, #tpu.memory_space<vmem>>, vector<16xf32>,
        %parallel_loop3A_249 = arith.constant 0 : i32
        %parallel_loop3A_250 = arith.addi %parallel_loop3A_182, %parallel_loop3A_249 : i32
        %parallel_loop3A_251 = vector.broadcast %parallel_loop3A_250 : i32 to vector<16xi32>
        %parallel_loop3A_252 = arith.addi %add3A_97, %parallel_loop3A_251 : vector<16xi32>
        %parallel_loop3A_253 = tpu.vector_load_idx %arg7[%parallel_loop3A_252] : memref<4608xf32, #tpu.memory_space<vmem>>[vector<16xi32>], vector<16xf32>,
        %parallel_loop3A_254 = arith.constant 0 : i32
        %parallel_loop3A_255 = arith.addi %parallel_loop3A_182, %parallel_loop3A_254 : i32
        %parallel_loop3A_256 = arith.constant 6 : i32
        %parallel_loop3A_257 = arith.index_cast %parallel_loop3A_256 : i32 to index
        %parallel_loop3A_258 = arith.index_cast %parallel_loop3A_255 : i32 to index
        %parallel_loop3A_259 = tpu.vector_load %arg8[%parallel_loop3A_257, %parallel_loop3A_258] {strides = array<i32>} : memref<8x4096xf32, #tpu.memory_space<vmem>>, vector<16xf32>,
        tpu.vector_store %arg8[%parallel_loop3A_257, %parallel_loop3A_258], %parallel_loop3A_253 {strides = array<i32>} : memref<8x4096xf32, #tpu.memory_space<vmem>>, vector<16xf32>,
        %parallel_loop3A_260 = arith.constant 0 : i32
        %parallel_loop3A_261 = arith.addi %parallel_loop3A_182, %parallel_loop3A_260 : i32
        %parallel_loop3A_262 = vector.broadcast %parallel_loop3A_261 : i32 to vector<16xi32>
        %parallel_loop3A_263 = arith.addi %add3A_101, %parallel_loop3A_262 : vector<16xi32>
        %parallel_loop3A_264 = tpu.vector_load_idx %arg7[%parallel_loop3A_263] : memref<4608xf32, #tpu.memory_space<vmem>>[vector<16xi32>], vector<16xf32>,
        %parallel_loop3A_265 = arith.constant 0 : i32
        %parallel_loop3A_266 = arith.addi %parallel_loop3A_182, %parallel_loop3A_265 : i32
        %parallel_loop3A_267 = arith.constant 7 : i32
        %parallel_loop3A_268 = arith.index_cast %parallel_loop3A_267 : i32 to index
        %parallel_loop3A_269 = arith.index_cast %parallel_loop3A_266 : i32 to index
        %parallel_loop3A_270 = tpu.vector_load %arg8[%parallel_loop3A_268, %parallel_loop3A_269] {strides = array<i32>} : memref<8x4096xf32, #tpu.memory_space<vmem>>, vector<16xf32>,
        tpu.vector_store %arg8[%parallel_loop3A_268, %parallel_loop3A_269], %parallel_loop3A_264 {strides = array<i32>} : memref<8x4096xf32, #tpu.memory_space<vmem>>, vector<16xf32>,
        %parallel_loop3A_271 = arith.constant 16 : i32
        %parallel_loop3A_272 = arith.addi %parallel_loop3A_182, %parallel_loop3A_271 : i32
        %parallel_loop3A_273 = vector.broadcast %parallel_loop3A_272 : i32 to vector<16xi32>
        %parallel_loop3A_274 = arith.addi %add3A_73, %parallel_loop3A_273 : vector<16xi32>
        %parallel_loop3A_275 = tpu.vector_load_idx %arg7[%parallel_loop3A_274] : memref<4608xf32, #tpu.memory_space<vmem>>[vector<16xi32>], vector<16xf32>,
        %parallel_loop3A_276 = arith.constant 16 : i32
        %parallel_loop3A_277 = arith.addi %parallel_loop3A_182, %parallel_loop3A_276 : i32
        %parallel_loop3A_278 = arith.constant 0 : i32
        %parallel_loop3A_279 = arith.index_cast %parallel_loop3A_278 : i32 to index
        %parallel_loop3A_280 = arith.index_cast %parallel_loop3A_277 : i32 to index
        %parallel_loop3A_281 = tpu.vector_load %arg8[%parallel_loop3A_279, %parallel_loop3A_280] {strides = array<i32>} : memref<8x4096xf32, #tpu.memory_space<vmem>>, vector<16xf32>,
        tpu.vector_store %arg8[%parallel_loop3A_279, %parallel_loop3A_280], %parallel_loop3A_275 {strides = array<i32>} : memref<8x4096xf32, #tpu.memory_space<vmem>>, vector<16xf32>,
        %parallel_loop3A_282 = arith.constant 16 : i32
        %parallel_loop3A_283 = arith.addi %parallel_loop3A_182, %parallel_loop3A_282 : i32
        %parallel_loop3A_284 = vector.broadcast %parallel_loop3A_283 : i32 to vector<16xi32>
        %parallel_loop3A_285 = arith.addi %add3A_77, %parallel_loop3A_284 : vector<16xi32>
        %parallel_loop3A_286 = tpu.vector_load_idx %arg7[%parallel_loop3A_285] : memref<4608xf32, #tpu.memory_space<vmem>>[vector<16xi32>], vector<16xf32>,
        %parallel_loop3A_287 = arith.constant 16 : i32
        %parallel_loop3A_288 = arith.addi %parallel_loop3A_182, %parallel_loop3A_287 : i32
        %parallel_loop3A_289 = arith.constant 1 : i32
        %parallel_loop3A_290 = arith.index_cast %parallel_loop3A_289 : i32 to index
        %parallel_loop3A_291 = arith.index_cast %parallel_loop3A_288 : i32 to index
        %parallel_loop3A_292 = tpu.vector_load %arg8[%parallel_loop3A_290, %parallel_loop3A_291] {strides = array<i32>} : memref<8x4096xf32, #tpu.memory_space<vmem>>, vector<16xf32>,
        tpu.vector_store %arg8[%parallel_loop3A_290, %parallel_loop3A_291], %parallel_loop3A_286 {strides = array<i32>} : memref<8x4096xf32, #tpu.memory_space<vmem>>, vector<16xf32>,
        %parallel_loop3A_293 = arith.constant 16 : i32
        %parallel_loop3A_294 = arith.addi %parallel_loop3A_182, %parallel_loop3A_293 : i32
        %parallel_loop3A_295 = vector.broadcast %parallel_loop3A_294 : i32 to vector<16xi32>
        %parallel_loop3A_296 = arith.addi %add3A_81, %parallel_loop3A_295 : vector<16xi32>
        %parallel_loop3A_297 = tpu.vector_load_idx %arg7[%parallel_loop3A_296] : memref<4608xf32, #tpu.memory_space<vmem>>[vector<16xi32>], vector<16xf32>,
        %parallel_loop3A_298 = arith.constant 16 : i32
        %parallel_loop3A_299 = arith.addi %parallel_loop3A_182, %parallel_loop3A_298 : i32
        %parallel_loop3A_300 = arith.constant 2 : i32
        %parallel_loop3A_301 = arith.index_cast %parallel_loop3A_300 : i32 to index
        %parallel_loop3A_302 = arith.index_cast %parallel_loop3A_299 : i32 to index
        %parallel_loop3A_303 = tpu.vector_load %arg8[%parallel_loop3A_301, %parallel_loop3A_302] {strides = array<i32>} : memref<8x4096xf32, #tpu.memory_space<vmem>>, vector<16xf32>,
        tpu.vector_store %arg8[%parallel_loop3A_301, %parallel_loop3A_302], %parallel_loop3A_297 {strides = array<i32>} : memref<8x4096xf32, #tpu.memory_space<vmem>>, vector<16xf32>,
        %parallel_loop3A_304 = arith.constant 16 : i32
        %parallel_loop3A_305 = arith.addi %parallel_loop3A_182, %parallel_loop3A_304 : i32
        %parallel_loop3A_306 = vector.broadcast %parallel_loop3A_305 : i32 to vector<16xi32>
        %parallel_loop3A_307 = arith.addi %add3A_85, %parallel_loop3A_306 : vector<16xi32>
        %parallel_loop3A_308 = tpu.vector_load_idx %arg7[%parallel_loop3A_307] : memref<4608xf32, #tpu.memory_space<vmem>>[vector<16xi32>], vector<16xf32>,
        %parallel_loop3A_309 = arith.constant 16 : i32
        %parallel_loop3A_310 = arith.addi %parallel_loop3A_182, %parallel_loop3A_309 : i32
        %parallel_loop3A_311 = arith.constant 3 : i32
        %parallel_loop3A_312 = arith.index_cast %parallel_loop3A_311 : i32 to index
        %parallel_loop3A_313 = arith.index_cast %parallel_loop3A_310 : i32 to index
        %parallel_loop3A_314 = tpu.vector_load %arg8[%parallel_loop3A_312, %parallel_loop3A_313] {strides = array<i32>} : memref<8x4096xf32, #tpu.memory_space<vmem>>, vector<16xf32>,
        tpu.vector_store %arg8[%parallel_loop3A_312, %parallel_loop3A_313], %parallel_loop3A_308 {strides = array<i32>} : memref<8x4096xf32, #tpu.memory_space<vmem>>, vector<16xf32>,
        %parallel_loop3A_315 = arith.constant 16 : i32
        %parallel_loop3A_316 = arith.addi %parallel_loop3A_182, %parallel_loop3A_315 : i32
        %parallel_loop3A_317 = vector.broadcast %parallel_loop3A_316 : i32 to vector<16xi32>
        %parallel_loop3A_318 = arith.addi %add3A_89, %parallel_loop3A_317 : vector<16xi32>
        %parallel_loop3A_319 = tpu.vector_load_idx %arg7[%parallel_loop3A_318] : memref<4608xf32, #tpu.memory_space<vmem>>[vector<16xi32>], vector<16xf32>,
        %parallel_loop3A_320 = arith.constant 16 : i32
        %parallel_loop3A_321 = arith.addi %parallel_loop3A_182, %parallel_loop3A_320 : i32
        %parallel_loop3A_322 = arith.constant 4 : i32
        %parallel_loop3A_323 = arith.index_cast %parallel_loop3A_322 : i32 to index
        %parallel_loop3A_324 = arith.index_cast %parallel_loop3A_321 : i32 to index
        %parallel_loop3A_325 = tpu.vector_load %arg8[%parallel_loop3A_323, %parallel_loop3A_324] {strides = array<i32>} : memref<8x4096xf32, #tpu.memory_space<vmem>>, vector<16xf32>,
        tpu.vector_store %arg8[%parallel_loop3A_323, %parallel_loop3A_324], %parallel_loop3A_319 {strides = array<i32>} : memref<8x4096xf32, #tpu.memory_space<vmem>>, vector<16xf32>,
        %parallel_loop3A_326 = arith.constant 16 : i32
        %parallel_loop3A_327 = arith.addi %parallel_loop3A_182, %parallel_loop3A_326 : i32
        %parallel_loop3A_328 = vector.broadcast %parallel_loop3A_327 : i32 to vector<16xi32>
        %parallel_loop3A_329 = arith.addi %add3A_93, %parallel_loop3A_328 : vector<16xi32>
        %parallel_loop3A_330 = tpu.vector_load_idx %arg7[%parallel_loop3A_329] : memref<4608xf32, #tpu.memory_space<vmem>>[vector<16xi32>], vector<16xf32>,
        %parallel_loop3A_331 = arith.constant 16 : i32
        %parallel_loop3A_332 = arith.addi %parallel_loop3A_182, %parallel_loop3A_331 : i32
        %parallel_loop3A_333 = arith.constant 5 : i32
        %parallel_loop3A_334 = arith.index_cast %parallel_loop3A_333 : i32 to index
        %parallel_loop3A_335 = arith.index_cast %parallel_loop3A_332 : i32 to index
        %parallel_loop3A_336 = tpu.vector_load %arg8[%parallel_loop3A_334, %parallel_loop3A_335] {strides = array<i32>} : memref<8x4096xf32, #tpu.memory_space<vmem>>, vector<16xf32>,
        tpu.vector_store %arg8[%parallel_loop3A_334, %parallel_loop3A_335], %parallel_loop3A_330 {strides = array<i32>} : memref<8x4096xf32, #tpu.memory_space<vmem>>, vector<16xf32>,
        %parallel_loop3A_337 = arith.constant 16 : i32
        %parallel_loop3A_338 = arith.addi %parallel_loop3A_182, %parallel_loop3A_337 : i32
        %parallel_loop3A_339 = vector.broadcast %parallel_loop3A_338 : i32 to vector<16xi32>
        %parallel_loop3A_340 = arith.addi %add3A_97, %parallel_loop3A_339 : vector<16xi32>
        %parallel_loop3A_341 = tpu.vector_load_idx %arg7[%parallel_loop3A_340] : memref<4608xf32, #tpu.memory_space<vmem>>[vector<16xi32>], vector<16xf32>,
        %parallel_loop3A_342 = arith.constant 16 : i32
        %parallel_loop3A_343 = arith.addi %parallel_loop3A_182, %parallel_loop3A_342 : i32
        %parallel_loop3A_344 = arith.constant 6 : i32
        %parallel_loop3A_345 = arith.index_cast %parallel_loop3A_344 : i32 to index
        %parallel_loop3A_346 = arith.index_cast %parallel_loop3A_343 : i32 to index
        %parallel_loop3A_347 = tpu.vector_load %arg8[%parallel_loop3A_345, %parallel_loop3A_346] {strides = array<i32>} : memref<8x4096xf32, #tpu.memory_space<vmem>>, vector<16xf32>,
        tpu.vector_store %arg8[%parallel_loop3A_345, %parallel_loop3A_346], %parallel_loop3A_341 {strides = array<i32>} : memref<8x4096xf32, #tpu.memory_space<vmem>>, vector<16xf32>,
        %parallel_loop3A_348 = arith.constant 16 : i32
        %parallel_loop3A_349 = arith.addi %parallel_loop3A_182, %parallel_loop3A_348 : i32
        %parallel_loop3A_350 = vector.broadcast %parallel_loop3A_349 : i32 to vector<16xi32>
        %parallel_loop3A_351 = arith.addi %add3A_101, %parallel_loop3A_350 : vector<16xi32>
        %parallel_loop3A_352 = tpu.vector_load_idx %arg7[%parallel_loop3A_351] : memref<4608xf32, #tpu.memory_space<vmem>>[vector<16xi32>], vector<16xf32>,
        %parallel_loop3A_353 = arith.constant 16 : i32
        %parallel_loop3A_354 = arith.addi %parallel_loop3A_182, %parallel_loop3A_353 : i32
        %parallel_loop3A_355 = arith.constant 7 : i32
        %parallel_loop3A_356 = arith.index_cast %parallel_loop3A_355 : i32 to index
        %parallel_loop3A_357 = arith.index_cast %parallel_loop3A_354 : i32 to index
        %parallel_loop3A_358 = tpu.vector_load %arg8[%parallel_loop3A_356, %parallel_loop3A_357] {strides = array<i32>} : memref<8x4096xf32, #tpu.memory_space<vmem>>, vector<16xf32>,
        tpu.vector_store %arg8[%parallel_loop3A_356, %parallel_loop3A_357], %parallel_loop3A_352 {strides = array<i32>} : memref<8x4096xf32, #tpu.memory_space<vmem>>, vector<16xf32>,
        %parallel_loop3A_359 = arith.constant 32 : i32
        %parallel_loop3A_360 = arith.addi %parallel_loop3A_182, %parallel_loop3A_359 : i32
        %parallel_loop3A_361 = vector.broadcast %parallel_loop3A_360 : i32 to vector<16xi32>
        %parallel_loop3A_362 = arith.addi %add3A_73, %parallel_loop3A_361 : vector<16xi32>
        %parallel_loop3A_363 = tpu.vector_load_idx %arg7[%parallel_loop3A_362] : memref<4608xf32, #tpu.memory_space<vmem>>[vector<16xi32>], vector<16xf32>,
        %parallel_loop3A_364 = arith.constant 32 : i32
        %parallel_loop3A_365 = arith.addi %parallel_loop3A_182, %parallel_loop3A_364 : i32
        %parallel_loop3A_366 = arith.constant 0 : i32
        %parallel_loop3A_367 = arith.index_cast %parallel_loop3A_366 : i32 to index
        %parallel_loop3A_368 = arith.index_cast %parallel_loop3A_365 : i32 to index
        %parallel_loop3A_369 = tpu.vector_load %arg8[%parallel_loop3A_367, %parallel_loop3A_368] {strides = array<i32>} : memref<8x4096xf32, #tpu.memory_space<vmem>>, vector<16xf32>,
        tpu.vector_store %arg8[%parallel_loop3A_367, %parallel_loop3A_368], %parallel_loop3A_363 {strides = array<i32>} : memref<8x4096xf32, #tpu.memory_space<vmem>>, vector<16xf32>,
        %parallel_loop3A_370 = arith.constant 32 : i32
        %parallel_loop3A_371 = arith.addi %parallel_loop3A_182, %parallel_loop3A_370 : i32
        %parallel_loop3A_372 = vector.broadcast %parallel_loop3A_371 : i32 to vector<16xi32>
        %parallel_loop3A_373 = arith.addi %add3A_77, %parallel_loop3A_372 : vector<16xi32>
        %parallel_loop3A_374 = tpu.vector_load_idx %arg7[%parallel_loop3A_373] : memref<4608xf32, #tpu.memory_space<vmem>>[vector<16xi32>], vector<16xf32>,
        %parallel_loop3A_375 = arith.constant 32 : i32
        %parallel_loop3A_376 = arith.addi %parallel_loop3A_182, %parallel_loop3A_375 : i32
        %parallel_loop3A_377 = arith.constant 1 : i32
        %parallel_loop3A_378 = arith.index_cast %parallel_loop3A_377 : i32 to index
        %parallel_loop3A_379 = arith.index_cast %parallel_loop3A_376 : i32 to index
        %parallel_loop3A_380 = tpu.vector_load %arg8[%parallel_loop3A_378, %parallel_loop3A_379] {strides = array<i32>} : memref<8x4096xf32, #tpu.memory_space<vmem>>, vector<16xf32>,
        tpu.vector_store %arg8[%parallel_loop3A_378, %parallel_loop3A_379], %parallel_loop3A_374 {strides = array<i32>} : memref<8x4096xf32, #tpu.memory_space<vmem>>, vector<16xf32>,
        %parallel_loop3A_381 = arith.constant 32 : i32
        %parallel_loop3A_382 = arith.addi %parallel_loop3A_182, %parallel_loop3A_381 : i32
        %parallel_loop3A_383 = vector.broadcast %parallel_loop3A_382 : i32 to vector<16xi32>
        %parallel_loop3A_384 = arith.addi %add3A_81, %parallel_loop3A_383 : vector<16xi32>
        %parallel_loop3A_385 = tpu.vector_load_idx %arg7[%parallel_loop3A_384] : memref<4608xf32, #tpu.memory_space<vmem>>[vector<16xi32>], vector<16xf32>,
        %parallel_loop3A_386 = arith.constant 32 : i32
        %parallel_loop3A_387 = arith.addi %parallel_loop3A_182, %parallel_loop3A_386 : i32
        %parallel_loop3A_388 = arith.constant 2 : i32
        %parallel_loop3A_389 = arith.index_cast %parallel_loop3A_388 : i32 to index
        %parallel_loop3A_390 = arith.index_cast %parallel_loop3A_387 : i32 to index
        %parallel_loop3A_391 = tpu.vector_load %arg8[%parallel_loop3A_389, %parallel_loop3A_390] {strides = array<i32>} : memref<8x4096xf32, #tpu.memory_space<vmem>>, vector<16xf32>,
        tpu.vector_store %arg8[%parallel_loop3A_389, %parallel_loop3A_390], %parallel_loop3A_385 {strides = array<i32>} : memref<8x4096xf32, #tpu.memory_space<vmem>>, vector<16xf32>,
        %parallel_loop3A_392 = arith.constant 32 : i32
        %parallel_loop3A_393 = arith.addi %parallel_loop3A_182, %parallel_loop3A_392 : i32
        %parallel_loop3A_394 = vector.broadcast %parallel_loop3A_393 : i32 to vector<16xi32>
        %parallel_loop3A_395 = arith.addi %add3A_85, %parallel_loop3A_394 : vector<16xi32>
        %parallel_loop3A_396 = tpu.vector_load_idx %arg7[%parallel_loop3A_395] : memref<4608xf32, #tpu.memory_space<vmem>>[vector<16xi32>], vector<16xf32>,
        %parallel_loop3A_397 = arith.constant 32 : i32
        %parallel_loop3A_398 = arith.addi %parallel_loop3A_182, %parallel_loop3A_397 : i32
        %parallel_loop3A_399 = arith.constant 3 : i32
        %parallel_loop3A_400 = arith.index_cast %parallel_loop3A_399 : i32 to index
        %parallel_loop3A_401 = arith.index_cast %parallel_loop3A_398 : i32 to index
        %parallel_loop3A_402 = tpu.vector_load %arg8[%parallel_loop3A_400, %parallel_loop3A_401] {strides = array<i32>} : memref<8x4096xf32, #tpu.memory_space<vmem>>, vector<16xf32>,
        tpu.vector_store %arg8[%parallel_loop3A_400, %parallel_loop3A_401], %parallel_loop3A_396 {strides = array<i32>} : memref<8x4096xf32, #tpu.memory_space<vmem>>, vector<16xf32>,
        %parallel_loop3A_403 = arith.constant 32 : i32
        %parallel_loop3A_404 = arith.addi %parallel_loop3A_182, %parallel_loop3A_403 : i32
        %parallel_loop3A_405 = vector.broadcast %parallel_loop3A_404 : i32 to vector<16xi32>
        %parallel_loop3A_406 = arith.addi %add3A_89, %parallel_loop3A_405 : vector<16xi32>
        %parallel_loop3A_407 = tpu.vector_load_idx %arg7[%parallel_loop3A_406] : memref<4608xf32, #tpu.memory_space<vmem>>[vector<16xi32>], vector<16xf32>,
        %parallel_loop3A_408 = arith.constant 32 : i32
        %parallel_loop3A_409 = arith.addi %parallel_loop3A_182, %parallel_loop3A_408 : i32
        %parallel_loop3A_410 = arith.constant 4 : i32
        %parallel_loop3A_411 = arith.index_cast %parallel_loop3A_410 : i32 to index
        %parallel_loop3A_412 = arith.index_cast %parallel_loop3A_409 : i32 to index
        %parallel_loop3A_413 = tpu.vector_load %arg8[%parallel_loop3A_411, %parallel_loop3A_412] {strides = array<i32>} : memref<8x4096xf32, #tpu.memory_space<vmem>>, vector<16xf32>,
        tpu.vector_store %arg8[%parallel_loop3A_411, %parallel_loop3A_412], %parallel_loop3A_407 {strides = array<i32>} : memref<8x4096xf32, #tpu.memory_space<vmem>>, vector<16xf32>,
        %parallel_loop3A_414 = arith.constant 32 : i32
        %parallel_loop3A_415 = arith.addi %parallel_loop3A_182, %parallel_loop3A_414 : i32
        %parallel_loop3A_416 = vector.broadcast %parallel_loop3A_415 : i32 to vector<16xi32>
        %parallel_loop3A_417 = arith.addi %add3A_93, %parallel_loop3A_416 : vector<16xi32>
        %parallel_loop3A_418 = tpu.vector_load_idx %arg7[%parallel_loop3A_417] : memref<4608xf32, #tpu.memory_space<vmem>>[vector<16xi32>], vector<16xf32>,
        %parallel_loop3A_419 = arith.constant 32 : i32
        %parallel_loop3A_420 = arith.addi %parallel_loop3A_182, %parallel_loop3A_419 : i32
        %parallel_loop3A_421 = arith.constant 5 : i32
        %parallel_loop3A_422 = arith.index_cast %parallel_loop3A_421 : i32 to index
        %parallel_loop3A_423 = arith.index_cast %parallel_loop3A_420 : i32 to index
        %parallel_loop3A_424 = tpu.vector_load %arg8[%parallel_loop3A_422, %parallel_loop3A_423] {strides = array<i32>} : memref<8x4096xf32, #tpu.memory_space<vmem>>, vector<16xf32>,
        tpu.vector_store %arg8[%parallel_loop3A_422, %parallel_loop3A_423], %parallel_loop3A_418 {strides = array<i32>} : memref<8x4096xf32, #tpu.memory_space<vmem>>, vector<16xf32>,
        %parallel_loop3A_425 = arith.constant 32 : i32
        %parallel_loop3A_426 = arith.addi %parallel_loop3A_182, %parallel_loop3A_425 : i32
        %parallel_loop3A_427 = vector.broadcast %parallel_loop3A_426 : i32 to vector<16xi32>
        %parallel_loop3A_428 = arith.addi %add3A_97, %parallel_loop3A_427 : vector<16xi32>
        %parallel_loop3A_429 = tpu.vector_load_idx %arg7[%parallel_loop3A_428] : memref<4608xf32, #tpu.memory_space<vmem>>[vector<16xi32>], vector<16xf32>,
        %parallel_loop3A_430 = arith.constant 32 : i32
        %parallel_loop3A_431 = arith.addi %parallel_loop3A_182, %parallel_loop3A_430 : i32
        %parallel_loop3A_432 = arith.constant 6 : i32
        %parallel_loop3A_433 = arith.index_cast %parallel_loop3A_432 : i32 to index
        %parallel_loop3A_434 = arith.index_cast %parallel_loop3A_431 : i32 to index
        %parallel_loop3A_435 = tpu.vector_load %arg8[%parallel_loop3A_433, %parallel_loop3A_434] {strides = array<i32>} : memref<8x4096xf32, #tpu.memory_space<vmem>>, vector<16xf32>,
        tpu.vector_store %arg8[%parallel_loop3A_433, %parallel_loop3A_434], %parallel_loop3A_429 {strides = array<i32>} : memref<8x4096xf32, #tpu.memory_space<vmem>>, vector<16xf32>,
        %parallel_loop3A_436 = arith.constant 32 : i32
        %parallel_loop3A_437 = arith.addi %parallel_loop3A_182, %parallel_loop3A_436 : i32
        %parallel_loop3A_438 = vector.broadcast %parallel_loop3A_437 : i32 to vector<16xi32>
        %parallel_loop3A_439 = arith.addi %add3A_101, %parallel_loop3A_438 : vector<16xi32>
        %parallel_loop3A_440 = tpu.vector_load_idx %arg7[%parallel_loop3A_439] : memref<4608xf32, #tpu.memory_space<vmem>>[vector<16xi32>], vector<16xf32>,
        %parallel_loop3A_441 = arith.constant 32 : i32
        %parallel_loop3A_442 = arith.addi %parallel_loop3A_182, %parallel_loop3A_441 : i32
        %parallel_loop3A_443 = arith.constant 7 : i32
        %parallel_loop3A_444 = arith.index_cast %parallel_loop3A_443 : i32 to index
        %parallel_loop3A_445 = arith.index_cast %parallel_loop3A_442 : i32 to index
        %parallel_loop3A_446 = tpu.vector_load %arg8[%parallel_loop3A_444, %parallel_loop3A_445] {strides = array<i32>} : memref<8x4096xf32, #tpu.memory_space<vmem>>, vector<16xf32>,
        tpu.vector_store %arg8[%parallel_loop3A_444, %parallel_loop3A_445], %parallel_loop3A_440 {strides = array<i32>} : memref<8x4096xf32, #tpu.memory_space<vmem>>, vector<16xf32>,
        %parallel_loop3A_447 = arith.constant 48 : i32
        %parallel_loop3A_448 = arith.addi %parallel_loop3A_182, %parallel_loop3A_447 : i32
        %parallel_loop3A_449 = vector.broadcast %parallel_loop3A_448 : i32 to vector<16xi32>
        %parallel_loop3A_450 = arith.addi %add3A_73, %parallel_loop3A_449 : vector<16xi32>
        %parallel_loop3A_451 = tpu.vector_load_idx %arg7[%parallel_loop3A_450] : memref<4608xf32, #tpu.memory_space<vmem>>[vector<16xi32>], vector<16xf32>,
        %parallel_loop3A_452 = arith.constant 48 : i32
        %parallel_loop3A_453 = arith.addi %parallel_loop3A_182, %parallel_loop3A_452 : i32
        %parallel_loop3A_454 = arith.constant 0 : i32
        %parallel_loop3A_455 = arith.index_cast %parallel_loop3A_454 : i32 to index
        %parallel_loop3A_456 = arith.index_cast %parallel_loop3A_453 : i32 to index
        %parallel_loop3A_457 = tpu.vector_load %arg8[%parallel_loop3A_455, %parallel_loop3A_456] {strides = array<i32>} : memref<8x4096xf32, #tpu.memory_space<vmem>>, vector<16xf32>,
        tpu.vector_store %arg8[%parallel_loop3A_455, %parallel_loop3A_456], %parallel_loop3A_451 {strides = array<i32>} : memref<8x4096xf32, #tpu.memory_space<vmem>>, vector<16xf32>,
        %parallel_loop3A_458 = arith.constant 48 : i32
        %parallel_loop3A_459 = arith.addi %parallel_loop3A_182, %parallel_loop3A_458 : i32
        %parallel_loop3A_460 = vector.broadcast %parallel_loop3A_459 : i32 to vector<16xi32>
        %parallel_loop3A_461 = arith.addi %add3A_77, %parallel_loop3A_460 : vector<16xi32>
        %parallel_loop3A_462 = tpu.vector_load_idx %arg7[%parallel_loop3A_461] : memref<4608xf32, #tpu.memory_space<vmem>>[vector<16xi32>], vector<16xf32>,
        %parallel_loop3A_463 = arith.constant 48 : i32
        %parallel_loop3A_464 = arith.addi %parallel_loop3A_182, %parallel_loop3A_463 : i32
        %parallel_loop3A_465 = arith.constant 1 : i32
        %parallel_loop3A_466 = arith.index_cast %parallel_loop3A_465 : i32 to index
        %parallel_loop3A_467 = arith.index_cast %parallel_loop3A_464 : i32 to index
        %parallel_loop3A_468 = tpu.vector_load %arg8[%parallel_loop3A_466, %parallel_loop3A_467] {strides = array<i32>} : memref<8x4096xf32, #tpu.memory_space<vmem>>, vector<16xf32>,
        tpu.vector_store %arg8[%parallel_loop3A_466, %parallel_loop3A_467], %parallel_loop3A_462 {strides = array<i32>} : memref<8x4096xf32, #tpu.memory_space<vmem>>, vector<16xf32>,
        %parallel_loop3A_469 = arith.constant 48 : i32
        %parallel_loop3A_470 = arith.addi %parallel_loop3A_182, %parallel_loop3A_469 : i32
        %parallel_loop3A_471 = vector.broadcast %parallel_loop3A_470 : i32 to vector<16xi32>
        %parallel_loop3A_472 = arith.addi %add3A_81, %parallel_loop3A_471 : vector<16xi32>
        %parallel_loop3A_473 = tpu.vector_load_idx %arg7[%parallel_loop3A_472] : memref<4608xf32, #tpu.memory_space<vmem>>[vector<16xi32>], vector<16xf32>,
        %parallel_loop3A_474 = arith.constant 48 : i32
        %parallel_loop3A_475 = arith.addi %parallel_loop3A_182, %parallel_loop3A_474 : i32
        %parallel_loop3A_476 = arith.constant 2 : i32
        %parallel_loop3A_477 = arith.index_cast %parallel_loop3A_476 : i32 to index
        %parallel_loop3A_478 = arith.index_cast %parallel_loop3A_475 : i32 to index
        %parallel_loop3A_479 = tpu.vector_load %arg8[%parallel_loop3A_477, %parallel_loop3A_478] {strides = array<i32>} : memref<8x4096xf32, #tpu.memory_space<vmem>>, vector<16xf32>,
        tpu.vector_store %arg8[%parallel_loop3A_477, %parallel_loop3A_478], %parallel_loop3A_473 {strides = array<i32>} : memref<8x4096xf32, #tpu.memory_space<vmem>>, vector<16xf32>,
        %parallel_loop3A_480 = arith.constant 48 : i32
        %parallel_loop3A_481 = arith.addi %parallel_loop3A_182, %parallel_loop3A_480 : i32
        %parallel_loop3A_482 = vector.broadcast %parallel_loop3A_481 : i32 to vector<16xi32>
        %parallel_loop3A_483 = arith.addi %add3A_85, %parallel_loop3A_482 : vector<16xi32>
        %parallel_loop3A_484 = tpu.vector_load_idx %arg7[%parallel_loop3A_483] : memref<4608xf32, #tpu.memory_space<vmem>>[vector<16xi32>], vector<16xf32>,
        %parallel_loop3A_485 = arith.constant 48 : i32
        %parallel_loop3A_486 = arith.addi %parallel_loop3A_182, %parallel_loop3A_485 : i32
        %parallel_loop3A_487 = arith.constant 3 : i32
        %parallel_loop3A_488 = arith.index_cast %parallel_loop3A_487 : i32 to index
        %parallel_loop3A_489 = arith.index_cast %parallel_loop3A_486 : i32 to index
        %parallel_loop3A_490 = tpu.vector_load %arg8[%parallel_loop3A_488, %parallel_loop3A_489] {strides = array<i32>} : memref<8x4096xf32, #tpu.memory_space<vmem>>, vector<16xf32>,
        tpu.vector_store %arg8[%parallel_loop3A_488, %parallel_loop3A_489], %parallel_loop3A_484 {strides = array<i32>} : memref<8x4096xf32, #tpu.memory_space<vmem>>, vector<16xf32>,
        %parallel_loop3A_491 = arith.constant 48 : i32
        %parallel_loop3A_492 = arith.addi %parallel_loop3A_182, %parallel_loop3A_491 : i32
        %parallel_loop3A_493 = vector.broadcast %parallel_loop3A_492 : i32 to vector<16xi32>
        %parallel_loop3A_494 = arith.addi %add3A_89, %parallel_loop3A_493 : vector<16xi32>
        %parallel_loop3A_495 = tpu.vector_load_idx %arg7[%parallel_loop3A_494] : memref<4608xf32, #tpu.memory_space<vmem>>[vector<16xi32>], vector<16xf32>,
        %parallel_loop3A_496 = arith.constant 48 : i32
        %parallel_loop3A_497 = arith.addi %parallel_loop3A_182, %parallel_loop3A_496 : i32
        %parallel_loop3A_498 = arith.constant 4 : i32
        %parallel_loop3A_499 = arith.index_cast %parallel_loop3A_498 : i32 to index
        %parallel_loop3A_500 = arith.index_cast %parallel_loop3A_497 : i32 to index
        %parallel_loop3A_501 = tpu.vector_load %arg8[%parallel_loop3A_499, %parallel_loop3A_500] {strides = array<i32>} : memref<8x4096xf32, #tpu.memory_space<vmem>>, vector<16xf32>,
        tpu.vector_store %arg8[%parallel_loop3A_499, %parallel_loop3A_500], %parallel_loop3A_495 {strides = array<i32>} : memref<8x4096xf32, #tpu.memory_space<vmem>>, vector<16xf32>,
        %parallel_loop3A_502 = arith.constant 48 : i32
        %parallel_loop3A_503 = arith.addi %parallel_loop3A_182, %parallel_loop3A_502 : i32
        %parallel_loop3A_504 = vector.broadcast %parallel_loop3A_503 : i32 to vector<16xi32>
        %parallel_loop3A_505 = arith.addi %add3A_93, %parallel_loop3A_504 : vector<16xi32>
        %parallel_loop3A_506 = tpu.vector_load_idx %arg7[%parallel_loop3A_505] : memref<4608xf32, #tpu.memory_space<vmem>>[vector<16xi32>], vector<16xf32>,
        %parallel_loop3A_507 = arith.constant 48 : i32
        %parallel_loop3A_508 = arith.addi %parallel_loop3A_182, %parallel_loop3A_507 : i32
        %parallel_loop3A_509 = arith.constant 5 : i32
        %parallel_loop3A_510 = arith.index_cast %parallel_loop3A_509 : i32 to index
        %parallel_loop3A_511 = arith.index_cast %parallel_loop3A_508 : i32 to index
        %parallel_loop3A_512 = tpu.vector_load %arg8[%parallel_loop3A_510, %parallel_loop3A_511] {strides = array<i32>} : memref<8x4096xf32, #tpu.memory_space<vmem>>, vector<16xf32>,
        tpu.vector_store %arg8[%parallel_loop3A_510, %parallel_loop3A_511], %parallel_loop3A_506 {strides = array<i32>} : memref<8x4096xf32, #tpu.memory_space<vmem>>, vector<16xf32>,
        %parallel_loop3A_513 = arith.constant 48 : i32
        %parallel_loop3A_514 = arith.addi %parallel_loop3A_182, %parallel_loop3A_513 : i32
        %parallel_loop3A_515 = vector.broadcast %parallel_loop3A_514 : i32 to vector<16xi32>
        %parallel_loop3A_516 = arith.addi %add3A_97, %parallel_loop3A_515 : vector<16xi32>
        %parallel_loop3A_517 = tpu.vector_load_idx %arg7[%parallel_loop3A_516] : memref<4608xf32, #tpu.memory_space<vmem>>[vector<16xi32>], vector<16xf32>,
        %parallel_loop3A_518 = arith.constant 48 : i32
        %parallel_loop3A_519 = arith.addi %parallel_loop3A_182, %parallel_loop3A_518 : i32
        %parallel_loop3A_520 = arith.constant 6 : i32
        %parallel_loop3A_521 = arith.index_cast %parallel_loop3A_520 : i32 to index
        %parallel_loop3A_522 = arith.index_cast %parallel_loop3A_519 : i32 to index
        %parallel_loop3A_523 = tpu.vector_load %arg8[%parallel_loop3A_521, %parallel_loop3A_522] {strides = array<i32>} : memref<8x4096xf32, #tpu.memory_space<vmem>>, vector<16xf32>,
        tpu.vector_store %arg8[%parallel_loop3A_521, %parallel_loop3A_522], %parallel_loop3A_517 {strides = array<i32>} : memref<8x4096xf32, #tpu.memory_space<vmem>>, vector<16xf32>,
        %parallel_loop3A_524 = arith.constant 48 : i32
        %parallel_loop3A_525 = arith.addi %parallel_loop3A_182, %parallel_loop3A_524 : i32
        %parallel_loop3A_526 = vector.broadcast %parallel_loop3A_525 : i32 to vector<16xi32>
        %parallel_loop3A_527 = arith.addi %add3A_101, %parallel_loop3A_526 : vector<16xi32>
        %parallel_loop3A_528 = tpu.vector_load_idx %arg7[%parallel_loop3A_527] : memref<4608xf32, #tpu.memory_space<vmem>>[vector<16xi32>], vector<16xf32>,
        %parallel_loop3A_529 = arith.constant 48 : i32
        %parallel_loop3A_530 = arith.addi %parallel_loop3A_182, %parallel_loop3A_529 : i32
        %parallel_loop3A_531 = arith.constant 7 : i32
        %parallel_loop3A_532 = arith.index_cast %parallel_loop3A_531 : i32 to index
        %parallel_loop3A_533 = arith.index_cast %parallel_loop3A_530 : i32 to index
        %parallel_loop3A_534 = tpu.vector_load %arg8[%parallel_loop3A_532, %parallel_loop3A_533] {strides = array<i32>} : memref<8x4096xf32, #tpu.memory_space<vmem>>, vector<16xf32>,
        tpu.vector_store %arg8[%parallel_loop3A_532, %parallel_loop3A_533], %parallel_loop3A_528 {strides = array<i32>} : memref<8x4096xf32, #tpu.memory_space<vmem>>, vector<16xf32>,
        %parallel_loop3A_535 = arith.constant 64 : i32
        %parallel_loop3A_536 = arith.addi %parallel_loop3A_182, %parallel_loop3A_535 : i32
        %parallel_loop3A_537 = vector.broadcast %parallel_loop3A_536 : i32 to vector<16xi32>
        %parallel_loop3A_538 = arith.addi %add3A_73, %parallel_loop3A_537 : vector<16xi32>
        %parallel_loop3A_539 = tpu.vector_load_idx %arg7[%parallel_loop3A_538] : memref<4608xf32, #tpu.memory_space<vmem>>[vector<16xi32>], vector<16xf32>,
        %parallel_loop3A_540 = arith.constant 64 : i32
        %parallel_loop3A_541 = arith.addi %parallel_loop3A_182, %parallel_loop3A_540 : i32
        %parallel_loop3A_542 = arith.constant 0 : i32
        %parallel_loop3A_543 = arith.index_cast %parallel_loop3A_542 : i32 to index
        %parallel_loop3A_544 = arith.index_cast %parallel_loop3A_541 : i32 to index
        %parallel_loop3A_545 = tpu.vector_load %arg8[%parallel_loop3A_543, %parallel_loop3A_544] {strides = array<i32>} : memref<8x4096xf32, #tpu.memory_space<vmem>>, vector<16xf32>,
        tpu.vector_store %arg8[%parallel_loop3A_543, %parallel_loop3A_544], %parallel_loop3A_539 {strides = array<i32>} : memref<8x4096xf32, #tpu.memory_space<vmem>>, vector<16xf32>,
        %parallel_loop3A_546 = arith.constant 64 : i32
        %parallel_loop3A_547 = arith.addi %parallel_loop3A_182, %parallel_loop3A_546 : i32
        %parallel_loop3A_548 = vector.broadcast %parallel_loop3A_547 : i32 to vector<16xi32>
        %parallel_loop3A_549 = arith.addi %add3A_77, %parallel_loop3A_548 : vector<16xi32>
        %parallel_loop3A_550 = tpu.vector_load_idx %arg7[%parallel_loop3A_549] : memref<4608xf32, #tpu.memory_space<vmem>>[vector<16xi32>], vector<16xf32>,
        %parallel_loop3A_551 = arith.constant 64 : i32
        %parallel_loop3A_552 = arith.addi %parallel_loop3A_182, %parallel_loop3A_551 : i32
        %parallel_loop3A_553 = arith.constant 1 : i32
        %parallel_loop3A_554 = arith.index_cast %parallel_loop3A_553 : i32 to index
        %parallel_loop3A_555 = arith.index_cast %parallel_loop3A_552 : i32 to index
        %parallel_loop3A_556 = tpu.vector_load %arg8[%parallel_loop3A_554, %parallel_loop3A_555] {strides = array<i32>} : memref<8x4096xf32, #tpu.memory_space<vmem>>, vector<16xf32>,
        tpu.vector_store %arg8[%parallel_loop3A_554, %parallel_loop3A_555], %parallel_loop3A_550 {strides = array<i32>} : memref<8x4096xf32, #tpu.memory_space<vmem>>, vector<16xf32>,
        %parallel_loop3A_557 = arith.constant 64 : i32
        %parallel_loop3A_558 = arith.addi %parallel_loop3A_182, %parallel_loop3A_557 : i32
        %parallel_loop3A_559 = vector.broadcast %parallel_loop3A_558 : i32 to vector<16xi32>
        %parallel_loop3A_560 = arith.addi %add3A_81, %parallel_loop3A_559 : vector<16xi32>
        %parallel_loop3A_561 = tpu.vector_load_idx %arg7[%parallel_loop3A_560] : memref<4608xf32, #tpu.memory_space<vmem>>[vector<16xi32>], vector<16xf32>,
        %parallel_loop3A_562 = arith.constant 64 : i32
        %parallel_loop3A_563 = arith.addi %parallel_loop3A_182, %parallel_loop3A_562 : i32
        %parallel_loop3A_564 = arith.constant 2 : i32
        %parallel_loop3A_565 = arith.index_cast %parallel_loop3A_564 : i32 to index
        %parallel_loop3A_566 = arith.index_cast %parallel_loop3A_563 : i32 to index
        %parallel_loop3A_567 = tpu.vector_load %arg8[%parallel_loop3A_565, %parallel_loop3A_566] {strides = array<i32>} : memref<8x4096xf32, #tpu.memory_space<vmem>>, vector<16xf32>,
        tpu.vector_store %arg8[%parallel_loop3A_565, %parallel_loop3A_566], %parallel_loop3A_561 {strides = array<i32>} : memref<8x4096xf32, #tpu.memory_space<vmem>>, vector<16xf32>,
        %parallel_loop3A_568 = arith.constant 64 : i32
        %parallel_loop3A_569 = arith.addi %parallel_loop3A_182, %parallel_loop3A_568 : i32
        %parallel_loop3A_570 = vector.broadcast %parallel_loop3A_569 : i32 to vector<16xi32>
        %parallel_loop3A_571 = arith.addi %add3A_85, %parallel_loop3A_570 : vector<16xi32>
        %parallel_loop3A_572 = tpu.vector_load_idx %arg7[%parallel_loop3A_571] : memref<4608xf32, #tpu.memory_space<vmem>>[vector<16xi32>], vector<16xf32>,
        %parallel_loop3A_573 = arith.constant 64 : i32
        %parallel_loop3A_574 = arith.addi %parallel_loop3A_182, %parallel_loop3A_573 : i32
        %parallel_loop3A_575 = arith.constant 3 : i32
        %parallel_loop3A_576 = arith.index_cast %parallel_loop3A_575 : i32 to index
        %parallel_loop3A_577 = arith.index_cast %parallel_loop3A_574 : i32 to index
        %parallel_loop3A_578 = tpu.vector_load %arg8[%parallel_loop3A_576, %parallel_loop3A_577] {strides = array<i32>} : memref<8x4096xf32, #tpu.memory_space<vmem>>, vector<16xf32>,
        tpu.vector_store %arg8[%parallel_loop3A_576, %parallel_loop3A_577], %parallel_loop3A_572 {strides = array<i32>} : memref<8x4096xf32, #tpu.memory_space<vmem>>, vector<16xf32>,
        %parallel_loop3A_579 = arith.constant 64 : i32
        %parallel_loop3A_580 = arith.addi %parallel_loop3A_182, %parallel_loop3A_579 : i32
        %parallel_loop3A_581 = vector.broadcast %parallel_loop3A_580 : i32 to vector<16xi32>
        %parallel_loop3A_582 = arith.addi %add3A_89, %parallel_loop3A_581 : vector<16xi32>
        %parallel_loop3A_583 = tpu.vector_load_idx %arg7[%parallel_loop3A_582] : memref<4608xf32, #tpu.memory_space<vmem>>[vector<16xi32>], vector<16xf32>,
        %parallel_loop3A_584 = arith.constant 64 : i32
        %parallel_loop3A_585 = arith.addi %parallel_loop3A_182, %parallel_loop3A_584 : i32
        %parallel_loop3A_586 = arith.constant 4 : i32
        %parallel_loop3A_587 = arith.index_cast %parallel_loop3A_586 : i32 to index
        %parallel_loop3A_588 = arith.index_cast %parallel_loop3A_585 : i32 to index
        %parallel_loop3A_589 = tpu.vector_load %arg8[%parallel_loop3A_587, %parallel_loop3A_588] {strides = array<i32>} : memref<8x4096xf32, #tpu.memory_space<vmem>>, vector<16xf32>,
        tpu.vector_store %arg8[%parallel_loop3A_587, %parallel_loop3A_588], %parallel_loop3A_583 {strides = array<i32>} : memref<8x4096xf32, #tpu.memory_space<vmem>>, vector<16xf32>,
        %parallel_loop3A_590 = arith.constant 64 : i32
        %parallel_loop3A_591 = arith.addi %parallel_loop3A_182, %parallel_loop3A_590 : i32
        %parallel_loop3A_592 = vector.broadcast %parallel_loop3A_591 : i32 to vector<16xi32>
        %parallel_loop3A_593 = arith.addi %add3A_93, %parallel_loop3A_592 : vector<16xi32>
        %parallel_loop3A_594 = tpu.vector_load_idx %arg7[%parallel_loop3A_593] : memref<4608xf32, #tpu.memory_space<vmem>>[vector<16xi32>], vector<16xf32>,
        %parallel_loop3A_595 = arith.constant 64 : i32
        %parallel_loop3A_596 = arith.addi %parallel_loop3A_182, %parallel_loop3A_595 : i32
        %parallel_loop3A_597 = arith.constant 5 : i32
        %parallel_loop3A_598 = arith.index_cast %parallel_loop3A_597 : i32 to index
        %parallel_loop3A_599 = arith.index_cast %parallel_loop3A_596 : i32 to index
        %parallel_loop3A_600 = tpu.vector_load %arg8[%parallel_loop3A_598, %parallel_loop3A_599] {strides = array<i32>} : memref<8x4096xf32, #tpu.memory_space<vmem>>, vector<16xf32>,
        tpu.vector_store %arg8[%parallel_loop3A_598, %parallel_loop3A_599], %parallel_loop3A_594 {strides = array<i32>} : memref<8x4096xf32, #tpu.memory_space<vmem>>, vector<16xf32>,
        %parallel_loop3A_601 = arith.constant 64 : i32
        %parallel_loop3A_602 = arith.addi %parallel_loop3A_182, %parallel_loop3A_601 : i32
        %parallel_loop3A_603 = vector.broadcast %parallel_loop3A_602 : i32 to vector<16xi32>
        %parallel_loop3A_604 = arith.addi %add3A_97, %parallel_loop3A_603 : vector<16xi32>
        %parallel_loop3A_605 = tpu.vector_load_idx %arg7[%parallel_loop3A_604] : memref<4608xf32, #tpu.memory_space<vmem>>[vector<16xi32>], vector<16xf32>,
        %parallel_loop3A_606 = arith.constant 64 : i32
        %parallel_loop3A_607 = arith.addi %parallel_loop3A_182, %parallel_loop3A_606 : i32
        %parallel_loop3A_608 = arith.constant 6 : i32
        %parallel_loop3A_609 = arith.index_cast %parallel_loop3A_608 : i32 to index
        %parallel_loop3A_610 = arith.index_cast %parallel_loop3A_607 : i32 to index
        %parallel_loop3A_611 = tpu.vector_load %arg8[%parallel_loop3A_609, %parallel_loop3A_610] {strides = array<i32>} : memref<8x4096xf32, #tpu.memory_space<vmem>>, vector<16xf32>,
        tpu.vector_store %arg8[%parallel_loop3A_609, %parallel_loop3A_610], %parallel_loop3A_605 {strides = array<i32>} : memref<8x4096xf32, #tpu.memory_space<vmem>>, vector<16xf32>,
        %parallel_loop3A_612 = arith.constant 64 : i32
        %parallel_loop3A_613 = arith.addi %parallel_loop3A_182, %parallel_loop3A_612 : i32
        %parallel_loop3A_614 = vector.broadcast %parallel_loop3A_613 : i32 to vector<16xi32>
        %parallel_loop3A_615 = arith.addi %add3A_101, %parallel_loop3A_614 : vector<16xi32>
        %parallel_loop3A_616 = tpu.vector_load_idx %arg7[%parallel_loop3A_615] : memref<4608xf32, #tpu.memory_space<vmem>>[vector<16xi32>], vector<16xf32>,
        %parallel_loop3A_617 = arith.constant 64 : i32
        %parallel_loop3A_618 = arith.addi %parallel_loop3A_182, %parallel_loop3A_617 : i32
        %parallel_loop3A_619 = arith.constant 7 : i32
        %parallel_loop3A_620 = arith.index_cast %parallel_loop3A_619 : i32 to index
        %parallel_loop3A_621 = arith.index_cast %parallel_loop3A_618 : i32 to index
        %parallel_loop3A_622 = tpu.vector_load %arg8[%parallel_loop3A_620, %parallel_loop3A_621] {strides = array<i32>} : memref<8x4096xf32, #tpu.memory_space<vmem>>, vector<16xf32>,
        tpu.vector_store %arg8[%parallel_loop3A_620, %parallel_loop3A_621], %parallel_loop3A_616 {strides = array<i32>} : memref<8x4096xf32, #tpu.memory_space<vmem>>, vector<16xf32>,
        %parallel_loop3A_623 = arith.constant 80 : i32
        %parallel_loop3A_624 = arith.addi %parallel_loop3A_182, %parallel_loop3A_623 : i32
        %parallel_loop3A_625 = vector.broadcast %parallel_loop3A_624 : i32 to vector<16xi32>
        %parallel_loop3A_626 = arith.addi %add3A_73, %parallel_loop3A_625 : vector<16xi32>
        %parallel_loop3A_627 = tpu.vector_load_idx %arg7[%parallel_loop3A_626] : memref<4608xf32, #tpu.memory_space<vmem>>[vector<16xi32>], vector<16xf32>,
        %parallel_loop3A_628 = arith.constant 80 : i32
        %parallel_loop3A_629 = arith.addi %parallel_loop3A_182, %parallel_loop3A_628 : i32
        %parallel_loop3A_630 = arith.constant 0 : i32
        %parallel_loop3A_631 = arith.index_cast %parallel_loop3A_630 : i32 to index
        %parallel_loop3A_632 = arith.index_cast %parallel_loop3A_629 : i32 to index
        %parallel_loop3A_633 = tpu.vector_load %arg8[%parallel_loop3A_631, %parallel_loop3A_632] {strides = array<i32>} : memref<8x4096xf32, #tpu.memory_space<vmem>>, vector<16xf32>,
        tpu.vector_store %arg8[%parallel_loop3A_631, %parallel_loop3A_632], %parallel_loop3A_627 {strides = array<i32>} : memref<8x4096xf32, #tpu.memory_space<vmem>>, vector<16xf32>,
        %parallel_loop3A_634 = arith.constant 80 : i32
        %parallel_loop3A_635 = arith.addi %parallel_loop3A_182, %parallel_loop3A_634 : i32
        %parallel_loop3A_636 = vector.broadcast %parallel_loop3A_635 : i32 to vector<16xi32>
        %parallel_loop3A_637 = arith.addi %add3A_77, %parallel_loop3A_636 : vector<16xi32>
        %parallel_loop3A_638 = tpu.vector_load_idx %arg7[%parallel_loop3A_637] : memref<4608xf32, #tpu.memory_space<vmem>>[vector<16xi32>], vector<16xf32>,
        %parallel_loop3A_639 = arith.constant 80 : i32
        %parallel_loop3A_640 = arith.addi %parallel_loop3A_182, %parallel_loop3A_639 : i32
        %parallel_loop3A_641 = arith.constant 1 : i32
        %parallel_loop3A_642 = arith.index_cast %parallel_loop3A_641 : i32 to index
        %parallel_loop3A_643 = arith.index_cast %parallel_loop3A_640 : i32 to index
        %parallel_loop3A_644 = tpu.vector_load %arg8[%parallel_loop3A_642, %parallel_loop3A_643] {strides = array<i32>} : memref<8x4096xf32, #tpu.memory_space<vmem>>, vector<16xf32>,
        tpu.vector_store %arg8[%parallel_loop3A_642, %parallel_loop3A_643], %parallel_loop3A_638 {strides = array<i32>} : memref<8x4096xf32, #tpu.memory_space<vmem>>, vector<16xf32>,
        %parallel_loop3A_645 = arith.constant 80 : i32
        %parallel_loop3A_646 = arith.addi %parallel_loop3A_182, %parallel_loop3A_645 : i32
        %parallel_loop3A_647 = vector.broadcast %parallel_loop3A_646 : i32 to vector<16xi32>
        %parallel_loop3A_648 = arith.addi %add3A_81, %parallel_loop3A_647 : vector<16xi32>
        %parallel_loop3A_649 = tpu.vector_load_idx %arg7[%parallel_loop3A_648] : memref<4608xf32, #tpu.memory_space<vmem>>[vector<16xi32>], vector<16xf32>,
        %parallel_loop3A_650 = arith.constant 80 : i32
        %parallel_loop3A_651 = arith.addi %parallel_loop3A_182, %parallel_loop3A_650 : i32
        %parallel_loop3A_652 = arith.constant 2 : i32
        %parallel_loop3A_653 = arith.index_cast %parallel_loop3A_652 : i32 to index
        %parallel_loop3A_654 = arith.index_cast %parallel_loop3A_651 : i32 to index
        %parallel_loop3A_655 = tpu.vector_load %arg8[%parallel_loop3A_653, %parallel_loop3A_654] {strides = array<i32>} : memref<8x4096xf32, #tpu.memory_space<vmem>>, vector<16xf32>,
        tpu.vector_store %arg8[%parallel_loop3A_653, %parallel_loop3A_654], %parallel_loop3A_649 {strides = array<i32>} : memref<8x4096xf32, #tpu.memory_space<vmem>>, vector<16xf32>,
        %parallel_loop3A_656 = arith.constant 80 : i32
        %parallel_loop3A_657 = arith.addi %parallel_loop3A_182, %parallel_loop3A_656 : i32
        %parallel_loop3A_658 = vector.broadcast %parallel_loop3A_657 : i32 to vector<16xi32>
        %parallel_loop3A_659 = arith.addi %add3A_85, %parallel_loop3A_658 : vector<16xi32>
        %parallel_loop3A_660 = tpu.vector_load_idx %arg7[%parallel_loop3A_659] : memref<4608xf32, #tpu.memory_space<vmem>>[vector<16xi32>], vector<16xf32>,
        %parallel_loop3A_661 = arith.constant 80 : i32
        %parallel_loop3A_662 = arith.addi %parallel_loop3A_182, %parallel_loop3A_661 : i32
        %parallel_loop3A_663 = arith.constant 3 : i32
        %parallel_loop3A_664 = arith.index_cast %parallel_loop3A_663 : i32 to index
        %parallel_loop3A_665 = arith.index_cast %parallel_loop3A_662 : i32 to index
        %parallel_loop3A_666 = tpu.vector_load %arg8[%parallel_loop3A_664, %parallel_loop3A_665] {strides = array<i32>} : memref<8x4096xf32, #tpu.memory_space<vmem>>, vector<16xf32>,
        tpu.vector_store %arg8[%parallel_loop3A_664, %parallel_loop3A_665], %parallel_loop3A_660 {strides = array<i32>} : memref<8x4096xf32, #tpu.memory_space<vmem>>, vector<16xf32>,
        %parallel_loop3A_667 = arith.constant 80 : i32
        %parallel_loop3A_668 = arith.addi %parallel_loop3A_182, %parallel_loop3A_667 : i32
        %parallel_loop3A_669 = vector.broadcast %parallel_loop3A_668 : i32 to vector<16xi32>
        %parallel_loop3A_670 = arith.addi %add3A_89, %parallel_loop3A_669 : vector<16xi32>
        %parallel_loop3A_671 = tpu.vector_load_idx %arg7[%parallel_loop3A_670] : memref<4608xf32, #tpu.memory_space<vmem>>[vector<16xi32>], vector<16xf32>,
        %parallel_loop3A_672 = arith.constant 80 : i32
        %parallel_loop3A_673 = arith.addi %parallel_loop3A_182, %parallel_loop3A_672 : i32
        %parallel_loop3A_674 = arith.constant 4 : i32
        %parallel_loop3A_675 = arith.index_cast %parallel_loop3A_674 : i32 to index
        %parallel_loop3A_676 = arith.index_cast %parallel_loop3A_673 : i32 to index
        %parallel_loop3A_677 = tpu.vector_load %arg8[%parallel_loop3A_675, %parallel_loop3A_676] {strides = array<i32>} : memref<8x4096xf32, #tpu.memory_space<vmem>>, vector<16xf32>,
        tpu.vector_store %arg8[%parallel_loop3A_675, %parallel_loop3A_676], %parallel_loop3A_671 {strides = array<i32>} : memref<8x4096xf32, #tpu.memory_space<vmem>>, vector<16xf32>,
        %parallel_loop3A_678 = arith.constant 80 : i32
        %parallel_loop3A_679 = arith.addi %parallel_loop3A_182, %parallel_loop3A_678 : i32
        %parallel_loop3A_680 = vector.broadcast %parallel_loop3A_679 : i32 to vector<16xi32>
        %parallel_loop3A_681 = arith.addi %add3A_93, %parallel_loop3A_680 : vector<16xi32>
        %parallel_loop3A_682 = tpu.vector_load_idx %arg7[%parallel_loop3A_681] : memref<4608xf32, #tpu.memory_space<vmem>>[vector<16xi32>], vector<16xf32>,
        %parallel_loop3A_683 = arith.constant 80 : i32
        %parallel_loop3A_684 = arith.addi %parallel_loop3A_182, %parallel_loop3A_683 : i32
        %parallel_loop3A_685 = arith.constant 5 : i32
        %parallel_loop3A_686 = arith.index_cast %parallel_loop3A_685 : i32 to index
        %parallel_loop3A_687 = arith.index_cast %parallel_loop3A_684 : i32 to index
        %parallel_loop3A_688 = tpu.vector_load %arg8[%parallel_loop3A_686, %parallel_loop3A_687] {strides = array<i32>} : memref<8x4096xf32, #tpu.memory_space<vmem>>, vector<16xf32>,
        tpu.vector_store %arg8[%parallel_loop3A_686, %parallel_loop3A_687], %parallel_loop3A_682 {strides = array<i32>} : memref<8x4096xf32, #tpu.memory_space<vmem>>, vector<16xf32>,
        %parallel_loop3A_689 = arith.constant 80 : i32
        %parallel_loop3A_690 = arith.addi %parallel_loop3A_182, %parallel_loop3A_689 : i32
        %parallel_loop3A_691 = vector.broadcast %parallel_loop3A_690 : i32 to vector<16xi32>
        %parallel_loop3A_692 = arith.addi %add3A_97, %parallel_loop3A_691 : vector<16xi32>
        %parallel_loop3A_693 = tpu.vector_load_idx %arg7[%parallel_loop3A_692] : memref<4608xf32, #tpu.memory_space<vmem>>[vector<16xi32>], vector<16xf32>,
        %parallel_loop3A_694 = arith.constant 80 : i32
        %parallel_loop3A_695 = arith.addi %parallel_loop3A_182, %parallel_loop3A_694 : i32
        %parallel_loop3A_696 = arith.constant 6 : i32
        %parallel_loop3A_697 = arith.index_cast %parallel_loop3A_696 : i32 to index
        %parallel_loop3A_698 = arith.index_cast %parallel_loop3A_695 : i32 to index
        %parallel_loop3A_699 = tpu.vector_load %arg8[%parallel_loop3A_697, %parallel_loop3A_698] {strides = array<i32>} : memref<8x4096xf32, #tpu.memory_space<vmem>>, vector<16xf32>,
        tpu.vector_store %arg8[%parallel_loop3A_697, %parallel_loop3A_698], %parallel_loop3A_693 {strides = array<i32>} : memref<8x4096xf32, #tpu.memory_space<vmem>>, vector<16xf32>,
        %parallel_loop3A_700 = arith.constant 80 : i32
        %parallel_loop3A_701 = arith.addi %parallel_loop3A_182, %parallel_loop3A_700 : i32
        %parallel_loop3A_702 = vector.broadcast %parallel_loop3A_701 : i32 to vector<16xi32>
        %parallel_loop3A_703 = arith.addi %add3A_101, %parallel_loop3A_702 : vector<16xi32>
        %parallel_loop3A_704 = tpu.vector_load_idx %arg7[%parallel_loop3A_703] : memref<4608xf32, #tpu.memory_space<vmem>>[vector<16xi32>], vector<16xf32>,
        %parallel_loop3A_705 = arith.constant 80 : i32
        %parallel_loop3A_706 = arith.addi %parallel_loop3A_182, %parallel_loop3A_705 : i32
        %parallel_loop3A_707 = arith.constant 7 : i32
        %parallel_loop3A_708 = arith.index_cast %parallel_loop3A_707 : i32 to index
        %parallel_loop3A_709 = arith.index_cast %parallel_loop3A_706 : i32 to index
        %parallel_loop3A_710 = tpu.vector_load %arg8[%parallel_loop3A_708, %parallel_loop3A_709] {strides = array<i32>} : memref<8x4096xf32, #tpu.memory_space<vmem>>, vector<16xf32>,
        tpu.vector_store %arg8[%parallel_loop3A_708, %parallel_loop3A_709], %parallel_loop3A_704 {strides = array<i32>} : memref<8x4096xf32, #tpu.memory_space<vmem>>, vector<16xf32>,
        %parallel_loop3A_711 = arith.constant 96 : i32
        %parallel_loop3A_712 = arith.addi %parallel_loop3A_182, %parallel_loop3A_711 : i32
        %parallel_loop3A_713 = vector.broadcast %parallel_loop3A_712 : i32 to vector<16xi32>
        %parallel_loop3A_714 = arith.addi %add3A_73, %parallel_loop3A_713 : vector<16xi32>
        %parallel_loop3A_715 = tpu.vector_load_idx %arg7[%parallel_loop3A_714] : memref<4608xf32, #tpu.memory_space<vmem>>[vector<16xi32>], vector<16xf32>,
        %parallel_loop3A_716 = arith.constant 96 : i32
        %parallel_loop3A_717 = arith.addi %parallel_loop3A_182, %parallel_loop3A_716 : i32
        %parallel_loop3A_718 = arith.constant 0 : i32
        %parallel_loop3A_719 = arith.index_cast %parallel_loop3A_718 : i32 to index
        %parallel_loop3A_720 = arith.index_cast %parallel_loop3A_717 : i32 to index
        %parallel_loop3A_721 = tpu.vector_load %arg8[%parallel_loop3A_719, %parallel_loop3A_720] {strides = array<i32>} : memref<8x4096xf32, #tpu.memory_space<vmem>>, vector<16xf32>,
        tpu.vector_store %arg8[%parallel_loop3A_719, %parallel_loop3A_720], %parallel_loop3A_715 {strides = array<i32>} : memref<8x4096xf32, #tpu.memory_space<vmem>>, vector<16xf32>,
        %parallel_loop3A_722 = arith.constant 96 : i32
        %parallel_loop3A_723 = arith.addi %parallel_loop3A_182, %parallel_loop3A_722 : i32
        %parallel_loop3A_724 = vector.broadcast %parallel_loop3A_723 : i32 to vector<16xi32>
        %parallel_loop3A_725 = arith.addi %add3A_77, %parallel_loop3A_724 : vector<16xi32>
        %parallel_loop3A_726 = tpu.vector_load_idx %arg7[%parallel_loop3A_725] : memref<4608xf32, #tpu.memory_space<vmem>>[vector<16xi32>], vector<16xf32>,
        %parallel_loop3A_727 = arith.constant 96 : i32
        %parallel_loop3A_728 = arith.addi %parallel_loop3A_182, %parallel_loop3A_727 : i32
        %parallel_loop3A_729 = arith.constant 1 : i32
        %parallel_loop3A_730 = arith.index_cast %parallel_loop3A_729 : i32 to index
        %parallel_loop3A_731 = arith.index_cast %parallel_loop3A_728 : i32 to index
        %parallel_loop3A_732 = tpu.vector_load %arg8[%parallel_loop3A_730, %parallel_loop3A_731] {strides = array<i32>} : memref<8x4096xf32, #tpu.memory_space<vmem>>, vector<16xf32>,
        tpu.vector_store %arg8[%parallel_loop3A_730, %parallel_loop3A_731], %parallel_loop3A_726 {strides = array<i32>} : memref<8x4096xf32, #tpu.memory_space<vmem>>, vector<16xf32>,
        %parallel_loop3A_733 = arith.constant 96 : i32
        %parallel_loop3A_734 = arith.addi %parallel_loop3A_182, %parallel_loop3A_733 : i32
        %parallel_loop3A_735 = vector.broadcast %parallel_loop3A_734 : i32 to vector<16xi32>
        %parallel_loop3A_736 = arith.addi %add3A_81, %parallel_loop3A_735 : vector<16xi32>
        %parallel_loop3A_737 = tpu.vector_load_idx %arg7[%parallel_loop3A_736] : memref<4608xf32, #tpu.memory_space<vmem>>[vector<16xi32>], vector<16xf32>,
        %parallel_loop3A_738 = arith.constant 96 : i32
        %parallel_loop3A_739 = arith.addi %parallel_loop3A_182, %parallel_loop3A_738 : i32
        %parallel_loop3A_740 = arith.constant 2 : i32
        %parallel_loop3A_741 = arith.index_cast %parallel_loop3A_740 : i32 to index
        %parallel_loop3A_742 = arith.index_cast %parallel_loop3A_739 : i32 to index
        %parallel_loop3A_743 = tpu.vector_load %arg8[%parallel_loop3A_741, %parallel_loop3A_742] {strides = array<i32>} : memref<8x4096xf32, #tpu.memory_space<vmem>>, vector<16xf32>,
        tpu.vector_store %arg8[%parallel_loop3A_741, %parallel_loop3A_742], %parallel_loop3A_737 {strides = array<i32>} : memref<8x4096xf32, #tpu.memory_space<vmem>>, vector<16xf32>,
        %parallel_loop3A_744 = arith.constant 96 : i32
        %parallel_loop3A_745 = arith.addi %parallel_loop3A_182, %parallel_loop3A_744 : i32
        %parallel_loop3A_746 = vector.broadcast %parallel_loop3A_745 : i32 to vector<16xi32>
        %parallel_loop3A_747 = arith.addi %add3A_85, %parallel_loop3A_746 : vector<16xi32>
        %parallel_loop3A_748 = tpu.vector_load_idx %arg7[%parallel_loop3A_747] : memref<4608xf32, #tpu.memory_space<vmem>>[vector<16xi32>], vector<16xf32>,
        %parallel_loop3A_749 = arith.constant 96 : i32
        %parallel_loop3A_750 = arith.addi %parallel_loop3A_182, %parallel_loop3A_749 : i32
        %parallel_loop3A_751 = arith.constant 3 : i32
        %parallel_loop3A_752 = arith.index_cast %parallel_loop3A_751 : i32 to index
        %parallel_loop3A_753 = arith.index_cast %parallel_loop3A_750 : i32 to index
        %parallel_loop3A_754 = tpu.vector_load %arg8[%parallel_loop3A_752, %parallel_loop3A_753] {strides = array<i32>} : memref<8x4096xf32, #tpu.memory_space<vmem>>, vector<16xf32>,
        tpu.vector_store %arg8[%parallel_loop3A_752, %parallel_loop3A_753], %parallel_loop3A_748 {strides = array<i32>} : memref<8x4096xf32, #tpu.memory_space<vmem>>, vector<16xf32>,
        %parallel_loop3A_755 = arith.constant 96 : i32
        %parallel_loop3A_756 = arith.addi %parallel_loop3A_182, %parallel_loop3A_755 : i32
        %parallel_loop3A_757 = vector.broadcast %parallel_loop3A_756 : i32 to vector<16xi32>
        %parallel_loop3A_758 = arith.addi %add3A_89, %parallel_loop3A_757 : vector<16xi32>
        %parallel_loop3A_759 = tpu.vector_load_idx %arg7[%parallel_loop3A_758] : memref<4608xf32, #tpu.memory_space<vmem>>[vector<16xi32>], vector<16xf32>,
        %parallel_loop3A_760 = arith.constant 96 : i32
        %parallel_loop3A_761 = arith.addi %parallel_loop3A_182, %parallel_loop3A_760 : i32
        %parallel_loop3A_762 = arith.constant 4 : i32
        %parallel_loop3A_763 = arith.index_cast %parallel_loop3A_762 : i32 to index
        %parallel_loop3A_764 = arith.index_cast %parallel_loop3A_761 : i32 to index
        %parallel_loop3A_765 = tpu.vector_load %arg8[%parallel_loop3A_763, %parallel_loop3A_764] {strides = array<i32>} : memref<8x4096xf32, #tpu.memory_space<vmem>>, vector<16xf32>,
        tpu.vector_store %arg8[%parallel_loop3A_763, %parallel_loop3A_764], %parallel_loop3A_759 {strides = array<i32>} : memref<8x4096xf32, #tpu.memory_space<vmem>>, vector<16xf32>,
        %parallel_loop3A_766 = arith.constant 96 : i32
        %parallel_loop3A_767 = arith.addi %parallel_loop3A_182, %parallel_loop3A_766 : i32
        %parallel_loop3A_768 = vector.broadcast %parallel_loop3A_767 : i32 to vector<16xi32>
        %parallel_loop3A_769 = arith.addi %add3A_93, %parallel_loop3A_768 : vector<16xi32>
        %parallel_loop3A_770 = tpu.vector_load_idx %arg7[%parallel_loop3A_769] : memref<4608xf32, #tpu.memory_space<vmem>>[vector<16xi32>], vector<16xf32>,
        %parallel_loop3A_771 = arith.constant 96 : i32
        %parallel_loop3A_772 = arith.addi %parallel_loop3A_182, %parallel_loop3A_771 : i32
        %parallel_loop3A_773 = arith.constant 5 : i32
        %parallel_loop3A_774 = arith.index_cast %parallel_loop3A_773 : i32 to index
        %parallel_loop3A_775 = arith.index_cast %parallel_loop3A_772 : i32 to index
        %parallel_loop3A_776 = tpu.vector_load %arg8[%parallel_loop3A_774, %parallel_loop3A_775] {strides = array<i32>} : memref<8x4096xf32, #tpu.memory_space<vmem>>, vector<16xf32>,
        tpu.vector_store %arg8[%parallel_loop3A_774, %parallel_loop3A_775], %parallel_loop3A_770 {strides = array<i32>} : memref<8x4096xf32, #tpu.memory_space<vmem>>, vector<16xf32>,
        %parallel_loop3A_777 = arith.constant 96 : i32
        %parallel_loop3A_778 = arith.addi %parallel_loop3A_182, %parallel_loop3A_777 : i32
        %parallel_loop3A_779 = vector.broadcast %parallel_loop3A_778 : i32 to vector<16xi32>
        %parallel_loop3A_780 = arith.addi %add3A_97, %parallel_loop3A_779 : vector<16xi32>
        %parallel_loop3A_781 = tpu.vector_load_idx %arg7[%parallel_loop3A_780] : memref<4608xf32, #tpu.memory_space<vmem>>[vector<16xi32>], vector<16xf32>,
        %parallel_loop3A_782 = arith.constant 96 : i32
        %parallel_loop3A_783 = arith.addi %parallel_loop3A_182, %parallel_loop3A_782 : i32
        %parallel_loop3A_784 = arith.constant 6 : i32
        %parallel_loop3A_785 = arith.index_cast %parallel_loop3A_784 : i32 to index
        %parallel_loop3A_786 = arith.index_cast %parallel_loop3A_783 : i32 to index
        %parallel_loop3A_787 = tpu.vector_load %arg8[%parallel_loop3A_785, %parallel_loop3A_786] {strides = array<i32>} : memref<8x4096xf32, #tpu.memory_space<vmem>>, vector<16xf32>,
        tpu.vector_store %arg8[%parallel_loop3A_785, %parallel_loop3A_786], %parallel_loop3A_781 {strides = array<i32>} : memref<8x4096xf32, #tpu.memory_space<vmem>>, vector<16xf32>,
        %parallel_loop3A_788 = arith.constant 96 : i32
        %parallel_loop3A_789 = arith.addi %parallel_loop3A_182, %parallel_loop3A_788 : i32
        %parallel_loop3A_790 = vector.broadcast %parallel_loop3A_789 : i32 to vector<16xi32>
        %parallel_loop3A_791 = arith.addi %add3A_101, %parallel_loop3A_790 : vector<16xi32>
        %parallel_loop3A_792 = tpu.vector_load_idx %arg7[%parallel_loop3A_791] : memref<4608xf32, #tpu.memory_space<vmem>>[vector<16xi32>], vector<16xf32>,
        %parallel_loop3A_793 = arith.constant 96 : i32
        %parallel_loop3A_794 = arith.addi %parallel_loop3A_182, %parallel_loop3A_793 : i32
        %parallel_loop3A_795 = arith.constant 7 : i32
        %parallel_loop3A_796 = arith.index_cast %parallel_loop3A_795 : i32 to index
        %parallel_loop3A_797 = arith.index_cast %parallel_loop3A_794 : i32 to index
        %parallel_loop3A_798 = tpu.vector_load %arg8[%parallel_loop3A_796, %parallel_loop3A_797] {strides = array<i32>} : memref<8x4096xf32, #tpu.memory_space<vmem>>, vector<16xf32>,
        tpu.vector_store %arg8[%parallel_loop3A_796, %parallel_loop3A_797], %parallel_loop3A_792 {strides = array<i32>} : memref<8x4096xf32, #tpu.memory_space<vmem>>, vector<16xf32>,
        %parallel_loop3A_799 = arith.constant 112 : i32
        %parallel_loop3A_800 = arith.addi %parallel_loop3A_182, %parallel_loop3A_799 : i32
        %parallel_loop3A_801 = vector.broadcast %parallel_loop3A_800 : i32 to vector<16xi32>
        %parallel_loop3A_802 = arith.addi %add3A_73, %parallel_loop3A_801 : vector<16xi32>
        %parallel_loop3A_803 = tpu.vector_load_idx %arg7[%parallel_loop3A_802] : memref<4608xf32, #tpu.memory_space<vmem>>[vector<16xi32>], vector<16xf32>,
        %parallel_loop3A_804 = arith.constant 112 : i32
        %parallel_loop3A_805 = arith.addi %parallel_loop3A_182, %parallel_loop3A_804 : i32
        %parallel_loop3A_806 = arith.constant 0 : i32
        %parallel_loop3A_807 = arith.index_cast %parallel_loop3A_806 : i32 to index
        %parallel_loop3A_808 = arith.index_cast %parallel_loop3A_805 : i32 to index
        %parallel_loop3A_809 = tpu.vector_load %arg8[%parallel_loop3A_807, %parallel_loop3A_808] {strides = array<i32>} : memref<8x4096xf32, #tpu.memory_space<vmem>>, vector<16xf32>,
        tpu.vector_store %arg8[%parallel_loop3A_807, %parallel_loop3A_808], %parallel_loop3A_803 {strides = array<i32>} : memref<8x4096xf32, #tpu.memory_space<vmem>>, vector<16xf32>,
        %parallel_loop3A_810 = arith.constant 112 : i32
        %parallel_loop3A_811 = arith.addi %parallel_loop3A_182, %parallel_loop3A_810 : i32
        %parallel_loop3A_812 = vector.broadcast %parallel_loop3A_811 : i32 to vector<16xi32>
        %parallel_loop3A_813 = arith.addi %add3A_77, %parallel_loop3A_812 : vector<16xi32>
        %parallel_loop3A_814 = tpu.vector_load_idx %arg7[%parallel_loop3A_813] : memref<4608xf32, #tpu.memory_space<vmem>>[vector<16xi32>], vector<16xf32>,
        %parallel_loop3A_815 = arith.constant 112 : i32
        %parallel_loop3A_816 = arith.addi %parallel_loop3A_182, %parallel_loop3A_815 : i32
        %parallel_loop3A_817 = arith.constant 1 : i32
        %parallel_loop3A_818 = arith.index_cast %parallel_loop3A_817 : i32 to index
        %parallel_loop3A_819 = arith.index_cast %parallel_loop3A_816 : i32 to index
        %parallel_loop3A_820 = tpu.vector_load %arg8[%parallel_loop3A_818, %parallel_loop3A_819] {strides = array<i32>} : memref<8x4096xf32, #tpu.memory_space<vmem>>, vector<16xf32>,
        tpu.vector_store %arg8[%parallel_loop3A_818, %parallel_loop3A_819], %parallel_loop3A_814 {strides = array<i32>} : memref<8x4096xf32, #tpu.memory_space<vmem>>, vector<16xf32>,
        %parallel_loop3A_821 = arith.constant 112 : i32
        %parallel_loop3A_822 = arith.addi %parallel_loop3A_182, %parallel_loop3A_821 : i32
        %parallel_loop3A_823 = vector.broadcast %parallel_loop3A_822 : i32 to vector<16xi32>
        %parallel_loop3A_824 = arith.addi %add3A_81, %parallel_loop3A_823 : vector<16xi32>
        %parallel_loop3A_825 = tpu.vector_load_idx %arg7[%parallel_loop3A_824] : memref<4608xf32, #tpu.memory_space<vmem>>[vector<16xi32>], vector<16xf32>,
        %parallel_loop3A_826 = arith.constant 112 : i32
        %parallel_loop3A_827 = arith.addi %parallel_loop3A_182, %parallel_loop3A_826 : i32
        %parallel_loop3A_828 = arith.constant 2 : i32
        %parallel_loop3A_829 = arith.index_cast %parallel_loop3A_828 : i32 to index
        %parallel_loop3A_830 = arith.index_cast %parallel_loop3A_827 : i32 to index
        %parallel_loop3A_831 = tpu.vector_load %arg8[%parallel_loop3A_829, %parallel_loop3A_830] {strides = array<i32>} : memref<8x4096xf32, #tpu.memory_space<vmem>>, vector<16xf32>,
        tpu.vector_store %arg8[%parallel_loop3A_829, %parallel_loop3A_830], %parallel_loop3A_825 {strides = array<i32>} : memref<8x4096xf32, #tpu.memory_space<vmem>>, vector<16xf32>,
        %parallel_loop3A_832 = arith.constant 112 : i32
        %parallel_loop3A_833 = arith.addi %parallel_loop3A_182, %parallel_loop3A_832 : i32
        %parallel_loop3A_834 = vector.broadcast %parallel_loop3A_833 : i32 to vector<16xi32>
        %parallel_loop3A_835 = arith.addi %add3A_85, %parallel_loop3A_834 : vector<16xi32>
        %parallel_loop3A_836 = tpu.vector_load_idx %arg7[%parallel_loop3A_835] : memref<4608xf32, #tpu.memory_space<vmem>>[vector<16xi32>], vector<16xf32>,
        %parallel_loop3A_837 = arith.constant 112 : i32
        %parallel_loop3A_838 = arith.addi %parallel_loop3A_182, %parallel_loop3A_837 : i32
        %parallel_loop3A_839 = arith.constant 3 : i32
        %parallel_loop3A_840 = arith.index_cast %parallel_loop3A_839 : i32 to index
        %parallel_loop3A_841 = arith.index_cast %parallel_loop3A_838 : i32 to index
        %parallel_loop3A_842 = tpu.vector_load %arg8[%parallel_loop3A_840, %parallel_loop3A_841] {strides = array<i32>} : memref<8x4096xf32, #tpu.memory_space<vmem>>, vector<16xf32>,
        tpu.vector_store %arg8[%parallel_loop3A_840, %parallel_loop3A_841], %parallel_loop3A_836 {strides = array<i32>} : memref<8x4096xf32, #tpu.memory_space<vmem>>, vector<16xf32>,
        %parallel_loop3A_843 = arith.constant 112 : i32
        %parallel_loop3A_844 = arith.addi %parallel_loop3A_182, %parallel_loop3A_843 : i32
        %parallel_loop3A_845 = vector.broadcast %parallel_loop3A_844 : i32 to vector<16xi32>
        %parallel_loop3A_846 = arith.addi %add3A_89, %parallel_loop3A_845 : vector<16xi32>
        %parallel_loop3A_847 = tpu.vector_load_idx %arg7[%parallel_loop3A_846] : memref<4608xf32, #tpu.memory_space<vmem>>[vector<16xi32>], vector<16xf32>,
        %parallel_loop3A_848 = arith.constant 112 : i32
        %parallel_loop3A_849 = arith.addi %parallel_loop3A_182, %parallel_loop3A_848 : i32
        %parallel_loop3A_850 = arith.constant 4 : i32
        %parallel_loop3A_851 = arith.index_cast %parallel_loop3A_850 : i32 to index
        %parallel_loop3A_852 = arith.index_cast %parallel_loop3A_849 : i32 to index
        %parallel_loop3A_853 = tpu.vector_load %arg8[%parallel_loop3A_851, %parallel_loop3A_852] {strides = array<i32>} : memref<8x4096xf32, #tpu.memory_space<vmem>>, vector<16xf32>,
        tpu.vector_store %arg8[%parallel_loop3A_851, %parallel_loop3A_852], %parallel_loop3A_847 {strides = array<i32>} : memref<8x4096xf32, #tpu.memory_space<vmem>>, vector<16xf32>,
        %parallel_loop3A_854 = arith.constant 112 : i32
        %parallel_loop3A_855 = arith.addi %parallel_loop3A_182, %parallel_loop3A_854 : i32
        %parallel_loop3A_856 = vector.broadcast %parallel_loop3A_855 : i32 to vector<16xi32>
        %parallel_loop3A_857 = arith.addi %add3A_93, %parallel_loop3A_856 : vector<16xi32>
        %parallel_loop3A_858 = tpu.vector_load_idx %arg7[%parallel_loop3A_857] : memref<4608xf32, #tpu.memory_space<vmem>>[vector<16xi32>], vector<16xf32>,
        %parallel_loop3A_859 = arith.constant 112 : i32
        %parallel_loop3A_860 = arith.addi %parallel_loop3A_182, %parallel_loop3A_859 : i32
        %parallel_loop3A_861 = arith.constant 5 : i32
        %parallel_loop3A_862 = arith.index_cast %parallel_loop3A_861 : i32 to index
        %parallel_loop3A_863 = arith.index_cast %parallel_loop3A_860 : i32 to index
        %parallel_loop3A_864 = tpu.vector_load %arg8[%parallel_loop3A_862, %parallel_loop3A_863] {strides = array<i32>} : memref<8x4096xf32, #tpu.memory_space<vmem>>, vector<16xf32>,
        tpu.vector_store %arg8[%parallel_loop3A_862, %parallel_loop3A_863], %parallel_loop3A_858 {strides = array<i32>} : memref<8x4096xf32, #tpu.memory_space<vmem>>, vector<16xf32>,
        %parallel_loop3A_865 = arith.constant 112 : i32
        %parallel_loop3A_866 = arith.addi %parallel_loop3A_182, %parallel_loop3A_865 : i32
        %parallel_loop3A_867 = vector.broadcast %parallel_loop3A_866 : i32 to vector<16xi32>
        %parallel_loop3A_868 = arith.addi %add3A_97, %parallel_loop3A_867 : vector<16xi32>
        %parallel_loop3A_869 = tpu.vector_load_idx %arg7[%parallel_loop3A_868] : memref<4608xf32, #tpu.memory_space<vmem>>[vector<16xi32>], vector<16xf32>,
        %parallel_loop3A_870 = arith.constant 112 : i32
        %parallel_loop3A_871 = arith.addi %parallel_loop3A_182, %parallel_loop3A_870 : i32
        %parallel_loop3A_872 = arith.constant 6 : i32
        %parallel_loop3A_873 = arith.index_cast %parallel_loop3A_872 : i32 to index
        %parallel_loop3A_874 = arith.index_cast %parallel_loop3A_871 : i32 to index
        %parallel_loop3A_875 = tpu.vector_load %arg8[%parallel_loop3A_873, %parallel_loop3A_874] {strides = array<i32>} : memref<8x4096xf32, #tpu.memory_space<vmem>>, vector<16xf32>,
        tpu.vector_store %arg8[%parallel_loop3A_873, %parallel_loop3A_874], %parallel_loop3A_869 {strides = array<i32>} : memref<8x4096xf32, #tpu.memory_space<vmem>>, vector<16xf32>,
        %parallel_loop3A_876 = arith.constant 112 : i32
        %parallel_loop3A_877 = arith.addi %parallel_loop3A_182, %parallel_loop3A_876 : i32
        %parallel_loop3A_878 = vector.broadcast %parallel_loop3A_877 : i32 to vector<16xi32>
        %parallel_loop3A_879 = arith.addi %add3A_101, %parallel_loop3A_878 : vector<16xi32>
        %parallel_loop3A_880 = tpu.vector_load_idx %arg7[%parallel_loop3A_879] : memref<4608xf32, #tpu.memory_space<vmem>>[vector<16xi32>], vector<16xf32>,
        %parallel_loop3A_881 = arith.constant 112 : i32
        %parallel_loop3A_882 = arith.addi %parallel_loop3A_182, %parallel_loop3A_881 : i32
        %parallel_loop3A_883 = arith.constant 7 : i32
        %parallel_loop3A_884 = arith.index_cast %parallel_loop3A_883 : i32 to index
        %parallel_loop3A_885 = arith.index_cast %parallel_loop3A_882 : i32 to index
        %parallel_loop3A_886 = tpu.vector_load %arg8[%parallel_loop3A_884, %parallel_loop3A_885] {strides = array<i32>} : memref<8x4096xf32, #tpu.memory_space<vmem>>, vector<16xf32>,
        tpu.vector_store %arg8[%parallel_loop3A_884, %parallel_loop3A_885], %parallel_loop3A_880 {strides = array<i32>} : memref<8x4096xf32, #tpu.memory_space<vmem>>, vector<16xf32>,
      } {sc.loop_unroll_factor = 1 : i64, sc.parallel_access}
      %mul3A_105 = arith.constant 4 : i32
      %mul3A_106 = arith.muli %select_n3A, %mul3A_105 : i32
      %add3A_107 = arith.addi %mul3A_106, %select_n3A_30 : i32
      %mul3A_108 = arith.constant 64 : i32
      %mul3A_109 = arith.muli %add3A_107, %mul3A_108 : i32
      %add3A_110 = arith.addi %mul3A_109, %add3A_63 : i32
      %dma_start3A = arith.constant 0 : i32
      %dma_start3A_111 = arith.constant 0 : i32
      %dma_start3A_112 = tpu.memref_slice %arg4[%add3A_110, %dma_start3A, %dma_start3A_111] : memref<2048x8x4096xf32, #tpu.memory_space<hbm>> -> memref<1x8x4096xf32, #tpu.memory_space<hbm>>
      %dma_start3A_113 = tpu.memref_squeeze %dma_start3A_112 : memref<1x8x4096xf32, #tpu.memory_space<hbm>> -> memref<8x4096xf32, #tpu.memory_space<hbm>>
      %dma_start3A_114 = arith.constant 0 : i32
      %dma_start3A_115 = arith.constant 0 : i32
      %dma_start3A_116 = tpu.memref_slice %arg4[%add3A_110, %dma_start3A_114, %dma_start3A_115] : memref<2048x8x4096xf32, #tpu.memory_space<hbm>> -> memref<1x8x4096xf32, #tpu.memory_space<hbm>>
      %dma_start3A_117 = tpu.memref_squeeze %dma_start3A_116 : memref<1x8x4096xf32, #tpu.memory_space<hbm>> -> memref<8x4096xf32, #tpu.memory_space<hbm>>
      tpu.enqueue_dma source(%arg8 : memref<8x4096xf32, #tpu.memory_space<vmem>>) target(%dma_start3A_117 : memref<8x4096xf32, #tpu.memory_space<hbm>>) target_semaphore(%arg10 : memref<!tpu.dma_semaphore, #tpu.memory_space<semaphore_mem>>)
      %mul3A_118 = arith.constant 2 : i32
      %mul3A_119 = arith.muli %scan3A_59, %mul3A_118 : i32
      %add3A_120 = arith.constant 1 : i32
      %add3A_121 = arith.addi %mul3A_119, %add3A_120 : i32
      %gt3A_122 = arith.constant 0 : i32
      %gt3A_123 = arith.cmpi sgt, %scan3A_59, %gt3A_122 : i32
      %convert_element_type3A_124 = arith.extui %gt3A_123 : i1 to i32
      %cond3A_125 = arith.constant 0 : i32
      %cond3A_126 = arith.cmpi ne, %convert_element_type3A_124, %cond3A_125 : i32
      scf.if %cond3A_126 {
        %dma_wait3A_180 = arith.constant 0 : i32
        %dma_wait3A_181 = arith.constant 0 : i32
        %dma_wait3A_182 = arith.constant 0 : i32
        %dma_wait3A_183 = tpu.memref_slice %arg4[%dma_wait3A_180, %dma_wait3A_181, %dma_wait3A_182] : memref<2048x8x4096xf32, #tpu.memory_space<hbm>> -> memref<1x8x4096xf32, #tpu.memory_space<hbm>>
        %dma_wait3A_184 = tpu.memref_squeeze %dma_wait3A_183 : memref<1x8x4096xf32, #tpu.memory_space<hbm>> -> memref<8x4096xf32, #tpu.memory_space<hbm>>
        %dma_wait3A_185 = arith.constant 0 : i32
        %dma_wait3A_186 = arith.constant 0 : i32
        %dma_wait3A_187 = tpu.memref_slice %arg4[%dma_wait3A_180, %dma_wait3A_185, %dma_wait3A_186] : memref<2048x8x4096xf32, #tpu.memory_space<hbm>> -> memref<1x8x4096xf32, #tpu.memory_space<hbm>>
        %dma_wait3A_188 = tpu.memref_squeeze %dma_wait3A_187 : memref<1x8x4096xf32, #tpu.memory_space<hbm>> -> memref<8x4096xf32, #tpu.memory_space<hbm>>
        tpu.wait_dma2 semaphore(%arg11 : memref<!tpu.dma_semaphore, #tpu.memory_space<semaphore_mem>>) src(%dma_wait3A_188 : memref<8x4096xf32, #tpu.memory_space<hbm>>) dst(%arg9 : memref<8x4096xf32, #tpu.memory_space<vmem>>)
      } else {
      }
      %mul3A_127 = arith.constant 8 : i32
      %mul3A_128 = arith.muli %mul3A_127, %add3A_121 : i32
      %sub3A_129 = arith.constant 511 : i32
      %sub3A_130 = arith.subi %sub3A_129, %mul3A_128 : i32
      %sub3A_131 = arith.constant 0 : i32
      %sub3A_132 = arith.subi %sub3A_130, %sub3A_131 : i32
      %add3A_133 = vector.broadcast %sub3A_132 : i32 to vector<16xi32>
      %add3A_134 = arith.addi %iota3A, %add3A_133 : vector<16xi32>
      %sub3A_135 = arith.constant 1 : i32
      %sub3A_136 = arith.subi %sub3A_130, %sub3A_135 : i32
      %add3A_137 = vector.broadcast %sub3A_136 : i32 to vector<16xi32>
      %add3A_138 = arith.addi %iota3A, %add3A_137 : vector<16xi32>
      %sub3A_139 = arith.constant 2 : i32
      %sub3A_140 = arith.subi %sub3A_130, %sub3A_139 : i32
      %add3A_141 = vector.broadcast %sub3A_140 : i32 to vector<16xi32>
      %add3A_142 = arith.addi %iota3A, %add3A_141 : vector<16xi32>
      %sub3A_143 = arith.constant 3 : i32
      %sub3A_144 = arith.subi %sub3A_130, %sub3A_143 : i32
      %add3A_145 = vector.broadcast %sub3A_144 : i32 to vector<16xi32>
      %add3A_146 = arith.addi %iota3A, %add3A_145 : vector<16xi32>
      %sub3A_147 = arith.constant 4 : i32
      %sub3A_148 = arith.subi %sub3A_130, %sub3A_147 : i32
      %add3A_149 = vector.broadcast %sub3A_148 : i32 to vector<16xi32>
      %add3A_150 = arith.addi %iota3A, %add3A_149 : vector<16xi32>
      %sub3A_151 = arith.constant 5 : i32
      %sub3A_152 = arith.subi %sub3A_130, %sub3A_151 : i32
      %add3A_153 = vector.broadcast %sub3A_152 : i32 to vector<16xi32>
      %add3A_154 = arith.addi %iota3A, %add3A_153 : vector<16xi32>
      %sub3A_155 = arith.constant 6 : i32
      %sub3A_156 = arith.subi %sub3A_130, %sub3A_155 : i32
      %add3A_157 = vector.broadcast %sub3A_156 : i32 to vector<16xi32>
      %add3A_158 = arith.addi %iota3A, %add3A_157 : vector<16xi32>
      %sub3A_159 = arith.constant 7 : i32
      %sub3A_160 = arith.subi %sub3A_130, %sub3A_159 : i32
      %add3A_161 = vector.broadcast %sub3A_160 : i32 to vector<16xi32>
      %add3A_162 = arith.addi %iota3A, %add3A_161 : vector<16xi32>
      %parallel_loop3A_163 = arith.constant 0 : i32
      %parallel_loop3A_164 = arith.constant 32 : i32
      %parallel_loop3A_165 = arith.constant 1 : i32
      scf.for %parallel_loop3A_180 = %parallel_loop3A_163 to %parallel_loop3A_164 step %parallel_loop3A_165  : i32 {
        %parallel_loop3A_181 = arith.constant 128 : i32
        %parallel_loop3A_182 = arith.muli %parallel_loop3A_180, %parallel_loop3A_181 : i32
        %parallel_loop3A_183 = arith.constant 0 : i32
        %parallel_loop3A_184 = arith.addi %parallel_loop3A_182, %parallel_loop3A_183 : i32
        %parallel_loop3A_185 = vector.broadcast %parallel_loop3A_184 : i32 to vector<16xi32>
        %parallel_loop3A_186 = arith.addi %add3A_134, %parallel_loop3A_185 : vector<16xi32>
        %parallel_loop3A_187 = tpu.vector_load_idx %arg7[%parallel_loop3A_186] : memref<4608xf32, #tpu.memory_space<vmem>>[vector<16xi32>], vector<16xf32>,
        %parallel_loop3A_188 = arith.constant 0 : i32
        %parallel_loop3A_189 = arith.addi %parallel_loop3A_182, %parallel_loop3A_188 : i32
        %parallel_loop3A_190 = arith.constant 0 : i32
        %parallel_loop3A_191 = arith.index_cast %parallel_loop3A_190 : i32 to index
        %parallel_loop3A_192 = arith.index_cast %parallel_loop3A_189 : i32 to index
        %parallel_loop3A_193 = tpu.vector_load %arg9[%parallel_loop3A_191, %parallel_loop3A_192] {strides = array<i32>} : memref<8x4096xf32, #tpu.memory_space<vmem>>, vector<16xf32>,
        tpu.vector_store %arg9[%parallel_loop3A_191, %parallel_loop3A_192], %parallel_loop3A_187 {strides = array<i32>} : memref<8x4096xf32, #tpu.memory_space<vmem>>, vector<16xf32>,
        %parallel_loop3A_194 = arith.constant 0 : i32
        %parallel_loop3A_195 = arith.addi %parallel_loop3A_182, %parallel_loop3A_194 : i32
        %parallel_loop3A_196 = vector.broadcast %parallel_loop3A_195 : i32 to vector<16xi32>
        %parallel_loop3A_197 = arith.addi %add3A_138, %parallel_loop3A_196 : vector<16xi32>
        %parallel_loop3A_198 = tpu.vector_load_idx %arg7[%parallel_loop3A_197] : memref<4608xf32, #tpu.memory_space<vmem>>[vector<16xi32>], vector<16xf32>,
        %parallel_loop3A_199 = arith.constant 0 : i32
        %parallel_loop3A_200 = arith.addi %parallel_loop3A_182, %parallel_loop3A_199 : i32
        %parallel_loop3A_201 = arith.constant 1 : i32
        %parallel_loop3A_202 = arith.index_cast %parallel_loop3A_201 : i32 to index
        %parallel_loop3A_203 = arith.index_cast %parallel_loop3A_200 : i32 to index
        %parallel_loop3A_204 = tpu.vector_load %arg9[%parallel_loop3A_202, %parallel_loop3A_203] {strides = array<i32>} : memref<8x4096xf32, #tpu.memory_space<vmem>>, vector<16xf32>,
        tpu.vector_store %arg9[%parallel_loop3A_202, %parallel_loop3A_203], %parallel_loop3A_198 {strides = array<i32>} : memref<8x4096xf32, #tpu.memory_space<vmem>>, vector<16xf32>,
        %parallel_loop3A_205 = arith.constant 0 : i32
        %parallel_loop3A_206 = arith.addi %parallel_loop3A_182, %parallel_loop3A_205 : i32
        %parallel_loop3A_207 = vector.broadcast %parallel_loop3A_206 : i32 to vector<16xi32>
        %parallel_loop3A_208 = arith.addi %add3A_142, %parallel_loop3A_207 : vector<16xi32>
        %parallel_loop3A_209 = tpu.vector_load_idx %arg7[%parallel_loop3A_208] : memref<4608xf32, #tpu.memory_space<vmem>>[vector<16xi32>], vector<16xf32>,
        %parallel_loop3A_210 = arith.constant 0 : i32
        %parallel_loop3A_211 = arith.addi %parallel_loop3A_182, %parallel_loop3A_210 : i32
        %parallel_loop3A_212 = arith.constant 2 : i32
        %parallel_loop3A_213 = arith.index_cast %parallel_loop3A_212 : i32 to index
        %parallel_loop3A_214 = arith.index_cast %parallel_loop3A_211 : i32 to index
        %parallel_loop3A_215 = tpu.vector_load %arg9[%parallel_loop3A_213, %parallel_loop3A_214] {strides = array<i32>} : memref<8x4096xf32, #tpu.memory_space<vmem>>, vector<16xf32>,
        tpu.vector_store %arg9[%parallel_loop3A_213, %parallel_loop3A_214], %parallel_loop3A_209 {strides = array<i32>} : memref<8x4096xf32, #tpu.memory_space<vmem>>, vector<16xf32>,
        %parallel_loop3A_216 = arith.constant 0 : i32
        %parallel_loop3A_217 = arith.addi %parallel_loop3A_182, %parallel_loop3A_216 : i32
        %parallel_loop3A_218 = vector.broadcast %parallel_loop3A_217 : i32 to vector<16xi32>
        %parallel_loop3A_219 = arith.addi %add3A_146, %parallel_loop3A_218 : vector<16xi32>
        %parallel_loop3A_220 = tpu.vector_load_idx %arg7[%parallel_loop3A_219] : memref<4608xf32, #tpu.memory_space<vmem>>[vector<16xi32>], vector<16xf32>,
        %parallel_loop3A_221 = arith.constant 0 : i32
        %parallel_loop3A_222 = arith.addi %parallel_loop3A_182, %parallel_loop3A_221 : i32
        %parallel_loop3A_223 = arith.constant 3 : i32
        %parallel_loop3A_224 = arith.index_cast %parallel_loop3A_223 : i32 to index
        %parallel_loop3A_225 = arith.index_cast %parallel_loop3A_222 : i32 to index
        %parallel_loop3A_226 = tpu.vector_load %arg9[%parallel_loop3A_224, %parallel_loop3A_225] {strides = array<i32>} : memref<8x4096xf32, #tpu.memory_space<vmem>>, vector<16xf32>,
        tpu.vector_store %arg9[%parallel_loop3A_224, %parallel_loop3A_225], %parallel_loop3A_220 {strides = array<i32>} : memref<8x4096xf32, #tpu.memory_space<vmem>>, vector<16xf32>,
        %parallel_loop3A_227 = arith.constant 0 : i32
        %parallel_loop3A_228 = arith.addi %parallel_loop3A_182, %parallel_loop3A_227 : i32
        %parallel_loop3A_229 = vector.broadcast %parallel_loop3A_228 : i32 to vector<16xi32>
        %parallel_loop3A_230 = arith.addi %add3A_150, %parallel_loop3A_229 : vector<16xi32>
        %parallel_loop3A_231 = tpu.vector_load_idx %arg7[%parallel_loop3A_230] : memref<4608xf32, #tpu.memory_space<vmem>>[vector<16xi32>], vector<16xf32>,
        %parallel_loop3A_232 = arith.constant 0 : i32
        %parallel_loop3A_233 = arith.addi %parallel_loop3A_182, %parallel_loop3A_232 : i32
        %parallel_loop3A_234 = arith.constant 4 : i32
        %parallel_loop3A_235 = arith.index_cast %parallel_loop3A_234 : i32 to index
        %parallel_loop3A_236 = arith.index_cast %parallel_loop3A_233 : i32 to index
        %parallel_loop3A_237 = tpu.vector_load %arg9[%parallel_loop3A_235, %parallel_loop3A_236] {strides = array<i32>} : memref<8x4096xf32, #tpu.memory_space<vmem>>, vector<16xf32>,
        tpu.vector_store %arg9[%parallel_loop3A_235, %parallel_loop3A_236], %parallel_loop3A_231 {strides = array<i32>} : memref<8x4096xf32, #tpu.memory_space<vmem>>, vector<16xf32>,
        %parallel_loop3A_238 = arith.constant 0 : i32
        %parallel_loop3A_239 = arith.addi %parallel_loop3A_182, %parallel_loop3A_238 : i32
        %parallel_loop3A_240 = vector.broadcast %parallel_loop3A_239 : i32 to vector<16xi32>
        %parallel_loop3A_241 = arith.addi %add3A_154, %parallel_loop3A_240 : vector<16xi32>
        %parallel_loop3A_242 = tpu.vector_load_idx %arg7[%parallel_loop3A_241] : memref<4608xf32, #tpu.memory_space<vmem>>[vector<16xi32>], vector<16xf32>,
        %parallel_loop3A_243 = arith.constant 0 : i32
        %parallel_loop3A_244 = arith.addi %parallel_loop3A_182, %parallel_loop3A_243 : i32
        %parallel_loop3A_245 = arith.constant 5 : i32
        %parallel_loop3A_246 = arith.index_cast %parallel_loop3A_245 : i32 to index
        %parallel_loop3A_247 = arith.index_cast %parallel_loop3A_244 : i32 to index
        %parallel_loop3A_248 = tpu.vector_load %arg9[%parallel_loop3A_246, %parallel_loop3A_247] {strides = array<i32>} : memref<8x4096xf32, #tpu.memory_space<vmem>>, vector<16xf32>,
        tpu.vector_store %arg9[%parallel_loop3A_246, %parallel_loop3A_247], %parallel_loop3A_242 {strides = array<i32>} : memref<8x4096xf32, #tpu.memory_space<vmem>>, vector<16xf32>,
        %parallel_loop3A_249 = arith.constant 0 : i32
        %parallel_loop3A_250 = arith.addi %parallel_loop3A_182, %parallel_loop3A_249 : i32
        %parallel_loop3A_251 = vector.broadcast %parallel_loop3A_250 : i32 to vector<16xi32>
        %parallel_loop3A_252 = arith.addi %add3A_158, %parallel_loop3A_251 : vector<16xi32>
        %parallel_loop3A_253 = tpu.vector_load_idx %arg7[%parallel_loop3A_252] : memref<4608xf32, #tpu.memory_space<vmem>>[vector<16xi32>], vector<16xf32>,
        %parallel_loop3A_254 = arith.constant 0 : i32
        %parallel_loop3A_255 = arith.addi %parallel_loop3A_182, %parallel_loop3A_254 : i32
        %parallel_loop3A_256 = arith.constant 6 : i32
        %parallel_loop3A_257 = arith.index_cast %parallel_loop3A_256 : i32 to index
        %parallel_loop3A_258 = arith.index_cast %parallel_loop3A_255 : i32 to index
        %parallel_loop3A_259 = tpu.vector_load %arg9[%parallel_loop3A_257, %parallel_loop3A_258] {strides = array<i32>} : memref<8x4096xf32, #tpu.memory_space<vmem>>, vector<16xf32>,
        tpu.vector_store %arg9[%parallel_loop3A_257, %parallel_loop3A_258], %parallel_loop3A_253 {strides = array<i32>} : memref<8x4096xf32, #tpu.memory_space<vmem>>, vector<16xf32>,
        %parallel_loop3A_260 = arith.constant 0 : i32
        %parallel_loop3A_261 = arith.addi %parallel_loop3A_182, %parallel_loop3A_260 : i32
        %parallel_loop3A_262 = vector.broadcast %parallel_loop3A_261 : i32 to vector<16xi32>
        %parallel_loop3A_263 = arith.addi %add3A_162, %parallel_loop3A_262 : vector<16xi32>
        %parallel_loop3A_264 = tpu.vector_load_idx %arg7[%parallel_loop3A_263] : memref<4608xf32, #tpu.memory_space<vmem>>[vector<16xi32>], vector<16xf32>,
        %parallel_loop3A_265 = arith.constant 0 : i32
        %parallel_loop3A_266 = arith.addi %parallel_loop3A_182, %parallel_loop3A_265 : i32
        %parallel_loop3A_267 = arith.constant 7 : i32
        %parallel_loop3A_268 = arith.index_cast %parallel_loop3A_267 : i32 to index
        %parallel_loop3A_269 = arith.index_cast %parallel_loop3A_266 : i32 to index
        %parallel_loop3A_270 = tpu.vector_load %arg9[%parallel_loop3A_268, %parallel_loop3A_269] {strides = array<i32>} : memref<8x4096xf32, #tpu.memory_space<vmem>>, vector<16xf32>,
        tpu.vector_store %arg9[%parallel_loop3A_268, %parallel_loop3A_269], %parallel_loop3A_264 {strides = array<i32>} : memref<8x4096xf32, #tpu.memory_space<vmem>>, vector<16xf32>,
        %parallel_loop3A_271 = arith.constant 16 : i32
        %parallel_loop3A_272 = arith.addi %parallel_loop3A_182, %parallel_loop3A_271 : i32
        %parallel_loop3A_273 = vector.broadcast %parallel_loop3A_272 : i32 to vector<16xi32>
        %parallel_loop3A_274 = arith.addi %add3A_134, %parallel_loop3A_273 : vector<16xi32>
        %parallel_loop3A_275 = tpu.vector_load_idx %arg7[%parallel_loop3A_274] : memref<4608xf32, #tpu.memory_space<vmem>>[vector<16xi32>], vector<16xf32>,
        %parallel_loop3A_276 = arith.constant 16 : i32
        %parallel_loop3A_277 = arith.addi %parallel_loop3A_182, %parallel_loop3A_276 : i32
        %parallel_loop3A_278 = arith.constant 0 : i32
        %parallel_loop3A_279 = arith.index_cast %parallel_loop3A_278 : i32 to index
        %parallel_loop3A_280 = arith.index_cast %parallel_loop3A_277 : i32 to index
        %parallel_loop3A_281 = tpu.vector_load %arg9[%parallel_loop3A_279, %parallel_loop3A_280] {strides = array<i32>} : memref<8x4096xf32, #tpu.memory_space<vmem>>, vector<16xf32>,
        tpu.vector_store %arg9[%parallel_loop3A_279, %parallel_loop3A_280], %parallel_loop3A_275 {strides = array<i32>} : memref<8x4096xf32, #tpu.memory_space<vmem>>, vector<16xf32>,
        %parallel_loop3A_282 = arith.constant 16 : i32
        %parallel_loop3A_283 = arith.addi %parallel_loop3A_182, %parallel_loop3A_282 : i32
        %parallel_loop3A_284 = vector.broadcast %parallel_loop3A_283 : i32 to vector<16xi32>
        %parallel_loop3A_285 = arith.addi %add3A_138, %parallel_loop3A_284 : vector<16xi32>
        %parallel_loop3A_286 = tpu.vector_load_idx %arg7[%parallel_loop3A_285] : memref<4608xf32, #tpu.memory_space<vmem>>[vector<16xi32>], vector<16xf32>,
        %parallel_loop3A_287 = arith.constant 16 : i32
        %parallel_loop3A_288 = arith.addi %parallel_loop3A_182, %parallel_loop3A_287 : i32
        %parallel_loop3A_289 = arith.constant 1 : i32
        %parallel_loop3A_290 = arith.index_cast %parallel_loop3A_289 : i32 to index
        %parallel_loop3A_291 = arith.index_cast %parallel_loop3A_288 : i32 to index
        %parallel_loop3A_292 = tpu.vector_load %arg9[%parallel_loop3A_290, %parallel_loop3A_291] {strides = array<i32>} : memref<8x4096xf32, #tpu.memory_space<vmem>>, vector<16xf32>,
        tpu.vector_store %arg9[%parallel_loop3A_290, %parallel_loop3A_291], %parallel_loop3A_286 {strides = array<i32>} : memref<8x4096xf32, #tpu.memory_space<vmem>>, vector<16xf32>,
        %parallel_loop3A_293 = arith.constant 16 : i32
        %parallel_loop3A_294 = arith.addi %parallel_loop3A_182, %parallel_loop3A_293 : i32
        %parallel_loop3A_295 = vector.broadcast %parallel_loop3A_294 : i32 to vector<16xi32>
        %parallel_loop3A_296 = arith.addi %add3A_142, %parallel_loop3A_295 : vector<16xi32>
        %parallel_loop3A_297 = tpu.vector_load_idx %arg7[%parallel_loop3A_296] : memref<4608xf32, #tpu.memory_space<vmem>>[vector<16xi32>], vector<16xf32>,
        %parallel_loop3A_298 = arith.constant 16 : i32
        %parallel_loop3A_299 = arith.addi %parallel_loop3A_182, %parallel_loop3A_298 : i32
        %parallel_loop3A_300 = arith.constant 2 : i32
        %parallel_loop3A_301 = arith.index_cast %parallel_loop3A_300 : i32 to index
        %parallel_loop3A_302 = arith.index_cast %parallel_loop3A_299 : i32 to index
        %parallel_loop3A_303 = tpu.vector_load %arg9[%parallel_loop3A_301, %parallel_loop3A_302] {strides = array<i32>} : memref<8x4096xf32, #tpu.memory_space<vmem>>, vector<16xf32>,
        tpu.vector_store %arg9[%parallel_loop3A_301, %parallel_loop3A_302], %parallel_loop3A_297 {strides = array<i32>} : memref<8x4096xf32, #tpu.memory_space<vmem>>, vector<16xf32>,
        %parallel_loop3A_304 = arith.constant 16 : i32
        %parallel_loop3A_305 = arith.addi %parallel_loop3A_182, %parallel_loop3A_304 : i32
        %parallel_loop3A_306 = vector.broadcast %parallel_loop3A_305 : i32 to vector<16xi32>
        %parallel_loop3A_307 = arith.addi %add3A_146, %parallel_loop3A_306 : vector<16xi32>
        %parallel_loop3A_308 = tpu.vector_load_idx %arg7[%parallel_loop3A_307] : memref<4608xf32, #tpu.memory_space<vmem>>[vector<16xi32>], vector<16xf32>,
        %parallel_loop3A_309 = arith.constant 16 : i32
        %parallel_loop3A_310 = arith.addi %parallel_loop3A_182, %parallel_loop3A_309 : i32
        %parallel_loop3A_311 = arith.constant 3 : i32
        %parallel_loop3A_312 = arith.index_cast %parallel_loop3A_311 : i32 to index
        %parallel_loop3A_313 = arith.index_cast %parallel_loop3A_310 : i32 to index
        %parallel_loop3A_314 = tpu.vector_load %arg9[%parallel_loop3A_312, %parallel_loop3A_313] {strides = array<i32>} : memref<8x4096xf32, #tpu.memory_space<vmem>>, vector<16xf32>,
        tpu.vector_store %arg9[%parallel_loop3A_312, %parallel_loop3A_313], %parallel_loop3A_308 {strides = array<i32>} : memref<8x4096xf32, #tpu.memory_space<vmem>>, vector<16xf32>,
        %parallel_loop3A_315 = arith.constant 16 : i32
        %parallel_loop3A_316 = arith.addi %parallel_loop3A_182, %parallel_loop3A_315 : i32
        %parallel_loop3A_317 = vector.broadcast %parallel_loop3A_316 : i32 to vector<16xi32>
        %parallel_loop3A_318 = arith.addi %add3A_150, %parallel_loop3A_317 : vector<16xi32>
        %parallel_loop3A_319 = tpu.vector_load_idx %arg7[%parallel_loop3A_318] : memref<4608xf32, #tpu.memory_space<vmem>>[vector<16xi32>], vector<16xf32>,
        %parallel_loop3A_320 = arith.constant 16 : i32
        %parallel_loop3A_321 = arith.addi %parallel_loop3A_182, %parallel_loop3A_320 : i32
        %parallel_loop3A_322 = arith.constant 4 : i32
        %parallel_loop3A_323 = arith.index_cast %parallel_loop3A_322 : i32 to index
        %parallel_loop3A_324 = arith.index_cast %parallel_loop3A_321 : i32 to index
        %parallel_loop3A_325 = tpu.vector_load %arg9[%parallel_loop3A_323, %parallel_loop3A_324] {strides = array<i32>} : memref<8x4096xf32, #tpu.memory_space<vmem>>, vector<16xf32>,
        tpu.vector_store %arg9[%parallel_loop3A_323, %parallel_loop3A_324], %parallel_loop3A_319 {strides = array<i32>} : memref<8x4096xf32, #tpu.memory_space<vmem>>, vector<16xf32>,
        %parallel_loop3A_326 = arith.constant 16 : i32
        %parallel_loop3A_327 = arith.addi %parallel_loop3A_182, %parallel_loop3A_326 : i32
        %parallel_loop3A_328 = vector.broadcast %parallel_loop3A_327 : i32 to vector<16xi32>
        %parallel_loop3A_329 = arith.addi %add3A_154, %parallel_loop3A_328 : vector<16xi32>
        %parallel_loop3A_330 = tpu.vector_load_idx %arg7[%parallel_loop3A_329] : memref<4608xf32, #tpu.memory_space<vmem>>[vector<16xi32>], vector<16xf32>,
        %parallel_loop3A_331 = arith.constant 16 : i32
        %parallel_loop3A_332 = arith.addi %parallel_loop3A_182, %parallel_loop3A_331 : i32
        %parallel_loop3A_333 = arith.constant 5 : i32
        %parallel_loop3A_334 = arith.index_cast %parallel_loop3A_333 : i32 to index
        %parallel_loop3A_335 = arith.index_cast %parallel_loop3A_332 : i32 to index
        %parallel_loop3A_336 = tpu.vector_load %arg9[%parallel_loop3A_334, %parallel_loop3A_335] {strides = array<i32>} : memref<8x4096xf32, #tpu.memory_space<vmem>>, vector<16xf32>,
        tpu.vector_store %arg9[%parallel_loop3A_334, %parallel_loop3A_335], %parallel_loop3A_330 {strides = array<i32>} : memref<8x4096xf32, #tpu.memory_space<vmem>>, vector<16xf32>,
        %parallel_loop3A_337 = arith.constant 16 : i32
        %parallel_loop3A_338 = arith.addi %parallel_loop3A_182, %parallel_loop3A_337 : i32
        %parallel_loop3A_339 = vector.broadcast %parallel_loop3A_338 : i32 to vector<16xi32>
        %parallel_loop3A_340 = arith.addi %add3A_158, %parallel_loop3A_339 : vector<16xi32>
        %parallel_loop3A_341 = tpu.vector_load_idx %arg7[%parallel_loop3A_340] : memref<4608xf32, #tpu.memory_space<vmem>>[vector<16xi32>], vector<16xf32>,
        %parallel_loop3A_342 = arith.constant 16 : i32
        %parallel_loop3A_343 = arith.addi %parallel_loop3A_182, %parallel_loop3A_342 : i32
        %parallel_loop3A_344 = arith.constant 6 : i32
        %parallel_loop3A_345 = arith.index_cast %parallel_loop3A_344 : i32 to index
        %parallel_loop3A_346 = arith.index_cast %parallel_loop3A_343 : i32 to index
        %parallel_loop3A_347 = tpu.vector_load %arg9[%parallel_loop3A_345, %parallel_loop3A_346] {strides = array<i32>} : memref<8x4096xf32, #tpu.memory_space<vmem>>, vector<16xf32>,
        tpu.vector_store %arg9[%parallel_loop3A_345, %parallel_loop3A_346], %parallel_loop3A_341 {strides = array<i32>} : memref<8x4096xf32, #tpu.memory_space<vmem>>, vector<16xf32>,
        %parallel_loop3A_348 = arith.constant 16 : i32
        %parallel_loop3A_349 = arith.addi %parallel_loop3A_182, %parallel_loop3A_348 : i32
        %parallel_loop3A_350 = vector.broadcast %parallel_loop3A_349 : i32 to vector<16xi32>
        %parallel_loop3A_351 = arith.addi %add3A_162, %parallel_loop3A_350 : vector<16xi32>
        %parallel_loop3A_352 = tpu.vector_load_idx %arg7[%parallel_loop3A_351] : memref<4608xf32, #tpu.memory_space<vmem>>[vector<16xi32>], vector<16xf32>,
        %parallel_loop3A_353 = arith.constant 16 : i32
        %parallel_loop3A_354 = arith.addi %parallel_loop3A_182, %parallel_loop3A_353 : i32
        %parallel_loop3A_355 = arith.constant 7 : i32
        %parallel_loop3A_356 = arith.index_cast %parallel_loop3A_355 : i32 to index
        %parallel_loop3A_357 = arith.index_cast %parallel_loop3A_354 : i32 to index
        %parallel_loop3A_358 = tpu.vector_load %arg9[%parallel_loop3A_356, %parallel_loop3A_357] {strides = array<i32>} : memref<8x4096xf32, #tpu.memory_space<vmem>>, vector<16xf32>,
        tpu.vector_store %arg9[%parallel_loop3A_356, %parallel_loop3A_357], %parallel_loop3A_352 {strides = array<i32>} : memref<8x4096xf32, #tpu.memory_space<vmem>>, vector<16xf32>,
        %parallel_loop3A_359 = arith.constant 32 : i32
        %parallel_loop3A_360 = arith.addi %parallel_loop3A_182, %parallel_loop3A_359 : i32
        %parallel_loop3A_361 = vector.broadcast %parallel_loop3A_360 : i32 to vector<16xi32>
        %parallel_loop3A_362 = arith.addi %add3A_134, %parallel_loop3A_361 : vector<16xi32>
        %parallel_loop3A_363 = tpu.vector_load_idx %arg7[%parallel_loop3A_362] : memref<4608xf32, #tpu.memory_space<vmem>>[vector<16xi32>], vector<16xf32>,
        %parallel_loop3A_364 = arith.constant 32 : i32
        %parallel_loop3A_365 = arith.addi %parallel_loop3A_182, %parallel_loop3A_364 : i32
        %parallel_loop3A_366 = arith.constant 0 : i32
        %parallel_loop3A_367 = arith.index_cast %parallel_loop3A_366 : i32 to index
        %parallel_loop3A_368 = arith.index_cast %parallel_loop3A_365 : i32 to index
        %parallel_loop3A_369 = tpu.vector_load %arg9[%parallel_loop3A_367, %parallel_loop3A_368] {strides = array<i32>} : memref<8x4096xf32, #tpu.memory_space<vmem>>, vector<16xf32>,
        tpu.vector_store %arg9[%parallel_loop3A_367, %parallel_loop3A_368], %parallel_loop3A_363 {strides = array<i32>} : memref<8x4096xf32, #tpu.memory_space<vmem>>, vector<16xf32>,
        %parallel_loop3A_370 = arith.constant 32 : i32
        %parallel_loop3A_371 = arith.addi %parallel_loop3A_182, %parallel_loop3A_370 : i32
        %parallel_loop3A_372 = vector.broadcast %parallel_loop3A_371 : i32 to vector<16xi32>
        %parallel_loop3A_373 = arith.addi %add3A_138, %parallel_loop3A_372 : vector<16xi32>
        %parallel_loop3A_374 = tpu.vector_load_idx %arg7[%parallel_loop3A_373] : memref<4608xf32, #tpu.memory_space<vmem>>[vector<16xi32>], vector<16xf32>,
        %parallel_loop3A_375 = arith.constant 32 : i32
        %parallel_loop3A_376 = arith.addi %parallel_loop3A_182, %parallel_loop3A_375 : i32
        %parallel_loop3A_377 = arith.constant 1 : i32
        %parallel_loop3A_378 = arith.index_cast %parallel_loop3A_377 : i32 to index
        %parallel_loop3A_379 = arith.index_cast %parallel_loop3A_376 : i32 to index
        %parallel_loop3A_380 = tpu.vector_load %arg9[%parallel_loop3A_378, %parallel_loop3A_379] {strides = array<i32>} : memref<8x4096xf32, #tpu.memory_space<vmem>>, vector<16xf32>,
        tpu.vector_store %arg9[%parallel_loop3A_378, %parallel_loop3A_379], %parallel_loop3A_374 {strides = array<i32>} : memref<8x4096xf32, #tpu.memory_space<vmem>>, vector<16xf32>,
        %parallel_loop3A_381 = arith.constant 32 : i32
        %parallel_loop3A_382 = arith.addi %parallel_loop3A_182, %parallel_loop3A_381 : i32
        %parallel_loop3A_383 = vector.broadcast %parallel_loop3A_382 : i32 to vector<16xi32>
        %parallel_loop3A_384 = arith.addi %add3A_142, %parallel_loop3A_383 : vector<16xi32>
        %parallel_loop3A_385 = tpu.vector_load_idx %arg7[%parallel_loop3A_384] : memref<4608xf32, #tpu.memory_space<vmem>>[vector<16xi32>], vector<16xf32>,
        %parallel_loop3A_386 = arith.constant 32 : i32
        %parallel_loop3A_387 = arith.addi %parallel_loop3A_182, %parallel_loop3A_386 : i32
        %parallel_loop3A_388 = arith.constant 2 : i32
        %parallel_loop3A_389 = arith.index_cast %parallel_loop3A_388 : i32 to index
        %parallel_loop3A_390 = arith.index_cast %parallel_loop3A_387 : i32 to index
        %parallel_loop3A_391 = tpu.vector_load %arg9[%parallel_loop3A_389, %parallel_loop3A_390] {strides = array<i32>} : memref<8x4096xf32, #tpu.memory_space<vmem>>, vector<16xf32>,
        tpu.vector_store %arg9[%parallel_loop3A_389, %parallel_loop3A_390], %parallel_loop3A_385 {strides = array<i32>} : memref<8x4096xf32, #tpu.memory_space<vmem>>, vector<16xf32>,
        %parallel_loop3A_392 = arith.constant 32 : i32
        %parallel_loop3A_393 = arith.addi %parallel_loop3A_182, %parallel_loop3A_392 : i32
        %parallel_loop3A_394 = vector.broadcast %parallel_loop3A_393 : i32 to vector<16xi32>
        %parallel_loop3A_395 = arith.addi %add3A_146, %parallel_loop3A_394 : vector<16xi32>
        %parallel_loop3A_396 = tpu.vector_load_idx %arg7[%parallel_loop3A_395] : memref<4608xf32, #tpu.memory_space<vmem>>[vector<16xi32>], vector<16xf32>,
        %parallel_loop3A_397 = arith.constant 32 : i32
        %parallel_loop3A_398 = arith.addi %parallel_loop3A_182, %parallel_loop3A_397 : i32
        %parallel_loop3A_399 = arith.constant 3 : i32
        %parallel_loop3A_400 = arith.index_cast %parallel_loop3A_399 : i32 to index
        %parallel_loop3A_401 = arith.index_cast %parallel_loop3A_398 : i32 to index
        %parallel_loop3A_402 = tpu.vector_load %arg9[%parallel_loop3A_400, %parallel_loop3A_401] {strides = array<i32>} : memref<8x4096xf32, #tpu.memory_space<vmem>>, vector<16xf32>,
        tpu.vector_store %arg9[%parallel_loop3A_400, %parallel_loop3A_401], %parallel_loop3A_396 {strides = array<i32>} : memref<8x4096xf32, #tpu.memory_space<vmem>>, vector<16xf32>,
        %parallel_loop3A_403 = arith.constant 32 : i32
        %parallel_loop3A_404 = arith.addi %parallel_loop3A_182, %parallel_loop3A_403 : i32
        %parallel_loop3A_405 = vector.broadcast %parallel_loop3A_404 : i32 to vector<16xi32>
        %parallel_loop3A_406 = arith.addi %add3A_150, %parallel_loop3A_405 : vector<16xi32>
        %parallel_loop3A_407 = tpu.vector_load_idx %arg7[%parallel_loop3A_406] : memref<4608xf32, #tpu.memory_space<vmem>>[vector<16xi32>], vector<16xf32>,
        %parallel_loop3A_408 = arith.constant 32 : i32
        %parallel_loop3A_409 = arith.addi %parallel_loop3A_182, %parallel_loop3A_408 : i32
        %parallel_loop3A_410 = arith.constant 4 : i32
        %parallel_loop3A_411 = arith.index_cast %parallel_loop3A_410 : i32 to index
        %parallel_loop3A_412 = arith.index_cast %parallel_loop3A_409 : i32 to index
        %parallel_loop3A_413 = tpu.vector_load %arg9[%parallel_loop3A_411, %parallel_loop3A_412] {strides = array<i32>} : memref<8x4096xf32, #tpu.memory_space<vmem>>, vector<16xf32>,
        tpu.vector_store %arg9[%parallel_loop3A_411, %parallel_loop3A_412], %parallel_loop3A_407 {strides = array<i32>} : memref<8x4096xf32, #tpu.memory_space<vmem>>, vector<16xf32>,
        %parallel_loop3A_414 = arith.constant 32 : i32
        %parallel_loop3A_415 = arith.addi %parallel_loop3A_182, %parallel_loop3A_414 : i32
        %parallel_loop3A_416 = vector.broadcast %parallel_loop3A_415 : i32 to vector<16xi32>
        %parallel_loop3A_417 = arith.addi %add3A_154, %parallel_loop3A_416 : vector<16xi32>
        %parallel_loop3A_418 = tpu.vector_load_idx %arg7[%parallel_loop3A_417] : memref<4608xf32, #tpu.memory_space<vmem>>[vector<16xi32>], vector<16xf32>,
        %parallel_loop3A_419 = arith.constant 32 : i32
        %parallel_loop3A_420 = arith.addi %parallel_loop3A_182, %parallel_loop3A_419 : i32
        %parallel_loop3A_421 = arith.constant 5 : i32
        %parallel_loop3A_422 = arith.index_cast %parallel_loop3A_421 : i32 to index
        %parallel_loop3A_423 = arith.index_cast %parallel_loop3A_420 : i32 to index
        %parallel_loop3A_424 = tpu.vector_load %arg9[%parallel_loop3A_422, %parallel_loop3A_423] {strides = array<i32>} : memref<8x4096xf32, #tpu.memory_space<vmem>>, vector<16xf32>,
        tpu.vector_store %arg9[%parallel_loop3A_422, %parallel_loop3A_423], %parallel_loop3A_418 {strides = array<i32>} : memref<8x4096xf32, #tpu.memory_space<vmem>>, vector<16xf32>,
        %parallel_loop3A_425 = arith.constant 32 : i32
        %parallel_loop3A_426 = arith.addi %parallel_loop3A_182, %parallel_loop3A_425 : i32
        %parallel_loop3A_427 = vector.broadcast %parallel_loop3A_426 : i32 to vector<16xi32>
        %parallel_loop3A_428 = arith.addi %add3A_158, %parallel_loop3A_427 : vector<16xi32>
        %parallel_loop3A_429 = tpu.vector_load_idx %arg7[%parallel_loop3A_428] : memref<4608xf32, #tpu.memory_space<vmem>>[vector<16xi32>], vector<16xf32>,
        %parallel_loop3A_430 = arith.constant 32 : i32
        %parallel_loop3A_431 = arith.addi %parallel_loop3A_182, %parallel_loop3A_430 : i32
        %parallel_loop3A_432 = arith.constant 6 : i32
        %parallel_loop3A_433 = arith.index_cast %parallel_loop3A_432 : i32 to index
        %parallel_loop3A_434 = arith.index_cast %parallel_loop3A_431 : i32 to index
        %parallel_loop3A_435 = tpu.vector_load %arg9[%parallel_loop3A_433, %parallel_loop3A_434] {strides = array<i32>} : memref<8x4096xf32, #tpu.memory_space<vmem>>, vector<16xf32>,
        tpu.vector_store %arg9[%parallel_loop3A_433, %parallel_loop3A_434], %parallel_loop3A_429 {strides = array<i32>} : memref<8x4096xf32, #tpu.memory_space<vmem>>, vector<16xf32>,
        %parallel_loop3A_436 = arith.constant 32 : i32
        %parallel_loop3A_437 = arith.addi %parallel_loop3A_182, %parallel_loop3A_436 : i32
        %parallel_loop3A_438 = vector.broadcast %parallel_loop3A_437 : i32 to vector<16xi32>
        %parallel_loop3A_439 = arith.addi %add3A_162, %parallel_loop3A_438 : vector<16xi32>
        %parallel_loop3A_440 = tpu.vector_load_idx %arg7[%parallel_loop3A_439] : memref<4608xf32, #tpu.memory_space<vmem>>[vector<16xi32>], vector<16xf32>,
        %parallel_loop3A_441 = arith.constant 32 : i32
        %parallel_loop3A_442 = arith.addi %parallel_loop3A_182, %parallel_loop3A_441 : i32
        %parallel_loop3A_443 = arith.constant 7 : i32
        %parallel_loop3A_444 = arith.index_cast %parallel_loop3A_443 : i32 to index
        %parallel_loop3A_445 = arith.index_cast %parallel_loop3A_442 : i32 to index
        %parallel_loop3A_446 = tpu.vector_load %arg9[%parallel_loop3A_444, %parallel_loop3A_445] {strides = array<i32>} : memref<8x4096xf32, #tpu.memory_space<vmem>>, vector<16xf32>,
        tpu.vector_store %arg9[%parallel_loop3A_444, %parallel_loop3A_445], %parallel_loop3A_440 {strides = array<i32>} : memref<8x4096xf32, #tpu.memory_space<vmem>>, vector<16xf32>,
        %parallel_loop3A_447 = arith.constant 48 : i32
        %parallel_loop3A_448 = arith.addi %parallel_loop3A_182, %parallel_loop3A_447 : i32
        %parallel_loop3A_449 = vector.broadcast %parallel_loop3A_448 : i32 to vector<16xi32>
        %parallel_loop3A_450 = arith.addi %add3A_134, %parallel_loop3A_449 : vector<16xi32>
        %parallel_loop3A_451 = tpu.vector_load_idx %arg7[%parallel_loop3A_450] : memref<4608xf32, #tpu.memory_space<vmem>>[vector<16xi32>], vector<16xf32>,
        %parallel_loop3A_452 = arith.constant 48 : i32
        %parallel_loop3A_453 = arith.addi %parallel_loop3A_182, %parallel_loop3A_452 : i32
        %parallel_loop3A_454 = arith.constant 0 : i32
        %parallel_loop3A_455 = arith.index_cast %parallel_loop3A_454 : i32 to index
        %parallel_loop3A_456 = arith.index_cast %parallel_loop3A_453 : i32 to index
        %parallel_loop3A_457 = tpu.vector_load %arg9[%parallel_loop3A_455, %parallel_loop3A_456] {strides = array<i32>} : memref<8x4096xf32, #tpu.memory_space<vmem>>, vector<16xf32>,
        tpu.vector_store %arg9[%parallel_loop3A_455, %parallel_loop3A_456], %parallel_loop3A_451 {strides = array<i32>} : memref<8x4096xf32, #tpu.memory_space<vmem>>, vector<16xf32>,
        %parallel_loop3A_458 = arith.constant 48 : i32
        %parallel_loop3A_459 = arith.addi %parallel_loop3A_182, %parallel_loop3A_458 : i32
        %parallel_loop3A_460 = vector.broadcast %parallel_loop3A_459 : i32 to vector<16xi32>
        %parallel_loop3A_461 = arith.addi %add3A_138, %parallel_loop3A_460 : vector<16xi32>
        %parallel_loop3A_462 = tpu.vector_load_idx %arg7[%parallel_loop3A_461] : memref<4608xf32, #tpu.memory_space<vmem>>[vector<16xi32>], vector<16xf32>,
        %parallel_loop3A_463 = arith.constant 48 : i32
        %parallel_loop3A_464 = arith.addi %parallel_loop3A_182, %parallel_loop3A_463 : i32
        %parallel_loop3A_465 = arith.constant 1 : i32
        %parallel_loop3A_466 = arith.index_cast %parallel_loop3A_465 : i32 to index
        %parallel_loop3A_467 = arith.index_cast %parallel_loop3A_464 : i32 to index
        %parallel_loop3A_468 = tpu.vector_load %arg9[%parallel_loop3A_466, %parallel_loop3A_467] {strides = array<i32>} : memref<8x4096xf32, #tpu.memory_space<vmem>>, vector<16xf32>,
        tpu.vector_store %arg9[%parallel_loop3A_466, %parallel_loop3A_467], %parallel_loop3A_462 {strides = array<i32>} : memref<8x4096xf32, #tpu.memory_space<vmem>>, vector<16xf32>,
        %parallel_loop3A_469 = arith.constant 48 : i32
        %parallel_loop3A_470 = arith.addi %parallel_loop3A_182, %parallel_loop3A_469 : i32
        %parallel_loop3A_471 = vector.broadcast %parallel_loop3A_470 : i32 to vector<16xi32>
        %parallel_loop3A_472 = arith.addi %add3A_142, %parallel_loop3A_471 : vector<16xi32>
        %parallel_loop3A_473 = tpu.vector_load_idx %arg7[%parallel_loop3A_472] : memref<4608xf32, #tpu.memory_space<vmem>>[vector<16xi32>], vector<16xf32>,
        %parallel_loop3A_474 = arith.constant 48 : i32
        %parallel_loop3A_475 = arith.addi %parallel_loop3A_182, %parallel_loop3A_474 : i32
        %parallel_loop3A_476 = arith.constant 2 : i32
        %parallel_loop3A_477 = arith.index_cast %parallel_loop3A_476 : i32 to index
        %parallel_loop3A_478 = arith.index_cast %parallel_loop3A_475 : i32 to index
        %parallel_loop3A_479 = tpu.vector_load %arg9[%parallel_loop3A_477, %parallel_loop3A_478] {strides = array<i32>} : memref<8x4096xf32, #tpu.memory_space<vmem>>, vector<16xf32>,
        tpu.vector_store %arg9[%parallel_loop3A_477, %parallel_loop3A_478], %parallel_loop3A_473 {strides = array<i32>} : memref<8x4096xf32, #tpu.memory_space<vmem>>, vector<16xf32>,
        %parallel_loop3A_480 = arith.constant 48 : i32
        %parallel_loop3A_481 = arith.addi %parallel_loop3A_182, %parallel_loop3A_480 : i32
        %parallel_loop3A_482 = vector.broadcast %parallel_loop3A_481 : i32 to vector<16xi32>
        %parallel_loop3A_483 = arith.addi %add3A_146, %parallel_loop3A_482 : vector<16xi32>
        %parallel_loop3A_484 = tpu.vector_load_idx %arg7[%parallel_loop3A_483] : memref<4608xf32, #tpu.memory_space<vmem>>[vector<16xi32>], vector<16xf32>,
        %parallel_loop3A_485 = arith.constant 48 : i32
        %parallel_loop3A_486 = arith.addi %parallel_loop3A_182, %parallel_loop3A_485 : i32
        %parallel_loop3A_487 = arith.constant 3 : i32
        %parallel_loop3A_488 = arith.index_cast %parallel_loop3A_487 : i32 to index
        %parallel_loop3A_489 = arith.index_cast %parallel_loop3A_486 : i32 to index
        %parallel_loop3A_490 = tpu.vector_load %arg9[%parallel_loop3A_488, %parallel_loop3A_489] {strides = array<i32>} : memref<8x4096xf32, #tpu.memory_space<vmem>>, vector<16xf32>,
        tpu.vector_store %arg9[%parallel_loop3A_488, %parallel_loop3A_489], %parallel_loop3A_484 {strides = array<i32>} : memref<8x4096xf32, #tpu.memory_space<vmem>>, vector<16xf32>,
        %parallel_loop3A_491 = arith.constant 48 : i32
        %parallel_loop3A_492 = arith.addi %parallel_loop3A_182, %parallel_loop3A_491 : i32
        %parallel_loop3A_493 = vector.broadcast %parallel_loop3A_492 : i32 to vector<16xi32>
        %parallel_loop3A_494 = arith.addi %add3A_150, %parallel_loop3A_493 : vector<16xi32>
        %parallel_loop3A_495 = tpu.vector_load_idx %arg7[%parallel_loop3A_494] : memref<4608xf32, #tpu.memory_space<vmem>>[vector<16xi32>], vector<16xf32>,
        %parallel_loop3A_496 = arith.constant 48 : i32
        %parallel_loop3A_497 = arith.addi %parallel_loop3A_182, %parallel_loop3A_496 : i32
        %parallel_loop3A_498 = arith.constant 4 : i32
        %parallel_loop3A_499 = arith.index_cast %parallel_loop3A_498 : i32 to index
        %parallel_loop3A_500 = arith.index_cast %parallel_loop3A_497 : i32 to index
        %parallel_loop3A_501 = tpu.vector_load %arg9[%parallel_loop3A_499, %parallel_loop3A_500] {strides = array<i32>} : memref<8x4096xf32, #tpu.memory_space<vmem>>, vector<16xf32>,
        tpu.vector_store %arg9[%parallel_loop3A_499, %parallel_loop3A_500], %parallel_loop3A_495 {strides = array<i32>} : memref<8x4096xf32, #tpu.memory_space<vmem>>, vector<16xf32>,
        %parallel_loop3A_502 = arith.constant 48 : i32
        %parallel_loop3A_503 = arith.addi %parallel_loop3A_182, %parallel_loop3A_502 : i32
        %parallel_loop3A_504 = vector.broadcast %parallel_loop3A_503 : i32 to vector<16xi32>
        %parallel_loop3A_505 = arith.addi %add3A_154, %parallel_loop3A_504 : vector<16xi32>
        %parallel_loop3A_506 = tpu.vector_load_idx %arg7[%parallel_loop3A_505] : memref<4608xf32, #tpu.memory_space<vmem>>[vector<16xi32>], vector<16xf32>,
        %parallel_loop3A_507 = arith.constant 48 : i32
        %parallel_loop3A_508 = arith.addi %parallel_loop3A_182, %parallel_loop3A_507 : i32
        %parallel_loop3A_509 = arith.constant 5 : i32
        %parallel_loop3A_510 = arith.index_cast %parallel_loop3A_509 : i32 to index
        %parallel_loop3A_511 = arith.index_cast %parallel_loop3A_508 : i32 to index
        %parallel_loop3A_512 = tpu.vector_load %arg9[%parallel_loop3A_510, %parallel_loop3A_511] {strides = array<i32>} : memref<8x4096xf32, #tpu.memory_space<vmem>>, vector<16xf32>,
        tpu.vector_store %arg9[%parallel_loop3A_510, %parallel_loop3A_511], %parallel_loop3A_506 {strides = array<i32>} : memref<8x4096xf32, #tpu.memory_space<vmem>>, vector<16xf32>,
        %parallel_loop3A_513 = arith.constant 48 : i32
        %parallel_loop3A_514 = arith.addi %parallel_loop3A_182, %parallel_loop3A_513 : i32
        %parallel_loop3A_515 = vector.broadcast %parallel_loop3A_514 : i32 to vector<16xi32>
        %parallel_loop3A_516 = arith.addi %add3A_158, %parallel_loop3A_515 : vector<16xi32>
        %parallel_loop3A_517 = tpu.vector_load_idx %arg7[%parallel_loop3A_516] : memref<4608xf32, #tpu.memory_space<vmem>>[vector<16xi32>], vector<16xf32>,
        %parallel_loop3A_518 = arith.constant 48 : i32
        %parallel_loop3A_519 = arith.addi %parallel_loop3A_182, %parallel_loop3A_518 : i32
        %parallel_loop3A_520 = arith.constant 6 : i32
        %parallel_loop3A_521 = arith.index_cast %parallel_loop3A_520 : i32 to index
        %parallel_loop3A_522 = arith.index_cast %parallel_loop3A_519 : i32 to index
        %parallel_loop3A_523 = tpu.vector_load %arg9[%parallel_loop3A_521, %parallel_loop3A_522] {strides = array<i32>} : memref<8x4096xf32, #tpu.memory_space<vmem>>, vector<16xf32>,
        tpu.vector_store %arg9[%parallel_loop3A_521, %parallel_loop3A_522], %parallel_loop3A_517 {strides = array<i32>} : memref<8x4096xf32, #tpu.memory_space<vmem>>, vector<16xf32>,
        %parallel_loop3A_524 = arith.constant 48 : i32
        %parallel_loop3A_525 = arith.addi %parallel_loop3A_182, %parallel_loop3A_524 : i32
        %parallel_loop3A_526 = vector.broadcast %parallel_loop3A_525 : i32 to vector<16xi32>
        %parallel_loop3A_527 = arith.addi %add3A_162, %parallel_loop3A_526 : vector<16xi32>
        %parallel_loop3A_528 = tpu.vector_load_idx %arg7[%parallel_loop3A_527] : memref<4608xf32, #tpu.memory_space<vmem>>[vector<16xi32>], vector<16xf32>,
        %parallel_loop3A_529 = arith.constant 48 : i32
        %parallel_loop3A_530 = arith.addi %parallel_loop3A_182, %parallel_loop3A_529 : i32
        %parallel_loop3A_531 = arith.constant 7 : i32
        %parallel_loop3A_532 = arith.index_cast %parallel_loop3A_531 : i32 to index
        %parallel_loop3A_533 = arith.index_cast %parallel_loop3A_530 : i32 to index
        %parallel_loop3A_534 = tpu.vector_load %arg9[%parallel_loop3A_532, %parallel_loop3A_533] {strides = array<i32>} : memref<8x4096xf32, #tpu.memory_space<vmem>>, vector<16xf32>,
        tpu.vector_store %arg9[%parallel_loop3A_532, %parallel_loop3A_533], %parallel_loop3A_528 {strides = array<i32>} : memref<8x4096xf32, #tpu.memory_space<vmem>>, vector<16xf32>,
        %parallel_loop3A_535 = arith.constant 64 : i32
        %parallel_loop3A_536 = arith.addi %parallel_loop3A_182, %parallel_loop3A_535 : i32
        %parallel_loop3A_537 = vector.broadcast %parallel_loop3A_536 : i32 to vector<16xi32>
        %parallel_loop3A_538 = arith.addi %add3A_134, %parallel_loop3A_537 : vector<16xi32>
        %parallel_loop3A_539 = tpu.vector_load_idx %arg7[%parallel_loop3A_538] : memref<4608xf32, #tpu.memory_space<vmem>>[vector<16xi32>], vector<16xf32>,
        %parallel_loop3A_540 = arith.constant 64 : i32
        %parallel_loop3A_541 = arith.addi %parallel_loop3A_182, %parallel_loop3A_540 : i32
        %parallel_loop3A_542 = arith.constant 0 : i32
        %parallel_loop3A_543 = arith.index_cast %parallel_loop3A_542 : i32 to index
        %parallel_loop3A_544 = arith.index_cast %parallel_loop3A_541 : i32 to index
        %parallel_loop3A_545 = tpu.vector_load %arg9[%parallel_loop3A_543, %parallel_loop3A_544] {strides = array<i32>} : memref<8x4096xf32, #tpu.memory_space<vmem>>, vector<16xf32>,
        tpu.vector_store %arg9[%parallel_loop3A_543, %parallel_loop3A_544], %parallel_loop3A_539 {strides = array<i32>} : memref<8x4096xf32, #tpu.memory_space<vmem>>, vector<16xf32>,
        %parallel_loop3A_546 = arith.constant 64 : i32
        %parallel_loop3A_547 = arith.addi %parallel_loop3A_182, %parallel_loop3A_546 : i32
        %parallel_loop3A_548 = vector.broadcast %parallel_loop3A_547 : i32 to vector<16xi32>
        %parallel_loop3A_549 = arith.addi %add3A_138, %parallel_loop3A_548 : vector<16xi32>
        %parallel_loop3A_550 = tpu.vector_load_idx %arg7[%parallel_loop3A_549] : memref<4608xf32, #tpu.memory_space<vmem>>[vector<16xi32>], vector<16xf32>,
        %parallel_loop3A_551 = arith.constant 64 : i32
        %parallel_loop3A_552 = arith.addi %parallel_loop3A_182, %parallel_loop3A_551 : i32
        %parallel_loop3A_553 = arith.constant 1 : i32
        %parallel_loop3A_554 = arith.index_cast %parallel_loop3A_553 : i32 to index
        %parallel_loop3A_555 = arith.index_cast %parallel_loop3A_552 : i32 to index
        %parallel_loop3A_556 = tpu.vector_load %arg9[%parallel_loop3A_554, %parallel_loop3A_555] {strides = array<i32>} : memref<8x4096xf32, #tpu.memory_space<vmem>>, vector<16xf32>,
        tpu.vector_store %arg9[%parallel_loop3A_554, %parallel_loop3A_555], %parallel_loop3A_550 {strides = array<i32>} : memref<8x4096xf32, #tpu.memory_space<vmem>>, vector<16xf32>,
        %parallel_loop3A_557 = arith.constant 64 : i32
        %parallel_loop3A_558 = arith.addi %parallel_loop3A_182, %parallel_loop3A_557 : i32
        %parallel_loop3A_559 = vector.broadcast %parallel_loop3A_558 : i32 to vector<16xi32>
        %parallel_loop3A_560 = arith.addi %add3A_142, %parallel_loop3A_559 : vector<16xi32>
        %parallel_loop3A_561 = tpu.vector_load_idx %arg7[%parallel_loop3A_560] : memref<4608xf32, #tpu.memory_space<vmem>>[vector<16xi32>], vector<16xf32>,
        %parallel_loop3A_562 = arith.constant 64 : i32
        %parallel_loop3A_563 = arith.addi %parallel_loop3A_182, %parallel_loop3A_562 : i32
        %parallel_loop3A_564 = arith.constant 2 : i32
        %parallel_loop3A_565 = arith.index_cast %parallel_loop3A_564 : i32 to index
        %parallel_loop3A_566 = arith.index_cast %parallel_loop3A_563 : i32 to index
        %parallel_loop3A_567 = tpu.vector_load %arg9[%parallel_loop3A_565, %parallel_loop3A_566] {strides = array<i32>} : memref<8x4096xf32, #tpu.memory_space<vmem>>, vector<16xf32>,
        tpu.vector_store %arg9[%parallel_loop3A_565, %parallel_loop3A_566], %parallel_loop3A_561 {strides = array<i32>} : memref<8x4096xf32, #tpu.memory_space<vmem>>, vector<16xf32>,
        %parallel_loop3A_568 = arith.constant 64 : i32
        %parallel_loop3A_569 = arith.addi %parallel_loop3A_182, %parallel_loop3A_568 : i32
        %parallel_loop3A_570 = vector.broadcast %parallel_loop3A_569 : i32 to vector<16xi32>
        %parallel_loop3A_571 = arith.addi %add3A_146, %parallel_loop3A_570 : vector<16xi32>
        %parallel_loop3A_572 = tpu.vector_load_idx %arg7[%parallel_loop3A_571] : memref<4608xf32, #tpu.memory_space<vmem>>[vector<16xi32>], vector<16xf32>,
        %parallel_loop3A_573 = arith.constant 64 : i32
        %parallel_loop3A_574 = arith.addi %parallel_loop3A_182, %parallel_loop3A_573 : i32
        %parallel_loop3A_575 = arith.constant 3 : i32
        %parallel_loop3A_576 = arith.index_cast %parallel_loop3A_575 : i32 to index
        %parallel_loop3A_577 = arith.index_cast %parallel_loop3A_574 : i32 to index
        %parallel_loop3A_578 = tpu.vector_load %arg9[%parallel_loop3A_576, %parallel_loop3A_577] {strides = array<i32>} : memref<8x4096xf32, #tpu.memory_space<vmem>>, vector<16xf32>,
        tpu.vector_store %arg9[%parallel_loop3A_576, %parallel_loop3A_577], %parallel_loop3A_572 {strides = array<i32>} : memref<8x4096xf32, #tpu.memory_space<vmem>>, vector<16xf32>,
        %parallel_loop3A_579 = arith.constant 64 : i32
        %parallel_loop3A_580 = arith.addi %parallel_loop3A_182, %parallel_loop3A_579 : i32
        %parallel_loop3A_581 = vector.broadcast %parallel_loop3A_580 : i32 to vector<16xi32>
        %parallel_loop3A_582 = arith.addi %add3A_150, %parallel_loop3A_581 : vector<16xi32>
        %parallel_loop3A_583 = tpu.vector_load_idx %arg7[%parallel_loop3A_582] : memref<4608xf32, #tpu.memory_space<vmem>>[vector<16xi32>], vector<16xf32>,
        %parallel_loop3A_584 = arith.constant 64 : i32
        %parallel_loop3A_585 = arith.addi %parallel_loop3A_182, %parallel_loop3A_584 : i32
        %parallel_loop3A_586 = arith.constant 4 : i32
        %parallel_loop3A_587 = arith.index_cast %parallel_loop3A_586 : i32 to index
        %parallel_loop3A_588 = arith.index_cast %parallel_loop3A_585 : i32 to index
        %parallel_loop3A_589 = tpu.vector_load %arg9[%parallel_loop3A_587, %parallel_loop3A_588] {strides = array<i32>} : memref<8x4096xf32, #tpu.memory_space<vmem>>, vector<16xf32>,
        tpu.vector_store %arg9[%parallel_loop3A_587, %parallel_loop3A_588], %parallel_loop3A_583 {strides = array<i32>} : memref<8x4096xf32, #tpu.memory_space<vmem>>, vector<16xf32>,
        %parallel_loop3A_590 = arith.constant 64 : i32
        %parallel_loop3A_591 = arith.addi %parallel_loop3A_182, %parallel_loop3A_590 : i32
        %parallel_loop3A_592 = vector.broadcast %parallel_loop3A_591 : i32 to vector<16xi32>
        %parallel_loop3A_593 = arith.addi %add3A_154, %parallel_loop3A_592 : vector<16xi32>
        %parallel_loop3A_594 = tpu.vector_load_idx %arg7[%parallel_loop3A_593] : memref<4608xf32, #tpu.memory_space<vmem>>[vector<16xi32>], vector<16xf32>,
        %parallel_loop3A_595 = arith.constant 64 : i32
        %parallel_loop3A_596 = arith.addi %parallel_loop3A_182, %parallel_loop3A_595 : i32
        %parallel_loop3A_597 = arith.constant 5 : i32
        %parallel_loop3A_598 = arith.index_cast %parallel_loop3A_597 : i32 to index
        %parallel_loop3A_599 = arith.index_cast %parallel_loop3A_596 : i32 to index
        %parallel_loop3A_600 = tpu.vector_load %arg9[%parallel_loop3A_598, %parallel_loop3A_599] {strides = array<i32>} : memref<8x4096xf32, #tpu.memory_space<vmem>>, vector<16xf32>,
        tpu.vector_store %arg9[%parallel_loop3A_598, %parallel_loop3A_599], %parallel_loop3A_594 {strides = array<i32>} : memref<8x4096xf32, #tpu.memory_space<vmem>>, vector<16xf32>,
        %parallel_loop3A_601 = arith.constant 64 : i32
        %parallel_loop3A_602 = arith.addi %parallel_loop3A_182, %parallel_loop3A_601 : i32
        %parallel_loop3A_603 = vector.broadcast %parallel_loop3A_602 : i32 to vector<16xi32>
        %parallel_loop3A_604 = arith.addi %add3A_158, %parallel_loop3A_603 : vector<16xi32>
        %parallel_loop3A_605 = tpu.vector_load_idx %arg7[%parallel_loop3A_604] : memref<4608xf32, #tpu.memory_space<vmem>>[vector<16xi32>], vector<16xf32>,
        %parallel_loop3A_606 = arith.constant 64 : i32
        %parallel_loop3A_607 = arith.addi %parallel_loop3A_182, %parallel_loop3A_606 : i32
        %parallel_loop3A_608 = arith.constant 6 : i32
        %parallel_loop3A_609 = arith.index_cast %parallel_loop3A_608 : i32 to index
        %parallel_loop3A_610 = arith.index_cast %parallel_loop3A_607 : i32 to index
        %parallel_loop3A_611 = tpu.vector_load %arg9[%parallel_loop3A_609, %parallel_loop3A_610] {strides = array<i32>} : memref<8x4096xf32, #tpu.memory_space<vmem>>, vector<16xf32>,
        tpu.vector_store %arg9[%parallel_loop3A_609, %parallel_loop3A_610], %parallel_loop3A_605 {strides = array<i32>} : memref<8x4096xf32, #tpu.memory_space<vmem>>, vector<16xf32>,
        %parallel_loop3A_612 = arith.constant 64 : i32
        %parallel_loop3A_613 = arith.addi %parallel_loop3A_182, %parallel_loop3A_612 : i32
        %parallel_loop3A_614 = vector.broadcast %parallel_loop3A_613 : i32 to vector<16xi32>
        %parallel_loop3A_615 = arith.addi %add3A_162, %parallel_loop3A_614 : vector<16xi32>
        %parallel_loop3A_616 = tpu.vector_load_idx %arg7[%parallel_loop3A_615] : memref<4608xf32, #tpu.memory_space<vmem>>[vector<16xi32>], vector<16xf32>,
        %parallel_loop3A_617 = arith.constant 64 : i32
        %parallel_loop3A_618 = arith.addi %parallel_loop3A_182, %parallel_loop3A_617 : i32
        %parallel_loop3A_619 = arith.constant 7 : i32
        %parallel_loop3A_620 = arith.index_cast %parallel_loop3A_619 : i32 to index
        %parallel_loop3A_621 = arith.index_cast %parallel_loop3A_618 : i32 to index
        %parallel_loop3A_622 = tpu.vector_load %arg9[%parallel_loop3A_620, %parallel_loop3A_621] {strides = array<i32>} : memref<8x4096xf32, #tpu.memory_space<vmem>>, vector<16xf32>,
        tpu.vector_store %arg9[%parallel_loop3A_620, %parallel_loop3A_621], %parallel_loop3A_616 {strides = array<i32>} : memref<8x4096xf32, #tpu.memory_space<vmem>>, vector<16xf32>,
        %parallel_loop3A_623 = arith.constant 80 : i32
        %parallel_loop3A_624 = arith.addi %parallel_loop3A_182, %parallel_loop3A_623 : i32
        %parallel_loop3A_625 = vector.broadcast %parallel_loop3A_624 : i32 to vector<16xi32>
        %parallel_loop3A_626 = arith.addi %add3A_134, %parallel_loop3A_625 : vector<16xi32>
        %parallel_loop3A_627 = tpu.vector_load_idx %arg7[%parallel_loop3A_626] : memref<4608xf32, #tpu.memory_space<vmem>>[vector<16xi32>], vector<16xf32>,
        %parallel_loop3A_628 = arith.constant 80 : i32
        %parallel_loop3A_629 = arith.addi %parallel_loop3A_182, %parallel_loop3A_628 : i32
        %parallel_loop3A_630 = arith.constant 0 : i32
        %parallel_loop3A_631 = arith.index_cast %parallel_loop3A_630 : i32 to index
        %parallel_loop3A_632 = arith.index_cast %parallel_loop3A_629 : i32 to index
        %parallel_loop3A_633 = tpu.vector_load %arg9[%parallel_loop3A_631, %parallel_loop3A_632] {strides = array<i32>} : memref<8x4096xf32, #tpu.memory_space<vmem>>, vector<16xf32>,
        tpu.vector_store %arg9[%parallel_loop3A_631, %parallel_loop3A_632], %parallel_loop3A_627 {strides = array<i32>} : memref<8x4096xf32, #tpu.memory_space<vmem>>, vector<16xf32>,
        %parallel_loop3A_634 = arith.constant 80 : i32
        %parallel_loop3A_635 = arith.addi %parallel_loop3A_182, %parallel_loop3A_634 : i32
        %parallel_loop3A_636 = vector.broadcast %parallel_loop3A_635 : i32 to vector<16xi32>
        %parallel_loop3A_637 = arith.addi %add3A_138, %parallel_loop3A_636 : vector<16xi32>
        %parallel_loop3A_638 = tpu.vector_load_idx %arg7[%parallel_loop3A_637] : memref<4608xf32, #tpu.memory_space<vmem>>[vector<16xi32>], vector<16xf32>,
        %parallel_loop3A_639 = arith.constant 80 : i32
        %parallel_loop3A_640 = arith.addi %parallel_loop3A_182, %parallel_loop3A_639 : i32
        %parallel_loop3A_641 = arith.constant 1 : i32
        %parallel_loop3A_642 = arith.index_cast %parallel_loop3A_641 : i32 to index
        %parallel_loop3A_643 = arith.index_cast %parallel_loop3A_640 : i32 to index
        %parallel_loop3A_644 = tpu.vector_load %arg9[%parallel_loop3A_642, %parallel_loop3A_643] {strides = array<i32>} : memref<8x4096xf32, #tpu.memory_space<vmem>>, vector<16xf32>,
        tpu.vector_store %arg9[%parallel_loop3A_642, %parallel_loop3A_643], %parallel_loop3A_638 {strides = array<i32>} : memref<8x4096xf32, #tpu.memory_space<vmem>>, vector<16xf32>,
        %parallel_loop3A_645 = arith.constant 80 : i32
        %parallel_loop3A_646 = arith.addi %parallel_loop3A_182, %parallel_loop3A_645 : i32
        %parallel_loop3A_647 = vector.broadcast %parallel_loop3A_646 : i32 to vector<16xi32>
        %parallel_loop3A_648 = arith.addi %add3A_142, %parallel_loop3A_647 : vector<16xi32>
        %parallel_loop3A_649 = tpu.vector_load_idx %arg7[%parallel_loop3A_648] : memref<4608xf32, #tpu.memory_space<vmem>>[vector<16xi32>], vector<16xf32>,
        %parallel_loop3A_650 = arith.constant 80 : i32
        %parallel_loop3A_651 = arith.addi %parallel_loop3A_182, %parallel_loop3A_650 : i32
        %parallel_loop3A_652 = arith.constant 2 : i32
        %parallel_loop3A_653 = arith.index_cast %parallel_loop3A_652 : i32 to index
        %parallel_loop3A_654 = arith.index_cast %parallel_loop3A_651 : i32 to index
        %parallel_loop3A_655 = tpu.vector_load %arg9[%parallel_loop3A_653, %parallel_loop3A_654] {strides = array<i32>} : memref<8x4096xf32, #tpu.memory_space<vmem>>, vector<16xf32>,
        tpu.vector_store %arg9[%parallel_loop3A_653, %parallel_loop3A_654], %parallel_loop3A_649 {strides = array<i32>} : memref<8x4096xf32, #tpu.memory_space<vmem>>, vector<16xf32>,
        %parallel_loop3A_656 = arith.constant 80 : i32
        %parallel_loop3A_657 = arith.addi %parallel_loop3A_182, %parallel_loop3A_656 : i32
        %parallel_loop3A_658 = vector.broadcast %parallel_loop3A_657 : i32 to vector<16xi32>
        %parallel_loop3A_659 = arith.addi %add3A_146, %parallel_loop3A_658 : vector<16xi32>
        %parallel_loop3A_660 = tpu.vector_load_idx %arg7[%parallel_loop3A_659] : memref<4608xf32, #tpu.memory_space<vmem>>[vector<16xi32>], vector<16xf32>,
        %parallel_loop3A_661 = arith.constant 80 : i32
        %parallel_loop3A_662 = arith.addi %parallel_loop3A_182, %parallel_loop3A_661 : i32
        %parallel_loop3A_663 = arith.constant 3 : i32
        %parallel_loop3A_664 = arith.index_cast %parallel_loop3A_663 : i32 to index
        %parallel_loop3A_665 = arith.index_cast %parallel_loop3A_662 : i32 to index
        %parallel_loop3A_666 = tpu.vector_load %arg9[%parallel_loop3A_664, %parallel_loop3A_665] {strides = array<i32>} : memref<8x4096xf32, #tpu.memory_space<vmem>>, vector<16xf32>,
        tpu.vector_store %arg9[%parallel_loop3A_664, %parallel_loop3A_665], %parallel_loop3A_660 {strides = array<i32>} : memref<8x4096xf32, #tpu.memory_space<vmem>>, vector<16xf32>,
        %parallel_loop3A_667 = arith.constant 80 : i32
        %parallel_loop3A_668 = arith.addi %parallel_loop3A_182, %parallel_loop3A_667 : i32
        %parallel_loop3A_669 = vector.broadcast %parallel_loop3A_668 : i32 to vector<16xi32>
        %parallel_loop3A_670 = arith.addi %add3A_150, %parallel_loop3A_669 : vector<16xi32>
        %parallel_loop3A_671 = tpu.vector_load_idx %arg7[%parallel_loop3A_670] : memref<4608xf32, #tpu.memory_space<vmem>>[vector<16xi32>], vector<16xf32>,
        %parallel_loop3A_672 = arith.constant 80 : i32
        %parallel_loop3A_673 = arith.addi %parallel_loop3A_182, %parallel_loop3A_672 : i32
        %parallel_loop3A_674 = arith.constant 4 : i32
        %parallel_loop3A_675 = arith.index_cast %parallel_loop3A_674 : i32 to index
        %parallel_loop3A_676 = arith.index_cast %parallel_loop3A_673 : i32 to index
        %parallel_loop3A_677 = tpu.vector_load %arg9[%parallel_loop3A_675, %parallel_loop3A_676] {strides = array<i32>} : memref<8x4096xf32, #tpu.memory_space<vmem>>, vector<16xf32>,
        tpu.vector_store %arg9[%parallel_loop3A_675, %parallel_loop3A_676], %parallel_loop3A_671 {strides = array<i32>} : memref<8x4096xf32, #tpu.memory_space<vmem>>, vector<16xf32>,
        %parallel_loop3A_678 = arith.constant 80 : i32
        %parallel_loop3A_679 = arith.addi %parallel_loop3A_182, %parallel_loop3A_678 : i32
        %parallel_loop3A_680 = vector.broadcast %parallel_loop3A_679 : i32 to vector<16xi32>
        %parallel_loop3A_681 = arith.addi %add3A_154, %parallel_loop3A_680 : vector<16xi32>
        %parallel_loop3A_682 = tpu.vector_load_idx %arg7[%parallel_loop3A_681] : memref<4608xf32, #tpu.memory_space<vmem>>[vector<16xi32>], vector<16xf32>,
        %parallel_loop3A_683 = arith.constant 80 : i32
        %parallel_loop3A_684 = arith.addi %parallel_loop3A_182, %parallel_loop3A_683 : i32
        %parallel_loop3A_685 = arith.constant 5 : i32
        %parallel_loop3A_686 = arith.index_cast %parallel_loop3A_685 : i32 to index
        %parallel_loop3A_687 = arith.index_cast %parallel_loop3A_684 : i32 to index
        %parallel_loop3A_688 = tpu.vector_load %arg9[%parallel_loop3A_686, %parallel_loop3A_687] {strides = array<i32>} : memref<8x4096xf32, #tpu.memory_space<vmem>>, vector<16xf32>,
        tpu.vector_store %arg9[%parallel_loop3A_686, %parallel_loop3A_687], %parallel_loop3A_682 {strides = array<i32>} : memref<8x4096xf32, #tpu.memory_space<vmem>>, vector<16xf32>,
        %parallel_loop3A_689 = arith.constant 80 : i32
        %parallel_loop3A_690 = arith.addi %parallel_loop3A_182, %parallel_loop3A_689 : i32
        %parallel_loop3A_691 = vector.broadcast %parallel_loop3A_690 : i32 to vector<16xi32>
        %parallel_loop3A_692 = arith.addi %add3A_158, %parallel_loop3A_691 : vector<16xi32>
        %parallel_loop3A_693 = tpu.vector_load_idx %arg7[%parallel_loop3A_692] : memref<4608xf32, #tpu.memory_space<vmem>>[vector<16xi32>], vector<16xf32>,
        %parallel_loop3A_694 = arith.constant 80 : i32
        %parallel_loop3A_695 = arith.addi %parallel_loop3A_182, %parallel_loop3A_694 : i32
        %parallel_loop3A_696 = arith.constant 6 : i32
        %parallel_loop3A_697 = arith.index_cast %parallel_loop3A_696 : i32 to index
        %parallel_loop3A_698 = arith.index_cast %parallel_loop3A_695 : i32 to index
        %parallel_loop3A_699 = tpu.vector_load %arg9[%parallel_loop3A_697, %parallel_loop3A_698] {strides = array<i32>} : memref<8x4096xf32, #tpu.memory_space<vmem>>, vector<16xf32>,
        tpu.vector_store %arg9[%parallel_loop3A_697, %parallel_loop3A_698], %parallel_loop3A_693 {strides = array<i32>} : memref<8x4096xf32, #tpu.memory_space<vmem>>, vector<16xf32>,
        %parallel_loop3A_700 = arith.constant 80 : i32
        %parallel_loop3A_701 = arith.addi %parallel_loop3A_182, %parallel_loop3A_700 : i32
        %parallel_loop3A_702 = vector.broadcast %parallel_loop3A_701 : i32 to vector<16xi32>
        %parallel_loop3A_703 = arith.addi %add3A_162, %parallel_loop3A_702 : vector<16xi32>
        %parallel_loop3A_704 = tpu.vector_load_idx %arg7[%parallel_loop3A_703] : memref<4608xf32, #tpu.memory_space<vmem>>[vector<16xi32>], vector<16xf32>,
        %parallel_loop3A_705 = arith.constant 80 : i32
        %parallel_loop3A_706 = arith.addi %parallel_loop3A_182, %parallel_loop3A_705 : i32
        %parallel_loop3A_707 = arith.constant 7 : i32
        %parallel_loop3A_708 = arith.index_cast %parallel_loop3A_707 : i32 to index
        %parallel_loop3A_709 = arith.index_cast %parallel_loop3A_706 : i32 to index
        %parallel_loop3A_710 = tpu.vector_load %arg9[%parallel_loop3A_708, %parallel_loop3A_709] {strides = array<i32>} : memref<8x4096xf32, #tpu.memory_space<vmem>>, vector<16xf32>,
        tpu.vector_store %arg9[%parallel_loop3A_708, %parallel_loop3A_709], %parallel_loop3A_704 {strides = array<i32>} : memref<8x4096xf32, #tpu.memory_space<vmem>>, vector<16xf32>,
        %parallel_loop3A_711 = arith.constant 96 : i32
        %parallel_loop3A_712 = arith.addi %parallel_loop3A_182, %parallel_loop3A_711 : i32
        %parallel_loop3A_713 = vector.broadcast %parallel_loop3A_712 : i32 to vector<16xi32>
        %parallel_loop3A_714 = arith.addi %add3A_134, %parallel_loop3A_713 : vector<16xi32>
        %parallel_loop3A_715 = tpu.vector_load_idx %arg7[%parallel_loop3A_714] : memref<4608xf32, #tpu.memory_space<vmem>>[vector<16xi32>], vector<16xf32>,
        %parallel_loop3A_716 = arith.constant 96 : i32
        %parallel_loop3A_717 = arith.addi %parallel_loop3A_182, %parallel_loop3A_716 : i32
        %parallel_loop3A_718 = arith.constant 0 : i32
        %parallel_loop3A_719 = arith.index_cast %parallel_loop3A_718 : i32 to index
        %parallel_loop3A_720 = arith.index_cast %parallel_loop3A_717 : i32 to index
        %parallel_loop3A_721 = tpu.vector_load %arg9[%parallel_loop3A_719, %parallel_loop3A_720] {strides = array<i32>} : memref<8x4096xf32, #tpu.memory_space<vmem>>, vector<16xf32>,
        tpu.vector_store %arg9[%parallel_loop3A_719, %parallel_loop3A_720], %parallel_loop3A_715 {strides = array<i32>} : memref<8x4096xf32, #tpu.memory_space<vmem>>, vector<16xf32>,
        %parallel_loop3A_722 = arith.constant 96 : i32
        %parallel_loop3A_723 = arith.addi %parallel_loop3A_182, %parallel_loop3A_722 : i32
        %parallel_loop3A_724 = vector.broadcast %parallel_loop3A_723 : i32 to vector<16xi32>
        %parallel_loop3A_725 = arith.addi %add3A_138, %parallel_loop3A_724 : vector<16xi32>
        %parallel_loop3A_726 = tpu.vector_load_idx %arg7[%parallel_loop3A_725] : memref<4608xf32, #tpu.memory_space<vmem>>[vector<16xi32>], vector<16xf32>,
        %parallel_loop3A_727 = arith.constant 96 : i32
        %parallel_loop3A_728 = arith.addi %parallel_loop3A_182, %parallel_loop3A_727 : i32
        %parallel_loop3A_729 = arith.constant 1 : i32
        %parallel_loop3A_730 = arith.index_cast %parallel_loop3A_729 : i32 to index
        %parallel_loop3A_731 = arith.index_cast %parallel_loop3A_728 : i32 to index
        %parallel_loop3A_732 = tpu.vector_load %arg9[%parallel_loop3A_730, %parallel_loop3A_731] {strides = array<i32>} : memref<8x4096xf32, #tpu.memory_space<vmem>>, vector<16xf32>,
        tpu.vector_store %arg9[%parallel_loop3A_730, %parallel_loop3A_731], %parallel_loop3A_726 {strides = array<i32>} : memref<8x4096xf32, #tpu.memory_space<vmem>>, vector<16xf32>,
        %parallel_loop3A_733 = arith.constant 96 : i32
        %parallel_loop3A_734 = arith.addi %parallel_loop3A_182, %parallel_loop3A_733 : i32
        %parallel_loop3A_735 = vector.broadcast %parallel_loop3A_734 : i32 to vector<16xi32>
        %parallel_loop3A_736 = arith.addi %add3A_142, %parallel_loop3A_735 : vector<16xi32>
        %parallel_loop3A_737 = tpu.vector_load_idx %arg7[%parallel_loop3A_736] : memref<4608xf32, #tpu.memory_space<vmem>>[vector<16xi32>], vector<16xf32>,
        %parallel_loop3A_738 = arith.constant 96 : i32
        %parallel_loop3A_739 = arith.addi %parallel_loop3A_182, %parallel_loop3A_738 : i32
        %parallel_loop3A_740 = arith.constant 2 : i32
        %parallel_loop3A_741 = arith.index_cast %parallel_loop3A_740 : i32 to index
        %parallel_loop3A_742 = arith.index_cast %parallel_loop3A_739 : i32 to index
        %parallel_loop3A_743 = tpu.vector_load %arg9[%parallel_loop3A_741, %parallel_loop3A_742] {strides = array<i32>} : memref<8x4096xf32, #tpu.memory_space<vmem>>, vector<16xf32>,
        tpu.vector_store %arg9[%parallel_loop3A_741, %parallel_loop3A_742], %parallel_loop3A_737 {strides = array<i32>} : memref<8x4096xf32, #tpu.memory_space<vmem>>, vector<16xf32>,
        %parallel_loop3A_744 = arith.constant 96 : i32
        %parallel_loop3A_745 = arith.addi %parallel_loop3A_182, %parallel_loop3A_744 : i32
        %parallel_loop3A_746 = vector.broadcast %parallel_loop3A_745 : i32 to vector<16xi32>
        %parallel_loop3A_747 = arith.addi %add3A_146, %parallel_loop3A_746 : vector<16xi32>
        %parallel_loop3A_748 = tpu.vector_load_idx %arg7[%parallel_loop3A_747] : memref<4608xf32, #tpu.memory_space<vmem>>[vector<16xi32>], vector<16xf32>,
        %parallel_loop3A_749 = arith.constant 96 : i32
        %parallel_loop3A_750 = arith.addi %parallel_loop3A_182, %parallel_loop3A_749 : i32
        %parallel_loop3A_751 = arith.constant 3 : i32
        %parallel_loop3A_752 = arith.index_cast %parallel_loop3A_751 : i32 to index
        %parallel_loop3A_753 = arith.index_cast %parallel_loop3A_750 : i32 to index
        %parallel_loop3A_754 = tpu.vector_load %arg9[%parallel_loop3A_752, %parallel_loop3A_753] {strides = array<i32>} : memref<8x4096xf32, #tpu.memory_space<vmem>>, vector<16xf32>,
        tpu.vector_store %arg9[%parallel_loop3A_752, %parallel_loop3A_753], %parallel_loop3A_748 {strides = array<i32>} : memref<8x4096xf32, #tpu.memory_space<vmem>>, vector<16xf32>,
        %parallel_loop3A_755 = arith.constant 96 : i32
        %parallel_loop3A_756 = arith.addi %parallel_loop3A_182, %parallel_loop3A_755 : i32
        %parallel_loop3A_757 = vector.broadcast %parallel_loop3A_756 : i32 to vector<16xi32>
        %parallel_loop3A_758 = arith.addi %add3A_150, %parallel_loop3A_757 : vector<16xi32>
        %parallel_loop3A_759 = tpu.vector_load_idx %arg7[%parallel_loop3A_758] : memref<4608xf32, #tpu.memory_space<vmem>>[vector<16xi32>], vector<16xf32>,
        %parallel_loop3A_760 = arith.constant 96 : i32
        %parallel_loop3A_761 = arith.addi %parallel_loop3A_182, %parallel_loop3A_760 : i32
        %parallel_loop3A_762 = arith.constant 4 : i32
        %parallel_loop3A_763 = arith.index_cast %parallel_loop3A_762 : i32 to index
        %parallel_loop3A_764 = arith.index_cast %parallel_loop3A_761 : i32 to index
        %parallel_loop3A_765 = tpu.vector_load %arg9[%parallel_loop3A_763, %parallel_loop3A_764] {strides = array<i32>} : memref<8x4096xf32, #tpu.memory_space<vmem>>, vector<16xf32>,
        tpu.vector_store %arg9[%parallel_loop3A_763, %parallel_loop3A_764], %parallel_loop3A_759 {strides = array<i32>} : memref<8x4096xf32, #tpu.memory_space<vmem>>, vector<16xf32>,
        %parallel_loop3A_766 = arith.constant 96 : i32
        %parallel_loop3A_767 = arith.addi %parallel_loop3A_182, %parallel_loop3A_766 : i32
        %parallel_loop3A_768 = vector.broadcast %parallel_loop3A_767 : i32 to vector<16xi32>
        %parallel_loop3A_769 = arith.addi %add3A_154, %parallel_loop3A_768 : vector<16xi32>
        %parallel_loop3A_770 = tpu.vector_load_idx %arg7[%parallel_loop3A_769] : memref<4608xf32, #tpu.memory_space<vmem>>[vector<16xi32>], vector<16xf32>,
        %parallel_loop3A_771 = arith.constant 96 : i32
        %parallel_loop3A_772 = arith.addi %parallel_loop3A_182, %parallel_loop3A_771 : i32
        %parallel_loop3A_773 = arith.constant 5 : i32
        %parallel_loop3A_774 = arith.index_cast %parallel_loop3A_773 : i32 to index
        %parallel_loop3A_775 = arith.index_cast %parallel_loop3A_772 : i32 to index
        %parallel_loop3A_776 = tpu.vector_load %arg9[%parallel_loop3A_774, %parallel_loop3A_775] {strides = array<i32>} : memref<8x4096xf32, #tpu.memory_space<vmem>>, vector<16xf32>,
        tpu.vector_store %arg9[%parallel_loop3A_774, %parallel_loop3A_775], %parallel_loop3A_770 {strides = array<i32>} : memref<8x4096xf32, #tpu.memory_space<vmem>>, vector<16xf32>,
        %parallel_loop3A_777 = arith.constant 96 : i32
        %parallel_loop3A_778 = arith.addi %parallel_loop3A_182, %parallel_loop3A_777 : i32
        %parallel_loop3A_779 = vector.broadcast %parallel_loop3A_778 : i32 to vector<16xi32>
        %parallel_loop3A_780 = arith.addi %add3A_158, %parallel_loop3A_779 : vector<16xi32>
        %parallel_loop3A_781 = tpu.vector_load_idx %arg7[%parallel_loop3A_780] : memref<4608xf32, #tpu.memory_space<vmem>>[vector<16xi32>], vector<16xf32>,
        %parallel_loop3A_782 = arith.constant 96 : i32
        %parallel_loop3A_783 = arith.addi %parallel_loop3A_182, %parallel_loop3A_782 : i32
        %parallel_loop3A_784 = arith.constant 6 : i32
        %parallel_loop3A_785 = arith.index_cast %parallel_loop3A_784 : i32 to index
        %parallel_loop3A_786 = arith.index_cast %parallel_loop3A_783 : i32 to index
        %parallel_loop3A_787 = tpu.vector_load %arg9[%parallel_loop3A_785, %parallel_loop3A_786] {strides = array<i32>} : memref<8x4096xf32, #tpu.memory_space<vmem>>, vector<16xf32>,
        tpu.vector_store %arg9[%parallel_loop3A_785, %parallel_loop3A_786], %parallel_loop3A_781 {strides = array<i32>} : memref<8x4096xf32, #tpu.memory_space<vmem>>, vector<16xf32>,
        %parallel_loop3A_788 = arith.constant 96 : i32
        %parallel_loop3A_789 = arith.addi %parallel_loop3A_182, %parallel_loop3A_788 : i32
        %parallel_loop3A_790 = vector.broadcast %parallel_loop3A_789 : i32 to vector<16xi32>
        %parallel_loop3A_791 = arith.addi %add3A_162, %parallel_loop3A_790 : vector<16xi32>
        %parallel_loop3A_792 = tpu.vector_load_idx %arg7[%parallel_loop3A_791] : memref<4608xf32, #tpu.memory_space<vmem>>[vector<16xi32>], vector<16xf32>,
        %parallel_loop3A_793 = arith.constant 96 : i32
        %parallel_loop3A_794 = arith.addi %parallel_loop3A_182, %parallel_loop3A_793 : i32
        %parallel_loop3A_795 = arith.constant 7 : i32
        %parallel_loop3A_796 = arith.index_cast %parallel_loop3A_795 : i32 to index
        %parallel_loop3A_797 = arith.index_cast %parallel_loop3A_794 : i32 to index
        %parallel_loop3A_798 = tpu.vector_load %arg9[%parallel_loop3A_796, %parallel_loop3A_797] {strides = array<i32>} : memref<8x4096xf32, #tpu.memory_space<vmem>>, vector<16xf32>,
        tpu.vector_store %arg9[%parallel_loop3A_796, %parallel_loop3A_797], %parallel_loop3A_792 {strides = array<i32>} : memref<8x4096xf32, #tpu.memory_space<vmem>>, vector<16xf32>,
        %parallel_loop3A_799 = arith.constant 112 : i32
        %parallel_loop3A_800 = arith.addi %parallel_loop3A_182, %parallel_loop3A_799 : i32
        %parallel_loop3A_801 = vector.broadcast %parallel_loop3A_800 : i32 to vector<16xi32>
        %parallel_loop3A_802 = arith.addi %add3A_134, %parallel_loop3A_801 : vector<16xi32>
        %parallel_loop3A_803 = tpu.vector_load_idx %arg7[%parallel_loop3A_802] : memref<4608xf32, #tpu.memory_space<vmem>>[vector<16xi32>], vector<16xf32>,
        %parallel_loop3A_804 = arith.constant 112 : i32
        %parallel_loop3A_805 = arith.addi %parallel_loop3A_182, %parallel_loop3A_804 : i32
        %parallel_loop3A_806 = arith.constant 0 : i32
        %parallel_loop3A_807 = arith.index_cast %parallel_loop3A_806 : i32 to index
        %parallel_loop3A_808 = arith.index_cast %parallel_loop3A_805 : i32 to index
        %parallel_loop3A_809 = tpu.vector_load %arg9[%parallel_loop3A_807, %parallel_loop3A_808] {strides = array<i32>} : memref<8x4096xf32, #tpu.memory_space<vmem>>, vector<16xf32>,
        tpu.vector_store %arg9[%parallel_loop3A_807, %parallel_loop3A_808], %parallel_loop3A_803 {strides = array<i32>} : memref<8x4096xf32, #tpu.memory_space<vmem>>, vector<16xf32>,
        %parallel_loop3A_810 = arith.constant 112 : i32
        %parallel_loop3A_811 = arith.addi %parallel_loop3A_182, %parallel_loop3A_810 : i32
        %parallel_loop3A_812 = vector.broadcast %parallel_loop3A_811 : i32 to vector<16xi32>
        %parallel_loop3A_813 = arith.addi %add3A_138, %parallel_loop3A_812 : vector<16xi32>
        %parallel_loop3A_814 = tpu.vector_load_idx %arg7[%parallel_loop3A_813] : memref<4608xf32, #tpu.memory_space<vmem>>[vector<16xi32>], vector<16xf32>,
        %parallel_loop3A_815 = arith.constant 112 : i32
        %parallel_loop3A_816 = arith.addi %parallel_loop3A_182, %parallel_loop3A_815 : i32
        %parallel_loop3A_817 = arith.constant 1 : i32
        %parallel_loop3A_818 = arith.index_cast %parallel_loop3A_817 : i32 to index
        %parallel_loop3A_819 = arith.index_cast %parallel_loop3A_816 : i32 to index
        %parallel_loop3A_820 = tpu.vector_load %arg9[%parallel_loop3A_818, %parallel_loop3A_819] {strides = array<i32>} : memref<8x4096xf32, #tpu.memory_space<vmem>>, vector<16xf32>,
        tpu.vector_store %arg9[%parallel_loop3A_818, %parallel_loop3A_819], %parallel_loop3A_814 {strides = array<i32>} : memref<8x4096xf32, #tpu.memory_space<vmem>>, vector<16xf32>,
        %parallel_loop3A_821 = arith.constant 112 : i32
        %parallel_loop3A_822 = arith.addi %parallel_loop3A_182, %parallel_loop3A_821 : i32
        %parallel_loop3A_823 = vector.broadcast %parallel_loop3A_822 : i32 to vector<16xi32>
        %parallel_loop3A_824 = arith.addi %add3A_142, %parallel_loop3A_823 : vector<16xi32>
        %parallel_loop3A_825 = tpu.vector_load_idx %arg7[%parallel_loop3A_824] : memref<4608xf32, #tpu.memory_space<vmem>>[vector<16xi32>], vector<16xf32>,
        %parallel_loop3A_826 = arith.constant 112 : i32
        %parallel_loop3A_827 = arith.addi %parallel_loop3A_182, %parallel_loop3A_826 : i32
        %parallel_loop3A_828 = arith.constant 2 : i32
        %parallel_loop3A_829 = arith.index_cast %parallel_loop3A_828 : i32 to index
        %parallel_loop3A_830 = arith.index_cast %parallel_loop3A_827 : i32 to index
        %parallel_loop3A_831 = tpu.vector_load %arg9[%parallel_loop3A_829, %parallel_loop3A_830] {strides = array<i32>} : memref<8x4096xf32, #tpu.memory_space<vmem>>, vector<16xf32>,
        tpu.vector_store %arg9[%parallel_loop3A_829, %parallel_loop3A_830], %parallel_loop3A_825 {strides = array<i32>} : memref<8x4096xf32, #tpu.memory_space<vmem>>, vector<16xf32>,
        %parallel_loop3A_832 = arith.constant 112 : i32
        %parallel_loop3A_833 = arith.addi %parallel_loop3A_182, %parallel_loop3A_832 : i32
        %parallel_loop3A_834 = vector.broadcast %parallel_loop3A_833 : i32 to vector<16xi32>
        %parallel_loop3A_835 = arith.addi %add3A_146, %parallel_loop3A_834 : vector<16xi32>
        %parallel_loop3A_836 = tpu.vector_load_idx %arg7[%parallel_loop3A_835] : memref<4608xf32, #tpu.memory_space<vmem>>[vector<16xi32>], vector<16xf32>,
        %parallel_loop3A_837 = arith.constant 112 : i32
        %parallel_loop3A_838 = arith.addi %parallel_loop3A_182, %parallel_loop3A_837 : i32
        %parallel_loop3A_839 = arith.constant 3 : i32
        %parallel_loop3A_840 = arith.index_cast %parallel_loop3A_839 : i32 to index
        %parallel_loop3A_841 = arith.index_cast %parallel_loop3A_838 : i32 to index
        %parallel_loop3A_842 = tpu.vector_load %arg9[%parallel_loop3A_840, %parallel_loop3A_841] {strides = array<i32>} : memref<8x4096xf32, #tpu.memory_space<vmem>>, vector<16xf32>,
        tpu.vector_store %arg9[%parallel_loop3A_840, %parallel_loop3A_841], %parallel_loop3A_836 {strides = array<i32>} : memref<8x4096xf32, #tpu.memory_space<vmem>>, vector<16xf32>,
        %parallel_loop3A_843 = arith.constant 112 : i32
        %parallel_loop3A_844 = arith.addi %parallel_loop3A_182, %parallel_loop3A_843 : i32
        %parallel_loop3A_845 = vector.broadcast %parallel_loop3A_844 : i32 to vector<16xi32>
        %parallel_loop3A_846 = arith.addi %add3A_150, %parallel_loop3A_845 : vector<16xi32>
        %parallel_loop3A_847 = tpu.vector_load_idx %arg7[%parallel_loop3A_846] : memref<4608xf32, #tpu.memory_space<vmem>>[vector<16xi32>], vector<16xf32>,
        %parallel_loop3A_848 = arith.constant 112 : i32
        %parallel_loop3A_849 = arith.addi %parallel_loop3A_182, %parallel_loop3A_848 : i32
        %parallel_loop3A_850 = arith.constant 4 : i32
        %parallel_loop3A_851 = arith.index_cast %parallel_loop3A_850 : i32 to index
        %parallel_loop3A_852 = arith.index_cast %parallel_loop3A_849 : i32 to index
        %parallel_loop3A_853 = tpu.vector_load %arg9[%parallel_loop3A_851, %parallel_loop3A_852] {strides = array<i32>} : memref<8x4096xf32, #tpu.memory_space<vmem>>, vector<16xf32>,
        tpu.vector_store %arg9[%parallel_loop3A_851, %parallel_loop3A_852], %parallel_loop3A_847 {strides = array<i32>} : memref<8x4096xf32, #tpu.memory_space<vmem>>, vector<16xf32>,
        %parallel_loop3A_854 = arith.constant 112 : i32
        %parallel_loop3A_855 = arith.addi %parallel_loop3A_182, %parallel_loop3A_854 : i32
        %parallel_loop3A_856 = vector.broadcast %parallel_loop3A_855 : i32 to vector<16xi32>
        %parallel_loop3A_857 = arith.addi %add3A_154, %parallel_loop3A_856 : vector<16xi32>
        %parallel_loop3A_858 = tpu.vector_load_idx %arg7[%parallel_loop3A_857] : memref<4608xf32, #tpu.memory_space<vmem>>[vector<16xi32>], vector<16xf32>,
        %parallel_loop3A_859 = arith.constant 112 : i32
        %parallel_loop3A_860 = arith.addi %parallel_loop3A_182, %parallel_loop3A_859 : i32
        %parallel_loop3A_861 = arith.constant 5 : i32
        %parallel_loop3A_862 = arith.index_cast %parallel_loop3A_861 : i32 to index
        %parallel_loop3A_863 = arith.index_cast %parallel_loop3A_860 : i32 to index
        %parallel_loop3A_864 = tpu.vector_load %arg9[%parallel_loop3A_862, %parallel_loop3A_863] {strides = array<i32>} : memref<8x4096xf32, #tpu.memory_space<vmem>>, vector<16xf32>,
        tpu.vector_store %arg9[%parallel_loop3A_862, %parallel_loop3A_863], %parallel_loop3A_858 {strides = array<i32>} : memref<8x4096xf32, #tpu.memory_space<vmem>>, vector<16xf32>,
        %parallel_loop3A_865 = arith.constant 112 : i32
        %parallel_loop3A_866 = arith.addi %parallel_loop3A_182, %parallel_loop3A_865 : i32
        %parallel_loop3A_867 = vector.broadcast %parallel_loop3A_866 : i32 to vector<16xi32>
        %parallel_loop3A_868 = arith.addi %add3A_158, %parallel_loop3A_867 : vector<16xi32>
        %parallel_loop3A_869 = tpu.vector_load_idx %arg7[%parallel_loop3A_868] : memref<4608xf32, #tpu.memory_space<vmem>>[vector<16xi32>], vector<16xf32>,
        %parallel_loop3A_870 = arith.constant 112 : i32
        %parallel_loop3A_871 = arith.addi %parallel_loop3A_182, %parallel_loop3A_870 : i32
        %parallel_loop3A_872 = arith.constant 6 : i32
        %parallel_loop3A_873 = arith.index_cast %parallel_loop3A_872 : i32 to index
        %parallel_loop3A_874 = arith.index_cast %parallel_loop3A_871 : i32 to index
        %parallel_loop3A_875 = tpu.vector_load %arg9[%parallel_loop3A_873, %parallel_loop3A_874] {strides = array<i32>} : memref<8x4096xf32, #tpu.memory_space<vmem>>, vector<16xf32>,
        tpu.vector_store %arg9[%parallel_loop3A_873, %parallel_loop3A_874], %parallel_loop3A_869 {strides = array<i32>} : memref<8x4096xf32, #tpu.memory_space<vmem>>, vector<16xf32>,
        %parallel_loop3A_876 = arith.constant 112 : i32
        %parallel_loop3A_877 = arith.addi %parallel_loop3A_182, %parallel_loop3A_876 : i32
        %parallel_loop3A_878 = vector.broadcast %parallel_loop3A_877 : i32 to vector<16xi32>
        %parallel_loop3A_879 = arith.addi %add3A_162, %parallel_loop3A_878 : vector<16xi32>
        %parallel_loop3A_880 = tpu.vector_load_idx %arg7[%parallel_loop3A_879] : memref<4608xf32, #tpu.memory_space<vmem>>[vector<16xi32>], vector<16xf32>,
        %parallel_loop3A_881 = arith.constant 112 : i32
        %parallel_loop3A_882 = arith.addi %parallel_loop3A_182, %parallel_loop3A_881 : i32
        %parallel_loop3A_883 = arith.constant 7 : i32
        %parallel_loop3A_884 = arith.index_cast %parallel_loop3A_883 : i32 to index
        %parallel_loop3A_885 = arith.index_cast %parallel_loop3A_882 : i32 to index
        %parallel_loop3A_886 = tpu.vector_load %arg9[%parallel_loop3A_884, %parallel_loop3A_885] {strides = array<i32>} : memref<8x4096xf32, #tpu.memory_space<vmem>>, vector<16xf32>,
        tpu.vector_store %arg9[%parallel_loop3A_884, %parallel_loop3A_885], %parallel_loop3A_880 {strides = array<i32>} : memref<8x4096xf32, #tpu.memory_space<vmem>>, vector<16xf32>,
      } {sc.loop_unroll_factor = 1 : i64, sc.parallel_access}
      %mul3A_166 = arith.constant 4 : i32
      %mul3A_167 = arith.muli %select_n3A, %mul3A_166 : i32
      %add3A_168 = arith.addi %mul3A_167, %select_n3A_30 : i32
      %mul3A_169 = arith.constant 64 : i32
      %mul3A_170 = arith.muli %add3A_168, %mul3A_169 : i32
      %add3A_171 = arith.addi %mul3A_170, %add3A_121 : i32
      %dma_start3A_172 = arith.constant 0 : i32
      %dma_start3A_173 = arith.constant 0 : i32
      %dma_start3A_174 = tpu.memref_slice %arg4[%add3A_171, %dma_start3A_172, %dma_start3A_173] : memref<2048x8x4096xf32, #tpu.memory_space<hbm>> -> memref<1x8x4096xf32, #tpu.memory_space<hbm>>
      %dma_start3A_175 = tpu.memref_squeeze %dma_start3A_174 : memref<1x8x4096xf32, #tpu.memory_space<hbm>> -> memref<8x4096xf32, #tpu.memory_space<hbm>>
      %dma_start3A_176 = arith.constant 0 : i32
      %dma_start3A_177 = arith.constant 0 : i32
      %dma_start3A_178 = tpu.memref_slice %arg4[%add3A_171, %dma_start3A_176, %dma_start3A_177] : memref<2048x8x4096xf32, #tpu.memory_space<hbm>> -> memref<1x8x4096xf32, #tpu.memory_space<hbm>>
      %dma_start3A_179 = tpu.memref_squeeze %dma_start3A_178 : memref<1x8x4096xf32, #tpu.memory_space<hbm>> -> memref<8x4096xf32, #tpu.memory_space<hbm>>
      tpu.enqueue_dma source(%arg9 : memref<8x4096xf32, #tpu.memory_space<vmem>>) target(%dma_start3A_179 : memref<8x4096xf32, #tpu.memory_space<hbm>>) target_semaphore(%arg11 : memref<!tpu.dma_semaphore, #tpu.memory_space<semaphore_mem>>)
    }
    %scan3A_41 = arith.constant 32 : i32
    %dma_wait3A = arith.constant 0 : i32
    %dma_wait3A_42 = arith.constant 0 : i32
    %dma_wait3A_43 = arith.constant 0 : i32
    %dma_wait3A_44 = tpu.memref_slice %arg4[%dma_wait3A, %dma_wait3A_42, %dma_wait3A_43] : memref<2048x8x4096xf32, #tpu.memory_space<hbm>> -> memref<1x8x4096xf32, #tpu.memory_space<hbm>>
    %dma_wait3A_45 = tpu.memref_squeeze %dma_wait3A_44 : memref<1x8x4096xf32, #tpu.memory_space<hbm>> -> memref<8x4096xf32, #tpu.memory_space<hbm>>
    %dma_wait3A_46 = arith.constant 0 : i32
    %dma_wait3A_47 = arith.constant 0 : i32
    %dma_wait3A_48 = tpu.memref_slice %arg4[%dma_wait3A, %dma_wait3A_46, %dma_wait3A_47] : memref<2048x8x4096xf32, #tpu.memory_space<hbm>> -> memref<1x8x4096xf32, #tpu.memory_space<hbm>>
    %dma_wait3A_49 = tpu.memref_squeeze %dma_wait3A_48 : memref<1x8x4096xf32, #tpu.memory_space<hbm>> -> memref<8x4096xf32, #tpu.memory_space<hbm>>
    tpu.wait_dma2 semaphore(%arg10 : memref<!tpu.dma_semaphore, #tpu.memory_space<semaphore_mem>>) src(%dma_wait3A_49 : memref<8x4096xf32, #tpu.memory_space<hbm>>) dst(%arg8 : memref<8x4096xf32, #tpu.memory_space<vmem>>)
    %dma_wait3A_50 = arith.constant 0 : i32
    %dma_wait3A_51 = arith.constant 0 : i32
    %dma_wait3A_52 = arith.constant 0 : i32
    %dma_wait3A_53 = tpu.memref_slice %arg4[%dma_wait3A_50, %dma_wait3A_51, %dma_wait3A_52] : memref<2048x8x4096xf32, #tpu.memory_space<hbm>> -> memref<1x8x4096xf32, #tpu.memory_space<hbm>>
    %dma_wait3A_54 = tpu.memref_squeeze %dma_wait3A_53 : memref<1x8x4096xf32, #tpu.memory_space<hbm>> -> memref<8x4096xf32, #tpu.memory_space<hbm>>
    %dma_wait3A_55 = arith.constant 0 : i32
    %dma_wait3A_56 = arith.constant 0 : i32
    %dma_wait3A_57 = tpu.memref_slice %arg4[%dma_wait3A_50, %dma_wait3A_55, %dma_wait3A_56] : memref<2048x8x4096xf32, #tpu.memory_space<hbm>> -> memref<1x8x4096xf32, #tpu.memory_space<hbm>>
    %dma_wait3A_58 = tpu.memref_squeeze %dma_wait3A_57 : memref<1x8x4096xf32, #tpu.memory_space<hbm>> -> memref<8x4096xf32, #tpu.memory_space<hbm>>
    tpu.wait_dma2 semaphore(%arg11 : memref<!tpu.dma_semaphore, #tpu.memory_space<semaphore_mem>>) src(%dma_wait3A_58 : memref<8x4096xf32, #tpu.memory_space<hbm>>) dst(%arg9 : memref<8x4096xf32, #tpu.memory_space<vmem>>)
    return
  }
}

</mosaic_0001>

<sc_bundles>
// kernel: kernel.3.cloned.1.call-start
scs
__scs_entry_jumppad:
0x0: {  	(pc) =	sbr.rel $0x88, $3  }
0x1: {  	(tag) =	ssettag $0x0;
	lr =	simm.s32 $0x1  }
0x2: {  	[smem:$0x3FA0] =	sst lr;
	_ =	strace $0xD0000000  }
0x3: {  	_ = 	snop  }
0x4: {  	_ = 	snop  }
0x5: {  	_ = 	snop  }
0x6: {  	_ = 	snop  }
0x7: {  	_ = 	snop  }
__scs_overlays_trampoline_lowered:
0x8: {  	[smem:$0x3FAF] =	sst s0  }
0x9: {  	[smem:$0x3FB0] =	sst s1  }
0xa: {  	[smem:$0x3FB1] =	sst s2  }
0xb: {  	[smem:$0x3FB2] =	sst s3  }
0xc: {  	[smem:$0x3FB3] =	sst s4  }
0xd: {  	[smem:$0x3FB4] =	sst s5  }
0xe: {  	[smem:$0x3FB5] =	sst s6  }
0xf: {  	[smem:$0x3FB6] =	sst s7  }
0x10: {  	[smem:$0x3FB7] =	sst s8  }
0x11: {  	[smem:$0x3FB8] =	sst s9;
	s0 =	simm.s32 @!p0 $0x0  }
0x12: {  	s1 =	sld [smem:$0x3F9E];
	s0 =	simm.s32 @p0 $0x1  }
0x13: {  	[smem:$0x3FB9] =	sst s0;
	s0 =	simm.s32 @!p1 $0x0  }
0x14: {  	s2 =	sld [smem:$0x3F9D];
	s0 =	simm.s32 @p1 $0x1  }
0x15: {  	[smem:$0x3FBA] =	sst s0;
	s0 =	simm.s32 @!p2 $0x0  }
0x16: {  	s3 =	sld [smem:$0x3FDB];
	s0 =	simm.s32 @p2 $0x1  }
0x17: {  	s4 =	simm.s32 $0x1BF5;
	[smem:$0x3FBC] =	sst s0  }
0x18: {  	s0 =	sld [smem:$0x3F9F];
	_ =	swait.ge [sflag:s4], $0x0  }
0x19: {  	s7 =	sld [smem:$0x3FA0]  }
0x1a: {  	s8 =	sadd.s32 $0xFFFFE003, lr  }
0x1b: {  	s9 =	sadd.s32 $0xFFFFFEF7, lr;
	s5 =	simm.s32 $0xFFFFFFFF;
	p2 =	slt.u32 s8, $0xFFFFF086  }
0x1c: {  	p1 =	slt.u32 s9, $0xF7A;
	s5 =	simm.s32 @!p2 $0x0  }
0x1d: {  	s5 =	simm.s32 @p1 $0x1;
	p0 =	seq.s32 s7, s2  }
0x1e: {  	s7 =	smul.u32 @!p0 $0xF7A, s2;
	p2 =	seq.s32 @!p0 s5, $0x0  }
0x1f: {  	s9 =	smul.u32 $0xF7A, s1;
	s8 =	simm.s32 @!p0 $0x1BF5;
	p2 =	por !p2, p0  }
0x20: {  	[sflag:s8] =	ssyncset.s32 @!p0 $0xFFFFF086;
	s6 =	sadd.s32 @!p0 s3, s7;
	s7 =	simm.s32 @!p0 $0x108  }
0x21: {  	s3 =	sadd.s32 s3, s9;
	s6 =	sadd.s32 @!p0 $0x88, s6;
	s7 =	simm.s32 @p2 $0x1082  }
0x22: {  	[simem:s7], [sflag:s8] =	dma.local @!p0 [hbm:s6], $0xF7A  }
0x23: {  	s9 =	sor.u32 $0xD0000000, s2;
	s6 =	simm.s32 $0x108;
	_ =	swait.ge @!p0 [sflag:s8], $0x0  }
0x24: {  	s3 =	sadd.s32 $0x88, s3;
	s6 =	simm.s32 @!p1 $0x1082;
	[sflag:s4] =	ssyncset.s32 $0xFFFFF086  }
0x25: {  	[simem:s6], [sflag:s4] =	dma.local [hbm:s3], $0xF7A  }
0x26: {  	[smem:$0x3FA0] =	sst s1;
	(tag) =	ssettag s2;
	_ =	strace s9  }
0x27: {  	s1 =	sld [smem:$0x3FB0]  }
0x28: {  	s2 =	sld [smem:$0x3FB1]  }
0x29: {  	s4 =	sld [smem:$0x3FB3]  }
0x2a: {  	p0 =	seq.s32 s5, $0x0;
	s5 =	sld [smem:$0x3FB4]  }
0x2b: {  	s6 =	sld [smem:$0x3FB5]  }
0x2c: {  	s7 =	sld [smem:$0x3FB6]  }
0x2d: {  	s3 =	simm.s32 $0x108;
	s8 =	sld [smem:$0x3FB7]  }
0x2e: {  	s3 =	simm.s32 @!p0 $0x1082;
	s9 =	sld [smem:$0x3FB8]  }
0x2f: {  	lr =	sadd.s32 s0, s3;
	s0 =	sld [smem:$0x3FAF]  }
0x30: {  	s3 =	sld [smem:$0x3FB2]  }
0x31: {  	[smem:$0x3FBB] =	sst s10  }
0x32: {  	s10 =	sld [smem:$0x3FB9];
	_ =	sdelay $0x3  }
0x33: {  	p0 =	seq.s32 s10, $0x1;
	s10 =	sld [smem:$0x3FBB];
	_ =	sdelay $0x3  }
0x34: {  	[smem:$0x3FBB] =	sst s10  }
0x35: {  	s10 =	sld [smem:$0x3FBA];
	_ =	sdelay $0x3  }
0x36: {  	p1 =	seq.s32 s10, $0x1;
	s10 =	sld [smem:$0x3FBB];
	_ =	sdelay $0x3  }
0x37: {  	[smem:$0x3FBB] =	sst s10  }
0x38: {  	s10 =	sld [smem:$0x3FBC]  }
0x39: {  	_ = 	snop;
	(pc) =	sbr.ind lr, $3  }
0x3a: {  	_ = 	snop  }
0x3b: {  	_ = 	snop  }
0x3c: {  	p2 =	seq.s32 s10, $0x1;
	s10 =	sld [smem:$0x3FBB]  }
0x3d: {  	_ =	shalt  }
0x3e: {  	_ =	shalt  }
0x3f: {  	_ =	shalt  }
0x40: {  	_ =	shalt  }
0x41: {  	_ =	shalt  }
0x42: {  	_ =	shalt  }
0x43: {  	_ =	shalt  }
0x44: {  	_ =	shalt  }
0x45: {  	_ =	shalt  }
0x46: {  	_ =	shalt  }
0x47: {  	_ =	shalt  }
0x48: {  	_ =	shalt  }
0x49: {  	_ =	shalt  }
0x4a: {  	_ =	shalt  }
0x4b: {  	_ =	shalt  }
0x4c: {  	_ =	shalt  }
0x4d: {  	_ =	shalt  }
0x4e: {  	_ =	shalt  }
0x4f: {  	_ =	shalt  }
0x50: {  	_ =	shalt  }
0x51: {  	_ =	shalt  }
0x52: {  	_ =	shalt  }
0x53: {  	_ =	shalt  }
0x54: {  	_ =	shalt  }
0x55: {  	_ =	shalt  }
0x56: {  	_ =	shalt  }
0x57: {  	_ =	shalt  }
0x58: {  	_ =	shalt  }
0x59: {  	_ =	shalt  }
0x5a: {  	_ =	shalt  }
0x5b: {  	_ =	shalt  }
0x5c: {  	_ =	shalt  }
0x5d: {  	_ =	shalt  }
0x5e: {  	_ =	shalt  }
0x5f: {  	_ =	shalt  }
0x60: {  	_ =	shalt  }
0x61: {  	_ =	shalt  }
0x62: {  	_ =	shalt  }
0x63: {  	_ =	shalt  }
0x64: {  	_ =	shalt  }
0x65: {  	_ =	shalt  }
0x66: {  	_ =	shalt  }
0x67: {  	_ =	shalt  }
0x68: {  	_ =	shalt  }
0x69: {  	_ =	shalt  }
0x6a: {  	_ =	shalt  }
0x6b: {  	_ =	shalt  }
0x6c: {  	_ =	shalt  }
0x6d: {  	_ =	shalt  }
0x6e: {  	_ =	shalt  }
0x6f: {  	_ =	shalt  }
0x70: {  	_ =	shalt  }
0x71: {  	_ =	shalt  }
0x72: {  	_ =	shalt  }
0x73: {  	_ =	shalt  }
0x74: {  	_ =	shalt  }
0x75: {  	_ =	shalt  }
0x76: {  	_ =	shalt  }
0x77: {  	_ =	shalt  }
0x78: {  	_ =	shalt  }
0x79: {  	_ =	shalt  }
0x7a: {  	_ =	shalt  }
0x7b: {  	_ =	shalt  }
0x7c: {  	_ =	shalt  }
0x7d: {  	_ =	shalt  }
0x7e: {  	_ =	shalt  }
0x7f: {  	_ =	shalt  }
0x80: {  	_ =	shalt  }
0x81: {  	_ =	shalt  }
0x82: {  	_ =	shalt  }
0x83: {  	_ =	shalt  }
0x84: {  	_ =	shalt  }
0x85: {  	_ =	shalt  }
0x86: {  	_ =	shalt  }
0x87: {  	_ =	shalt  }
.Lfunc_end0:
.L_simem_size_0:
called_computation_lowered:
.L_overlay_start_0:
0x88: {  	s2 =	sld [smem:$0x3FD9]  }
0x89: {  	s3 =	sld [smem:$0x3FFE];
	_ =	sdelay $0x1  }
0x8a: {  	s1 =	srdreg.scid  }
0x8b: {  	s0 =	sand.u32 $0x1, s1  }
0x8c: {  	s17 =	sshll.u32 s0, $0xA;
	s2 =	sadd.s32 s3, s2  }
0x8d: {  	s2 =	sadd.s32 s2, s17  }
0x8e: {  	[smem:$0x3FC7] =	sst s2  }
0x8f: {  	_ = 	snop  }
0x90: {  	s2 =	sld [smem:$0x3FD0];
	(tm) =	ssettm $0x1  }
0x91: {  	s18 =	sld [smem:$0x3FFB];
	_ =	sdelay $0x3  }
0x92: {  	_ =	strace s18  }
0x93: {  	s3 =	sld [smem:$0x3FFC];
	_ =	sdelay $0x3  }
0x94: {  	_ =	strace s3  }
0x95: {  	s3 =	sld [smem:$0x3FFD];
	_ =	sdelay $0x3  }
0x96: {  	_ =	strace s3  }
0x97: {  	_ =	strace $0x8FFFFFFF  }
0x98: {  	s19 =	sld [smem:$0x3FDB];
	_ =	sdelay $0x1  }
0x99: {  	s4 =	simm.s32 $_scs_section_size  }
0x9a: {  	s5 =	simm.s32 $_size__tile_overlayer_lowered;
	s6 =	simm.s32 $_tile_overlayer_lowered  }
0x9b: {  	s22 =	simm.s32 $0x1BFF;
	s21 =	sshll.u32 s6, $0x1;
	s3 =	sadd.s32 s4, s19  }
0x9c: {  	s7 =	simm.s32 $0x0;
	s20 =	sshll.u32 s5, $0x1;
	s5 =	sadd.s32 s21, s3  }
0x9d: {  	[timem:s7], [sflag:s22] =	dma.local [hbm:s5], s20  }
0x9e: {  	_ =	swait.ge [sflag:s22], s20  }
0x9f: {  	s4 =	ssub.s32 $0x0, s20;
	[sflag:s22] =	ssyncset.done $0x0  }
0xa0: {  	[sflag:s22] =	ssyncadd.s32 s4;
	_ =	sdelay $0x1  }
0xa1: {  	s23 =	simm.s32 $0x1B8B  }
0xa2: {  	_ =	swait.ge [sflag:s23], $0x1  }
0xa3: {  	[sflag:s23] =	ssyncset.done $0x0  }
0xa4: {  	s25 =	simm.s32 $0x1B8E;
	s24 =	sld [smem:$0x3FFE];
	[sflag:s23] =	ssyncadd.s32 $0xFFFFFFFF  }
0xa5: {  	s26 =	simm.s32 $execute0_lowered;
	[smem:$0x3FD2] =	sst s25  }
0xa6: {  	s5 =	sshll.u32 s26, $0x1;
	_ =	strace $0x80000046;
	[dreg:$0x1] =	wrdreg $0xFFFFFFFF  }
0xa7: {  	s28 =	simm.s32 $_size_execute0_lowered;
	s3 =	sadd.s32 s3, s5;
	[dreg:$0x0] =	wrdreg $0x0  }
0xa8: {  	s5 =	sshll.u32 s28, $0x1;
	[dreg:$0x2] =	wrdreg s3  }
0xa9: {  	[dreg:$0x3] =	wrdreg s5  }
0xaa: {  	[dreg:$0x4] =	wrdreg $0xC0  }
0xab: {  	_ =	task [dreg:s7], $0x5FFFF  }
0xac: {  	[dreg:$0x1] =	wrdreg $0xFFFFFFFF  }
0xad: {  	[dreg:$0x0] =	wrdreg $0x60  }
0xae: {  	[dreg:$0x2] =	wrdreg s24  }
0xaf: {  	[dreg:$0x3] =	wrdreg s2  }
0xb0: {  	[dreg:$0x4] =	wrdreg $0x9  }
0xb1: {  	_ =	task.clear_ibuf [dreg:s7], $0x5FFFF;
	_ =	strace $0x90000046  }
0xb2: {  	s29 =	simm.s32 $0x9;
	_ =	strace $0x80000048  }
0xb3: {  	_ =	swait.ge [sflag:s29], $0x1  }
0xb4: {  	[sflag:s29] =	ssyncadd.s32 $0xFFFFFFFF  }
0xb5: {  	_ =	strace $0x90000048  }
0xb6: {  	_ =	sfence  }
0xb7: {  	s30 =	sld [smem:$0x0];
	_ =	sdelay $0x2  }
0xb8: {  	s31 =	sshll.u32 s1, $0xD;
	s1 =	sshrl.u32 s1, $0x2  }
0xb9: {  	s3 =	sand.u32 $0x4000, s31;
	s1 =	sadd.s32 s1, s30  }
0xba: {  	s0 =	sor.u32 s3, s0;
	s1 =	sshll.u32 s1, $0x11  }
0xbb: {  	s0 =	sor.u32 s1, s0  }
0xbc: {  	s0 =	sadd.s32 $0x8F2B, s0  }
0xbd: {  	[sflag:s0] =	ssyncadd.remote.s32 $0x1  }
0xbe: {  	_ =	sfence.sel $0xFFFF  }
0xbf: {  	[dreg:$0x0] =	wrdreg $0xFFFFFFFF;
	(pc) =	sbr.abs _section_cstart, $3  }
0xc0: {  	[dreg:$0x1] =	wrdreg $0xFFFFFFFF  }
0xc1: {  	_ =	task.clear_ibuf [dreg:s7], $0x2FFFF;
	_ =	strace $0x9FFFFFFF  }
0xc2: {  	(tm) =	ssettm $0x7FFFFFFF  }
0xc3: {  	_ =	shalt  }
tec
execute0_lowered:
.L_overlay_start_1:
0x0: {  	(tag) =	ssettag $0x1  }
0x1: {  	s0 =	rddreg [dreg:$0x0]  }
0x2: {  	s1 =	rddreg [dreg:$0x1]  }
0x3: {  	s2 =	simm.s32 $0x0;
	s3 =	srdreg.scid;
	s7 =	stileid.u32  }
0x4: {  	s10 =	simm.s32 $0x1880;
	s11 =	simm.s32 $0x1980;
	s12 =	simm.s32 $0x2B80  }
0x5: {  	s13 =	simm.s32 $0xAB80;
	[smem:$0x7FF] =	sst s2;
	s3 =	sand.u32 $0x1, s3  }
0x6: {  	s4 =	sadd.s32 $0x400, s0;
	s0 =	sadd.s32 $0x600, s0;
	s5 =	sshll.u32 s7, $0x1  }
0x7: {  	s30 =	sshrl.u32 s7, $0x1;
	_ =	strace $0x80000047;
	[dreg:$0x3] =	wrdreg s4  }
0x8: {  	s7 =	sand.u32 $0x1, s7;
	s28 =	ssub.s32 $0x2, s3;
	[dreg:$0x4] =	wrdreg s0  }
0x9: {  	s5 =	sand.u32 $0x2, s5;
	s7 =	sshll.u32 s7, $0xA;
	s29 =	sshrl.u32 s28, $0x1  }
0xa: {  	s5 =	sor.u32 s3, s5;
	s3 =	sshll.u32 s3, $0x9;
	s0 =	ssub.s32 s28, s29  }
0xb: {  	s6 =	sshll.u32 s30, $0x8;
	s31 =	sor.u32 s7, s3;
	s0 =	smax.u32 s0, $0x1  }
0xc: {  	s5 =	sshll.u32 s5, $0x6;
	[dreg:$0x5] =	wrdreg s0;
	s0 =	sxor.u32 $0x600, s31  }
0xd: {  	v1 =	vlaneseq.u32;
	v0 =	vmov s30;
	s4 =	simm.s32 $0x0;
	s6 =	sor.u32 s6, s5;
	[dreg:$0x6] =	wrdreg s0  }
.LBB2_1:
0xe: {  	[dreg:$0x7] =	wrdreg s4  }
0xf: {  	s0 =	rddreg [dreg:$0x4];
	s5 =	simm.s32 $0x3  }
0x10: {  	[tilespmem:s2], [sflag:$0x3] =	stream.linear.gather [hbm4b:s0+s2], $0x1880, $0x38;
	[tilespmem:$0x12B80] =	vst v63  }
0x11: {  	_ =	swait.ge [sflag:s5], $0x1880  }
0x12: {  	s22 =	rddreg [dreg:$0x6]  }
0x13: {  	[sflag:s5] =	ssyncset.done $0x0;
	s21 =	rddreg [dreg:$0x3];
	s23 =	sadd.s32 $0x30, s22  }
0x14: {  	[sflag:s5] =	ssyncadd.s32 $0xFFFFE780;
	s3 =	sadd.s32 $0x10, s22;
	s24 =	sadd.s32 $0x20, s22;
	v2 =	vor.u32 s23, v1  }
0x15: {  	[tilespmem:s10], [sflag:$0x3] =	stream.linear.gather [hbm4b:s21+s2], $0x100, $0x38;
	v3 =	vor.u32 s3, v1;
	[tilespmem:$0x12B80] =	vst v63  }
0x16: {  	s25 =	sadd.s32 $0x40, s22;
	v4 =	vor.u32 s24, v1;
	_ =	swait.ge [sflag:s5], $0x100  }
0x17: {  	v5 =	vor.u32 s22, v1;
	s26 =	sadd.s32 $0x30, s25;
	[sflag:s5] =	ssyncset.done $0x0  }
0x18: {  	s4 =	sadd.s32 $0x10, s25;
	v6 =	vor.u32 s26, v1;
	[sflag:s5] =	ssyncadd.s32 $0xFFFFFF00  }
0x19: {  	v7 =	vor.u32 s4, v1;
	v2 =	vld.idx.msk [tilespmem:v2+s2+$0x0], $0xffff  }
0x1a: {  	v3 =	vld.idx.msk [tilespmem:v3+s2+$0x0], $0xffff  }
0x1b: {  	v4 =	vld.idx.msk [tilespmem:v4+s2+$0x0], $0xffff  }
0x1c: {  	s28 =	sadd.s32 $0x20, s25;
	v9 =	vor.u32 s25, v1;
	s29 =	sadd.s32 $0x40, s25;
	v5 =	vld.idx.msk [tilespmem:v5+s2+$0x0], $0xffff  }
0x1d: {  	v8 =	vor.u32 s28, v1;
	s0 =	sadd.s32 $0x30, s29;
	v11 =	vld.idx.msk [tilespmem:v6+s2+$0x0], $0xffff  }
0x1e: {  	v13 =	vor.u32 s0, v1;
	v7 =	vld.idx.msk [tilespmem:v7+s2+$0x0], $0xffff;
	v2 =	vshll.u32 v2, $0x3  }
0x1f: {  	v3 =	vshll.u32 v3, $0x3;
	v2 =	vor.u32 v0, v2  }
0x20: {  	v4 =	vshll.u32 v4, $0x3;
	v3 =	vor.u32 v0, v3  }
0x21: {  	v14 =	vld.idx.msk [tilespmem:v9+s2+$0x0], $0xffff;
	v5 =	vshll.u32 v5, $0x3;
	v4 =	vor.u32 v0, v4  }
0x22: {  	s30 =	sadd.s32 $0x10, s29;
	v8 =	vld.idx.msk [tilespmem:v8+s2+$0x0], $0xffff;
	v12 =	vor.u32 v0, v5;
	v9 =	vshll.u32 v11, $0x3  }
0x23: {  	s31 =	sadd.s32 $0x20, s29;
	v15 =	vor.u32 s30, v1;
	v11 =	vshll.u32 v7, $0x3;
	v7 =	vor.u32 v0, v9;
	v9 =	vld.idx.msk [tilespmem:v13+s2+$0x0], $0xffff  }
0x24: {  	v10 =	vor.u32 s31, v1;
	v5 =	vld.idx.msk [tilespmem:v2+s10+$0x0], $0xffff  }
0x25: {  	v6 =	vor.u32 s29, v1;
	v3 =	vld.idx.msk [tilespmem:v3+s10+$0x0], $0xffff  }
0x26: {  	v2 =	vld.idx.msk [tilespmem:v4+s10+$0x0], $0xffff  }
0x27: {  	s17 =	simm.s32 $0x0;
	v16 =	vshll.u32 v8, $0x3;
	v8 =	vor.u32 v0, v11;
	v4 =	vld.idx.msk [tilespmem:v12+s10+$0x0], $0xffff  }
0x28: {  	s3 =	simm.s32 $0x8;
	s4 =	sadd.s32 $0x40, s29;
	s0 =	simm.s32 $0x19A0;
	v13 =	vshll.u32 v14, $0x3;
	v11 =	vor.u32 v0, v16;
	v12 =	vld.idx.msk [tilespmem:v15+s2+$0x0], $0xffff  }
.LBB2_2:
0x29: {  	v14 =	vor.u32 s4, v1;
	s5 =	sadd.s32 $0x10, s4;
	s7 =	sadd.s32 $0x30, s4;
	s3 =	sadd.s32 $0x4, s3;
	v15 =	vld.idx.msk [tilespmem:v10+s17+$0x0], $0xffff;
	v13 =	vor.u32 v0, v13;
	[tilespmem:s0+$0x10] =	vst v5  }
0x2a: {  	v16 =	vor.u32 s5, v1;
	s5 =	sadd.s32 $0x20, s4;
	v17 =	vor.u32 s7, v1;
	p0 =	slt.u32 s3, $0x11C;
	v18 =	vld.idx.msk [tilespmem:v6+s17+$0x0], $0xffff;
	[tilespmem:s0+$0xFFFFFFF0] =	vst v3;
	v6 =	vmov v14  }
0x2b: {  	v10 =	vor.u32 s5, v1;
	v5 =	vld.idx.msk [tilespmem:v7+s10+$0x0], $0xffff;
	[tilespmem:s0+$0x0] =	vst v2  }
.Ltmp0:
0x2c: {  	v3 =	vld.idx.msk [tilespmem:v8+s10+$0x0], $0xffff;
	[tilespmem:s0+$0xFFFFFFE0] =	vst v4;
	(pc) =	sbr.rel @p0 .LBB2_2-.Ltmp0, $4  }
0x2d: {  	v4 =	vshll.u32 v9, $0x3;
	v2 =	vld.idx.msk [tilespmem:v11+s10+$0x0], $0xffff  }
0x2e: {  	s17 =	simm.s32 $0x0;
	v8 =	vshll.u32 v12, $0x3;
	v7 =	vor.u32 v0, v4;
	v4 =	vld.idx.msk [tilespmem:v13+s10+$0x0], $0xffff  }
0x2f: {  	v8 =	vor.u32 v0, v8;
	v11 =	vshll.u32 v15, $0x3;
	v9 =	vld.idx.msk [tilespmem:v17+s17+$0x0], $0xffff  }
0x30: {  	s4 =	sadd.s32 $0x40, s4;
	s0 =	sadd.s32 $0x40, s0;
	v13 =	vshll.u32 v18, $0x3;
	v11 =	vor.u32 v0, v11;
	v12 =	vld.idx.msk [tilespmem:v16+s17+$0x0], $0xffff  }
0x31: {  	_ =	sdelay $0x3  }
0x32: {  	v10 =	vld.idx.msk [tilespmem:v10+s17+$0x0], $0xffff  }
0x33: {  	v6 =	vld.idx.msk [tilespmem:v6+s17+$0x0], $0xffff;
	_ =	sdelay $0x1  }
0x34: {  	v13 =	vor.u32 v0, v13;
	v9 =	vshll.u32 v9, $0x3  }
0x35: {  	v12 =	vshll.u32 v12, $0x3;
	v9 =	vor.u32 v0, v9  }
0x36: {  	v7 =	vld.idx.msk [tilespmem:v7+s10+$0x0], $0xffff;
	v12 =	vor.u32 v0, v12;
	v10 =	vshll.u32 v10, $0x3  }
0x37: {  	[tilespmem:s0+$0x10] =	vst v5;
	v59 =	vld.idx.msk [tilespmem:v8+s10+$0x0], $0xffff;
	v6 =	vshll.u32 v6, $0x3;
	v60 =	vor.u32 v0, v10  }
0x38: {  	[tilespmem:s0+$0xFFFFFFF0] =	vst v3;
	v3 =	vld.idx.msk [tilespmem:v11+s10+$0x0], $0xffff;
	v6 =	vor.u32 v0, v6  }
0x39: {  	[tilespmem:s0+$0x0] =	vst v2;
	v2 =	vld.idx.msk [tilespmem:v13+s10+$0x0], $0xffff  }
0x3a: {  	s31 =	sadd.s32 $0x40, s0;
	[tilespmem:s0+$0xFFFFFFE0] =	vst v4;
	v61 =	vld.idx.msk [tilespmem:v9+s10+$0x0], $0xffff  }
0x3b: {  	[tilespmem:s31+$0x10] =	vst v7;
	v62 =	vld.idx.msk [tilespmem:v12+s10+$0x0], $0xffff  }
0x3c: {  	[tilespmem:s31+$0xFFFFFFF0] =	vst v59;
	v63 =	vld.idx.msk [tilespmem:v60+s10+$0x0], $0xffff  }
0x3d: {  	[tilespmem:s31+$0x0] =	vst v3;
	v3 =	vld.idx.msk [tilespmem:v6+s10+$0x0], $0xffff  }
0x3e: {  	s0 =	sadd.s32 $0x40, s31;
	[tilespmem:s31+$0xFFFFFFE0] =	vst v2  }
0x3f: {  	[tilespmem:s0+$0x10] =	vst v61  }
0x40: {  	[tilespmem:s0+$0xFFFFFFF0] =	vst v62  }
0x41: {  	[tilespmem:s0+$0x0] =	vst v63  }
0x42: {  	[tilespmem:s0+$0xFFFFFFE0] =	vst v3  }
.LBB2_4:
0x43: {  	s0 =	sshll.u32 s17, $0x4  }
0x44: {  	s3 =	sxor.u32 $0x1FF, s0  }
0x45: {  	s23 =	simm.s32 $0x0;
	v9 =	vadd.s32 s3, v1  }
0x46: {  	p0 =	seq.s32 s17, $0x0;
	v2 =	vadd.s32 s23, v9  }
0x47: {  	s4 =	simm.s32 @!p0 $0x1  }
0x48: {  	_ =	swait.ge @!p0 [sflag:s4], $0x8000  }
0x49: {  	[sflag:s4] =	ssyncset.done @!p0 $0x0  }
0x4a: {  	s24 =	ssub.s32 $0x1FE, s0;
	[sflag:s4] =	ssyncadd.s32 @!p0 $0xFFFF8000  }
0x4b: {  	v8 =	vadd.s32 s24, v1;
	v2 =	vld.idx.msk [tilespmem:v2+s11+$0x0], $0xffff  }
0x4c: {  	v3 =	vadd.s32 s23, v8;
	_ =	sdelay $0x2  }
0x4d: {  	s24 =	simm.s32 $0x2D80  }
0x4e: {  	s25 =	ssub.s32 $0x1FD, s0;
	[tilespmem:s24+$0xFFFFFE00] =	vst v2  }
0x4f: {  	v7 =	vadd.s32 s25, v1;
	v2 =	vld.idx.msk [tilespmem:v3+s11+$0x0], $0xffff  }
0x50: {  	v3 =	vadd.s32 s23, v7;
	_ =	sdelay $0x3  }
0x51: {  	s26 =	ssub.s32 $0x1FC, s0;
	[tilespmem:s24+$0xFFFFFE80] =	vst v2  }
0x52: {  	v6 =	vadd.s32 s26, v1;
	v2 =	vld.idx.msk [tilespmem:v3+s11+$0x0], $0xffff  }
0x53: {  	v3 =	vadd.s32 s23, v6;
	_ =	sdelay $0x3  }
0x54: {  	s5 =	ssub.s32 $0x1FB, s0;
	[tilespmem:s24+$0xFFFFFF00] =	vst v2  }
0x55: {  	v5 =	vadd.s32 s5, v1;
	v2 =	vld.idx.msk [tilespmem:v3+s11+$0x0], $0xffff  }
0x56: {  	v3 =	vadd.s32 s23, v5;
	_ =	sdelay $0x3  }
0x57: {  	s7 =	ssub.s32 $0x1FA, s0;
	[tilespmem:s24+$0xFFFFFF80] =	vst v2  }
0x58: {  	v4 =	vadd.s32 s7, v1;
	v2 =	vld.idx.msk [tilespmem:v3+s11+$0x0], $0xffff  }
0x59: {  	v10 =	vadd.s32 s23, v4;
	_ =	sdelay $0x3  }
0x5a: {  	s8 =	ssub.s32 $0x1F9, s0;
	[tilespmem:s24+$0x0] =	vst v2  }
0x5b: {  	v3 =	vadd.s32 s8, v1;
	v2 =	vld.idx.msk [tilespmem:v10+s11+$0x0], $0xffff  }
0x5c: {  	v10 =	vadd.s32 s23, v3;
	_ =	sdelay $0x3  }
0x5d: {  	s0 =	ssub.s32 $0x1F8, s0;
	[tilespmem:s24+$0x80] =	vst v2  }
0x5e: {  	v2 =	vadd.s32 s0, v1;
	v10 =	vld.idx.msk [tilespmem:v10+s11+$0x0], $0xffff  }
0x5f: {  	v11 =	vadd.s32 s23, v2;
	_ =	sdelay $0x3  }
0x60: {  	[tilespmem:s24+$0x100] =	vst v10  }
0x61: {  	s9 =	simm.s32 $0x10;
	v10 =	vld.idx.msk [tilespmem:v11+s11+$0x0], $0xffff  }
0x62: {  	v11 =	vadd.s32 s9, v9;
	_ =	sdelay $0x3  }
0x63: {  	[tilespmem:s24+$0x180] =	vst v10  }
0x64: {  	v10 =	vld.idx.msk [tilespmem:v11+s11+$0x0], $0xffff  }
0x65: {  	s14 =	simm.s32 $0x80;
	v11 =	vadd.s32 s9, v8  }
0x66: {  	v12 =	vadd.s32 s14, v9;
	_ =	sdelay $0x2  }
0x67: {  	[tilespmem:s24+$0xFFFFFE10] =	vst v10  }
0x68: {  	v10 =	vld.idx.msk [tilespmem:v11+s11+$0x0], $0xffff  }
0x69: {  	v11 =	vld.idx.msk [tilespmem:v12+s11+$0x0], $0xffff;
	v12 =	vadd.s32 s9, v7  }
0x6a: {  	v13 =	vadd.s32 s14, v8;
	_ =	sdelay $0x2  }
0x6b: {  	s20 =	simm.s32 $0x3180;
	[tilespmem:s24+$0xFFFFFE90] =	vst v10  }
0x6c: {  	[tilespmem:s20+$0xFFFFFE00] =	vst v11;
	v10 =	vld.idx.msk [tilespmem:v12+s11+$0x0], $0xffff  }
0x6d: {  	v11 =	vld.idx.msk [tilespmem:v13+s11+$0x0], $0xffff;
	v12 =	vadd.s32 s9, v6  }
0x6e: {  	v13 =	vadd.s32 s14, v7;
	_ =	sdelay $0x2  }
0x6f: {  	[tilespmem:s24+$0xFFFFFF10] =	vst v10  }
0x70: {  	[tilespmem:s20+$0xFFFFFE80] =	vst v11;
	v10 =	vld.idx.msk [tilespmem:v12+s11+$0x0], $0xffff  }
0x71: {  	v11 =	vld.idx.msk [tilespmem:v13+s11+$0x0], $0xffff;
	v12 =	vadd.s32 s9, v5  }
0x72: {  	v13 =	vadd.s32 s14, v6;
	_ =	sdelay $0x2  }
0x73: {  	[tilespmem:s24+$0xFFFFFF90] =	vst v10  }
0x74: {  	[tilespmem:s20+$0xFFFFFF00] =	vst v11;
	v10 =	vld.idx.msk [tilespmem:v12+s11+$0x0], $0xffff  }
0x75: {  	v11 =	vld.idx.msk [tilespmem:v13+s11+$0x0], $0xffff;
	v12 =	vadd.s32 s9, v4  }
0x76: {  	v13 =	vadd.s32 s14, v5;
	_ =	sdelay $0x2  }
0x77: {  	[tilespmem:s24+$0x10] =	vst v10  }
0x78: {  	[tilespmem:s20+$0xFFFFFF80] =	vst v11;
	v10 =	vld.idx.msk [tilespmem:v12+s11+$0x0], $0xffff  }
0x79: {  	v11 =	vld.idx.msk [tilespmem:v13+s11+$0x0], $0xffff;
	v12 =	vadd.s32 s9, v3  }
0x7a: {  	v13 =	vadd.s32 s14, v4;
	_ =	sdelay $0x2  }
0x7b: {  	[tilespmem:s24+$0x90] =	vst v10  }
0x7c: {  	[tilespmem:s20+$0x0] =	vst v11;
	v10 =	vld.idx.msk [tilespmem:v12+s11+$0x0], $0xffff  }
0x7d: {  	v11 =	vld.idx.msk [tilespmem:v13+s11+$0x0], $0xffff;
	v12 =	vadd.s32 s9, v2  }
0x7e: {  	v13 =	vadd.s32 s14, v3;
	_ =	sdelay $0x2  }
0x7f: {  	[tilespmem:s24+$0x110] =	vst v10  }
0x80: {  	s15 =	simm.s32 $0x20;
	[tilespmem:s20+$0x80] =	vst v11;
	v10 =	vld.idx.msk [tilespmem:v12+s11+$0x0], $0xffff  }
0x81: {  	v11 =	vld.idx.msk [tilespmem:v13+s11+$0x0], $0xffff;
	v12 =	vadd.s32 s15, v9  }
0x82: {  	v13 =	vadd.s32 s14, v2;
	_ =	sdelay $0x2  }
0x83: {  	[tilespmem:s24+$0x190] =	vst v10  }
0x84: {  	[tilespmem:s20+$0x100] =	vst v11;
	v10 =	vld.idx.msk [tilespmem:v12+s11+$0x0], $0xffff  }
0x85: {  	s16 =	simm.s32 $0x90;
	v11 =	vld.idx.msk [tilespmem:v13+s11+$0x0], $0xffff;
	v12 =	vadd.s32 s15, v8  }
0x86: {  	v13 =	vadd.s32 s16, v9;
	_ =	sdelay $0x2  }
0x87: {  	[tilespmem:s24+$0xFFFFFE20] =	vst v10  }
0x88: {  	[tilespmem:s20+$0x180] =	vst v11;
	v10 =	vld.idx.msk [tilespmem:v12+s11+$0x0], $0xffff  }
0x89: {  	v11 =	vld.idx.msk [tilespmem:v13+s11+$0x0], $0xffff;
	v12 =	vadd.s32 s15, v7  }
0x8a: {  	s19 =	simm.s32 $0x100;
	v13 =	vadd.s32 s16, v8  }
0x8b: {  	v14 =	vadd.s32 s19, v9;
	_ =	sdelay $0x1  }
0x8c: {  	[tilespmem:s24+$0xFFFFFEA0] =	vst v10  }
0x8d: {  	[tilespmem:s20+$0xFFFFFE10] =	vst v11;
	v10 =	vld.idx.msk [tilespmem:v12+s11+$0x0], $0xffff  }
0x8e: {  	v11 =	vld.idx.msk [tilespmem:v13+s11+$0x0], $0xffff;
	v12 =	vadd.s32 s15, v6  }
0x8f: {  	v13 =	vld.idx.msk [tilespmem:v14+s11+$0x0], $0xffff;
	v14 =	vadd.s32 s16, v7  }
0x90: {  	v15 =	vadd.s32 s19, v8;
	_ =	sdelay $0x1  }
0x91: {  	[tilespmem:s24+$0xFFFFFF20] =	vst v10  }
0x92: {  	s18 =	simm.s32 $0x3580;
	[tilespmem:s20+$0xFFFFFE90] =	vst v11;
	v10 =	vld.idx.msk [tilespmem:v12+s11+$0x0], $0xffff  }
0x93: {  	[tilespmem:s18+$0xFFFFFE00] =	vst v13;
	v11 =	vld.idx.msk [tilespmem:v14+s11+$0x0], $0xffff;
	v12 =	vadd.s32 s15, v5  }
0x94: {  	v13 =	vld.idx.msk [tilespmem:v15+s11+$0x0], $0xffff;
	v14 =	vadd.s32 s16, v6  }
0x95: {  	v15 =	vadd.s32 s19, v7;
	_ =	sdelay $0x1  }
0x96: {  	[tilespmem:s24+$0xFFFFFFA0] =	vst v10  }
0x97: {  	[tilespmem:s20+$0xFFFFFF10] =	vst v11;
	v10 =	vld.idx.msk [tilespmem:v12+s11+$0x0], $0xffff  }
0x98: {  	[tilespmem:s18+$0xFFFFFE80] =	vst v13;
	v11 =	vld.idx.msk [tilespmem:v14+s11+$0x0], $0xffff;
	v12 =	vadd.s32 s15, v4  }
0x99: {  	v13 =	vld.idx.msk [tilespmem:v15+s11+$0x0], $0xffff;
	v14 =	vadd.s32 s16, v5  }
0x9a: {  	v15 =	vadd.s32 s19, v6;
	_ =	sdelay $0x1  }
0x9b: {  	[tilespmem:s24+$0x20] =	vst v10  }
0x9c: {  	[tilespmem:s20+$0xFFFFFF90] =	vst v11;
	v10 =	vld.idx.msk [tilespmem:v12+s11+$0x0], $0xffff  }
0x9d: {  	[tilespmem:s18+$0xFFFFFF00] =	vst v13;
	v11 =	vld.idx.msk [tilespmem:v14+s11+$0x0], $0xffff;
	v12 =	vadd.s32 s15, v3  }
0x9e: {  	v13 =	vld.idx.msk [tilespmem:v15+s11+$0x0], $0xffff;
	v14 =	vadd.s32 s16, v4  }
0x9f: {  	v15 =	vadd.s32 s19, v5;
	_ =	sdelay $0x1  }
0xa0: {  	[tilespmem:s24+$0xA0] =	vst v10  }
0xa1: {  	[tilespmem:s20+$0x10] =	vst v11;
	v10 =	vld.idx.msk [tilespmem:v12+s11+$0x0], $0xffff  }
0xa2: {  	[tilespmem:s18+$0xFFFFFF80] =	vst v13;
	v11 =	vld.idx.msk [tilespmem:v14+s11+$0x0], $0xffff;
	v12 =	vadd.s32 s15, v2  }
0xa3: {  	v13 =	vld.idx.msk [tilespmem:v15+s11+$0x0], $0xffff;
	v14 =	vadd.s32 s16, v3  }
0xa4: {  	v15 =	vadd.s32 s19, v4;
	_ =	sdelay $0x1  }
0xa5: {  	[tilespmem:s24+$0x120] =	vst v10  }
0xa6: {  	s21 =	simm.s32 $0x30;
	[tilespmem:s20+$0x90] =	vst v11;
	v10 =	vld.idx.msk [tilespmem:v12+s11+$0x0], $0xffff  }
0xa7: {  	[tilespmem:s18+$0x0] =	vst v13;
	v11 =	vld.idx.msk [tilespmem:v14+s11+$0x0], $0xffff;
	v12 =	vadd.s32 s21, v9  }
0xa8: {  	v13 =	vld.idx.msk [tilespmem:v15+s11+$0x0], $0xffff;
	v14 =	vadd.s32 s16, v2  }
0xa9: {  	v15 =	vadd.s32 s19, v3;
	_ =	sdelay $0x1  }
0xaa: {  	[tilespmem:s24+$0x1A0] =	vst v10  }
0xab: {  	[tilespmem:s20+$0x110] =	vst v11;
	v10 =	vld.idx.msk [tilespmem:v12+s11+$0x0], $0xffff  }
0xac: {  	s5 =	simm.s32 $0xA0;
	[tilespmem:s18+$0x80] =	vst v13;
	v11 =	vld.idx.msk [tilespmem:v14+s11+$0x0], $0xffff;
	v12 =	vadd.s32 s21, v8  }
0xad: {  	v13 =	vld.idx.msk [tilespmem:v15+s11+$0x0], $0xffff;
	v14 =	vadd.s32 s5, v9  }
0xae: {  	v15 =	vadd.s32 s19, v2;
	_ =	sdelay $0x1  }
0xaf: {  	[tilespmem:s24+$0xFFFFFE30] =	vst v10  }
0xb0: {  	[tilespmem:s20+$0x190] =	vst v11;
	v10 =	vld.idx.msk [tilespmem:v12+s11+$0x0], $0xffff  }
0xb1: {  	[tilespmem:s18+$0x100] =	vst v13;
	v11 =	vld.idx.msk [tilespmem:v14+s11+$0x0], $0xffff;
	v12 =	vadd.s32 s21, v7  }
0xb2: {  	s22 =	simm.s32 $0x110;
	v13 =	vld.idx.msk [tilespmem:v15+s11+$0x0], $0xffff;
	v14 =	vadd.s32 s5, v8  }
0xb3: {  	v15 =	vadd.s32 s22, v9;
	_ =	sdelay $0x1  }
0xb4: {  	[tilespmem:s24+$0xFFFFFEB0] =	vst v10  }
0xb5: {  	[tilespmem:s20+$0xFFFFFE20] =	vst v11;
	v10 =	vld.idx.msk [tilespmem:v12+s11+$0x0], $0xffff  }
0xb6: {  	[tilespmem:s18+$0x180] =	vst v13;
	v11 =	vld.idx.msk [tilespmem:v14+s11+$0x0], $0xffff;
	v12 =	vadd.s32 s21, v6  }
0xb7: {  	v13 =	vld.idx.msk [tilespmem:v15+s11+$0x0], $0xffff;
	v14 =	vadd.s32 s5, v7  }
0xb8: {  	s23 =	simm.s32 $0x180;
	v15 =	vadd.s32 s22, v8  }
0xb9: {  	v16 =	vadd.s32 s23, v9  }
0xba: {  	[tilespmem:s24+$0xFFFFFF30] =	vst v10  }
0xbb: {  	[tilespmem:s20+$0xFFFFFEA0] =	vst v11;
	v10 =	vld.idx.msk [tilespmem:v12+s11+$0x0], $0xffff  }
0xbc: {  	[tilespmem:s18+$0xFFFFFE10] =	vst v13;
	v11 =	vld.idx.msk [tilespmem:v14+s11+$0x0], $0xffff;
	v12 =	vadd.s32 s21, v5  }
0xbd: {  	v13 =	vld.idx.msk [tilespmem:v15+s11+$0x0], $0xffff;
	v14 =	vadd.s32 s5, v6  }
0xbe: {  	v15 =	vld.idx.msk [tilespmem:v16+s11+$0x0], $0xffff;
	v16 =	vadd.s32 s22, v7  }
0xbf: {  	v17 =	vadd.s32 s23, v8  }
0xc0: {  	[tilespmem:s24+$0xFFFFFFB0] =	vst v10  }
0xc1: {  	[tilespmem:s20+$0xFFFFFF20] =	vst v11;
	v10 =	vld.idx.msk [tilespmem:v12+s11+$0x0], $0xffff  }
0xc2: {  	s19 =	simm.s32 $0x3980;
	[tilespmem:s18+$0xFFFFFE90] =	vst v13;
	v11 =	vld.idx.msk [tilespmem:v14+s11+$0x0], $0xffff;
	v12 =	vadd.s32 s21, v4  }
0xc3: {  	[tilespmem:s19+$0xFFFFFE00] =	vst v15;
	v13 =	vld.idx.msk [tilespmem:v16+s11+$0x0], $0xffff;
	v14 =	vadd.s32 s5, v5  }
0xc4: {  	v15 =	vld.idx.msk [tilespmem:v17+s11+$0x0], $0xffff;
	v16 =	vadd.s32 s22, v6  }
0xc5: {  	v17 =	vadd.s32 s23, v7  }
0xc6: {  	[tilespmem:s24+$0x30] =	vst v10  }
0xc7: {  	[tilespmem:s20+$0xFFFFFFA0] =	vst v11;
	v10 =	vld.idx.msk [tilespmem:v12+s11+$0x0], $0xffff  }
0xc8: {  	[tilespmem:s18+$0xFFFFFF10] =	vst v13;
	v11 =	vld.idx.msk [tilespmem:v14+s11+$0x0], $0xffff;
	v12 =	vadd.s32 s21, v3  }
0xc9: {  	[tilespmem:s19+$0xFFFFFE80] =	vst v15;
	v13 =	vld.idx.msk [tilespmem:v16+s11+$0x0], $0xffff;
	v14 =	vadd.s32 s5, v4  }
0xca: {  	v15 =	vld.idx.msk [tilespmem:v17+s11+$0x0], $0xffff;
	v16 =	vadd.s32 s22, v5  }
0xcb: {  	v17 =	vadd.s32 s23, v6  }
0xcc: {  	[tilespmem:s24+$0xB0] =	vst v10  }
0xcd: {  	[tilespmem:s20+$0x20] =	vst v11;
	v10 =	vld.idx.msk [tilespmem:v12+s11+$0x0], $0xffff  }
0xce: {  	[tilespmem:s18+$0xFFFFFF90] =	vst v13;
	v11 =	vld.idx.msk [tilespmem:v14+s11+$0x0], $0xffff;
	v12 =	vadd.s32 s21, v2  }
0xcf: {  	[tilespmem:s19+$0xFFFFFF00] =	vst v15;
	v13 =	vld.idx.msk [tilespmem:v16+s11+$0x0], $0xffff;
	v14 =	vadd.s32 s5, v3  }
0xd0: {  	v15 =	vld.idx.msk [tilespmem:v17+s11+$0x0], $0xffff;
	v16 =	vadd.s32 s22, v4  }
0xd1: {  	v17 =	vadd.s32 s23, v5  }
0xd2: {  	[tilespmem:s24+$0x130] =	vst v10  }
0xd3: {  	s25 =	simm.s32 $0x40;
	[tilespmem:s20+$0xA0] =	vst v11;
	v10 =	vld.idx.msk [tilespmem:v12+s11+$0x0], $0xffff  }
0xd4: {  	[tilespmem:s18+$0x10] =	vst v13;
	v11 =	vld.idx.msk [tilespmem:v14+s11+$0x0], $0xffff;
	v12 =	vadd.s32 s25, v9  }
0xd5: {  	[tilespmem:s19+$0xFFFFFF80] =	vst v15;
	v13 =	vld.idx.msk [tilespmem:v16+s11+$0x0], $0xffff;
	v14 =	vadd.s32 s5, v2  }
0xd6: {  	v15 =	vld.idx.msk [tilespmem:v17+s11+$0x0], $0xffff;
	v16 =	vadd.s32 s22, v3  }
0xd7: {  	v17 =	vadd.s32 s23, v4  }
0xd8: {  	[tilespmem:s24+$0x1B0] =	vst v10  }
0xd9: {  	[tilespmem:s20+$0x120] =	vst v11;
	v10 =	vld.idx.msk [tilespmem:v12+s11+$0x0], $0xffff  }
0xda: {  	s7 =	simm.s32 $0xB0;
	[tilespmem:s18+$0x90] =	vst v13;
	v11 =	vld.idx.msk [tilespmem:v14+s11+$0x0], $0xffff;
	v12 =	vadd.s32 s25, v8  }
0xdb: {  	[tilespmem:s19+$0x0] =	vst v15;
	v13 =	vld.idx.msk [tilespmem:v16+s11+$0x0], $0xffff;
	v14 =	vadd.s32 s7, v9  }
0xdc: {  	v15 =	vld.idx.msk [tilespmem:v17+s11+$0x0], $0xffff;
	v16 =	vadd.s32 s22, v2  }
0xdd: {  	v17 =	vadd.s32 s23, v3  }
0xde: {  	[tilespmem:s24+$0xFFFFFE40] =	vst v10  }
0xdf: {  	[tilespmem:s20+$0x1A0] =	vst v11;
	v10 =	vld.idx.msk [tilespmem:v12+s11+$0x0], $0xffff  }
0xe0: {  	[tilespmem:s18+$0x110] =	vst v13;
	v11 =	vld.idx.msk [tilespmem:v14+s11+$0x0], $0xffff;
	v12 =	vadd.s32 s25, v7  }
0xe1: {  	s26 =	simm.s32 $0x120;
	[tilespmem:s19+$0x80] =	vst v15;
	v13 =	vld.idx.msk [tilespmem:v16+s11+$0x0], $0xffff;
	v14 =	vadd.s32 s7, v8  }
0xe2: {  	v15 =	vld.idx.msk [tilespmem:v17+s11+$0x0], $0xffff;
	v16 =	vadd.s32 s26, v9  }
0xe3: {  	v17 =	vadd.s32 s23, v2  }
0xe4: {  	[tilespmem:s24+$0xFFFFFEC0] =	vst v10  }
0xe5: {  	[tilespmem:s20+$0xFFFFFE30] =	vst v11;
	v10 =	vld.idx.msk [tilespmem:v12+s11+$0x0], $0xffff  }
0xe6: {  	[tilespmem:s18+$0x190] =	vst v13;
	v11 =	vld.idx.msk [tilespmem:v14+s11+$0x0], $0xffff;
	v12 =	vadd.s32 s25, v6  }
0xe7: {  	[tilespmem:s19+$0x100] =	vst v15;
	v13 =	vld.idx.msk [tilespmem:v16+s11+$0x0], $0xffff;
	v14 =	vadd.s32 s7, v7  }
0xe8: {  	s3 =	simm.s32 $0x190;
	v15 =	vld.idx.msk [tilespmem:v17+s11+$0x0], $0xffff;
	v16 =	vadd.s32 s26, v8  }
0xe9: {  	v17 =	vadd.s32 s3, v9  }
0xea: {  	[tilespmem:s24+$0xFFFFFF40] =	vst v10  }
0xeb: {  	[tilespmem:s20+$0xFFFFFEB0] =	vst v11;
	v10 =	vld.idx.msk [tilespmem:v12+s11+$0x0], $0xffff  }
0xec: {  	[tilespmem:s18+$0xFFFFFE20] =	vst v13;
	v11 =	vld.idx.msk [tilespmem:v14+s11+$0x0], $0xffff;
	v12 =	vadd.s32 s25, v5  }
0xed: {  	[tilespmem:s19+$0x180] =	vst v15;
	v13 =	vld.idx.msk [tilespmem:v16+s11+$0x0], $0xffff;
	v14 =	vadd.s32 s7, v6  }
0xee: {  	v15 =	vld.idx.msk [tilespmem:v17+s11+$0x0], $0xffff;
	v16 =	vadd.s32 s26, v7  }
0xef: {  	s9 =	simm.s32 $0x200;
	v17 =	vadd.s32 s3, v8  }
0xf0: {  	v18 =	vadd.s32 s9, v9;
	[tilespmem:s24+$0xFFFFFFC0] =	vst v10  }
0xf1: {  	[tilespmem:s20+$0xFFFFFF30] =	vst v11;
	v10 =	vld.idx.msk [tilespmem:v12+s11+$0x0], $0xffff  }
0xf2: {  	[tilespmem:s18+$0xFFFFFEA0] =	vst v13;
	v11 =	vld.idx.msk [tilespmem:v14+s11+$0x0], $0xffff;
	v12 =	vadd.s32 s25, v4  }
0xf3: {  	[tilespmem:s19+$0xFFFFFE10] =	vst v15;
	v13 =	vld.idx.msk [tilespmem:v16+s11+$0x0], $0xffff;
	v14 =	vadd.s32 s7, v5  }
0xf4: {  	v15 =	vld.idx.msk [tilespmem:v17+s11+$0x0], $0xffff;
	v16 =	vadd.s32 s26, v6  }
0xf5: {  	v17 =	vld.idx.msk [tilespmem:v18+s11+$0x0], $0xffff;
	v18 =	vadd.s32 s3, v7  }
0xf6: {  	v19 =	vadd.s32 s9, v8;
	[tilespmem:s24+$0x40] =	vst v10  }
0xf7: {  	[tilespmem:s20+$0xFFFFFFB0] =	vst v11;
	v10 =	vld.idx.msk [tilespmem:v12+s11+$0x0], $0xffff  }
0xf8: {  	[tilespmem:s18+$0xFFFFFF20] =	vst v13;
	v11 =	vld.idx.msk [tilespmem:v14+s11+$0x0], $0xffff;
	v12 =	vadd.s32 s25, v3  }
0xf9: {  	s21 =	simm.s32 $0x3D80;
	[tilespmem:s19+$0xFFFFFE90] =	vst v15;
	v13 =	vld.idx.msk [tilespmem:v16+s11+$0x0], $0xffff;
	v14 =	vadd.s32 s7, v4  }
0xfa: {  	[tilespmem:s21+$0xFFFFFE00] =	vst v17;
	v15 =	vld.idx.msk [tilespmem:v18+s11+$0x0], $0xffff;
	v16 =	vadd.s32 s26, v5  }
0xfb: {  	v17 =	vld.idx.msk [tilespmem:v19+s11+$0x0], $0xffff;
	v18 =	vadd.s32 s3, v6  }
0xfc: {  	v19 =	vadd.s32 s9, v7;
	[tilespmem:s24+$0xC0] =	vst v10  }
0xfd: {  	[tilespmem:s20+$0x30] =	vst v11;
	v10 =	vld.idx.msk [tilespmem:v12+s11+$0x0], $0xffff  }
0xfe: {  	[tilespmem:s18+$0xFFFFFFA0] =	vst v13;
	v11 =	vld.idx.msk [tilespmem:v14+s11+$0x0], $0xffff;
	v12 =	vadd.s32 s25, v2  }
0xff: {  	[tilespmem:s19+$0xFFFFFF10] =	vst v15;
	v13 =	vld.idx.msk [tilespmem:v16+s11+$0x0], $0xffff;
	v14 =	vadd.s32 s7, v3  }
0x100: {  	[tilespmem:s21+$0xFFFFFE80] =	vst v17;
	v15 =	vld.idx.msk [tilespmem:v18+s11+$0x0], $0xffff;
	v16 =	vadd.s32 s26, v4  }
0x101: {  	v17 =	vld.idx.msk [tilespmem:v19+s11+$0x0], $0xffff;
	v18 =	vadd.s32 s3, v5  }
0x102: {  	v19 =	vadd.s32 s9, v6;
	[tilespmem:s24+$0x140] =	vst v10  }
0x103: {  	s14 =	simm.s32 $0x50;
	[tilespmem:s20+$0xB0] =	vst v11;
	v10 =	vld.idx.msk [tilespmem:v12+s11+$0x0], $0xffff  }
0x104: {  	[tilespmem:s18+$0x20] =	vst v13;
	v11 =	vld.idx.msk [tilespmem:v14+s11+$0x0], $0xffff;
	v12 =	vadd.s32 s14, v9  }
0x105: {  	[tilespmem:s19+$0xFFFFFF90] =	vst v15;
	v13 =	vld.idx.msk [tilespmem:v16+s11+$0x0], $0xffff;
	v14 =	vadd.s32 s7, v2  }
0x106: {  	[tilespmem:s21+$0xFFFFFF00] =	vst v17;
	v15 =	vld.idx.msk [tilespmem:v18+s11+$0x0], $0xffff;
	v16 =	vadd.s32 s26, v3  }
0x107: {  	v17 =	vld.idx.msk [tilespmem:v19+s11+$0x0], $0xffff;
	v18 =	vadd.s32 s3, v4  }
0x108: {  	v19 =	vadd.s32 s9, v5;
	[tilespmem:s24+$0x1C0] =	vst v10  }
0x109: {  	[tilespmem:s20+$0x130] =	vst v11;
	v10 =	vld.idx.msk [tilespmem:v12+s11+$0x0], $0xffff  }
0x10a: {  	s8 =	simm.s32 $0xC0;
	[tilespmem:s18+$0xA0] =	vst v13;
	v11 =	vld.idx.msk [tilespmem:v14+s11+$0x0], $0xffff;
	v12 =	vadd.s32 s14, v8  }
0x10b: {  	[tilespmem:s19+$0x10] =	vst v15;
	v13 =	vld.idx.msk [tilespmem:v16+s11+$0x0], $0xffff;
	v14 =	vadd.s32 s8, v9  }
0x10c: {  	[tilespmem:s21+$0xFFFFFF80] =	vst v17;
	v15 =	vld.idx.msk [tilespmem:v18+s11+$0x0], $0xffff;
	v16 =	vadd.s32 s26, v2  }
0x10d: {  	v17 =	vld.idx.msk [tilespmem:v19+s11+$0x0], $0xffff;
	v18 =	vadd.s32 s3, v3  }
0x10e: {  	v19 =	vadd.s32 s9, v4;
	[tilespmem:s24+$0xFFFFFE50] =	vst v10  }
0x10f: {  	[tilespmem:s20+$0x1B0] =	vst v11;
	v10 =	vld.idx.msk [tilespmem:v12+s11+$0x0], $0xffff  }
0x110: {  	[tilespmem:s18+$0x120] =	vst v13;
	v11 =	vld.idx.msk [tilespmem:v14+s11+$0x0], $0xffff;
	v12 =	vadd.s32 s14, v7  }
0x111: {  	s15 =	simm.s32 $0x130;
	[tilespmem:s19+$0x90] =	vst v15;
	v13 =	vld.idx.msk [tilespmem:v16+s11+$0x0], $0xffff;
	v14 =	vadd.s32 s8, v8  }
0x112: {  	[tilespmem:s21+$0x0] =	vst v17;
	v15 =	vld.idx.msk [tilespmem:v18+s11+$0x0], $0xffff;
	v16 =	vadd.s32 s15, v9  }
0x113: {  	v17 =	vld.idx.msk [tilespmem:v19+s11+$0x0], $0xffff;
	v18 =	vadd.s32 s3, v2  }
0x114: {  	v19 =	vadd.s32 s9, v3;
	[tilespmem:s24+$0xFFFFFED0] =	vst v10  }
0x115: {  	[tilespmem:s20+$0xFFFFFE40] =	vst v11;
	v10 =	vld.idx.msk [tilespmem:v12+s11+$0x0], $0xffff  }
0x116: {  	[tilespmem:s18+$0x1A0] =	vst v13;
	v11 =	vld.idx.msk [tilespmem:v14+s11+$0x0], $0xffff;
	v12 =	vadd.s32 s14, v6  }
0x117: {  	[tilespmem:s19+$0x110] =	vst v15;
	v13 =	vld.idx.msk [tilespmem:v16+s11+$0x0], $0xffff;
	v14 =	vadd.s32 s8, v7  }
0x118: {  	s16 =	simm.s32 $0x1A0;
	[tilespmem:s21+$0x80] =	vst v17;
	v15 =	vld.idx.msk [tilespmem:v18+s11+$0x0], $0xffff;
	v16 =	vadd.s32 s15, v8  }
0x119: {  	v17 =	vld.idx.msk [tilespmem:v19+s11+$0x0], $0xffff;
	v18 =	vadd.s32 s16, v9  }
0x11a: {  	v19 =	vadd.s32 s9, v2;
	[tilespmem:s24+$0xFFFFFF50] =	vst v10  }
0x11b: {  	[tilespmem:s20+$0xFFFFFEC0] =	vst v11;
	v10 =	vld.idx.msk [tilespmem:v12+s11+$0x0], $0xffff  }
0x11c: {  	[tilespmem:s18+$0xFFFFFE30] =	vst v13;
	v11 =	vld.idx.msk [tilespmem:v14+s11+$0x0], $0xffff;
	v12 =	vadd.s32 s14, v5  }
0x11d: {  	[tilespmem:s19+$0x190] =	vst v15;
	v13 =	vld.idx.msk [tilespmem:v16+s11+$0x0], $0xffff;
	v14 =	vadd.s32 s8, v6  }
0x11e: {  	[tilespmem:s21+$0x100] =	vst v17;
	v15 =	vld.idx.msk [tilespmem:v18+s11+$0x0], $0xffff;
	v16 =	vadd.s32 s15, v7  }
0x11f: {  	s23 =	simm.s32 $0x210;
	v17 =	vld.idx.msk [tilespmem:v19+s11+$0x0], $0xffff;
	v18 =	vadd.s32 s16, v8  }
0x120: {  	v19 =	vadd.s32 s23, v9;
	[tilespmem:s24+$0xFFFFFFD0] =	vst v10  }
0x121: {  	[tilespmem:s20+$0xFFFFFF40] =	vst v11;
	v10 =	vld.idx.msk [tilespmem:v12+s11+$0x0], $0xffff  }
0x122: {  	[tilespmem:s18+$0xFFFFFEB0] =	vst v13;
	v11 =	vld.idx.msk [tilespmem:v14+s11+$0x0], $0xffff;
	v12 =	vadd.s32 s14, v4  }
0x123: {  	[tilespmem:s19+$0xFFFFFE20] =	vst v15;
	v13 =	vld.idx.msk [tilespmem:v16+s11+$0x0], $0xffff;
	v14 =	vadd.s32 s8, v5  }
0x124: {  	[tilespmem:s21+$0x180] =	vst v17;
	v15 =	vld.idx.msk [tilespmem:v18+s11+$0x0], $0xffff;
	v16 =	vadd.s32 s15, v6  }
0x125: {  	v17 =	vld.idx.msk [tilespmem:v19+s11+$0x0], $0xffff;
	v18 =	vadd.s32 s16, v7  }
0x126: {  	s25 =	simm.s32 $0x280;
	v19 =	vadd.s32 s23, v8;
	[tilespmem:s24+$0x50] =	vst v10  }
0x127: {  	v10 =	vadd.s32 s25, v9;
	[tilespmem:s20+$0xFFFFFFC0] =	vst v11;
	v11 =	vld.idx.msk [tilespmem:v12+s11+$0x0], $0xffff  }
0x128: {  	[tilespmem:s18+$0xFFFFFF30] =	vst v13;
	v13 =	vadd.s32 s14, v3;
	v12 =	vld.idx.msk [tilespmem:v14+s11+$0x0], $0xffff  }
0x129: {  	[tilespmem:s19+$0xFFFFFEA0] =	vst v15;
	v15 =	vadd.s32 s8, v4;
	v14 =	vld.idx.msk [tilespmem:v16+s11+$0x0], $0xffff  }
0x12a: {  	[tilespmem:s21+$0xFFFFFE10] =	vst v17;
	v17 =	vadd.s32 s15, v5;
	v16 =	vld.idx.msk [tilespmem:v18+s11+$0x0], $0xffff  }
0x12b: {  	v18 =	vld.idx.msk [tilespmem:v19+s11+$0x0], $0xffff;
	v19 =	vadd.s32 s16, v6  }
0x12c: {  	v20 =	vadd.s32 s23, v7;
	v10 =	vld.idx.msk [tilespmem:v10+s11+$0x0], $0xffff;
	[tilespmem:s24+$0xD0] =	vst v11  }
0x12d: {  	v11 =	vadd.s32 s25, v8;
	[tilespmem:s20+$0x40] =	vst v12;
	v12 =	vld.idx.msk [tilespmem:v13+s11+$0x0], $0xffff  }
0x12e: {  	[tilespmem:s18+$0xFFFFFFB0] =	vst v14;
	v14 =	vadd.s32 s14, v2;
	v13 =	vld.idx.msk [tilespmem:v15+s11+$0x0], $0xffff  }
0x12f: {  	[tilespmem:s19+$0xFFFFFF20] =	vst v16;
	v16 =	vadd.s32 s8, v3;
	v15 =	vld.idx.msk [tilespmem:v17+s11+$0x0], $0xffff  }
0x130: {  	s22 =	simm.s32 $0x4180;
	[tilespmem:s21+$0xFFFFFE90] =	vst v18;
	v18 =	vadd.s32 s15, v4;
	v17 =	vld.idx.msk [tilespmem:v19+s11+$0x0], $0xffff  }
0x131: {  	v19 =	vadd.s32 s16, v5;
	[tilespmem:s22+$0xFFFFFE00] =	vst v10;
	v10 =	vld.idx.msk [tilespmem:v20+s11+$0x0], $0xffff  }
0x132: {  	v20 =	vadd.s32 s23, v6;
	v11 =	vld.idx.msk [tilespmem:v11+s11+$0x0], $0xffff;
	[tilespmem:s24+$0x150] =	vst v12  }
0x133: {  	s26 =	simm.s32 $0x60;
	v12 =	vadd.s32 s25, v7;
	[tilespmem:s20+$0xC0] =	vst v13;
	v13 =	vld.idx.msk [tilespmem:v14+s11+$0x0], $0xffff  }
0x134: {  	[tilespmem:s18+$0x30] =	vst v15;
	v15 =	vadd.s32 s26, v9;
	v14 =	vld.idx.msk [tilespmem:v16+s11+$0x0], $0xffff  }
0x135: {  	[tilespmem:s19+$0xFFFFFFA0] =	vst v17;
	v17 =	vadd.s32 s8, v2;
	v16 =	vld.idx.msk [tilespmem:v18+s11+$0x0], $0xffff  }
0x136: {  	v18 =	vadd.s32 s15, v3;
	[tilespmem:s21+$0xFFFFFF10] =	vst v10;
	v10 =	vld.idx.msk [tilespmem:v19+s11+$0x0], $0xffff  }
0x137: {  	v19 =	vadd.s32 s16, v4;
	[tilespmem:s22+$0xFFFFFE80] =	vst v11;
	v11 =	vld.idx.msk [tilespmem:v20+s11+$0x0], $0xffff  }
0x138: {  	v20 =	vadd.s32 s23, v5;
	v12 =	vld.idx.msk [tilespmem:v12+s11+$0x0], $0xffff;
	[tilespmem:s24+$0x1D0] =	vst v13  }
0x139: {  	v13 =	vadd.s32 s25, v6;
	[tilespmem:s20+$0x140] =	vst v14;
	v14 =	vld.idx.msk [tilespmem:v15+s11+$0x0], $0xffff  }
0x13a: {  	s9 =	simm.s32 $0xD0;
	[tilespmem:s18+$0xB0] =	vst v16;
	v16 =	vadd.s32 s26, v8;
	v15 =	vld.idx.msk [tilespmem:v17+s11+$0x0], $0xffff  }
0x13b: {  	v17 =	vadd.s32 s9, v9;
	[tilespmem:s19+$0x20] =	vst v10;
	v10 =	vld.idx.msk [tilespmem:v18+s11+$0x0], $0xffff  }
0x13c: {  	v18 =	vadd.s32 s15, v2;
	[tilespmem:s21+$0xFFFFFF90] =	vst v11;
	v11 =	vld.idx.msk [tilespmem:v19+s11+$0x0], $0xffff  }
0x13d: {  	v19 =	vadd.s32 s16, v3;
	[tilespmem:s22+$0xFFFFFF00] =	vst v12;
	v12 =	vld.idx.msk [tilespmem:v20+s11+$0x0], $0xffff  }
0x13e: {  	v20 =	vadd.s32 s23, v4;
	v13 =	vld.idx.msk [tilespmem:v13+s11+$0x0], $0xffff;
	[tilespmem:s24+$0xFFFFFE60] =	vst v14  }
0x13f: {  	v14 =	vadd.s32 s25, v5;
	[tilespmem:s20+$0x1C0] =	vst v15;
	v15 =	vld.idx.msk [tilespmem:v16+s11+$0x0], $0xffff  }
0x140: {  	[tilespmem:s18+$0x130] =	vst v10;
	v10 =	vld.idx.msk [tilespmem:v17+s11+$0x0], $0xffff;
	v16 =	vadd.s32 s26, v7  }
0x141: {  	s4 =	simm.s32 $0x140;
	v17 =	vadd.s32 s9, v8;
	[tilespmem:s19+$0xA0] =	vst v11;
	v11 =	vld.idx.msk [tilespmem:v18+s11+$0x0], $0xffff  }
0x142: {  	v18 =	vadd.s32 s4, v9;
	[tilespmem:s21+$0x10] =	vst v12;
	v12 =	vld.idx.msk [tilespmem:v19+s11+$0x0], $0xffff  }
0x143: {  	v19 =	vadd.s32 s16, v2;
	[tilespmem:s22+$0xFFFFFF80] =	vst v13;
	v13 =	vld.idx.msk [tilespmem:v20+s11+$0x0], $0xffff  }
0x144: {  	v20 =	vadd.s32 s23, v3;
	v14 =	vld.idx.msk [tilespmem:v14+s11+$0x0], $0xffff;
	[tilespmem:s24+$0xFFFFFEE0] =	vst v15  }
0x145: {  	v15 =	vadd.s32 s25, v4;
	[tilespmem:s20+$0xFFFFFE50] =	vst v10;
	v10 =	vld.idx.msk [tilespmem:v16+s11+$0x0], $0xffff  }
0x146: {  	[tilespmem:s18+$0x1B0] =	vst v11;
	v11 =	vld.idx.msk [tilespmem:v17+s11+$0x0], $0xffff;
	v16 =	vadd.s32 s26, v6  }
0x147: {  	v17 =	vadd.s32 s9, v7;
	[tilespmem:s19+$0x120] =	vst v12;
	v12 =	vld.idx.msk [tilespmem:v18+s11+$0x0], $0xffff  }
0x148: {  	s8 =	simm.s32 $0x1B0;
	v18 =	vadd.s32 s4, v8;
	[tilespmem:s21+$0x90] =	vst v13;
	v13 =	vld.idx.msk [tilespmem:v19+s11+$0x0], $0xffff  }
0x149: {  	v19 =	vadd.s32 s8, v9;
	[tilespmem:s22+$0x0] =	vst v14;
	v14 =	vld.idx.msk [tilespmem:v20+s11+$0x0], $0xffff  }
0x14a: {  	v20 =	vadd.s32 s23, v2;
	v15 =	vld.idx.msk [tilespmem:v15+s11+$0x0], $0xffff;
	[tilespmem:s24+$0xFFFFFF60] =	vst v10  }
0x14b: {  	v10 =	vadd.s32 s25, v3;
	[tilespmem:s20+$0xFFFFFED0] =	vst v11;
	v11 =	vld.idx.msk [tilespmem:v16+s11+$0x0], $0xffff  }
0x14c: {  	[tilespmem:s18+$0xFFFFFE40] =	vst v12;
	v12 =	vld.idx.msk [tilespmem:v17+s11+$0x0], $0xffff;
	v16 =	vadd.s32 s26, v5  }
0x14d: {  	v17 =	vadd.s32 s9, v6;
	[tilespmem:s19+$0x1A0] =	vst v13;
	v13 =	vld.idx.msk [tilespmem:v18+s11+$0x0], $0xffff  }
0x14e: {  	v18 =	vadd.s32 s4, v7;
	[tilespmem:s21+$0x110] =	vst v14;
	v14 =	vld.idx.msk [tilespmem:v19+s11+$0x0], $0xffff  }
0x14f: {  	s14 =	simm.s32 $0x220;
	v19 =	vadd.s32 s8, v8;
	[tilespmem:s22+$0x80] =	vst v15;
	v15 =	vld.idx.msk [tilespmem:v20+s11+$0x0], $0xffff  }
0x150: {  	v20 =	vadd.s32 s14, v9;
	v10 =	vld.idx.msk [tilespmem:v10+s11+$0x0], $0xffff;
	[tilespmem:s24+$0xFFFFFFE0] =	vst v11  }
0x151: {  	v11 =	vadd.s32 s25, v2;
	[tilespmem:s20+$0xFFFFFF50] =	vst v12;
	v12 =	vld.idx.msk [tilespmem:v16+s11+$0x0], $0xffff  }
0x152: {  	[tilespmem:s18+$0xFFFFFEC0] =	vst v13;
	v13 =	vld.idx.msk [tilespmem:v17+s11+$0x0], $0xffff;
	v16 =	vadd.s32 s26, v4  }
0x153: {  	v17 =	vadd.s32 s9, v5;
	[tilespmem:s19+$0xFFFFFE30] =	vst v14;
	v14 =	vld.idx.msk [tilespmem:v18+s11+$0x0], $0xffff  }
0x154: {  	v18 =	vadd.s32 s4, v6;
	[tilespmem:s21+$0x190] =	vst v15;
	v15 =	vld.idx.msk [tilespmem:v19+s11+$0x0], $0xffff  }
0x155: {  	v19 =	vadd.s32 s8, v7;
	[tilespmem:s22+$0x100] =	vst v10;
	v10 =	vld.idx.msk [tilespmem:v20+s11+$0x0], $0xffff  }
0x156: {  	s16 =	simm.s32 $0x290;
	v20 =	vadd.s32 s14, v8;
	v11 =	vld.idx.msk [tilespmem:v11+s11+$0x0], $0xffff;
	[tilespmem:s24+$0x60] =	vst v12  }
0x157: {  	v12 =	vadd.s32 s16, v9;
	[tilespmem:s20+$0xFFFFFFD0] =	vst v13;
	v13 =	vld.idx.msk [tilespmem:v16+s11+$0x0], $0xffff  }
0x158: {  	[tilespmem:s18+$0xFFFFFF40] =	vst v14;
	v14 =	vld.idx.msk [tilespmem:v17+s11+$0x0], $0xffff;
	v16 =	vadd.s32 s26, v3  }
0x159: {  	v17 =	vadd.s32 s9, v4;
	[tilespmem:s19+$0xFFFFFEB0] =	vst v15;
	v15 =	vld.idx.msk [tilespmem:v18+s11+$0x0], $0xffff  }
0x15a: {  	v18 =	vadd.s32 s4, v5;
	[tilespmem:s21+$0xFFFFFE20] =	vst v10;
	v10 =	vld.idx.msk [tilespmem:v19+s11+$0x0], $0xffff  }
0x15b: {  	v19 =	vadd.s32 s8, v6;
	[tilespmem:s22+$0x180] =	vst v11;
	v11 =	vld.idx.msk [tilespmem:v20+s11+$0x0], $0xffff  }
0x15c: {  	v20 =	vadd.s32 s14, v7;
	v12 =	vld.idx.msk [tilespmem:v12+s11+$0x0], $0xffff;
	[tilespmem:s24+$0xE0] =	vst v13  }
0x15d: {  	s25 =	simm.s32 $0x300;
	v13 =	vadd.s32 s16, v8;
	[tilespmem:s20+$0x50] =	vst v14;
	v14 =	vld.idx.msk [tilespmem:v16+s11+$0x0], $0xffff  }
0x15e: {  	v16 =	vadd.s32 s25, v9;
	[tilespmem:s18+$0xFFFFFFC0] =	vst v15;
	v15 =	vld.idx.msk [tilespmem:v17+s11+$0x0], $0xffff  }
0x15f: {  	v17 =	vadd.s32 s26, v2;
	[tilespmem:s19+$0xFFFFFF30] =	vst v10;
	v10 =	vld.idx.msk [tilespmem:v18+s11+$0x0], $0xffff  }
0x160: {  	v18 =	vadd.s32 s9, v3;
	[tilespmem:s21+$0xFFFFFEA0] =	vst v11;
	v11 =	vld.idx.msk [tilespmem:v19+s11+$0x0], $0xffff  }
0x161: {  	v19 =	vadd.s32 s4, v4;
	[tilespmem:s22+$0xFFFFFE10] =	vst v12;
	v12 =	vld.idx.msk [tilespmem:v20+s11+$0x0], $0xffff  }
0x162: {  	v20 =	vadd.s32 s8, v5;
	v13 =	vld.idx.msk [tilespmem:v13+s11+$0x0], $0xffff  }
0x163: {  	v21 =	vadd.s32 s14, v6;
	v16 =	vld.idx.msk [tilespmem:v16+s11+$0x0], $0xffff;
	[tilespmem:s24+$0x160] =	vst v14  }
0x164: {  	v14 =	vadd.s32 s16, v7;
	[tilespmem:s20+$0xD0] =	vst v15;
	v15 =	vld.idx.msk [tilespmem:v17+s11+$0x0], $0xffff  }
0x165: {  	s26 =	simm.s32 $0x70;
	v17 =	vadd.s32 s25, v8;
	[tilespmem:s18+$0x40] =	vst v10;
	v10 =	vld.idx.msk [tilespmem:v18+s11+$0x0], $0xffff  }
0x166: {  	v18 =	vadd.s32 s26, v9;
	[tilespmem:s19+$0xFFFFFFB0] =	vst v11;
	v11 =	vld.idx.msk [tilespmem:v19+s11+$0x0], $0xffff  }
0x167: {  	v19 =	vadd.s32 s9, v2;
	[tilespmem:s21+$0xFFFFFF20] =	vst v12;
	v12 =	vld.idx.msk [tilespmem:v20+s11+$0x0], $0xffff  }
0x168: {  	s23 =	simm.s32 $0x4580;
	v20 =	vadd.s32 s4, v3;
	[tilespmem:s22+$0xFFFFFE90] =	vst v13;
	v13 =	vld.idx.msk [tilespmem:v21+s11+$0x0], $0xffff  }
0x169: {  	[tilespmem:s23+$0xFFFFFE00] =	vst v16;
	v14 =	vld.idx.msk [tilespmem:v14+s11+$0x0], $0xffff;
	v16 =	vadd.s32 s8, v4  }
0x16a: {  	v21 =	vadd.s32 s14, v5;
	v17 =	vld.idx.msk [tilespmem:v17+s11+$0x0], $0xffff;
	[tilespmem:s24+$0x1E0] =	vst v15  }
0x16b: {  	v15 =	vadd.s32 s16, v6;
	[tilespmem:s20+$0x150] =	vst v10;
	v10 =	vld.idx.msk [tilespmem:v18+s11+$0x0], $0xffff  }
0x16c: {  	v18 =	vadd.s32 s25, v7;
	[tilespmem:s18+$0xC0] =	vst v11;
	v11 =	vld.idx.msk [tilespmem:v19+s11+$0x0], $0xffff  }
0x16d: {  	s15 =	simm.s32 $0xE0;
	v19 =	vadd.s32 s26, v8;
	[tilespmem:s19+$0x30] =	vst v12;
	v12 =	vld.idx.msk [tilespmem:v20+s11+$0x0], $0xffff  }
0x16e: {  	[tilespmem:s21+$0xFFFFFFA0] =	vst v13;
	v13 =	vld.idx.msk [tilespmem:v16+s11+$0x0], $0xffff;
	v16 =	vadd.s32 s15, v9  }
0x16f: {  	v20 =	vadd.s32 s4, v2;
	[tilespmem:s22+$0xFFFFFF10] =	vst v14;
	v14 =	vld.idx.msk [tilespmem:v21+s11+$0x0], $0xffff  }
0x170: {  	[tilespmem:s23+$0xFFFFFE80] =	vst v17;
	v15 =	vld.idx.msk [tilespmem:v15+s11+$0x0], $0xffff;
	v17 =	vadd.s32 s8, v3  }
0x171: {  	v21 =	vadd.s32 s14, v4;
	v18 =	vld.idx.msk [tilespmem:v18+s11+$0x0], $0xffff;
	[tilespmem:s24+$0xFFFFFE70] =	vst v10  }
0x172: {  	v10 =	vadd.s32 s16, v5;
	[tilespmem:s20+$0x1D0] =	vst v11;
	v11 =	vld.idx.msk [tilespmem:v19+s11+$0x0], $0xffff  }
0x173: {  	v19 =	vadd.s32 s25, v6;
	[tilespmem:s18+$0x140] =	vst v12;
	v12 =	vld.idx.msk [tilespmem:v16+s11+$0x0], $0xffff  }
0x174: {  	[tilespmem:s19+$0xB0] =	vst v13;
	v13 =	vld.idx.msk [tilespmem:v20+s11+$0x0], $0xffff;
	v16 =	vadd.s32 s26, v7  }
0x175: {  	s4 =	simm.s32 $0x150;
	[tilespmem:s21+$0x20] =	vst v14;
	v14 =	vld.idx.msk [tilespmem:v17+s11+$0x0], $0xffff;
	v17 =	vadd.s32 s15, v8  }
0x176: {  	v20 =	vadd.s32 s4, v9;
	[tilespmem:s22+$0xFFFFFF90] =	vst v15;
	v15 =	vld.idx.msk [tilespmem:v21+s11+$0x0], $0xffff  }
0x177: {  	[tilespmem:s23+$0xFFFFFF00] =	vst v18;
	v10 =	vld.idx.msk [tilespmem:v10+s11+$0x0], $0xffff;
	v18 =	vadd.s32 s8, v2  }
0x178: {  	v21 =	vadd.s32 s14, v3;
	v19 =	vld.idx.msk [tilespmem:v19+s11+$0x0], $0xffff;
	[tilespmem:s24+$0xFFFFFEF0] =	vst v11  }
0x179: {  	v11 =	vadd.s32 s16, v4;
	[tilespmem:s20+$0xFFFFFE60] =	vst v12;
	v12 =	vld.idx.msk [tilespmem:v16+s11+$0x0], $0xffff  }
0x17a: {  	v16 =	vadd.s32 s25, v5;
	[tilespmem:s18+$0x1C0] =	vst v13;
	v13 =	vld.idx.msk [tilespmem:v17+s11+$0x0], $0xffff  }
0x17b: {  	[tilespmem:s19+$0x130] =	vst v14;
	v14 =	vld.idx.msk [tilespmem:v20+s11+$0x0], $0xffff;
	v17 =	vadd.s32 s26, v6  }
0x17c: {  	[tilespmem:s21+$0xA0] =	vst v15;
	v15 =	vld.idx.msk [tilespmem:v18+s11+$0x0], $0xffff;
	v18 =	vadd.s32 s15, v7  }
0x17d: {  	s5 =	simm.s32 $0x1C0;
	v20 =	vadd.s32 s4, v8;
	[tilespmem:s22+$0x10] =	vst v10;
	v10 =	vld.idx.msk [tilespmem:v21+s11+$0x0], $0xffff  }
0x17e: {  	[tilespmem:s23+$0xFFFFFF80] =	vst v19;
	v11 =	vld.idx.msk [tilespmem:v11+s11+$0x0], $0xffff;
	v19 =	vadd.s32 s5, v9  }
0x17f: {  	v21 =	vadd.s32 s14, v2;
	v16 =	vld.idx.msk [tilespmem:v16+s11+$0x0], $0xffff;
	[tilespmem:s24+$0xFFFFFF70] =	vst v12  }
0x180: {  	v12 =	vadd.s32 s16, v3;
	[tilespmem:s20+$0xFFFFFEE0] =	vst v13;
	v13 =	vld.idx.msk [tilespmem:v17+s11+$0x0], $0xffff  }
0x181: {  	v17 =	vadd.s32 s25, v4;
	[tilespmem:s18+$0xFFFFFE50] =	vst v14;
	v14 =	vld.idx.msk [tilespmem:v18+s11+$0x0], $0xffff  }
0x182: {  	[tilespmem:s19+$0x1B0] =	vst v15;
	v15 =	vld.idx.msk [tilespmem:v20+s11+$0x0], $0xffff;
	v18 =	vadd.s32 s26, v5  }
0x183: {  	[tilespmem:s21+$0x120] =	vst v10;
	v10 =	vld.idx.msk [tilespmem:v19+s11+$0x0], $0xffff;
	v19 =	vadd.s32 s15, v6  }
0x184: {  	v20 =	vadd.s32 s4, v7;
	[tilespmem:s22+$0x90] =	vst v11;
	v11 =	vld.idx.msk [tilespmem:v21+s11+$0x0], $0xffff  }
0x185: {  	s7 =	simm.s32 $0x230;
	[tilespmem:s23+$0x0] =	vst v16;
	v12 =	vld.idx.msk [tilespmem:v12+s11+$0x0], $0xffff;
	v16 =	vadd.s32 s5, v8  }
0x186: {  	v21 =	vadd.s32 s7, v9;
	v17 =	vld.idx.msk [tilespmem:v17+s11+$0x0], $0xffff;
	[tilespmem:s24+$0xFFFFFFF0] =	vst v13  }
0x187: {  	v13 =	vadd.s32 s16, v2;
	[tilespmem:s20+$0xFFFFFF60] =	vst v14;
	v14 =	vld.idx.msk [tilespmem:v18+s11+$0x0], $0xffff  }
0x188: {  	v18 =	vadd.s32 s25, v3;
	[tilespmem:s18+$0xFFFFFED0] =	vst v15;
	v15 =	vld.idx.msk [tilespmem:v19+s11+$0x0], $0xffff  }
0x189: {  	[tilespmem:s19+$0xFFFFFE40] =	vst v10;
	v10 =	vld.idx.msk [tilespmem:v20+s11+$0x0], $0xffff;
	v19 =	vadd.s32 s26, v4  }
0x18a: {  	[tilespmem:s21+$0x1A0] =	vst v11;
	v11 =	vld.idx.msk [tilespmem:v16+s11+$0x0], $0xffff;
	v16 =	vadd.s32 s15, v5  }
0x18b: {  	v20 =	vadd.s32 s4, v6;
	[tilespmem:s22+$0x110] =	vst v12;
	v12 =	vld.idx.msk [tilespmem:v21+s11+$0x0], $0xffff  }
0x18c: {  	[tilespmem:s23+$0x80] =	vst v17;
	v13 =	vld.idx.msk [tilespmem:v13+s11+$0x0], $0xffff;
	v17 =	vadd.s32 s5, v7  }
0x18d: {  	s14 =	simm.s32 $0x2A0;
	v21 =	vadd.s32 s7, v8;
	v18 =	vld.idx.msk [tilespmem:v18+s11+$0x0], $0xffff;
	[tilespmem:s24+$0x70] =	vst v14  }
0x18e: {  	v14 =	vadd.s32 s14, v9;
	[tilespmem:s20+$0xFFFFFFE0] =	vst v15;
	v15 =	vld.idx.msk [tilespmem:v19+s11+$0x0], $0xffff  }
0x18f: {  	v19 =	vadd.s32 s25, v2;
	[tilespmem:s18+$0xFFFFFF50] =	vst v10;
	v10 =	vld.idx.msk [tilespmem:v16+s11+$0x0], $0xffff  }
0x190: {  	[tilespmem:s19+$0xFFFFFEC0] =	vst v11;
	v11 =	vld.idx.msk [tilespmem:v20+s11+$0x0], $0xffff;
	v16 =	vadd.s32 s26, v3  }
0x191: {  	[tilespmem:s21+$0xFFFFFE30] =	vst v12;
	v12 =	vld.idx.msk [tilespmem:v17+s11+$0x0], $0xffff;
	v17 =	vadd.s32 s15, v4  }
0x192: {  	v20 =	vadd.s32 s4, v5;
	[tilespmem:s22+$0x190] =	vst v13;
	v13 =	vld.idx.msk [tilespmem:v21+s11+$0x0], $0xffff  }
0x193: {  	[tilespmem:s23+$0x100] =	vst v18;
	v14 =	vld.idx.msk [tilespmem:v14+s11+$0x0], $0xffff;
	v18 =	vadd.s32 s5, v6  }
0x194: {  	v19 =	vld.idx.msk [tilespmem:v19+s11+$0x0], $0xffff;
	[tilespmem:s24+$0xF0] =	vst v15;
	v15 =	vadd.s32 s14, v8  }
0x195: {  	s9 =	simm.s32 $0x310;
	v21 =	vadd.s32 s7, v7;
	[tilespmem:s20+$0x60] =	vst v10;
	v16 =	vld.idx.msk [tilespmem:v16+s11+$0x0], $0xffff  }
0x196: {  	v22 =	vadd.s32 s9, v9;
	[tilespmem:s18+$0xFFFFFFD0] =	vst v11;
	v17 =	vld.idx.msk [tilespmem:v17+s11+$0x0], $0xffff  }
0x197: {  	v24 =	vadd.s32 s26, v2;
	[tilespmem:s19+$0xFFFFFF40] =	vst v12;
	v23 =	vld.idx.msk [tilespmem:v20+s11+$0x0], $0xffff  }
0x198: {  	v25 =	vadd.s32 s15, v3;
	v10 =	vld.idx.msk [tilespmem:v18+s11+$0x0], $0xffff;
	[tilespmem:s22+$0xFFFFFE20] =	vst v14  }
0x199: {  	[tilespmem:s21+$0xFFFFFEB0] =	vst v13;
	v12 =	vld.idx.msk [tilespmem:v15+s11+$0x0], $0xffff;
	v15 =	vadd.s32 s4, v4  }
0x19a: {  	s29 =	simm.s32 $0x1F0;
	v20 =	vadd.s32 s5, v5;
	v11 =	vld.idx.msk [tilespmem:v21+s11+$0x0], $0xffff;
	[tilespmem:s23+$0x180] =	vst v19  }
0x19b: {  	s31 =	simm.s32 $0x270;
	s28 =	simm.s32 $0x2F0;
	s30 =	simm.s32 $0x3F0;
	v18 =	vadd.s32 s7, v6;
	v13 =	vld.idx.msk [tilespmem:v22+s11+$0x0], $0xffff;
	[tilespmem:s24+$0x170] =	vst v16  }
0x19c: {  	s0 =	simm.s32 $0x170;
	s3 =	simm.s32 $0xF0;
	s8 =	simm.s32 $0x470;
	v16 =	vadd.s32 s14, v7;
	[tilespmem:s20+$0xE0] =	vst v17;
	v14 =	vld.idx.msk [tilespmem:v24+s11+$0x0], $0xffff  }
0x19d: {  	s16 =	simm.s32 $0x380;
	s25 =	sshll.u32 s17, $0x1;
	s26 =	simm.s32 $0x370;
	v19 =	vadd.s32 s9, v8;
	[tilespmem:s18+$0x50] =	vst v23;
	v17 =	vld.idx.msk [tilespmem:v25+s11+$0x0], $0xffff  }
.LBB2_5:
0x19e: {  	p1 =	sne.s32 s8, $0xFF0;
	v21 =	vadd.s32 s16, v9;
	[tilespmem:s19+$0xFFFFFFC0] =	vst v10;
	v10 =	vld.idx.msk [tilespmem:v15+s11+$0x0], $0xffff  }
0x19f: {  	v15 =	vadd.s32 s15, v2;
	[tilespmem:s21+$0xFFFFFF30] =	vst v11;
	v11 =	vld.idx.msk [tilespmem:v20+s11+$0x0], $0xffff  }
0x1a0: {  	[tilespmem:s22+$0xFFFFFEA0] =	vst v12;
	v12 =	vld.idx.msk [tilespmem:v18+s11+$0x0], $0xffff;
	v18 =	vadd.s32 s4, v3  }
0x1a1: {  	[tilespmem:s23+$0xFFFFFE10] =	vst v13;
	v13 =	vld.idx.msk [tilespmem:v16+s11+$0x0], $0xffff;
	v16 =	vadd.s32 s5, v4  }
0x1a2: {  	v20 =	vadd.s32 s7, v5;
	v19 =	vld.idx.msk [tilespmem:v19+s11+$0x0], $0xffff;
	[tilespmem:s24+$0x1F0] =	vst v14;
	s24 =	smov.u32 s20;
	s20 =	smov.u32 s18;
	s18 =	smov.u32 s19  }
0x1a3: {  	s19 =	smov.u32 s21;
	s21 =	smov.u32 s22;
	s22 =	smov.u32 s23;
	v14 =	vld.idx.msk [tilespmem:v21+s11+$0x0], $0xffff;
	v21 =	vadd.s32 s14, v6;
	[tilespmem:s24+$0x160] =	vst v17  }
0x1a4: {  	v17 =	vadd.s32 s9, v7;
	[tilespmem:s20+$0xD0] =	vst v10;
	v10 =	vld.idx.msk [tilespmem:v15+s11+$0x0], $0xffff  }
0x1a5: {  	v15 =	vadd.s32 s16, v8;
	[tilespmem:s18+$0x40] =	vst v11;
	v11 =	vld.idx.msk [tilespmem:v18+s11+$0x0], $0xffff  }
0x1a6: {  	[tilespmem:s19+$0xFFFFFFB0] =	vst v12;
	v12 =	vld.idx.msk [tilespmem:v16+s11+$0x0], $0xffff;
	v16 =	vadd.s32 s3, v9  }
0x1a7: {  	v18 =	vadd.s32 s4, v2;
	[tilespmem:s21+$0xFFFFFF20] =	vst v13;
	v13 =	vld.idx.msk [tilespmem:v20+s11+$0x0], $0xffff  }
0x1a8: {  	s23 =	sadd.s32 $0x400, s23;
	v20 =	vadd.s32 s5, v3;
	[tilespmem:s22+$0xFFFFFE90] =	vst v19;
	v19 =	vld.idx.msk [tilespmem:v21+s11+$0x0], $0xffff  }
0x1a9: {  	[tilespmem:s23+$0xFFFFFE00] =	vst v14;
	v14 =	vld.idx.msk [tilespmem:v17+s11+$0x0], $0xffff;
	v17 =	vadd.s32 s7, v4  }
0x1aa: {  	v21 =	vadd.s32 s14, v5;
	v15 =	vld.idx.msk [tilespmem:v15+s11+$0x0], $0xffff;
	[tilespmem:s24+$0x1E0] =	vst v10  }
0x1ab: {  	v10 =	vadd.s32 s9, v6;
	[tilespmem:s20+$0x150] =	vst v11;
	v11 =	vld.idx.msk [tilespmem:v16+s11+$0x0], $0xffff  }
0x1ac: {  	v16 =	vadd.s32 s16, v7;
	[tilespmem:s18+$0xC0] =	vst v12;
	v12 =	vld.idx.msk [tilespmem:v18+s11+$0x0], $0xffff  }
0x1ad: {  	s15 =	sadd.s32 $0xFFFFFFF0, s0;
	v18 =	vadd.s32 s3, v8;
	[tilespmem:s19+$0x30] =	vst v13;
	v13 =	vld.idx.msk [tilespmem:v20+s11+$0x0], $0xffff  }
0x1ae: {  	[tilespmem:s21+$0xFFFFFFA0] =	vst v19;
	v17 =	vld.idx.msk [tilespmem:v17+s11+$0x0], $0xffff;
	v19 =	vadd.s32 s15, v9  }
0x1af: {  	v20 =	vadd.s32 s5, v2;
	[tilespmem:s22+$0xFFFFFF10] =	vst v14;
	v14 =	vld.idx.msk [tilespmem:v21+s11+$0x0], $0xffff  }
0x1b0: {  	[tilespmem:s23+$0xFFFFFE80] =	vst v15;
	v10 =	vld.idx.msk [tilespmem:v10+s11+$0x0], $0xffff;
	v15 =	vadd.s32 s7, v3  }
0x1b1: {  	v21 =	vadd.s32 s14, v4;
	v16 =	vld.idx.msk [tilespmem:v16+s11+$0x0], $0xffff;
	[tilespmem:s24+$0xFFFFFE70] =	vst v11  }
0x1b2: {  	v11 =	vadd.s32 s9, v5;
	[tilespmem:s20+$0x1D0] =	vst v12;
	v12 =	vld.idx.msk [tilespmem:v18+s11+$0x0], $0xffff  }
0x1b3: {  	v18 =	vadd.s32 s16, v6;
	[tilespmem:s18+$0x140] =	vst v13;
	v13 =	vld.idx.msk [tilespmem:v19+s11+$0x0], $0xffff  }
0x1b4: {  	v19 =	vadd.s32 s3, v7;
	[tilespmem:s19+$0xB0] =	vst v17;
	v17 =	vld.idx.msk [tilespmem:v20+s11+$0x0], $0xffff  }
0x1b5: {  	s4 =	sadd.s32 $0xFFFFFFE0, s29;
	[tilespmem:s21+$0x20] =	vst v14;
	v14 =	vld.idx.msk [tilespmem:v15+s11+$0x0], $0xffff;
	v15 =	vadd.s32 s15, v8  }
0x1b6: {  	v20 =	vadd.s32 s4, v9;
	[tilespmem:s22+$0xFFFFFF90] =	vst v10;
	v10 =	vld.idx.msk [tilespmem:v21+s11+$0x0], $0xffff  }
0x1b7: {  	[tilespmem:s23+$0xFFFFFF00] =	vst v16;
	v11 =	vld.idx.msk [tilespmem:v11+s11+$0x0], $0xffff;
	v16 =	vadd.s32 s7, v2  }
0x1b8: {  	v21 =	vadd.s32 s14, v3;
	v18 =	vld.idx.msk [tilespmem:v18+s11+$0x0], $0xffff;
	[tilespmem:s24+$0xFFFFFEF0] =	vst v12  }
0x1b9: {  	v12 =	vadd.s32 s9, v4;
	[tilespmem:s20+$0xFFFFFE60] =	vst v13;
	v13 =	vld.idx.msk [tilespmem:v19+s11+$0x0], $0xffff  }
0x1ba: {  	v19 =	vadd.s32 s16, v5;
	[tilespmem:s18+$0x1C0] =	vst v17;
	v15 =	vld.idx.msk [tilespmem:v15+s11+$0x0], $0xffff  }
0x1bb: {  	v17 =	vadd.s32 s3, v6;
	[tilespmem:s19+$0x130] =	vst v14;
	v14 =	vld.idx.msk [tilespmem:v20+s11+$0x0], $0xffff  }
0x1bc: {  	[tilespmem:s21+$0xA0] =	vst v10;
	v10 =	vld.idx.msk [tilespmem:v16+s11+$0x0], $0xffff;
	v16 =	vadd.s32 s15, v7  }
0x1bd: {  	s5 =	sadd.s32 $0xFFFFFFD0, s31;
	v20 =	vadd.s32 s4, v8;
	[tilespmem:s22+$0x10] =	vst v11;
	v11 =	vld.idx.msk [tilespmem:v21+s11+$0x0], $0xffff  }
0x1be: {  	[tilespmem:s23+$0xFFFFFF80] =	vst v18;
	v12 =	vld.idx.msk [tilespmem:v12+s11+$0x0], $0xffff;
	v18 =	vadd.s32 s5, v9  }
0x1bf: {  	v21 =	vadd.s32 s14, v2;
	v19 =	vld.idx.msk [tilespmem:v19+s11+$0x0], $0xffff;
	[tilespmem:s24+$0xFFFFFF70] =	vst v13  }
0x1c0: {  	v13 =	vadd.s32 s9, v3;
	[tilespmem:s20+$0xFFFFFEE0] =	vst v15;
	v15 =	vld.idx.msk [tilespmem:v17+s11+$0x0], $0xffff  }
0x1c1: {  	v17 =	vadd.s32 s16, v4;
	[tilespmem:s18+$0xFFFFFE50] =	vst v14;
	v14 =	vld.idx.msk [tilespmem:v16+s11+$0x0], $0xffff  }
0x1c2: {  	v16 =	vadd.s32 s3, v5;
	[tilespmem:s19+$0x1B0] =	vst v10;
	v10 =	vld.idx.msk [tilespmem:v20+s11+$0x0], $0xffff  }
0x1c3: {  	[tilespmem:s21+$0x120] =	vst v11;
	v11 =	vld.idx.msk [tilespmem:v18+s11+$0x0], $0xffff;
	v18 =	vadd.s32 s15, v6  }
0x1c4: {  	v20 =	vadd.s32 s4, v7;
	[tilespmem:s22+$0x90] =	vst v12;
	v12 =	vld.idx.msk [tilespmem:v21+s11+$0x0], $0xffff  }
0x1c5: {  	s7 =	sadd.s32 $0xFFFFFFC0, s28;
	[tilespmem:s23+$0x0] =	vst v19;
	v13 =	vld.idx.msk [tilespmem:v13+s11+$0x0], $0xffff;
	v19 =	vadd.s32 s5, v8  }
0x1c6: {  	v21 =	vadd.s32 s7, v9;
	v17 =	vld.idx.msk [tilespmem:v17+s11+$0x0], $0xffff;
	[tilespmem:s24+$0xFFFFFFF0] =	vst v15  }
0x1c7: {  	v15 =	vadd.s32 s9, v2;
	[tilespmem:s20+$0xFFFFFF60] =	vst v14;
	v14 =	vld.idx.msk [tilespmem:v16+s11+$0x0], $0xffff  }
0x1c8: {  	v16 =	vadd.s32 s16, v3;
	[tilespmem:s18+$0xFFFFFED0] =	vst v10;
	v10 =	vld.idx.msk [tilespmem:v18+s11+$0x0], $0xffff  }
0x1c9: {  	v18 =	vadd.s32 s3, v4;
	[tilespmem:s19+$0xFFFFFE40] =	vst v11;
	v11 =	vld.idx.msk [tilespmem:v20+s11+$0x0], $0xffff  }
0x1ca: {  	[tilespmem:s21+$0x1A0] =	vst v12;
	v12 =	vld.idx.msk [tilespmem:v19+s11+$0x0], $0xffff;
	v19 =	vadd.s32 s15, v5  }
0x1cb: {  	v20 =	vadd.s32 s4, v6;
	[tilespmem:s22+$0x110] =	vst v13;
	v13 =	vld.idx.msk [tilespmem:v21+s11+$0x0], $0xffff  }
0x1cc: {  	[tilespmem:s23+$0x80] =	vst v17;
	v15 =	vld.idx.msk [tilespmem:v15+s11+$0x0], $0xffff;
	v17 =	vadd.s32 s5, v7  }
0x1cd: {  	s14 =	sadd.s32 $0xFFFFFFB0, s26;
	v21 =	vadd.s32 s7, v8;
	v16 =	vld.idx.msk [tilespmem:v16+s11+$0x0], $0xffff;
	[tilespmem:s24+$0x70] =	vst v14  }
0x1ce: {  	v14 =	vadd.s32 s14, v9;
	[tilespmem:s20+$0xFFFFFFE0] =	vst v10;
	v10 =	vld.idx.msk [tilespmem:v18+s11+$0x0], $0xffff  }
0x1cf: {  	v18 =	vadd.s32 s16, v2;
	[tilespmem:s18+$0xFFFFFF50] =	vst v11;
	v11 =	vld.idx.msk [tilespmem:v19+s11+$0x0], $0xffff  }
0x1d0: {  	v19 =	vadd.s32 s3, v3;
	[tilespmem:s19+$0xFFFFFEC0] =	vst v12;
	v12 =	vld.idx.msk [tilespmem:v20+s11+$0x0], $0xffff  }
0x1d1: {  	[tilespmem:s21+$0xFFFFFE30] =	vst v13;
	v13 =	vld.idx.msk [tilespmem:v17+s11+$0x0], $0xffff;
	v17 =	vadd.s32 s15, v4  }
0x1d2: {  	v20 =	vadd.s32 s4, v5;
	[tilespmem:s22+$0x190] =	vst v15;
	v15 =	vld.idx.msk [tilespmem:v21+s11+$0x0], $0xffff  }
0x1d3: {  	[tilespmem:s23+$0x100] =	vst v16;
	v14 =	vld.idx.msk [tilespmem:v14+s11+$0x0], $0xffff;
	v16 =	vadd.s32 s5, v6  }
0x1d4: {  	v21 =	vadd.s32 s7, v7;
	v18 =	vld.idx.msk [tilespmem:v18+s11+$0x0], $0xffff;
	[tilespmem:s24+$0xF0] =	vst v10  }
0x1d5: {  	v22 =	vadd.s32 s14, v8;
	s9 =	sadd.s32 $0xFFFFFFA0, s30;
	[tilespmem:s20+$0x60] =	vst v11;
	v19 =	vld.idx.msk [tilespmem:v19+s11+$0x0], $0xffff  }
0x1d6: {  	v23 =	vadd.s32 s9, v9;
	[tilespmem:s18+$0xFFFFFFD0] =	vst v12;
	v17 =	vld.idx.msk [tilespmem:v17+s11+$0x0], $0xffff  }
0x1d7: {  	v25 =	vadd.s32 s3, v2;
	s3 =	smov.u32 s0;
	s0 =	smov.u32 s29;
	s29 =	smov.u32 s31;
	[tilespmem:s19+$0xFFFFFF40] =	vst v13;
	v24 =	vld.idx.msk [tilespmem:v20+s11+$0x0], $0xffff  }
0x1d8: {  	v26 =	vadd.s32 s15, v3;
	s31 =	smov.u32 s28;
	s28 =	smov.u32 s26;
	s26 =	smov.u32 s30;
	[tilespmem:s21+$0xFFFFFEB0] =	vst v15;
	v10 =	vld.idx.msk [tilespmem:v16+s11+$0x0], $0xffff  }
.Ltmp1:
0x1d9: {  	s30 =	smov.u32 s8;
	v15 =	vadd.s32 s4, v4;
	[tilespmem:s22+$0xFFFFFE20] =	vst v14;
	v11 =	vld.idx.msk [tilespmem:v21+s11+$0x0], $0xffff;
	(pc) =	sbr.rel @p1 .LBB2_5-.Ltmp1, $4  }
0x1da: {  	v20 =	vadd.s32 s5, v5;
	[tilespmem:s23+$0x180] =	vst v18;
	v12 =	vld.idx.msk [tilespmem:v22+s11+$0x0], $0xffff  }
0x1db: {  	v18 =	vadd.s32 s7, v6;
	v13 =	vld.idx.msk [tilespmem:v23+s11+$0x0], $0xffff;
	[tilespmem:s24+$0x170] =	vst v19  }
0x1dc: {  	v16 =	vadd.s32 s14, v7;
	[tilespmem:s20+$0xE0] =	vst v17;
	v14 =	vld.idx.msk [tilespmem:v25+s11+$0x0], $0xffff  }
0x1dd: {  	s8 =	sadd.s32 $0x80, s8;
	s16 =	sadd.s32 $0xFFFFFF90, s30;
	v19 =	vadd.s32 s9, v8;
	[tilespmem:s18+$0x50] =	vst v24;
	v17 =	vld.idx.msk [tilespmem:v26+s11+$0x0], $0xffff  }
0x1de: {  	_ =	sdelay $0x1  }
0x1df: {  	v21 =	vadd.s32 s16, v9  }
0x1e0: {  	[tilespmem:s19+$0xFFFFFFC0] =	vst v10  }
0x1e1: {  	v10 =	vld.idx.msk [tilespmem:v15+s11+$0x0], $0xffff;
	[tilespmem:s21+$0xFFFFFF30] =	vst v11  }
0x1e2: {  	v15 =	vadd.s32 s15, v2;
	v11 =	vld.idx.msk [tilespmem:v20+s11+$0x0], $0xffff;
	[tilespmem:s22+$0xFFFFFEA0] =	vst v12  }
0x1e3: {  	v12 =	vld.idx.msk [tilespmem:v18+s11+$0x0], $0xffff;
	v18 =	vadd.s32 s4, v3;
	[tilespmem:s23+$0xFFFFFE10] =	vst v13  }
0x1e4: {  	v13 =	vadd.s32 s5, v4;
	[tilespmem:s24+$0x1F0] =	vst v14;
	v14 =	vld.idx.msk [tilespmem:v21+s11+$0x0], $0xffff  }
0x1e5: {  	v16 =	vld.idx.msk [tilespmem:v16+s11+$0x0], $0xffff;
	[tilespmem:s20+$0x160] =	vst v17;
	v17 =	vadd.s32 s16, v8  }
0x1e6: {  	v19 =	vld.idx.msk [tilespmem:v19+s11+$0x0], $0xffff  }
0x1e7: {  	v20 =	vadd.s32 s7, v5;
	[tilespmem:s18+$0xD0] =	vst v10;
	v15 =	vld.idx.msk [tilespmem:v15+s11+$0x0], $0xffff  }
0x1e8: {  	s24 =	sadd.s32 $0x400, s23;
	v21 =	vadd.s32 s9, v7;
	[tilespmem:s19+$0x40] =	vst v11;
	v18 =	vld.idx.msk [tilespmem:v18+s11+$0x0], $0xffff  }
0x1e9: {  	v10 =	vadd.s32 s14, v6;
	v11 =	vld.idx.msk [tilespmem:v13+s11+$0x0], $0xffff;
	[tilespmem:s24+$0xFFFFFE00] =	vst v14  }
0x1ea: {  	[tilespmem:s21+$0xFFFFFFB0] =	vst v12;
	v13 =	vadd.s32 s3, v9;
	v14 =	vld.idx.msk [tilespmem:v17+s11+$0x0], $0xffff  }
0x1eb: {  	[tilespmem:s22+$0xFFFFFF20] =	vst v16;
	v16 =	vadd.s32 s16, v7  }
0x1ec: {  	v12 =	vld.idx.msk [tilespmem:v20+s11+$0x0], $0xffff;
	[tilespmem:s23+$0xFFFFFE90] =	vst v19  }
0x1ed: {  	[tilespmem:s20+$0x1E0] =	vst v15;
	v15 =	vld.idx.msk [tilespmem:v21+s11+$0x0], $0xffff  }
0x1ee: {  	v17 =	vld.idx.msk [tilespmem:v10+s11+$0x0], $0xffff;
	[tilespmem:s18+$0x150] =	vst v18  }
0x1ef: {  	v10 =	vld.idx.msk [tilespmem:v13+s11+$0x0], $0xffff;
	[tilespmem:s24+$0xFFFFFE80] =	vst v14  }
0x1f0: {  	v13 =	vld.idx.msk [tilespmem:v16+s11+$0x0], $0xffff  }
0x1f1: {  	v14 =	vadd.s32 s16, v6;
	_ =	sdelay $0x3  }
0x1f2: {  	[tilespmem:s24+$0xFFFFFF00] =	vst v13  }
0x1f3: {  	v13 =	vld.idx.msk [tilespmem:v14+s11+$0x0], $0xffff  }
0x1f4: {  	v14 =	vadd.s32 s16, v5;
	_ =	sdelay $0x3  }
0x1f5: {  	[tilespmem:s24+$0xFFFFFF80] =	vst v13  }
0x1f6: {  	v13 =	vld.idx.msk [tilespmem:v14+s11+$0x0], $0xffff  }
0x1f7: {  	v14 =	vadd.s32 s16, v4;
	_ =	sdelay $0x3  }
0x1f8: {  	[tilespmem:s24+$0x0] =	vst v13  }
0x1f9: {  	v13 =	vld.idx.msk [tilespmem:v14+s11+$0x0], $0xffff  }
0x1fa: {  	v14 =	vadd.s32 s16, v3;
	_ =	sdelay $0x3  }
0x1fb: {  	[tilespmem:s24+$0x80] =	vst v13  }
0x1fc: {  	v13 =	vld.idx.msk [tilespmem:v14+s11+$0x0], $0xffff  }
0x1fd: {  	v14 =	vadd.s32 s16, v2;
	_ =	sdelay $0x3  }
0x1fe: {  	[tilespmem:s24+$0x100] =	vst v13  }
0x1ff: {  	s8 =	sadd.s32 $0xFFFFFFA0, s30;
	v13 =	vld.idx.msk [tilespmem:v14+s11+$0x0], $0xffff  }
0x200: {  	v14 =	vadd.s32 s8, v9;
	_ =	sdelay $0x3  }
0x201: {  	[tilespmem:s24+$0x180] =	vst v13  }
0x202: {  	v13 =	vld.idx.msk [tilespmem:v14+s11+$0x0], $0xffff  }
0x203: {  	v14 =	vadd.s32 s8, v8;
	_ =	sdelay $0x3  }
0x204: {  	[tilespmem:s24+$0xFFFFFE10] =	vst v13  }
0x205: {  	v13 =	vld.idx.msk [tilespmem:v14+s11+$0x0], $0xffff  }
0x206: {  	v14 =	vadd.s32 s8, v7;
	_ =	sdelay $0x3  }
0x207: {  	[tilespmem:s24+$0xFFFFFE90] =	vst v13;
	v13 =	vadd.s32 s9, v6  }
0x208: {  	v14 =	vld.idx.msk [tilespmem:v14+s11+$0x0], $0xffff  }
0x209: {  	v16 =	vadd.s32 s8, v6;
	_ =	sdelay $0x1  }
0x20a: {  	[tilespmem:s23+$0xFFFFFF10] =	vst v15  }
0x20b: {  	v13 =	vld.idx.msk [tilespmem:v13+s11+$0x0], $0xffff  }
0x20c: {  	[tilespmem:s24+$0xFFFFFF10] =	vst v14;
	v14 =	vadd.s32 s9, v5  }
0x20d: {  	v15 =	vld.idx.msk [tilespmem:v16+s11+$0x0], $0xffff  }
0x20e: {  	v16 =	vadd.s32 s8, v5;
	_ =	sdelay $0x1  }
0x20f: {  	[tilespmem:s23+$0xFFFFFF90] =	vst v13  }
0x210: {  	v13 =	vld.idx.msk [tilespmem:v14+s11+$0x0], $0xffff  }
0x211: {  	v14 =	vadd.s32 s9, v4;
	[tilespmem:s24+$0xFFFFFF90] =	vst v15  }
0x212: {  	v15 =	vld.idx.msk [tilespmem:v16+s11+$0x0], $0xffff  }
0x213: {  	v16 =	vadd.s32 s8, v4;
	_ =	sdelay $0x1  }
0x214: {  	[tilespmem:s23+$0x10] =	vst v13  }
0x215: {  	v13 =	vld.idx.msk [tilespmem:v14+s11+$0x0], $0xffff  }
0x216: {  	v14 =	vadd.s32 s9, v3;
	[tilespmem:s24+$0x10] =	vst v15  }
0x217: {  	v15 =	vld.idx.msk [tilespmem:v16+s11+$0x0], $0xffff  }
0x218: {  	v16 =	vadd.s32 s8, v3;
	_ =	sdelay $0x1  }
0x219: {  	[tilespmem:s23+$0x90] =	vst v13  }
0x21a: {  	v13 =	vld.idx.msk [tilespmem:v14+s11+$0x0], $0xffff  }
0x21b: {  	v14 =	vadd.s32 s9, v2;
	[tilespmem:s24+$0x90] =	vst v15  }
0x21c: {  	v15 =	vld.idx.msk [tilespmem:v16+s11+$0x0], $0xffff  }
0x21d: {  	v16 =	vadd.s32 s8, v2;
	_ =	sdelay $0x1  }
0x21e: {  	[tilespmem:s23+$0x110] =	vst v13  }
0x21f: {  	s15 =	sadd.s32 $0xFFFFFFB0, s26;
	v13 =	vld.idx.msk [tilespmem:v14+s11+$0x0], $0xffff  }
0x220: {  	v14 =	vadd.s32 s15, v9;
	[tilespmem:s24+$0x110] =	vst v15  }
0x221: {  	s16 =	sadd.s32 $0xFFFFFFB0, s30;
	v15 =	vld.idx.msk [tilespmem:v16+s11+$0x0], $0xffff  }
0x222: {  	v16 =	vadd.s32 s16, v9;
	_ =	sdelay $0x1  }
0x223: {  	[tilespmem:s23+$0x190] =	vst v13  }
0x224: {  	v13 =	vld.idx.msk [tilespmem:v14+s11+$0x0], $0xffff  }
0x225: {  	v14 =	vadd.s32 s15, v8;
	[tilespmem:s24+$0x190] =	vst v15  }
0x226: {  	v15 =	vld.idx.msk [tilespmem:v16+s11+$0x0], $0xffff  }
0x227: {  	v16 =	vadd.s32 s16, v8;
	_ =	sdelay $0x1  }
0x228: {  	[tilespmem:s23+$0xFFFFFE20] =	vst v13  }
0x229: {  	v13 =	vld.idx.msk [tilespmem:v14+s11+$0x0], $0xffff  }
0x22a: {  	v14 =	vadd.s32 s15, v7;
	[tilespmem:s24+$0xFFFFFE20] =	vst v15  }
0x22b: {  	v15 =	vld.idx.msk [tilespmem:v16+s11+$0x0], $0xffff  }
0x22c: {  	v16 =	vadd.s32 s16, v7;
	_ =	sdelay $0x1  }
0x22d: {  	[tilespmem:s23+$0xFFFFFEA0] =	vst v13  }
0x22e: {  	v13 =	vld.idx.msk [tilespmem:v14+s11+$0x0], $0xffff  }
0x22f: {  	v14 =	vadd.s32 s15, v6;
	[tilespmem:s24+$0xFFFFFEA0] =	vst v15  }
0x230: {  	v15 =	vld.idx.msk [tilespmem:v16+s11+$0x0], $0xffff  }
0x231: {  	v16 =	vadd.s32 s16, v6;
	_ =	sdelay $0x1  }
0x232: {  	[tilespmem:s23+$0xFFFFFF20] =	vst v13  }
0x233: {  	v13 =	vadd.s32 s14, v5;
	v14 =	vld.idx.msk [tilespmem:v14+s11+$0x0], $0xffff  }
0x234: {  	[tilespmem:s24+$0xFFFFFF20] =	vst v15;
	v15 =	vadd.s32 s15, v5  }
0x235: {  	v16 =	vld.idx.msk [tilespmem:v16+s11+$0x0], $0xffff  }
0x236: {  	v18 =	vadd.s32 s16, v5  }
0x237: {  	[tilespmem:s22+$0xFFFFFFA0] =	vst v17  }
0x238: {  	v13 =	vld.idx.msk [tilespmem:v13+s11+$0x0], $0xffff;
	[tilespmem:s23+$0xFFFFFFA0] =	vst v14  }
0x239: {  	v14 =	vadd.s32 s14, v4;
	v15 =	vld.idx.msk [tilespmem:v15+s11+$0x0], $0xffff  }
0x23a: {  	[tilespmem:s24+$0xFFFFFFA0] =	vst v16;
	v16 =	vadd.s32 s15, v4  }
0x23b: {  	v17 =	vld.idx.msk [tilespmem:v18+s11+$0x0], $0xffff  }
0x23c: {  	v18 =	vadd.s32 s16, v4  }
0x23d: {  	[tilespmem:s22+$0x20] =	vst v13  }
0x23e: {  	v13 =	vld.idx.msk [tilespmem:v14+s11+$0x0], $0xffff;
	[tilespmem:s23+$0x20] =	vst v15  }
0x23f: {  	v14 =	vadd.s32 s14, v3;
	v15 =	vld.idx.msk [tilespmem:v16+s11+$0x0], $0xffff  }
0x240: {  	v16 =	vadd.s32 s15, v3;
	[tilespmem:s24+$0x20] =	vst v17  }
0x241: {  	v17 =	vld.idx.msk [tilespmem:v18+s11+$0x0], $0xffff  }
0x242: {  	v18 =	vadd.s32 s16, v3  }
0x243: {  	[tilespmem:s22+$0xA0] =	vst v13  }
0x244: {  	v13 =	vld.idx.msk [tilespmem:v14+s11+$0x0], $0xffff;
	[tilespmem:s23+$0xA0] =	vst v15  }
0x245: {  	v14 =	vadd.s32 s14, v2;
	v15 =	vld.idx.msk [tilespmem:v16+s11+$0x0], $0xffff  }
0x246: {  	v16 =	vadd.s32 s15, v2;
	[tilespmem:s24+$0xA0] =	vst v17  }
0x247: {  	v17 =	vld.idx.msk [tilespmem:v18+s11+$0x0], $0xffff  }
0x248: {  	v18 =	vadd.s32 s16, v2  }
0x249: {  	[tilespmem:s22+$0x120] =	vst v13  }
0x24a: {  	s14 =	sadd.s32 $0xFFFFFFC0, s28;
	v13 =	vld.idx.msk [tilespmem:v14+s11+$0x0], $0xffff;
	[tilespmem:s23+$0x120] =	vst v15  }
0x24b: {  	s15 =	sadd.s32 $0xFFFFFFC0, s26;
	v14 =	vadd.s32 s14, v9;
	v15 =	vld.idx.msk [tilespmem:v16+s11+$0x0], $0xffff  }
0x24c: {  	v16 =	vadd.s32 s15, v9;
	[tilespmem:s24+$0x120] =	vst v17  }
0x24d: {  	s16 =	sadd.s32 $0xFFFFFFC0, s30;
	v17 =	vld.idx.msk [tilespmem:v18+s11+$0x0], $0xffff  }
0x24e: {  	v18 =	vadd.s32 s16, v9  }
0x24f: {  	[tilespmem:s22+$0x1A0] =	vst v13  }
0x250: {  	v13 =	vld.idx.msk [tilespmem:v14+s11+$0x0], $0xffff;
	[tilespmem:s23+$0x1A0] =	vst v15  }
0x251: {  	v14 =	vadd.s32 s14, v8;
	v15 =	vld.idx.msk [tilespmem:v16+s11+$0x0], $0xffff  }
0x252: {  	v16 =	vadd.s32 s15, v8;
	[tilespmem:s24+$0x1A0] =	vst v17  }
0x253: {  	v17 =	vld.idx.msk [tilespmem:v18+s11+$0x0], $0xffff  }
0x254: {  	v18 =	vadd.s32 s16, v8  }
0x255: {  	[tilespmem:s22+$0xFFFFFE30] =	vst v13  }
0x256: {  	v13 =	vld.idx.msk [tilespmem:v14+s11+$0x0], $0xffff;
	[tilespmem:s23+$0xFFFFFE30] =	vst v15  }
0x257: {  	v14 =	vadd.s32 s14, v7;
	v15 =	vld.idx.msk [tilespmem:v16+s11+$0x0], $0xffff  }
0x258: {  	v16 =	vadd.s32 s15, v7;
	[tilespmem:s24+$0xFFFFFE30] =	vst v17  }
0x259: {  	v17 =	vld.idx.msk [tilespmem:v18+s11+$0x0], $0xffff  }
0x25a: {  	v18 =	vadd.s32 s16, v7  }
0x25b: {  	[tilespmem:s22+$0xFFFFFEB0] =	vst v13  }
0x25c: {  	v13 =	vld.idx.msk [tilespmem:v14+s11+$0x0], $0xffff;
	[tilespmem:s23+$0xFFFFFEB0] =	vst v15  }
0x25d: {  	v14 =	vadd.s32 s14, v6;
	v15 =	vld.idx.msk [tilespmem:v16+s11+$0x0], $0xffff  }
0x25e: {  	v16 =	vadd.s32 s15, v6;
	[tilespmem:s24+$0xFFFFFEB0] =	vst v17  }
0x25f: {  	v17 =	vld.idx.msk [tilespmem:v18+s11+$0x0], $0xffff  }
0x260: {  	v18 =	vadd.s32 s16, v6  }
0x261: {  	[tilespmem:s22+$0xFFFFFF30] =	vst v13  }
0x262: {  	v13 =	vld.idx.msk [tilespmem:v14+s11+$0x0], $0xffff;
	[tilespmem:s23+$0xFFFFFF30] =	vst v15  }
0x263: {  	v14 =	vadd.s32 s14, v5;
	v15 =	vld.idx.msk [tilespmem:v16+s11+$0x0], $0xffff  }
0x264: {  	v16 =	vadd.s32 s15, v5;
	[tilespmem:s24+$0xFFFFFF30] =	vst v17  }
0x265: {  	v17 =	vld.idx.msk [tilespmem:v18+s11+$0x0], $0xffff  }
0x266: {  	v18 =	vadd.s32 s16, v5  }
0x267: {  	[tilespmem:s22+$0xFFFFFFB0] =	vst v13;
	v13 =	vadd.s32 s7, v4  }
0x268: {  	v14 =	vld.idx.msk [tilespmem:v14+s11+$0x0], $0xffff;
	[tilespmem:s23+$0xFFFFFFB0] =	vst v15  }
0x269: {  	v15 =	vadd.s32 s14, v4;
	v16 =	vld.idx.msk [tilespmem:v16+s11+$0x0], $0xffff  }
0x26a: {  	[tilespmem:s24+$0xFFFFFFB0] =	vst v17;
	v17 =	vadd.s32 s15, v4  }
0x26b: {  	[tilespmem:s21+$0x30] =	vst v12;
	v18 =	vld.idx.msk [tilespmem:v18+s11+$0x0], $0xffff  }
0x26c: {  	v19 =	vadd.s32 s16, v4;
	v12 =	vld.idx.msk [tilespmem:v13+s11+$0x0], $0xffff  }
0x26d: {  	v13 =	vadd.s32 s7, v3;
	[tilespmem:s22+$0x30] =	vst v14  }
0x26e: {  	v14 =	vld.idx.msk [tilespmem:v15+s11+$0x0], $0xffff;
	[tilespmem:s23+$0x30] =	vst v16  }
0x26f: {  	v15 =	vadd.s32 s14, v3;
	v16 =	vld.idx.msk [tilespmem:v17+s11+$0x0], $0xffff  }
0x270: {  	v17 =	vadd.s32 s15, v3;
	[tilespmem:s24+$0x30] =	vst v18  }
0x271: {  	[tilespmem:s21+$0xB0] =	vst v12;
	v18 =	vld.idx.msk [tilespmem:v19+s11+$0x0], $0xffff  }
0x272: {  	v19 =	vadd.s32 s16, v3;
	v12 =	vld.idx.msk [tilespmem:v13+s11+$0x0], $0xffff  }
0x273: {  	v13 =	vadd.s32 s7, v2;
	[tilespmem:s22+$0xB0] =	vst v14  }
0x274: {  	v14 =	vld.idx.msk [tilespmem:v15+s11+$0x0], $0xffff;
	[tilespmem:s23+$0xB0] =	vst v16  }
0x275: {  	v15 =	vadd.s32 s14, v2;
	v16 =	vld.idx.msk [tilespmem:v17+s11+$0x0], $0xffff  }
0x276: {  	v17 =	vadd.s32 s15, v2;
	[tilespmem:s24+$0xB0] =	vst v18  }
0x277: {  	[tilespmem:s21+$0x130] =	vst v12;
	v18 =	vld.idx.msk [tilespmem:v19+s11+$0x0], $0xffff  }
0x278: {  	s9 =	sadd.s32 $0xFFFFFFD0, s31;
	v19 =	vadd.s32 s16, v2;
	v12 =	vld.idx.msk [tilespmem:v13+s11+$0x0], $0xffff  }
0x279: {  	v13 =	vadd.s32 s9, v9;
	[tilespmem:s22+$0x130] =	vst v14  }
0x27a: {  	s14 =	sadd.s32 $0xFFFFFFD0, s28;
	v14 =	vld.idx.msk [tilespmem:v15+s11+$0x0], $0xffff;
	[tilespmem:s23+$0x130] =	vst v16  }
0x27b: {  	s15 =	sadd.s32 $0xFFFFFFD0, s26;
	v15 =	vadd.s32 s14, v9;
	v16 =	vld.idx.msk [tilespmem:v17+s11+$0x0], $0xffff  }
0x27c: {  	v17 =	vadd.s32 s15, v9;
	[tilespmem:s24+$0x130] =	vst v18  }
0x27d: {  	s16 =	sadd.s32 $0xFFFFFFD0, s30;
	[tilespmem:s21+$0x1B0] =	vst v12;
	v18 =	vld.idx.msk [tilespmem:v19+s11+$0x0], $0xffff  }
0x27e: {  	v19 =	vadd.s32 s16, v9;
	v12 =	vld.idx.msk [tilespmem:v13+s11+$0x0], $0xffff  }
0x27f: {  	v13 =	vadd.s32 s9, v8;
	[tilespmem:s22+$0x1B0] =	vst v14  }
0x280: {  	v14 =	vld.idx.msk [tilespmem:v15+s11+$0x0], $0xffff;
	[tilespmem:s23+$0x1B0] =	vst v16  }
0x281: {  	v15 =	vadd.s32 s14, v8;
	v16 =	vld.idx.msk [tilespmem:v17+s11+$0x0], $0xffff  }
0x282: {  	v17 =	vadd.s32 s15, v8;
	[tilespmem:s24+$0x1B0] =	vst v18  }
0x283: {  	[tilespmem:s21+$0xFFFFFE40] =	vst v12;
	v18 =	vld.idx.msk [tilespmem:v19+s11+$0x0], $0xffff  }
0x284: {  	v19 =	vadd.s32 s16, v8;
	v12 =	vld.idx.msk [tilespmem:v13+s11+$0x0], $0xffff  }
0x285: {  	v13 =	vadd.s32 s9, v7;
	[tilespmem:s22+$0xFFFFFE40] =	vst v14  }
0x286: {  	v14 =	vld.idx.msk [tilespmem:v15+s11+$0x0], $0xffff;
	[tilespmem:s23+$0xFFFFFE40] =	vst v16  }
0x287: {  	v15 =	vadd.s32 s14, v7;
	v16 =	vld.idx.msk [tilespmem:v17+s11+$0x0], $0xffff  }
0x288: {  	v17 =	vadd.s32 s15, v7;
	[tilespmem:s24+$0xFFFFFE40] =	vst v18  }
0x289: {  	[tilespmem:s21+$0xFFFFFEC0] =	vst v12;
	v18 =	vld.idx.msk [tilespmem:v19+s11+$0x0], $0xffff  }
0x28a: {  	v19 =	vadd.s32 s16, v7;
	v12 =	vld.idx.msk [tilespmem:v13+s11+$0x0], $0xffff  }
0x28b: {  	v13 =	vadd.s32 s9, v6;
	[tilespmem:s22+$0xFFFFFEC0] =	vst v14  }
0x28c: {  	v14 =	vld.idx.msk [tilespmem:v15+s11+$0x0], $0xffff;
	[tilespmem:s23+$0xFFFFFEC0] =	vst v16  }
0x28d: {  	v15 =	vadd.s32 s14, v6;
	v16 =	vld.idx.msk [tilespmem:v17+s11+$0x0], $0xffff  }
0x28e: {  	v17 =	vadd.s32 s15, v6;
	[tilespmem:s24+$0xFFFFFEC0] =	vst v18  }
0x28f: {  	[tilespmem:s21+$0xFFFFFF40] =	vst v12;
	v18 =	vld.idx.msk [tilespmem:v19+s11+$0x0], $0xffff  }
0x290: {  	v19 =	vadd.s32 s16, v6;
	v12 =	vld.idx.msk [tilespmem:v13+s11+$0x0], $0xffff  }
0x291: {  	v13 =	vadd.s32 s9, v5;
	[tilespmem:s22+$0xFFFFFF40] =	vst v14  }
0x292: {  	v14 =	vld.idx.msk [tilespmem:v15+s11+$0x0], $0xffff;
	[tilespmem:s23+$0xFFFFFF40] =	vst v16  }
0x293: {  	v15 =	vadd.s32 s14, v5;
	v16 =	vld.idx.msk [tilespmem:v17+s11+$0x0], $0xffff  }
0x294: {  	v17 =	vadd.s32 s15, v5;
	[tilespmem:s24+$0xFFFFFF40] =	vst v18  }
0x295: {  	[tilespmem:s21+$0xFFFFFFC0] =	vst v12;
	v18 =	vld.idx.msk [tilespmem:v19+s11+$0x0], $0xffff  }
0x296: {  	v19 =	vadd.s32 s16, v5;
	v12 =	vld.idx.msk [tilespmem:v13+s11+$0x0], $0xffff  }
0x297: {  	v13 =	vadd.s32 s9, v4;
	[tilespmem:s22+$0xFFFFFFC0] =	vst v14  }
0x298: {  	v14 =	vld.idx.msk [tilespmem:v15+s11+$0x0], $0xffff;
	[tilespmem:s23+$0xFFFFFFC0] =	vst v16  }
0x299: {  	v15 =	vadd.s32 s14, v4;
	v16 =	vld.idx.msk [tilespmem:v17+s11+$0x0], $0xffff  }
0x29a: {  	v17 =	vadd.s32 s15, v4;
	[tilespmem:s24+$0xFFFFFFC0] =	vst v18  }
0x29b: {  	[tilespmem:s21+$0x40] =	vst v12;
	v12 =	vadd.s32 s5, v3;
	v18 =	vld.idx.msk [tilespmem:v19+s11+$0x0], $0xffff  }
0x29c: {  	v19 =	vadd.s32 s16, v4;
	v13 =	vld.idx.msk [tilespmem:v13+s11+$0x0], $0xffff  }
0x29d: {  	[tilespmem:s22+$0x40] =	vst v14;
	v14 =	vadd.s32 s9, v3  }
0x29e: {  	v15 =	vld.idx.msk [tilespmem:v15+s11+$0x0], $0xffff;
	[tilespmem:s23+$0x40] =	vst v16  }
0x29f: {  	[tilespmem:s19+$0xC0] =	vst v11;
	v16 =	vadd.s32 s14, v3;
	v17 =	vld.idx.msk [tilespmem:v17+s11+$0x0], $0xffff  }
0x2a0: {  	v12 =	vld.idx.msk [tilespmem:v12+s11+$0x0], $0xffff;
	[tilespmem:s24+$0x40] =	vst v18;
	v18 =	vadd.s32 s15, v3  }
0x2a1: {  	[tilespmem:s21+$0xC0] =	vst v13;
	v13 =	vadd.s32 s5, v2;
	v19 =	vld.idx.msk [tilespmem:v19+s11+$0x0], $0xffff  }
0x2a2: {  	v11 =	vadd.s32 s16, v3;
	v14 =	vld.idx.msk [tilespmem:v14+s11+$0x0], $0xffff  }
0x2a3: {  	[tilespmem:s22+$0xC0] =	vst v15  }
0x2a4: {  	v15 =	vadd.s32 s9, v2;
	v16 =	vld.idx.msk [tilespmem:v16+s11+$0x0], $0xffff;
	[tilespmem:s23+$0xC0] =	vst v17  }
0x2a5: {  	v17 =	vadd.s32 s14, v2;
	[tilespmem:s19+$0x140] =	vst v12;
	v18 =	vld.idx.msk [tilespmem:v18+s11+$0x0], $0xffff  }
0x2a6: {  	s8 =	sadd.s32 $0xFFFFFFE0, s29;
	v13 =	vld.idx.msk [tilespmem:v13+s11+$0x0], $0xffff;
	[tilespmem:s24+$0xC0] =	vst v19;
	v19 =	vadd.s32 s15, v2  }
0x2a7: {  	[tilespmem:s21+$0x140] =	vst v14;
	v14 =	vadd.s32 s8, v9;
	v11 =	vld.idx.msk [tilespmem:v11+s11+$0x0], $0xffff  }
0x2a8: {  	v12 =	vadd.s32 s16, v2  }
0x2a9: {  	v20 =	vadd.s32 s4, v2;
	s9 =	sadd.s32 $0xFFFFFFE0, s31;
	v15 =	vld.idx.msk [tilespmem:v15+s11+$0x0], $0xffff;
	[tilespmem:s22+$0x140] =	vst v16  }
0x2aa: {  	v16 =	vadd.s32 s9, v9;
	v17 =	vld.idx.msk [tilespmem:v17+s11+$0x0], $0xffff;
	[tilespmem:s23+$0x140] =	vst v18  }
0x2ab: {  	s14 =	sadd.s32 $0xFFFFFFE0, s28;
	[tilespmem:s19+$0x1C0] =	vst v13;
	v19 =	vld.idx.msk [tilespmem:v19+s11+$0x0], $0xffff  }
0x2ac: {  	s15 =	sadd.s32 $0xFFFFFFE0, s26;
	v18 =	vadd.s32 s14, v9;
	v14 =	vld.idx.msk [tilespmem:v14+s11+$0x0], $0xffff;
	[tilespmem:s24+$0x140] =	vst v11  }
0x2ad: {  	[tilespmem:s20+$0xFFFFFE70] =	vst v10;
	v10 =	vadd.s32 s15, v9;
	v11 =	vld.idx.msk [tilespmem:v12+s11+$0x0], $0xffff  }
0x2ae: {  	s16 =	sadd.s32 $0xFFFFFFE0, s30;
	[tilespmem:s21+$0x1C0] =	vst v15;
	v15 =	vadd.s32 s8, v8;
	v12 =	vld.idx.msk [tilespmem:v20+s11+$0x0], $0xffff  }
0x2af: {  	v13 =	vadd.s32 s16, v9;
	v16 =	vld.idx.msk [tilespmem:v16+s11+$0x0], $0xffff;
	[tilespmem:s22+$0x1C0] =	vst v17  }
0x2b0: {  	v20 =	vadd.s32 s3, v8;
	[tilespmem:s23+$0x1C0] =	vst v19  }
0x2b1: {  	v17 =	vadd.s32 s9, v8;
	v18 =	vld.idx.msk [tilespmem:v18+s11+$0x0], $0xffff;
	[tilespmem:s19+$0xFFFFFE50] =	vst v14  }
0x2b2: {  	v19 =	vadd.s32 s14, v8;
	v10 =	vld.idx.msk [tilespmem:v10+s11+$0x0], $0xffff;
	[tilespmem:s24+$0x1C0] =	vst v11  }
0x2b3: {  	v15 =	vld.idx.msk [tilespmem:v15+s11+$0x0], $0xffff;
	[tilespmem:s18+$0x1D0] =	vst v12;
	v11 =	vadd.s32 s15, v8  }
0x2b4: {  	[tilespmem:s21+$0xFFFFFE50] =	vst v16;
	v16 =	vadd.s32 s8, v7;
	v12 =	vld.idx.msk [tilespmem:v13+s11+$0x0], $0xffff  }
0x2b5: {  	s4 =	sadd.s32 $0xFFFFFFF0, s0;
	v14 =	vadd.s32 s16, v8;
	v13 =	vld.idx.msk [tilespmem:v20+s11+$0x0], $0xffff  }
0x2b6: {  	v20 =	vadd.s32 s4, v9;
	v17 =	vld.idx.msk [tilespmem:v17+s11+$0x0], $0xffff;
	[tilespmem:s22+$0xFFFFFE50] =	vst v18  }
0x2b7: {  	v18 =	vadd.s32 s9, v7;
	v19 =	vld.idx.msk [tilespmem:v19+s11+$0x0], $0xffff;
	[tilespmem:s23+$0xFFFFFE50] =	vst v10  }
0x2b8: {  	[tilespmem:s19+$0xFFFFFED0] =	vst v15;
	v11 =	vld.idx.msk [tilespmem:v11+s11+$0x0], $0xffff  }
0x2b9: {  	v10 =	vadd.s32 s14, v7;
	v16 =	vld.idx.msk [tilespmem:v16+s11+$0x0], $0xffff;
	[tilespmem:s24+$0xFFFFFE50] =	vst v12  }
0x2ba: {  	[tilespmem:s20+$0xFFFFFEF0] =	vst v13;
	v12 =	vadd.s32 s15, v7;
	v13 =	vld.idx.msk [tilespmem:v14+s11+$0x0], $0xffff  }
0x2bb: {  	[tilespmem:s21+$0xFFFFFED0] =	vst v17;
	v17 =	vadd.s32 s8, v6;
	v14 =	vld.idx.msk [tilespmem:v20+s11+$0x0], $0xffff  }
0x2bc: {  	v15 =	vadd.s32 s16, v7;
	v18 =	vld.idx.msk [tilespmem:v18+s11+$0x0], $0xffff;
	[tilespmem:s22+$0xFFFFFED0] =	vst v19  }
0x2bd: {  	v20 =	vadd.s32 s3, v7;
	[tilespmem:s23+$0xFFFFFED0] =	vst v11  }
0x2be: {  	v19 =	vadd.s32 s9, v6;
	v10 =	vld.idx.msk [tilespmem:v10+s11+$0x0], $0xffff;
	[tilespmem:s19+$0xFFFFFF50] =	vst v16  }
0x2bf: {  	v11 =	vadd.s32 s14, v6;
	v12 =	vld.idx.msk [tilespmem:v12+s11+$0x0], $0xffff;
	[tilespmem:s24+$0xFFFFFED0] =	vst v13  }
0x2c0: {  	v17 =	vld.idx.msk [tilespmem:v17+s11+$0x0], $0xffff;
	[tilespmem:s18+$0xFFFFFE60] =	vst v14;
	v13 =	vadd.s32 s15, v6  }
0x2c1: {  	[tilespmem:s21+$0xFFFFFF50] =	vst v18;
	v18 =	vadd.s32 s8, v5;
	v14 =	vld.idx.msk [tilespmem:v15+s11+$0x0], $0xffff  }
0x2c2: {  	v16 =	vadd.s32 s16, v6;
	v15 =	vld.idx.msk [tilespmem:v20+s11+$0x0], $0xffff  }
0x2c3: {  	v20 =	vadd.s32 s4, v8;
	v19 =	vld.idx.msk [tilespmem:v19+s11+$0x0], $0xffff;
	[tilespmem:s22+$0xFFFFFF50] =	vst v10  }
0x2c4: {  	v10 =	vadd.s32 s9, v5;
	v11 =	vld.idx.msk [tilespmem:v11+s11+$0x0], $0xffff;
	[tilespmem:s23+$0xFFFFFF50] =	vst v12  }
0x2c5: {  	[tilespmem:s19+$0xFFFFFFD0] =	vst v17;
	v13 =	vld.idx.msk [tilespmem:v13+s11+$0x0], $0xffff  }
0x2c6: {  	v12 =	vadd.s32 s14, v5;
	v18 =	vld.idx.msk [tilespmem:v18+s11+$0x0], $0xffff;
	[tilespmem:s24+$0xFFFFFF50] =	vst v14  }
0x2c7: {  	[tilespmem:s20+$0xFFFFFF70] =	vst v15;
	v14 =	vadd.s32 s15, v5;
	v15 =	vld.idx.msk [tilespmem:v16+s11+$0x0], $0xffff  }
0x2c8: {  	[tilespmem:s21+$0xFFFFFFD0] =	vst v19;
	v19 =	vadd.s32 s8, v4;
	v16 =	vld.idx.msk [tilespmem:v20+s11+$0x0], $0xffff  }
0x2c9: {  	v17 =	vadd.s32 s16, v5;
	v10 =	vld.idx.msk [tilespmem:v10+s11+$0x0], $0xffff;
	[tilespmem:s22+$0xFFFFFFD0] =	vst v11  }
0x2ca: {  	v20 =	vadd.s32 s3, v6;
	[tilespmem:s23+$0xFFFFFFD0] =	vst v13  }
0x2cb: {  	v11 =	vadd.s32 s9, v4;
	v12 =	vld.idx.msk [tilespmem:v12+s11+$0x0], $0xffff;
	[tilespmem:s19+$0x50] =	vst v18  }
0x2cc: {  	v13 =	vadd.s32 s14, v4;
	v14 =	vld.idx.msk [tilespmem:v14+s11+$0x0], $0xffff;
	[tilespmem:s24+$0xFFFFFFD0] =	vst v15  }
0x2cd: {  	v19 =	vld.idx.msk [tilespmem:v19+s11+$0x0], $0xffff;
	[tilespmem:s18+$0xFFFFFEE0] =	vst v16;
	v15 =	vadd.s32 s15, v4  }
0x2ce: {  	[tilespmem:s21+$0x50] =	vst v10;
	v10 =	vadd.s32 s8, v3;
	v16 =	vld.idx.msk [tilespmem:v17+s11+$0x0], $0xffff  }
0x2cf: {  	v18 =	vadd.s32 s16, v4;
	v17 =	vld.idx.msk [tilespmem:v20+s11+$0x0], $0xffff  }
0x2d0: {  	v20 =	vadd.s32 s4, v7;
	v11 =	vld.idx.msk [tilespmem:v11+s11+$0x0], $0xffff;
	[tilespmem:s22+$0x50] =	vst v12  }
0x2d1: {  	v13 =	vld.idx.msk [tilespmem:v13+s11+$0x0], $0xffff;
	[tilespmem:s23+$0x50] =	vst v14  }
0x2d2: {  	v12 =	vadd.s32 s9, v3;
	[tilespmem:s19+$0xD0] =	vst v19;
	v15 =	vld.idx.msk [tilespmem:v15+s11+$0x0], $0xffff  }
0x2d3: {  	v14 =	vadd.s32 s14, v3;
	v10 =	vld.idx.msk [tilespmem:v10+s11+$0x0], $0xffff;
	[tilespmem:s24+$0x50] =	vst v16  }
0x2d4: {  	[tilespmem:s20+$0xFFFFFFF0] =	vst v17;
	v16 =	vadd.s32 s15, v3;
	v17 =	vld.idx.msk [tilespmem:v18+s11+$0x0], $0xffff  }
0x2d5: {  	v19 =	vadd.s32 s16, v3;
	[tilespmem:s21+$0xD0] =	vst v11;
	v18 =	vld.idx.msk [tilespmem:v20+s11+$0x0], $0xffff  }
0x2d6: {  	v11 =	vadd.s32 s8, v2;
	[tilespmem:s22+$0xD0] =	vst v13  }
0x2d7: {  	v20 =	vadd.s32 s3, v5;
	v12 =	vld.idx.msk [tilespmem:v12+s11+$0x0], $0xffff;
	[tilespmem:s23+$0xD0] =	vst v15  }
0x2d8: {  	v13 =	vadd.s32 s9, v2;
	v14 =	vld.idx.msk [tilespmem:v14+s11+$0x0], $0xffff;
	[tilespmem:s19+$0x150] =	vst v10  }
0x2d9: {  	v15 =	vadd.s32 s14, v2;
	v16 =	vld.idx.msk [tilespmem:v16+s11+$0x0], $0xffff;
	[tilespmem:s24+$0xD0] =	vst v17  }
0x2da: {  	[tilespmem:s18+$0xFFFFFF60] =	vst v18;
	v17 =	vadd.s32 s15, v2;
	v18 =	vld.idx.msk [tilespmem:v19+s11+$0x0], $0xffff  }
0x2db: {  	s8 =	sadd.s32 $0xFFFFFFF0, s29;
	v10 =	vadd.s32 s16, v2;
	v11 =	vld.idx.msk [tilespmem:v11+s11+$0x0], $0xffff  }
0x2dc: {  	[tilespmem:s21+$0x150] =	vst v12;
	v12 =	vadd.s32 s8, v9;
	v19 =	vld.idx.msk [tilespmem:v20+s11+$0x0], $0xffff  }
0x2dd: {  	s9 =	sadd.s32 $0xFFFFFFF0, s31;
	v20 =	vadd.s32 s4, v6;
	v13 =	vld.idx.msk [tilespmem:v13+s11+$0x0], $0xffff;
	[tilespmem:s22+$0x150] =	vst v14  }
0x2de: {  	s14 =	sadd.s32 $0xFFFFFFF0, s28;
	v14 =	vadd.s32 s9, v9;
	v15 =	vld.idx.msk [tilespmem:v15+s11+$0x0], $0xffff;
	[tilespmem:s23+$0x150] =	vst v16  }
0x2df: {  	s15 =	sadd.s32 $0xFFFFFFF0, s26;
	v16 =	vadd.s32 s14, v9;
	v17 =	vld.idx.msk [tilespmem:v17+s11+$0x0], $0xffff;
	[tilespmem:s24+$0x150] =	vst v18  }
0x2e0: {  	s16 =	sadd.s32 $0xFFFFFFF0, s30;
	[tilespmem:s19+$0x1D0] =	vst v11;
	v18 =	vadd.s32 s15, v9;
	v10 =	vld.idx.msk [tilespmem:v10+s11+$0x0], $0xffff  }
0x2e1: {  	v11 =	vadd.s32 s16, v9;
	v12 =	vld.idx.msk [tilespmem:v12+s11+$0x0], $0xffff;
	[tilespmem:s20+$0x70] =	vst v19  }
0x2e2: {  	v19 =	vld.idx.msk [tilespmem:v20+s11+$0x0], $0xffff;
	v20 =	vadd.s32 s3, v4;
	[tilespmem:s21+$0x1D0] =	vst v13  }
0x2e3: {  	v13 =	vadd.s32 s8, v8;
	v14 =	vld.idx.msk [tilespmem:v14+s11+$0x0], $0xffff;
	[tilespmem:s22+$0x1D0] =	vst v15  }
0x2e4: {  	v15 =	vadd.s32 s9, v8;
	v16 =	vld.idx.msk [tilespmem:v16+s11+$0x0], $0xffff;
	[tilespmem:s23+$0x1D0] =	vst v17  }
0x2e5: {  	v17 =	vadd.s32 s14, v8;
	v18 =	vld.idx.msk [tilespmem:v18+s11+$0x0], $0xffff;
	[tilespmem:s24+$0x1D0] =	vst v10  }
0x2e6: {  	[tilespmem:s19+$0xFFFFFE60] =	vst v12;
	v10 =	vadd.s32 s15, v8;
	v11 =	vld.idx.msk [tilespmem:v11+s11+$0x0], $0xffff  }
0x2e7: {  	v12 =	vadd.s32 s16, v8;
	[tilespmem:s18+$0xFFFFFFE0] =	vst v19;
	v19 =	vld.idx.msk [tilespmem:v20+s11+$0x0], $0xffff  }
0x2e8: {  	v20 =	vadd.s32 s4, v5;
	v13 =	vld.idx.msk [tilespmem:v13+s11+$0x0], $0xffff;
	[tilespmem:s21+$0xFFFFFE60] =	vst v14  }
0x2e9: {  	v14 =	vadd.s32 s8, v7;
	v15 =	vld.idx.msk [tilespmem:v15+s11+$0x0], $0xffff;
	[tilespmem:s22+$0xFFFFFE60] =	vst v16  }
0x2ea: {  	v16 =	vadd.s32 s9, v7;
	v17 =	vld.idx.msk [tilespmem:v17+s11+$0x0], $0xffff;
	[tilespmem:s23+$0xFFFFFE60] =	vst v18  }
0x2eb: {  	v18 =	vadd.s32 s14, v7;
	v10 =	vld.idx.msk [tilespmem:v10+s11+$0x0], $0xffff;
	[tilespmem:s24+$0xFFFFFE60] =	vst v11  }
0x2ec: {  	[tilespmem:s20+$0xF0] =	vst v19;
	v11 =	vadd.s32 s15, v7;
	v12 =	vld.idx.msk [tilespmem:v12+s11+$0x0], $0xffff  }
0x2ed: {  	v19 =	vld.idx.msk [tilespmem:v20+s11+$0x0], $0xffff;
	[tilespmem:s19+$0xFFFFFEE0] =	vst v13;
	v13 =	vadd.s32 s16, v7  }
0x2ee: {  	v20 =	vadd.s32 s3, v3;
	v14 =	vld.idx.msk [tilespmem:v14+s11+$0x0], $0xffff;
	[tilespmem:s21+$0xFFFFFEE0] =	vst v15  }
0x2ef: {  	v15 =	vadd.s32 s8, v6;
	v16 =	vld.idx.msk [tilespmem:v16+s11+$0x0], $0xffff;
	[tilespmem:s22+$0xFFFFFEE0] =	vst v17  }
0x2f0: {  	v17 =	vadd.s32 s9, v6;
	v18 =	vld.idx.msk [tilespmem:v18+s11+$0x0], $0xffff;
	[tilespmem:s23+$0xFFFFFEE0] =	vst v10  }
0x2f1: {  	v10 =	vadd.s32 s14, v6;
	v11 =	vld.idx.msk [tilespmem:v11+s11+$0x0], $0xffff;
	[tilespmem:s24+$0xFFFFFEE0] =	vst v12  }
0x2f2: {  	[tilespmem:s18+$0x60] =	vst v19;
	v12 =	vadd.s32 s15, v6;
	v13 =	vld.idx.msk [tilespmem:v13+s11+$0x0], $0xffff  }
0x2f3: {  	v19 =	vld.idx.msk [tilespmem:v20+s11+$0x0], $0xffff;
	[tilespmem:s19+$0xFFFFFF60] =	vst v14;
	v14 =	vadd.s32 s16, v6  }
0x2f4: {  	v20 =	vadd.s32 s4, v4;
	v15 =	vld.idx.msk [tilespmem:v15+s11+$0x0], $0xffff;
	[tilespmem:s21+$0xFFFFFF60] =	vst v16  }
0x2f5: {  	v16 =	vadd.s32 s8, v5;
	v17 =	vld.idx.msk [tilespmem:v17+s11+$0x0], $0xffff;
	[tilespmem:s22+$0xFFFFFF60] =	vst v18  }
0x2f6: {  	v18 =	vadd.s32 s9, v5;
	v10 =	vld.idx.msk [tilespmem:v10+s11+$0x0], $0xffff;
	[tilespmem:s23+$0xFFFFFF60] =	vst v11  }
0x2f7: {  	v11 =	vadd.s32 s14, v5;
	v12 =	vld.idx.msk [tilespmem:v12+s11+$0x0], $0xffff;
	[tilespmem:s24+$0xFFFFFF60] =	vst v13  }
0x2f8: {  	[tilespmem:s20+$0x170] =	vst v19;
	v13 =	vadd.s32 s15, v5;
	v14 =	vld.idx.msk [tilespmem:v14+s11+$0x0], $0xffff  }
0x2f9: {  	v19 =	vld.idx.msk [tilespmem:v20+s11+$0x0], $0xffff;
	[tilespmem:s19+$0xFFFFFFE0] =	vst v15;
	v15 =	vadd.s32 s16, v5  }
0x2fa: {  	v20 =	vadd.s32 s3, v2;
	v16 =	vld.idx.msk [tilespmem:v16+s11+$0x0], $0xffff;
	[tilespmem:s21+$0xFFFFFFE0] =	vst v17  }
0x2fb: {  	v17 =	vadd.s32 s8, v4;
	v18 =	vld.idx.msk [tilespmem:v18+s11+$0x0], $0xffff;
	[tilespmem:s22+$0xFFFFFFE0] =	vst v10  }
0x2fc: {  	v10 =	vadd.s32 s9, v4;
	v11 =	vld.idx.msk [tilespmem:v11+s11+$0x0], $0xffff;
	[tilespmem:s23+$0xFFFFFFE0] =	vst v12  }
0x2fd: {  	v12 =	vadd.s32 s14, v4;
	v13 =	vld.idx.msk [tilespmem:v13+s11+$0x0], $0xffff;
	[tilespmem:s24+$0xFFFFFFE0] =	vst v14  }
0x2fe: {  	[tilespmem:s18+$0xE0] =	vst v19;
	v14 =	vadd.s32 s15, v4;
	v15 =	vld.idx.msk [tilespmem:v15+s11+$0x0], $0xffff  }
0x2ff: {  	v19 =	vld.idx.msk [tilespmem:v20+s11+$0x0], $0xffff;
	[tilespmem:s19+$0x60] =	vst v16;
	v16 =	vadd.s32 s16, v4  }
0x300: {  	v20 =	vadd.s32 s4, v3;
	v17 =	vld.idx.msk [tilespmem:v17+s11+$0x0], $0xffff;
	[tilespmem:s21+$0x60] =	vst v18  }
0x301: {  	v18 =	vadd.s32 s8, v3;
	v10 =	vld.idx.msk [tilespmem:v10+s11+$0x0], $0xffff;
	[tilespmem:s22+$0x60] =	vst v11  }
0x302: {  	v11 =	vadd.s32 s9, v3;
	v12 =	vld.idx.msk [tilespmem:v12+s11+$0x0], $0xffff;
	[tilespmem:s23+$0x60] =	vst v13  }
0x303: {  	v13 =	vadd.s32 s14, v3;
	v14 =	vld.idx.msk [tilespmem:v14+s11+$0x0], $0xffff;
	[tilespmem:s24+$0x60] =	vst v15  }
0x304: {  	[tilespmem:s20+$0x1F0] =	vst v19;
	v15 =	vadd.s32 s15, v3;
	v16 =	vld.idx.msk [tilespmem:v16+s11+$0x0], $0xffff  }
0x305: {  	v19 =	vld.idx.msk [tilespmem:v20+s11+$0x0], $0xffff;
	[tilespmem:s19+$0xE0] =	vst v17;
	v17 =	vadd.s32 s16, v3  }
0x306: {  	v20 =	vadd.s32 s4, v2;
	v18 =	vld.idx.msk [tilespmem:v18+s11+$0x0], $0xffff;
	[tilespmem:s21+$0xE0] =	vst v10  }
0x307: {  	v10 =	vadd.s32 s8, v2;
	v11 =	vld.idx.msk [tilespmem:v11+s11+$0x0], $0xffff;
	[tilespmem:s22+$0xE0] =	vst v12  }
0x308: {  	v12 =	vadd.s32 s9, v2;
	v13 =	vld.idx.msk [tilespmem:v13+s11+$0x0], $0xffff;
	[tilespmem:s23+$0xE0] =	vst v14  }
0x309: {  	v14 =	vadd.s32 s14, v2;
	v15 =	vld.idx.msk [tilespmem:v15+s11+$0x0], $0xffff;
	[tilespmem:s24+$0xE0] =	vst v16  }
0x30a: {  	[tilespmem:s18+$0x160] =	vst v19;
	v16 =	vadd.s32 s15, v2;
	v17 =	vld.idx.msk [tilespmem:v17+s11+$0x0], $0xffff  }
0x30b: {  	v19 =	vld.idx.msk [tilespmem:v20+s11+$0x0], $0xffff;
	[tilespmem:s19+$0x160] =	vst v18;
	v18 =	vadd.s32 s16, v2  }
0x30c: {  	v20 =	vadd.s32 s0, v9;
	v10 =	vld.idx.msk [tilespmem:v10+s11+$0x0], $0xffff;
	[tilespmem:s21+$0x160] =	vst v11  }
0x30d: {  	v11 =	vadd.s32 s29, v9;
	v12 =	vld.idx.msk [tilespmem:v12+s11+$0x0], $0xffff;
	[tilespmem:s22+$0x160] =	vst v13  }
0x30e: {  	v13 =	vadd.s32 s31, v9;
	v14 =	vld.idx.msk [tilespmem:v14+s11+$0x0], $0xffff;
	[tilespmem:s23+$0x160] =	vst v15  }
0x30f: {  	v15 =	vadd.s32 s28, v9;
	v16 =	vld.idx.msk [tilespmem:v16+s11+$0x0], $0xffff;
	[tilespmem:s24+$0x160] =	vst v17  }
0x310: {  	[tilespmem:s18+$0x1E0] =	vst v19;
	v17 =	vadd.s32 s26, v9;
	v18 =	vld.idx.msk [tilespmem:v18+s11+$0x0], $0xffff  }
0x311: {  	v19 =	vld.idx.msk [tilespmem:v20+s11+$0x0], $0xffff;
	[tilespmem:s19+$0x1E0] =	vst v10;
	v9 =	vadd.s32 s30, v9  }
0x312: {  	v10 =	vadd.s32 s0, v8;
	v11 =	vld.idx.msk [tilespmem:v11+s11+$0x0], $0xffff;
	[tilespmem:s21+$0x1E0] =	vst v12  }
0x313: {  	v12 =	vadd.s32 s29, v8;
	v13 =	vld.idx.msk [tilespmem:v13+s11+$0x0], $0xffff;
	[tilespmem:s22+$0x1E0] =	vst v14  }
0x314: {  	v14 =	vadd.s32 s31, v8;
	v15 =	vld.idx.msk [tilespmem:v15+s11+$0x0], $0xffff;
	[tilespmem:s23+$0x1E0] =	vst v16  }
0x315: {  	v16 =	vadd.s32 s28, v8;
	v17 =	vld.idx.msk [tilespmem:v17+s11+$0x0], $0xffff;
	[tilespmem:s24+$0x1E0] =	vst v18  }
0x316: {  	[tilespmem:s18+$0xFFFFFE70] =	vst v19;
	v18 =	vadd.s32 s26, v8;
	v9 =	vld.idx.msk [tilespmem:v9+s11+$0x0], $0xffff  }
0x317: {  	v10 =	vld.idx.msk [tilespmem:v10+s11+$0x0], $0xffff;
	[tilespmem:s19+$0xFFFFFE70] =	vst v11;
	v8 =	vadd.s32 s30, v8  }
0x318: {  	v11 =	vadd.s32 s0, v7;
	v12 =	vld.idx.msk [tilespmem:v12+s11+$0x0], $0xffff;
	[tilespmem:s21+$0xFFFFFE70] =	vst v13  }
0x319: {  	v13 =	vadd.s32 s29, v7;
	v14 =	vld.idx.msk [tilespmem:v14+s11+$0x0], $0xffff;
	[tilespmem:s22+$0xFFFFFE70] =	vst v15  }
0x31a: {  	v15 =	vadd.s32 s31, v7;
	v16 =	vld.idx.msk [tilespmem:v16+s11+$0x0], $0xffff;
	[tilespmem:s23+$0xFFFFFE70] =	vst v17  }
0x31b: {  	v17 =	vadd.s32 s28, v7;
	v18 =	vld.idx.msk [tilespmem:v18+s11+$0x0], $0xffff;
	[tilespmem:s24+$0xFFFFFE70] =	vst v9  }
0x31c: {  	[tilespmem:s18+$0xFFFFFEF0] =	vst v10;
	v9 =	vadd.s32 s26, v7;
	v8 =	vld.idx.msk [tilespmem:v8+s11+$0x0], $0xffff  }
0x31d: {  	v10 =	vld.idx.msk [tilespmem:v11+s11+$0x0], $0xffff;
	[tilespmem:s19+$0xFFFFFEF0] =	vst v12;
	v7 =	vadd.s32 s30, v7  }
0x31e: {  	v11 =	vadd.s32 s0, v6;
	v12 =	vld.idx.msk [tilespmem:v13+s11+$0x0], $0xffff;
	[tilespmem:s21+$0xFFFFFEF0] =	vst v14  }
0x31f: {  	v13 =	vadd.s32 s29, v6;
	v14 =	vld.idx.msk [tilespmem:v15+s11+$0x0], $0xffff;
	[tilespmem:s22+$0xFFFFFEF0] =	vst v16  }
0x320: {  	v15 =	vadd.s32 s31, v6;
	v16 =	vld.idx.msk [tilespmem:v17+s11+$0x0], $0xffff;
	[tilespmem:s23+$0xFFFFFEF0] =	vst v18  }
0x321: {  	v17 =	vadd.s32 s28, v6;
	v9 =	vld.idx.msk [tilespmem:v9+s11+$0x0], $0xffff;
	[tilespmem:s24+$0xFFFFFEF0] =	vst v8  }
0x322: {  	[tilespmem:s18+$0xFFFFFF70] =	vst v10;
	v8 =	vadd.s32 s26, v6;
	v7 =	vld.idx.msk [tilespmem:v7+s11+$0x0], $0xffff  }
0x323: {  	v10 =	vld.idx.msk [tilespmem:v11+s11+$0x0], $0xffff;
	[tilespmem:s19+$0xFFFFFF70] =	vst v12;
	v6 =	vadd.s32 s30, v6  }
0x324: {  	v11 =	vadd.s32 s0, v5;
	v12 =	vld.idx.msk [tilespmem:v13+s11+$0x0], $0xffff;
	[tilespmem:s21+$0xFFFFFF70] =	vst v14  }
0x325: {  	v13 =	vadd.s32 s29, v5;
	v14 =	vld.idx.msk [tilespmem:v15+s11+$0x0], $0xffff;
	[tilespmem:s22+$0xFFFFFF70] =	vst v16  }
0x326: {  	v15 =	vadd.s32 s31, v5;
	v16 =	vld.idx.msk [tilespmem:v17+s11+$0x0], $0xffff;
	[tilespmem:s23+$0xFFFFFF70] =	vst v9  }
0x327: {  	v9 =	vadd.s32 s28, v5;
	v8 =	vld.idx.msk [tilespmem:v8+s11+$0x0], $0xffff;
	[tilespmem:s24+$0xFFFFFF70] =	vst v7  }
0x328: {  	[tilespmem:s18+$0xFFFFFFF0] =	vst v10;
	v7 =	vadd.s32 s26, v5;
	v6 =	vld.idx.msk [tilespmem:v6+s11+$0x0], $0xffff  }
0x329: {  	v10 =	vld.idx.msk [tilespmem:v11+s11+$0x0], $0xffff;
	[tilespmem:s19+$0xFFFFFFF0] =	vst v12;
	v5 =	vadd.s32 s30, v5  }
0x32a: {  	v11 =	vadd.s32 s0, v4;
	v12 =	vld.idx.msk [tilespmem:v13+s11+$0x0], $0xffff;
	[tilespmem:s21+$0xFFFFFFF0] =	vst v14  }
0x32b: {  	v13 =	vadd.s32 s29, v4;
	v14 =	vld.idx.msk [tilespmem:v15+s11+$0x0], $0xffff;
	[tilespmem:s22+$0xFFFFFFF0] =	vst v16  }
0x32c: {  	v15 =	vadd.s32 s31, v4;
	v9 =	vld.idx.msk [tilespmem:v9+s11+$0x0], $0xffff;
	[tilespmem:s23+$0xFFFFFFF0] =	vst v8  }
0x32d: {  	v8 =	vadd.s32 s28, v4;
	v7 =	vld.idx.msk [tilespmem:v7+s11+$0x0], $0xffff;
	[tilespmem:s24+$0xFFFFFFF0] =	vst v6  }
0x32e: {  	[tilespmem:s18+$0x70] =	vst v10;
	v6 =	vadd.s32 s26, v4;
	v5 =	vld.idx.msk [tilespmem:v5+s11+$0x0], $0xffff  }
0x32f: {  	v10 =	vld.idx.msk [tilespmem:v11+s11+$0x0], $0xffff;
	[tilespmem:s19+$0x70] =	vst v12;
	v4 =	vadd.s32 s30, v4  }
0x330: {  	v11 =	vadd.s32 s0, v3;
	v12 =	vld.idx.msk [tilespmem:v13+s11+$0x0], $0xffff;
	[tilespmem:s21+$0x70] =	vst v14  }
0x331: {  	v13 =	vadd.s32 s29, v3;
	v14 =	vld.idx.msk [tilespmem:v15+s11+$0x0], $0xffff;
	[tilespmem:s22+$0x70] =	vst v9  }
0x332: {  	v9 =	vadd.s32 s31, v3;
	v8 =	vld.idx.msk [tilespmem:v8+s11+$0x0], $0xffff;
	[tilespmem:s23+$0x70] =	vst v7  }
0x333: {  	v7 =	vadd.s32 s28, v3;
	v6 =	vld.idx.msk [tilespmem:v6+s11+$0x0], $0xffff;
	[tilespmem:s24+$0x70] =	vst v5  }
0x334: {  	[tilespmem:s18+$0xF0] =	vst v10;
	v5 =	vadd.s32 s26, v3;
	v4 =	vld.idx.msk [tilespmem:v4+s11+$0x0], $0xffff  }
0x335: {  	v10 =	vld.idx.msk [tilespmem:v11+s11+$0x0], $0xffff;
	[tilespmem:s19+$0xF0] =	vst v12;
	v3 =	vadd.s32 s30, v3  }
0x336: {  	v11 =	vadd.s32 s0, v2;
	v12 =	vld.idx.msk [tilespmem:v13+s11+$0x0], $0xffff;
	[tilespmem:s21+$0xF0] =	vst v14  }
0x337: {  	v13 =	vadd.s32 s29, v2;
	v9 =	vld.idx.msk [tilespmem:v9+s11+$0x0], $0xffff;
	[tilespmem:s22+$0xF0] =	vst v8  }
0x338: {  	v8 =	vadd.s32 s31, v2;
	v7 =	vld.idx.msk [tilespmem:v7+s11+$0x0], $0xffff;
	[tilespmem:s23+$0xF0] =	vst v6  }
0x339: {  	v6 =	vadd.s32 s28, v2;
	v5 =	vld.idx.msk [tilespmem:v5+s11+$0x0], $0xffff;
	[tilespmem:s24+$0xF0] =	vst v4  }
0x33a: {  	[tilespmem:s18+$0x170] =	vst v10;
	v4 =	vadd.s32 s26, v2;
	v3 =	vld.idx.msk [tilespmem:v3+s11+$0x0], $0xffff  }
0x33b: {  	v10 =	vld.idx.msk [tilespmem:v11+s11+$0x0], $0xffff;
	[tilespmem:s19+$0x170] =	vst v12;
	v2 =	vadd.s32 s30, v2  }
0x33c: {  	v11 =	vld.idx.msk [tilespmem:v13+s11+$0x0], $0xffff;
	[tilespmem:s21+$0x170] =	vst v9  }
0x33d: {  	v8 =	vld.idx.msk [tilespmem:v8+s11+$0x0], $0xffff;
	[tilespmem:s22+$0x170] =	vst v7  }
0x33e: {  	v6 =	vld.idx.msk [tilespmem:v6+s11+$0x0], $0xffff;
	[tilespmem:s23+$0x170] =	vst v5  }
0x33f: {  	v4 =	vld.idx.msk [tilespmem:v4+s11+$0x0], $0xffff;
	[tilespmem:s24+$0x170] =	vst v3  }
0x340: {  	[tilespmem:s18+$0x1F0] =	vst v10;
	v2 =	vld.idx.msk [tilespmem:v2+s11+$0x0], $0xffff  }
0x341: {  	[tilespmem:s19+$0x1F0] =	vst v11  }
0x342: {  	s18 =	sor.u32 $0x1, s25;
	[tilespmem:s21+$0x1F0] =	vst v8;
	s21 =	sadd.s32 s6, s25  }
0x343: {  	s0 =	sshll.u32 s21, $0xC;
	[tilespmem:s22+$0x1F0] =	vst v6;
	s22 =	sshll.u32 s18, $0x3  }
0x344: {  	s0 =	sand.u32 $0x1FFFE000, s0;
	s25 =	sxor.u32 $0x1FF, s22;
	[tilespmem:s23+$0x1F0] =	vst v4  }
0x345: {  	s26 =	simm.s32 $0x0;
	s0 =	sadd.s32 s1, s0;
	v9 =	vadd.s32 s25, v1;
	[tilespmem:s24+$0x1F0] =	vst v2  }
0x346: {  	v2 =	vadd.s32 s26, v9;
	[hbm4b:s0+s2] =	stream.linear.scatter [tilespmem:s12], [sflag:$0x1], $0x8000, $0x38;
	[tilespmem:$0x12B80] =	vst v63  }
0x347: {  	s0 =	simm.s32 @!p0 $0x2  }
0x348: {  	_ =	swait.ge @!p0 [sflag:s0], $0x8000  }
0x349: {  	[sflag:s0] =	ssyncset.done @!p0 $0x0  }
0x34a: {  	s5 =	ssub.s32 $0x1FE, s22;
	[sflag:s0] =	ssyncadd.s32 @!p0 $0xFFFF8000  }
0x34b: {  	v8 =	vadd.s32 s5, v1;
	v2 =	vld.idx.msk [tilespmem:v2+s11+$0x0], $0xffff  }
0x34c: {  	v3 =	vadd.s32 s26, v8;
	_ =	sdelay $0x2  }
0x34d: {  	s25 =	simm.s32 $0xAD80  }
0x34e: {  	s7 =	ssub.s32 $0x1FD, s22;
	[tilespmem:s25+$0xFFFFFE00] =	vst v2  }
0x34f: {  	v7 =	vadd.s32 s7, v1;
	v2 =	vld.idx.msk [tilespmem:v3+s11+$0x0], $0xffff  }
0x350: {  	v3 =	vadd.s32 s26, v7;
	_ =	sdelay $0x3  }
0x351: {  	s8 =	ssub.s32 $0x1FC, s22;
	[tilespmem:s25+$0xFFFFFE80] =	vst v2  }
0x352: {  	v6 =	vadd.s32 s8, v1;
	v2 =	vld.idx.msk [tilespmem:v3+s11+$0x0], $0xffff  }
0x353: {  	v3 =	vadd.s32 s26, v6;
	_ =	sdelay $0x3  }
0x354: {  	s9 =	ssub.s32 $0x1FB, s22;
	[tilespmem:s25+$0xFFFFFF00] =	vst v2  }
0x355: {  	v5 =	vadd.s32 s9, v1;
	v2 =	vld.idx.msk [tilespmem:v3+s11+$0x0], $0xffff  }
0x356: {  	v3 =	vadd.s32 s26, v5;
	_ =	sdelay $0x3  }
0x357: {  	s14 =	ssub.s32 $0x1FA, s22;
	[tilespmem:s25+$0xFFFFFF80] =	vst v2  }
0x358: {  	v4 =	vadd.s32 s14, v1;
	v2 =	vld.idx.msk [tilespmem:v3+s11+$0x0], $0xffff  }
0x359: {  	v10 =	vadd.s32 s26, v4;
	_ =	sdelay $0x3  }
0x35a: {  	s15 =	ssub.s32 $0x1F9, s22;
	[tilespmem:s25+$0x0] =	vst v2  }
0x35b: {  	v3 =	vadd.s32 s15, v1;
	v11 =	vld.idx.msk [tilespmem:v10+s11+$0x0], $0xffff  }
0x35c: {  	v12 =	vadd.s32 s26, v3;
	_ =	sdelay $0x1  }
0x35d: {  	s16 =	ssub.s32 $0x1F8, s22  }
0x35e: {  	v10 =	vmov s16  }
0x35f: {  	v2 =	vor.u32 s16, v1;
	v13 =	vadd.s32 s26, v10;
	[tilespmem:s25+$0x80] =	vst v11  }
0x360: {  	v13 =	vand.u32 $0x1F80, v13;
	v11 =	vand.u32 $0x7F, v2;
	v12 =	vld.idx.msk [tilespmem:v12+s11+$0x0], $0xffff  }
0x361: {  	v13 =	vor.u32 v11, v13;
	_ =	sdelay $0x3  }
0x362: {  	[tilespmem:s25+$0x100] =	vst v12  }
0x363: {  	s19 =	simm.s32 $0x10;
	v12 =	vld.idx.msk [tilespmem:v13+s11+$0x0], $0xffff  }
0x364: {  	v13 =	vadd.s32 s19, v9;
	_ =	sdelay $0x3  }
0x365: {  	[tilespmem:s25+$0x180] =	vst v12  }
0x366: {  	v12 =	vld.idx.msk [tilespmem:v13+s11+$0x0], $0xffff  }
0x367: {  	s20 =	simm.s32 $0x80;
	v13 =	vadd.s32 s19, v8  }
0x368: {  	v14 =	vadd.s32 s20, v9;
	_ =	sdelay $0x2  }
0x369: {  	[tilespmem:s25+$0xFFFFFE10] =	vst v12  }
0x36a: {  	v12 =	vld.idx.msk [tilespmem:v13+s11+$0x0], $0xffff  }
0x36b: {  	v13 =	vld.idx.msk [tilespmem:v14+s11+$0x0], $0xffff;
	v14 =	vadd.s32 s19, v7  }
0x36c: {  	v15 =	vadd.s32 s20, v8;
	_ =	sdelay $0x2  }
0x36d: {  	s22 =	simm.s32 $0xB180;
	[tilespmem:s25+$0xFFFFFE90] =	vst v12  }
0x36e: {  	[tilespmem:s22+$0xFFFFFE00] =	vst v13;
	v12 =	vld.idx.msk [tilespmem:v14+s11+$0x0], $0xffff  }
0x36f: {  	v13 =	vld.idx.msk [tilespmem:v15+s11+$0x0], $0xffff;
	v14 =	vadd.s32 s19, v6  }
0x370: {  	v15 =	vadd.s32 s20, v7;
	_ =	sdelay $0x2  }
0x371: {  	[tilespmem:s25+$0xFFFFFF10] =	vst v12  }
0x372: {  	[tilespmem:s22+$0xFFFFFE80] =	vst v13;
	v12 =	vld.idx.msk [tilespmem:v14+s11+$0x0], $0xffff  }
0x373: {  	v13 =	vld.idx.msk [tilespmem:v15+s11+$0x0], $0xffff;
	v14 =	vadd.s32 s19, v5  }
0x374: {  	v15 =	vadd.s32 s20, v6;
	_ =	sdelay $0x2  }
0x375: {  	[tilespmem:s25+$0xFFFFFF90] =	vst v12  }
0x376: {  	[tilespmem:s22+$0xFFFFFF00] =	vst v13;
	v12 =	vld.idx.msk [tilespmem:v14+s11+$0x0], $0xffff  }
0x377: {  	v13 =	vld.idx.msk [tilespmem:v15+s11+$0x0], $0xffff;
	v14 =	vadd.s32 s19, v4  }
0x378: {  	v15 =	vadd.s32 s20, v5;
	_ =	sdelay $0x2  }
0x379: {  	[tilespmem:s25+$0x10] =	vst v12  }
0x37a: {  	[tilespmem:s22+$0xFFFFFF80] =	vst v13;
	v12 =	vld.idx.msk [tilespmem:v14+s11+$0x0], $0xffff  }
0x37b: {  	v13 =	vld.idx.msk [tilespmem:v15+s11+$0x0], $0xffff;
	v14 =	vadd.s32 s19, v3  }
0x37c: {  	v15 =	vadd.s32 s20, v4;
	_ =	sdelay $0x2  }
0x37d: {  	[tilespmem:s25+$0x90] =	vst v12  }
0x37e: {  	[tilespmem:s22+$0x0] =	vst v13;
	v12 =	vld.idx.msk [tilespmem:v14+s11+$0x0], $0xffff  }
0x37f: {  	v13 =	vld.idx.msk [tilespmem:v15+s11+$0x0], $0xffff;
	v14 =	vadd.s32 s19, v2  }
0x380: {  	v15 =	vadd.s32 s20, v3;
	_ =	sdelay $0x2  }
0x381: {  	[tilespmem:s25+$0x110] =	vst v12  }
0x382: {  	s21 =	simm.s32 $0x20;
	[tilespmem:s22+$0x80] =	vst v13;
	v13 =	vadd.s32 s20, v10;
	v12 =	vld.idx.msk [tilespmem:v14+s11+$0x0], $0xffff  }
0x383: {  	v14 =	vld.idx.msk [tilespmem:v15+s11+$0x0], $0xffff;
	v13 =	vand.u32 $0x1F80, v13;
	v15 =	vadd.s32 s21, v9  }
0x384: {  	v13 =	vor.u32 v11, v13;
	_ =	sdelay $0x2  }
0x385: {  	[tilespmem:s25+$0x190] =	vst v12  }
0x386: {  	[tilespmem:s22+$0x100] =	vst v14;
	v12 =	vld.idx.msk [tilespmem:v15+s11+$0x0], $0xffff  }
0x387: {  	s23 =	simm.s32 $0x90;
	v14 =	vadd.s32 s21, v8;
	v13 =	vld.idx.msk [tilespmem:v13+s11+$0x0], $0xffff  }
0x388: {  	v15 =	vadd.s32 s23, v9;
	_ =	sdelay $0x2  }
0x389: {  	[tilespmem:s25+$0xFFFFFE20] =	vst v12  }
0x38a: {  	[tilespmem:s22+$0x180] =	vst v13;
	v12 =	vld.idx.msk [tilespmem:v14+s11+$0x0], $0xffff  }
0x38b: {  	v13 =	vld.idx.msk [tilespmem:v15+s11+$0x0], $0xffff;
	v14 =	vadd.s32 s21, v7  }
0x38c: {  	s24 =	simm.s32 $0x100;
	v15 =	vadd.s32 s23, v8  }
0x38d: {  	v16 =	vadd.s32 s24, v9;
	_ =	sdelay $0x1  }
0x38e: {  	[tilespmem:s25+$0xFFFFFEA0] =	vst v12  }
0x38f: {  	[tilespmem:s22+$0xFFFFFE10] =	vst v13;
	v12 =	vld.idx.msk [tilespmem:v14+s11+$0x0], $0xffff  }
0x390: {  	v13 =	vld.idx.msk [tilespmem:v15+s11+$0x0], $0xffff;
	v14 =	vadd.s32 s21, v6  }
0x391: {  	v15 =	vld.idx.msk [tilespmem:v16+s11+$0x0], $0xffff;
	v16 =	vadd.s32 s23, v7  }
0x392: {  	v17 =	vadd.s32 s24, v8;
	_ =	sdelay $0x1  }
0x393: {  	[tilespmem:s25+$0xFFFFFF20] =	vst v12  }
0x394: {  	s19 =	simm.s32 $0xB580;
	[tilespmem:s22+$0xFFFFFE90] =	vst v13;
	v12 =	vld.idx.msk [tilespmem:v14+s11+$0x0], $0xffff  }
0x395: {  	[tilespmem:s19+$0xFFFFFE00] =	vst v15;
	v13 =	vld.idx.msk [tilespmem:v16+s11+$0x0], $0xffff;
	v14 =	vadd.s32 s21, v5  }
0x396: {  	v15 =	vld.idx.msk [tilespmem:v17+s11+$0x0], $0xffff;
	v16 =	vadd.s32 s23, v6  }
0x397: {  	v17 =	vadd.s32 s24, v7;
	_ =	sdelay $0x1  }
0x398: {  	[tilespmem:s25+$0xFFFFFFA0] =	vst v12  }
0x399: {  	[tilespmem:s22+$0xFFFFFF10] =	vst v13;
	v12 =	vld.idx.msk [tilespmem:v14+s11+$0x0], $0xffff  }
0x39a: {  	[tilespmem:s19+$0xFFFFFE80] =	vst v15;
	v13 =	vld.idx.msk [tilespmem:v16+s11+$0x0], $0xffff;
	v14 =	vadd.s32 s21, v4  }
0x39b: {  	v15 =	vld.idx.msk [tilespmem:v17+s11+$0x0], $0xffff;
	v16 =	vadd.s32 s23, v5  }
0x39c: {  	v17 =	vadd.s32 s24, v6;
	_ =	sdelay $0x1  }
0x39d: {  	[tilespmem:s25+$0x20] =	vst v12  }
0x39e: {  	[tilespmem:s22+$0xFFFFFF90] =	vst v13;
	v12 =	vld.idx.msk [tilespmem:v14+s11+$0x0], $0xffff  }
0x39f: {  	[tilespmem:s19+$0xFFFFFF00] =	vst v15;
	v13 =	vld.idx.msk [tilespmem:v16+s11+$0x0], $0xffff;
	v14 =	vadd.s32 s21, v3  }
0x3a0: {  	v15 =	vld.idx.msk [tilespmem:v17+s11+$0x0], $0xffff;
	v16 =	vadd.s32 s23, v4  }
0x3a1: {  	v17 =	vadd.s32 s24, v5;
	_ =	sdelay $0x1  }
0x3a2: {  	[tilespmem:s25+$0xA0] =	vst v12  }
0x3a3: {  	[tilespmem:s22+$0x10] =	vst v13;
	v12 =	vld.idx.msk [tilespmem:v14+s11+$0x0], $0xffff  }
0x3a4: {  	[tilespmem:s19+$0xFFFFFF80] =	vst v15;
	v13 =	vld.idx.msk [tilespmem:v16+s11+$0x0], $0xffff;
	v14 =	vadd.s32 s21, v2  }
0x3a5: {  	v15 =	vld.idx.msk [tilespmem:v17+s11+$0x0], $0xffff;
	v16 =	vadd.s32 s23, v3  }
0x3a6: {  	v17 =	vadd.s32 s24, v4;
	_ =	sdelay $0x1  }
0x3a7: {  	[tilespmem:s25+$0x120] =	vst v12  }
0x3a8: {  	s26 =	simm.s32 $0x30;
	[tilespmem:s22+$0x90] =	vst v13;
	v12 =	vld.idx.msk [tilespmem:v14+s11+$0x0], $0xffff  }
0x3a9: {  	[tilespmem:s19+$0x0] =	vst v15;
	v13 =	vld.idx.msk [tilespmem:v16+s11+$0x0], $0xffff;
	v14 =	vadd.s32 s26, v9  }
0x3aa: {  	v15 =	vld.idx.msk [tilespmem:v17+s11+$0x0], $0xffff;
	v16 =	vadd.s32 s23, v2  }
0x3ab: {  	v17 =	vadd.s32 s24, v3;
	_ =	sdelay $0x1  }
0x3ac: {  	[tilespmem:s25+$0x1A0] =	vst v12  }
0x3ad: {  	[tilespmem:s22+$0x110] =	vst v13;
	v12 =	vld.idx.msk [tilespmem:v14+s11+$0x0], $0xffff  }
0x3ae: {  	s3 =	simm.s32 $0xA0;
	[tilespmem:s19+$0x80] =	vst v15;
	v15 =	vadd.s32 s26, v8;
	v13 =	vld.idx.msk [tilespmem:v16+s11+$0x0], $0xffff;
	v14 =	vadd.s32 s24, v10  }
0x3af: {  	v16 =	vld.idx.msk [tilespmem:v17+s11+$0x0], $0xffff;
	v17 =	vadd.s32 s3, v9;
	v14 =	vand.u32 $0x1F80, v14  }
0x3b0: {  	v14 =	vor.u32 v11, v14;
	_ =	sdelay $0x1  }
0x3b1: {  	[tilespmem:s25+$0xFFFFFE30] =	vst v12  }
0x3b2: {  	[tilespmem:s22+$0x190] =	vst v13;
	v12 =	vld.idx.msk [tilespmem:v15+s11+$0x0], $0xffff  }
0x3b3: {  	[tilespmem:s19+$0x100] =	vst v16;
	v13 =	vld.idx.msk [tilespmem:v17+s11+$0x0], $0xffff;
	v15 =	vadd.s32 s26, v7  }
0x3b4: {  	s4 =	simm.s32 $0x110;
	v16 =	vadd.s32 s3, v8;
	v14 =	vld.idx.msk [tilespmem:v14+s11+$0x0], $0xffff  }
0x3b5: {  	v17 =	vadd.s32 s4, v9;
	_ =	sdelay $0x1  }
0x3b6: {  	[tilespmem:s25+$0xFFFFFEB0] =	vst v12  }
0x3b7: {  	[tilespmem:s22+$0xFFFFFE20] =	vst v13;
	v12 =	vld.idx.msk [tilespmem:v15+s11+$0x0], $0xffff  }
0x3b8: {  	[tilespmem:s19+$0x180] =	vst v14;
	v13 =	vld.idx.msk [tilespmem:v16+s11+$0x0], $0xffff;
	v14 =	vadd.s32 s26, v6  }
0x3b9: {  	v16 =	vadd.s32 s3, v7;
	v15 =	vld.idx.msk [tilespmem:v17+s11+$0x0], $0xffff  }
0x3ba: {  	s7 =	simm.s32 $0x180;
	v17 =	vadd.s32 s4, v8  }
0x3bb: {  	v18 =	vadd.s32 s7, v9  }
0x3bc: {  	[tilespmem:s25+$0xFFFFFF30] =	vst v12  }
0x3bd: {  	[tilespmem:s22+$0xFFFFFEA0] =	vst v13;
	v12 =	vld.idx.msk [tilespmem:v14+s11+$0x0], $0xffff  }
0x3be: {  	[tilespmem:s19+$0xFFFFFE10] =	vst v15;
	v13 =	vld.idx.msk [tilespmem:v16+s11+$0x0], $0xffff;
	v14 =	vadd.s32 s26, v5  }
0x3bf: {  	v16 =	vadd.s32 s3, v6;
	v15 =	vld.idx.msk [tilespmem:v17+s11+$0x0], $0xffff  }
0x3c0: {  	v17 =	vld.idx.msk [tilespmem:v18+s11+$0x0], $0xffff;
	v18 =	vadd.s32 s4, v7  }
0x3c1: {  	v19 =	vadd.s32 s7, v8  }
0x3c2: {  	[tilespmem:s25+$0xFFFFFFB0] =	vst v12  }
0x3c3: {  	[tilespmem:s22+$0xFFFFFF20] =	vst v13;
	v12 =	vld.idx.msk [tilespmem:v14+s11+$0x0], $0xffff  }
0x3c4: {  	s20 =	simm.s32 $0xB980;
	[tilespmem:s19+$0xFFFFFE90] =	vst v15;
	v13 =	vld.idx.msk [tilespmem:v16+s11+$0x0], $0xffff;
	v14 =	vadd.s32 s26, v4  }
0x3c5: {  	[tilespmem:s20+$0xFFFFFE00] =	vst v17;
	v16 =	vadd.s32 s3, v5;
	v15 =	vld.idx.msk [tilespmem:v18+s11+$0x0], $0xffff  }
0x3c6: {  	v17 =	vld.idx.msk [tilespmem:v19+s11+$0x0], $0xffff;
	v18 =	vadd.s32 s4, v6  }
0x3c7: {  	v19 =	vadd.s32 s7, v7  }
0x3c8: {  	[tilespmem:s25+$0x30] =	vst v12  }
0x3c9: {  	[tilespmem:s22+$0xFFFFFFA0] =	vst v13;
	v12 =	vld.idx.msk [tilespmem:v14+s11+$0x0], $0xffff  }
0x3ca: {  	[tilespmem:s19+$0xFFFFFF10] =	vst v15;
	v13 =	vld.idx.msk [tilespmem:v16+s11+$0x0], $0xffff;
	v14 =	vadd.s32 s26, v3  }
0x3cb: {  	[tilespmem:s20+$0xFFFFFE80] =	vst v17;
	v16 =	vadd.s32 s3, v4;
	v15 =	vld.idx.msk [tilespmem:v18+s11+$0x0], $0xffff  }
0x3cc: {  	v17 =	vld.idx.msk [tilespmem:v19+s11+$0x0], $0xffff;
	v18 =	vadd.s32 s4, v5  }
0x3cd: {  	v19 =	vadd.s32 s7, v6  }
0x3ce: {  	[tilespmem:s25+$0xB0] =	vst v12  }
0x3cf: {  	[tilespmem:s22+$0x20] =	vst v13;
	v12 =	vld.idx.msk [tilespmem:v14+s11+$0x0], $0xffff  }
0x3d0: {  	[tilespmem:s19+$0xFFFFFF90] =	vst v15;
	v13 =	vld.idx.msk [tilespmem:v16+s11+$0x0], $0xffff;
	v14 =	vadd.s32 s26, v2  }
0x3d1: {  	[tilespmem:s20+$0xFFFFFF00] =	vst v17;
	v16 =	vadd.s32 s3, v3;
	v15 =	vld.idx.msk [tilespmem:v18+s11+$0x0], $0xffff  }
0x3d2: {  	v17 =	vld.idx.msk [tilespmem:v19+s11+$0x0], $0xffff;
	v18 =	vadd.s32 s4, v4  }
0x3d3: {  	v19 =	vadd.s32 s7, v5  }
0x3d4: {  	[tilespmem:s25+$0x130] =	vst v12  }
0x3d5: {  	s8 =	simm.s32 $0x40;
	[tilespmem:s22+$0xA0] =	vst v13;
	v12 =	vld.idx.msk [tilespmem:v14+s11+$0x0], $0xffff  }
0x3d6: {  	[tilespmem:s19+$0x10] =	vst v15;
	v13 =	vld.idx.msk [tilespmem:v16+s11+$0x0], $0xffff;
	v14 =	vadd.s32 s8, v9  }
0x3d7: {  	[tilespmem:s20+$0xFFFFFF80] =	vst v17;
	v16 =	vadd.s32 s3, v2;
	v15 =	vld.idx.msk [tilespmem:v18+s11+$0x0], $0xffff  }
0x3d8: {  	v17 =	vld.idx.msk [tilespmem:v19+s11+$0x0], $0xffff;
	v18 =	vadd.s32 s4, v3  }
0x3d9: {  	v19 =	vadd.s32 s7, v4  }
0x3da: {  	[tilespmem:s25+$0x1B0] =	vst v12  }
0x3db: {  	[tilespmem:s22+$0x120] =	vst v13;
	v12 =	vld.idx.msk [tilespmem:v14+s11+$0x0], $0xffff  }
0x3dc: {  	s9 =	simm.s32 $0xB0;
	[tilespmem:s19+$0x90] =	vst v15;
	v13 =	vld.idx.msk [tilespmem:v16+s11+$0x0], $0xffff;
	v14 =	vadd.s32 s8, v8  }
0x3dd: {  	[tilespmem:s20+$0x0] =	vst v17;
	v16 =	vadd.s32 s9, v9;
	v15 =	vld.idx.msk [tilespmem:v18+s11+$0x0], $0xffff  }
0x3de: {  	v17 =	vld.idx.msk [tilespmem:v19+s11+$0x0], $0xffff;
	v18 =	vadd.s32 s4, v2  }
0x3df: {  	v19 =	vadd.s32 s7, v3  }
0x3e0: {  	[tilespmem:s25+$0xFFFFFE40] =	vst v12  }
0x3e1: {  	[tilespmem:s22+$0x1A0] =	vst v13;
	v12 =	vld.idx.msk [tilespmem:v14+s11+$0x0], $0xffff  }
0x3e2: {  	[tilespmem:s19+$0x110] =	vst v15;
	v13 =	vld.idx.msk [tilespmem:v16+s11+$0x0], $0xffff;
	v14 =	vadd.s32 s8, v7  }
0x3e3: {  	s14 =	simm.s32 $0x120;
	[tilespmem:s20+$0x80] =	vst v17;
	v16 =	vadd.s32 s7, v10;
	v17 =	vadd.s32 s9, v8;
	v15 =	vld.idx.msk [tilespmem:v18+s11+$0x0], $0xffff  }
0x3e4: {  	v18 =	vld.idx.msk [tilespmem:v19+s11+$0x0], $0xffff;
	v16 =	vand.u32 $0x1F80, v16;
	v19 =	vadd.s32 s14, v9  }
0x3e5: {  	v16 =	vor.u32 v11, v16  }
0x3e6: {  	[tilespmem:s25+$0xFFFFFEC0] =	vst v12  }
0x3e7: {  	[tilespmem:s22+$0xFFFFFE30] =	vst v13;
	v12 =	vld.idx.msk [tilespmem:v14+s11+$0x0], $0xffff  }
0x3e8: {  	[tilespmem:s19+$0x190] =	vst v15;
	v13 =	vld.idx.msk [tilespmem:v17+s11+$0x0], $0xffff;
	v14 =	vadd.s32 s8, v6  }
0x3e9: {  	[tilespmem:s20+$0x100] =	vst v18;
	v17 =	vadd.s32 s9, v7;
	v15 =	vld.idx.msk [tilespmem:v19+s11+$0x0], $0xffff  }
0x3ea: {  	s15 =	simm.s32 $0x190;
	v18 =	vadd.s32 s14, v8;
	v16 =	vld.idx.msk [tilespmem:v16+s11+$0x0], $0xffff  }
0x3eb: {  	v19 =	vadd.s32 s15, v9  }
0x3ec: {  	[tilespmem:s25+$0xFFFFFF40] =	vst v12  }
0x3ed: {  	[tilespmem:s22+$0xFFFFFEB0] =	vst v13;
	v12 =	vld.idx.msk [tilespmem:v14+s11+$0x0], $0xffff  }
0x3ee: {  	[tilespmem:s19+$0xFFFFFE20] =	vst v15;
	v13 =	vld.idx.msk [tilespmem:v17+s11+$0x0], $0xffff;
	v14 =	vadd.s32 s8, v5  }
0x3ef: {  	[tilespmem:s20+$0x180] =	vst v16;
	v16 =	vadd.s32 s9, v6;
	v15 =	vld.idx.msk [tilespmem:v18+s11+$0x0], $0xffff  }
0x3f0: {  	v17 =	vld.idx.msk [tilespmem:v19+s11+$0x0], $0xffff;
	v18 =	vadd.s32 s14, v7  }
0x3f1: {  	s16 =	simm.s32 $0x200;
	v19 =	vadd.s32 s15, v8  }
0x3f2: {  	v20 =	vadd.s32 s16, v9;
	[tilespmem:s25+$0xFFFFFFC0] =	vst v12  }
0x3f3: {  	[tilespmem:s22+$0xFFFFFF30] =	vst v13;
	v12 =	vld.idx.msk [tilespmem:v14+s11+$0x0], $0xffff  }
0x3f4: {  	[tilespmem:s19+$0xFFFFFEA0] =	vst v15;
	v13 =	vld.idx.msk [tilespmem:v16+s11+$0x0], $0xffff;
	v14 =	vadd.s32 s8, v4  }
0x3f5: {  	[tilespmem:s20+$0xFFFFFE10] =	vst v17;
	v16 =	vadd.s32 s9, v5;
	v15 =	vld.idx.msk [tilespmem:v18+s11+$0x0], $0xffff  }
0x3f6: {  	v17 =	vld.idx.msk [tilespmem:v19+s11+$0x0], $0xffff;
	v18 =	vadd.s32 s14, v6  }
0x3f7: {  	v19 =	vld.idx.msk [tilespmem:v20+s11+$0x0], $0xffff;
	v20 =	vadd.s32 s15, v7  }
0x3f8: {  	v21 =	vadd.s32 s16, v8;
	[tilespmem:s25+$0x40] =	vst v12  }
0x3f9: {  	[tilespmem:s22+$0xFFFFFFB0] =	vst v13;
	v12 =	vld.idx.msk [tilespmem:v14+s11+$0x0], $0xffff  }
0x3fa: {  	[tilespmem:s19+$0xFFFFFF20] =	vst v15;
	v13 =	vld.idx.msk [tilespmem:v16+s11+$0x0], $0xffff;
	v14 =	vadd.s32 s8, v3  }
0x3fb: {  	s21 =	simm.s32 $0xBD80;
	[tilespmem:s20+$0xFFFFFE90] =	vst v17;
	v16 =	vadd.s32 s9, v4;
	v15 =	vld.idx.msk [tilespmem:v18+s11+$0x0], $0xffff  }
0x3fc: {  	[tilespmem:s21+$0xFFFFFE00] =	vst v19;
	v17 =	vld.idx.msk [tilespmem:v20+s11+$0x0], $0xffff;
	v18 =	vadd.s32 s14, v5  }
0x3fd: {  	v19 =	vld.idx.msk [tilespmem:v21+s11+$0x0], $0xffff;
	v20 =	vadd.s32 s15, v6  }
0x3fe: {  	v21 =	vadd.s32 s16, v7;
	[tilespmem:s25+$0xC0] =	vst v12  }
0x3ff: {  	[tilespmem:s22+$0x30] =	vst v13;
	v12 =	vld.idx.msk [tilespmem:v14+s11+$0x0], $0xffff  }
0x400: {  	[tilespmem:s19+$0xFFFFFFA0] =	vst v15;
	v13 =	vld.idx.msk [tilespmem:v16+s11+$0x0], $0xffff;
	v14 =	vadd.s32 s8, v2  }
0x401: {  	[tilespmem:s20+$0xFFFFFF10] =	vst v17;
	v16 =	vadd.s32 s9, v3;
	v15 =	vld.idx.msk [tilespmem:v18+s11+$0x0], $0xffff  }
0x402: {  	[tilespmem:s21+$0xFFFFFE80] =	vst v19;
	v17 =	vld.idx.msk [tilespmem:v20+s11+$0x0], $0xffff;
	v18 =	vadd.s32 s14, v4  }
0x403: {  	v19 =	vld.idx.msk [tilespmem:v21+s11+$0x0], $0xffff;
	v20 =	vadd.s32 s15, v5  }
0x404: {  	v21 =	vadd.s32 s16, v6;
	[tilespmem:s25+$0x140] =	vst v12  }
0x405: {  	s23 =	simm.s32 $0x50;
	[tilespmem:s22+$0xB0] =	vst v13;
	v12 =	vld.idx.msk [tilespmem:v14+s11+$0x0], $0xffff  }
0x406: {  	[tilespmem:s19+$0x20] =	vst v15;
	v13 =	vld.idx.msk [tilespmem:v16+s11+$0x0], $0xffff;
	v14 =	vadd.s32 s23, v9  }
0x407: {  	[tilespmem:s20+$0xFFFFFF90] =	vst v17;
	v16 =	vadd.s32 s9, v2;
	v15 =	vld.idx.msk [tilespmem:v18+s11+$0x0], $0xffff  }
0x408: {  	[tilespmem:s21+$0xFFFFFF00] =	vst v19;
	v17 =	vld.idx.msk [tilespmem:v20+s11+$0x0], $0xffff;
	v18 =	vadd.s32 s14, v3  }
0x409: {  	v19 =	vld.idx.msk [tilespmem:v21+s11+$0x0], $0xffff;
	v20 =	vadd.s32 s15, v4  }
0x40a: {  	v21 =	vadd.s32 s16, v5;
	[tilespmem:s25+$0x1C0] =	vst v12  }
0x40b: {  	[tilespmem:s22+$0x130] =	vst v13;
	v12 =	vld.idx.msk [tilespmem:v14+s11+$0x0], $0xffff  }
0x40c: {  	s24 =	simm.s32 $0xC0;
	[tilespmem:s19+$0xA0] =	vst v15;
	v13 =	vld.idx.msk [tilespmem:v16+s11+$0x0], $0xffff;
	v14 =	vadd.s32 s23, v8  }
0x40d: {  	[tilespmem:s20+$0x10] =	vst v17;
	v16 =	vadd.s32 s24, v9;
	v15 =	vld.idx.msk [tilespmem:v18+s11+$0x0], $0xffff  }
0x40e: {  	[tilespmem:s21+$0xFFFFFF80] =	vst v19;
	v17 =	vld.idx.msk [tilespmem:v20+s11+$0x0], $0xffff;
	v18 =	vadd.s32 s14, v2  }
0x40f: {  	v19 =	vld.idx.msk [tilespmem:v21+s11+$0x0], $0xffff;
	v20 =	vadd.s32 s15, v3  }
0x410: {  	v21 =	vadd.s32 s16, v4;
	[tilespmem:s25+$0xFFFFFE50] =	vst v12  }
0x411: {  	[tilespmem:s22+$0x1B0] =	vst v13;
	v12 =	vld.idx.msk [tilespmem:v14+s11+$0x0], $0xffff  }
0x412: {  	[tilespmem:s19+$0x120] =	vst v15;
	v13 =	vld.idx.msk [tilespmem:v16+s11+$0x0], $0xffff;
	v14 =	vadd.s32 s23, v7  }
0x413: {  	s26 =	simm.s32 $0x130;
	[tilespmem:s20+$0x90] =	vst v17;
	v16 =	vadd.s32 s24, v8;
	v15 =	vld.idx.msk [tilespmem:v18+s11+$0x0], $0xffff  }
0x414: {  	[tilespmem:s21+$0x0] =	vst v19;
	v17 =	vld.idx.msk [tilespmem:v20+s11+$0x0], $0xffff;
	v18 =	vadd.s32 s26, v9  }
0x415: {  	v19 =	vld.idx.msk [tilespmem:v21+s11+$0x0], $0xffff;
	v20 =	vadd.s32 s15, v2  }
0x416: {  	v21 =	vadd.s32 s16, v3;
	[tilespmem:s25+$0xFFFFFED0] =	vst v12  }
0x417: {  	[tilespmem:s22+$0xFFFFFE40] =	vst v13;
	v12 =	vld.idx.msk [tilespmem:v14+s11+$0x0], $0xffff  }
0x418: {  	[tilespmem:s19+$0x1A0] =	vst v15;
	v13 =	vld.idx.msk [tilespmem:v16+s11+$0x0], $0xffff;
	v14 =	vadd.s32 s23, v6  }
0x419: {  	[tilespmem:s20+$0x110] =	vst v17;
	v16 =	vadd.s32 s24, v7;
	v15 =	vld.idx.msk [tilespmem:v18+s11+$0x0], $0xffff  }
0x41a: {  	s7 =	simm.s32 $0x1A0;
	[tilespmem:s21+$0x80] =	vst v19;
	v19 =	vadd.s32 s26, v8;
	v17 =	vld.idx.msk [tilespmem:v20+s11+$0x0], $0xffff;
	v18 =	vadd.s32 s16, v10  }
0x41b: {  	v20 =	vld.idx.msk [tilespmem:v21+s11+$0x0], $0xffff;
	v21 =	vadd.s32 s7, v9;
	v18 =	vand.u32 $0x1F80, v18  }
0x41c: {  	v18 =	vor.u32 v11, v18;
	[tilespmem:s25+$0xFFFFFF50] =	vst v12  }
0x41d: {  	[tilespmem:s22+$0xFFFFFEC0] =	vst v13;
	v12 =	vld.idx.msk [tilespmem:v14+s11+$0x0], $0xffff  }
0x41e: {  	[tilespmem:s19+$0xFFFFFE30] =	vst v15;
	v13 =	vld.idx.msk [tilespmem:v16+s11+$0x0], $0xffff;
	v14 =	vadd.s32 s23, v5  }
0x41f: {  	[tilespmem:s20+$0x190] =	vst v17;
	v16 =	vadd.s32 s24, v6;
	v15 =	vld.idx.msk [tilespmem:v19+s11+$0x0], $0xffff  }
0x420: {  	[tilespmem:s21+$0x100] =	vst v20;
	v17 =	vld.idx.msk [tilespmem:v21+s11+$0x0], $0xffff;
	v19 =	vadd.s32 s26, v7  }
0x421: {  	s9 =	simm.s32 $0x210;
	v20 =	vadd.s32 s7, v8;
	v18 =	vld.idx.msk [tilespmem:v18+s11+$0x0], $0xffff  }
0x422: {  	v21 =	vadd.s32 s9, v9;
	[tilespmem:s25+$0xFFFFFFD0] =	vst v12  }
0x423: {  	[tilespmem:s22+$0xFFFFFF40] =	vst v13;
	v12 =	vld.idx.msk [tilespmem:v14+s11+$0x0], $0xffff  }
0x424: {  	[tilespmem:s19+$0xFFFFFEB0] =	vst v15;
	v13 =	vld.idx.msk [tilespmem:v16+s11+$0x0], $0xffff;
	v14 =	vadd.s32 s23, v4  }
0x425: {  	[tilespmem:s20+$0xFFFFFE20] =	vst v17;
	v16 =	vadd.s32 s24, v5;
	v15 =	vld.idx.msk [tilespmem:v19+s11+$0x0], $0xffff  }
0x426: {  	[tilespmem:s21+$0x180] =	vst v18;
	v17 =	vld.idx.msk [tilespmem:v20+s11+$0x0], $0xffff;
	v18 =	vadd.s32 s26, v6  }
0x427: {  	v20 =	vadd.s32 s7, v7;
	v19 =	vld.idx.msk [tilespmem:v21+s11+$0x0], $0xffff  }
0x428: {  	s14 =	simm.s32 $0x280;
	v21 =	vadd.s32 s9, v8;
	[tilespmem:s25+$0x50] =	vst v12  }
0x429: {  	v12 =	vadd.s32 s14, v9;
	[tilespmem:s22+$0xFFFFFFC0] =	vst v13;
	v13 =	vld.idx.msk [tilespmem:v14+s11+$0x0], $0xffff  }
0x42a: {  	[tilespmem:s19+$0xFFFFFF30] =	vst v15;
	v14 =	vld.idx.msk [tilespmem:v16+s11+$0x0], $0xffff;
	v15 =	vadd.s32 s23, v3  }
0x42b: {  	[tilespmem:s20+$0xFFFFFEA0] =	vst v17;
	v17 =	vadd.s32 s24, v4;
	v16 =	vld.idx.msk [tilespmem:v18+s11+$0x0], $0xffff  }
0x42c: {  	[tilespmem:s21+$0xFFFFFE10] =	vst v19;
	v18 =	vld.idx.msk [tilespmem:v20+s11+$0x0], $0xffff;
	v19 =	vadd.s32 s26, v5  }
0x42d: {  	v20 =	vld.idx.msk [tilespmem:v21+s11+$0x0], $0xffff;
	v21 =	vadd.s32 s7, v6  }
0x42e: {  	v22 =	vadd.s32 s9, v7;
	v12 =	vld.idx.msk [tilespmem:v12+s11+$0x0], $0xffff;
	[tilespmem:s25+$0xD0] =	vst v13  }
0x42f: {  	v13 =	vadd.s32 s14, v8;
	[tilespmem:s22+$0x40] =	vst v14;
	v14 =	vld.idx.msk [tilespmem:v15+s11+$0x0], $0xffff  }
0x430: {  	[tilespmem:s19+$0xFFFFFFB0] =	vst v16;
	v15 =	vld.idx.msk [tilespmem:v17+s11+$0x0], $0xffff;
	v16 =	vadd.s32 s23, v2  }
0x431: {  	[tilespmem:s20+$0xFFFFFF20] =	vst v18;
	v18 =	vadd.s32 s24, v3;
	v17 =	vld.idx.msk [tilespmem:v19+s11+$0x0], $0xffff  }
0x432: {  	s23 =	simm.s32 $0xC180;
	[tilespmem:s21+$0xFFFFFE90] =	vst v20;
	v19 =	vld.idx.msk [tilespmem:v21+s11+$0x0], $0xffff;
	v20 =	vadd.s32 s26, v4  }
0x433: {  	v21 =	vadd.s32 s7, v5;
	[tilespmem:s23+$0xFFFFFE00] =	vst v12;
	v12 =	vld.idx.msk [tilespmem:v22+s11+$0x0], $0xffff  }
0x434: {  	v22 =	vadd.s32 s9, v6;
	v13 =	vld.idx.msk [tilespmem:v13+s11+$0x0], $0xffff;
	[tilespmem:s25+$0x150] =	vst v14  }
0x435: {  	s15 =	simm.s32 $0x60;
	v14 =	vadd.s32 s14, v7;
	[tilespmem:s22+$0xC0] =	vst v15;
	v15 =	vld.idx.msk [tilespmem:v16+s11+$0x0], $0xffff  }
0x436: {  	[tilespmem:s19+$0x30] =	vst v17;
	v16 =	vld.idx.msk [tilespmem:v18+s11+$0x0], $0xffff;
	v17 =	vadd.s32 s15, v9  }
0x437: {  	[tilespmem:s20+$0xFFFFFFA0] =	vst v19;
	v19 =	vadd.s32 s24, v2;
	v18 =	vld.idx.msk [tilespmem:v20+s11+$0x0], $0xffff  }
0x438: {  	v20 =	vadd.s32 s26, v3;
	[tilespmem:s21+$0xFFFFFF10] =	vst v12;
	v12 =	vld.idx.msk [tilespmem:v21+s11+$0x0], $0xffff  }
0x439: {  	v21 =	vadd.s32 s7, v4;
	[tilespmem:s23+$0xFFFFFE80] =	vst v13;
	v13 =	vld.idx.msk [tilespmem:v22+s11+$0x0], $0xffff  }
0x43a: {  	v22 =	vadd.s32 s9, v5;
	v14 =	vld.idx.msk [tilespmem:v14+s11+$0x0], $0xffff;
	[tilespmem:s25+$0x1D0] =	vst v15  }
0x43b: {  	v15 =	vadd.s32 s14, v6;
	[tilespmem:s22+$0x140] =	vst v16;
	v16 =	vld.idx.msk [tilespmem:v17+s11+$0x0], $0xffff  }
0x43c: {  	s24 =	simm.s32 $0xD0;
	[tilespmem:s19+$0xB0] =	vst v18;
	v17 =	vld.idx.msk [tilespmem:v19+s11+$0x0], $0xffff;
	v18 =	vadd.s32 s15, v8  }
0x43d: {  	v19 =	vadd.s32 s24, v9;
	[tilespmem:s20+$0x20] =	vst v12;
	v12 =	vld.idx.msk [tilespmem:v20+s11+$0x0], $0xffff  }
0x43e: {  	v20 =	vadd.s32 s26, v2;
	[tilespmem:s21+$0xFFFFFF90] =	vst v13;
	v13 =	vld.idx.msk [tilespmem:v21+s11+$0x0], $0xffff  }
0x43f: {  	v21 =	vadd.s32 s7, v3;
	[tilespmem:s23+$0xFFFFFF00] =	vst v14;
	v14 =	vld.idx.msk [tilespmem:v22+s11+$0x0], $0xffff  }
0x440: {  	v22 =	vadd.s32 s9, v4;
	v15 =	vld.idx.msk [tilespmem:v15+s11+$0x0], $0xffff;
	[tilespmem:s25+$0xFFFFFE60] =	vst v16  }
0x441: {  	v16 =	vadd.s32 s14, v5;
	[tilespmem:s22+$0x1C0] =	vst v17;
	v17 =	vld.idx.msk [tilespmem:v18+s11+$0x0], $0xffff  }
0x442: {  	[tilespmem:s19+$0x130] =	vst v12;
	v12 =	vld.idx.msk [tilespmem:v19+s11+$0x0], $0xffff;
	v18 =	vadd.s32 s15, v7  }
0x443: {  	s4 =	simm.s32 $0x140;
	v19 =	vadd.s32 s24, v8;
	[tilespmem:s20+$0xA0] =	vst v13;
	v13 =	vld.idx.msk [tilespmem:v20+s11+$0x0], $0xffff  }
0x444: {  	v20 =	vadd.s32 s4, v9;
	[tilespmem:s21+$0x10] =	vst v14;
	v14 =	vld.idx.msk [tilespmem:v21+s11+$0x0], $0xffff  }
0x445: {  	v21 =	vadd.s32 s7, v2;
	[tilespmem:s23+$0xFFFFFF80] =	vst v15;
	v15 =	vld.idx.msk [tilespmem:v22+s11+$0x0], $0xffff  }
0x446: {  	v22 =	vadd.s32 s9, v3;
	v16 =	vld.idx.msk [tilespmem:v16+s11+$0x0], $0xffff;
	[tilespmem:s25+$0xFFFFFEE0] =	vst v17  }
0x447: {  	v17 =	vadd.s32 s14, v4;
	[tilespmem:s22+$0xFFFFFE50] =	vst v12;
	v12 =	vld.idx.msk [tilespmem:v18+s11+$0x0], $0xffff  }
0x448: {  	[tilespmem:s19+$0x1B0] =	vst v13;
	v13 =	vld.idx.msk [tilespmem:v19+s11+$0x0], $0xffff;
	v18 =	vadd.s32 s15, v6  }
0x449: {  	v19 =	vadd.s32 s24, v7;
	[tilespmem:s20+$0x120] =	vst v14;
	v14 =	vld.idx.msk [tilespmem:v20+s11+$0x0], $0xffff  }
0x44a: {  	s5 =	simm.s32 $0x1B0;
	v20 =	vadd.s32 s4, v8;
	[tilespmem:s21+$0x90] =	vst v15;
	v15 =	vld.idx.msk [tilespmem:v21+s11+$0x0], $0xffff  }
0x44b: {  	v21 =	vadd.s32 s5, v9;
	[tilespmem:s23+$0x0] =	vst v16;
	v16 =	vld.idx.msk [tilespmem:v22+s11+$0x0], $0xffff  }
0x44c: {  	v22 =	vadd.s32 s9, v2;
	v17 =	vld.idx.msk [tilespmem:v17+s11+$0x0], $0xffff;
	[tilespmem:s25+$0xFFFFFF60] =	vst v12  }
0x44d: {  	v12 =	vadd.s32 s14, v3;
	[tilespmem:s22+$0xFFFFFED0] =	vst v13;
	v13 =	vld.idx.msk [tilespmem:v18+s11+$0x0], $0xffff  }
0x44e: {  	[tilespmem:s19+$0xFFFFFE40] =	vst v14;
	v14 =	vld.idx.msk [tilespmem:v19+s11+$0x0], $0xffff;
	v18 =	vadd.s32 s15, v5  }
0x44f: {  	v19 =	vadd.s32 s24, v6;
	[tilespmem:s20+$0x1A0] =	vst v15;
	v15 =	vld.idx.msk [tilespmem:v20+s11+$0x0], $0xffff  }
0x450: {  	v20 =	vadd.s32 s4, v7;
	[tilespmem:s21+$0x110] =	vst v16;
	v16 =	vld.idx.msk [tilespmem:v21+s11+$0x0], $0xffff  }
0x451: {  	s8 =	simm.s32 $0x220;
	v21 =	vadd.s32 s14, v10;
	[tilespmem:s23+$0x80] =	vst v17;
	v17 =	vld.idx.msk [tilespmem:v22+s11+$0x0], $0xffff;
	v22 =	vadd.s32 s5, v8  }
0x452: {  	v23 =	vadd.s32 s8, v9;
	v21 =	vand.u32 $0x1F80, v21;
	v12 =	vld.idx.msk [tilespmem:v12+s11+$0x0], $0xffff;
	[tilespmem:s25+$0xFFFFFFE0] =	vst v13  }
0x453: {  	v13 =	vor.u32 v11, v21;
	[tilespmem:s22+$0xFFFFFF50] =	vst v14;
	v14 =	vld.idx.msk [tilespmem:v18+s11+$0x0], $0xffff  }
0x454: {  	[tilespmem:s19+$0xFFFFFEC0] =	vst v15;
	v15 =	vld.idx.msk [tilespmem:v19+s11+$0x0], $0xffff;
	v18 =	vadd.s32 s15, v4  }
0x455: {  	v19 =	vadd.s32 s24, v5;
	[tilespmem:s20+$0xFFFFFE30] =	vst v16;
	v16 =	vld.idx.msk [tilespmem:v20+s11+$0x0], $0xffff  }
0x456: {  	v20 =	vadd.s32 s4, v6;
	[tilespmem:s21+$0x190] =	vst v17;
	v17 =	vld.idx.msk [tilespmem:v22+s11+$0x0], $0xffff  }
0x457: {  	v21 =	vadd.s32 s5, v7;
	[tilespmem:s23+$0x100] =	vst v12;
	v12 =	vld.idx.msk [tilespmem:v23+s11+$0x0], $0xffff  }
0x458: {  	s14 =	simm.s32 $0x290;
	v22 =	vadd.s32 s8, v8;
	v13 =	vld.idx.msk [tilespmem:v13+s11+$0x0], $0xffff;
	[tilespmem:s25+$0x60] =	vst v14  }
0x459: {  	v14 =	vadd.s32 s14, v9;
	[tilespmem:s22+$0xFFFFFFD0] =	vst v15;
	v15 =	vld.idx.msk [tilespmem:v18+s11+$0x0], $0xffff  }
0x45a: {  	[tilespmem:s19+$0xFFFFFF40] =	vst v16;
	v16 =	vld.idx.msk [tilespmem:v19+s11+$0x0], $0xffff;
	v18 =	vadd.s32 s15, v3  }
0x45b: {  	v19 =	vadd.s32 s24, v4;
	[tilespmem:s20+$0xFFFFFEB0] =	vst v17;
	v17 =	vld.idx.msk [tilespmem:v20+s11+$0x0], $0xffff  }
0x45c: {  	v20 =	vadd.s32 s4, v5;
	[tilespmem:s21+$0xFFFFFE20] =	vst v12;
	v12 =	vld.idx.msk [tilespmem:v21+s11+$0x0], $0xffff  }
0x45d: {  	v21 =	vadd.s32 s5, v6;
	[tilespmem:s23+$0x180] =	vst v13;
	v13 =	vld.idx.msk [tilespmem:v22+s11+$0x0], $0xffff  }
0x45e: {  	v22 =	vadd.s32 s8, v7;
	v14 =	vld.idx.msk [tilespmem:v14+s11+$0x0], $0xffff;
	[tilespmem:s25+$0xE0] =	vst v15  }
0x45f: {  	s16 =	simm.s32 $0x300;
	v15 =	vadd.s32 s14, v8;
	[tilespmem:s22+$0x50] =	vst v16;
	v16 =	vld.idx.msk [tilespmem:v18+s11+$0x0], $0xffff  }
0x460: {  	v18 =	vadd.s32 s16, v9;
	[tilespmem:s19+$0xFFFFFFC0] =	vst v17;
	v17 =	vld.idx.msk [tilespmem:v19+s11+$0x0], $0xffff  }
0x461: {  	v19 =	vadd.s32 s15, v2;
	[tilespmem:s20+$0xFFFFFF30] =	vst v12;
	v12 =	vld.idx.msk [tilespmem:v20+s11+$0x0], $0xffff  }
0x462: {  	v20 =	vadd.s32 s24, v3;
	[tilespmem:s21+$0xFFFFFEA0] =	vst v13;
	v13 =	vld.idx.msk [tilespmem:v21+s11+$0x0], $0xffff  }
0x463: {  	v21 =	vadd.s32 s4, v4;
	[tilespmem:s23+$0xFFFFFE10] =	vst v14;
	v14 =	vld.idx.msk [tilespmem:v22+s11+$0x0], $0xffff  }
0x464: {  	v22 =	vadd.s32 s5, v5;
	v15 =	vld.idx.msk [tilespmem:v15+s11+$0x0], $0xffff  }
0x465: {  	v23 =	vadd.s32 s8, v6;
	v18 =	vld.idx.msk [tilespmem:v18+s11+$0x0], $0xffff;
	[tilespmem:s25+$0x160] =	vst v16  }
0x466: {  	v16 =	vadd.s32 s14, v7;
	[tilespmem:s22+$0xD0] =	vst v17;
	v17 =	vld.idx.msk [tilespmem:v19+s11+$0x0], $0xffff  }
0x467: {  	s26 =	simm.s32 $0x70;
	v19 =	vadd.s32 s16, v8;
	[tilespmem:s19+$0x40] =	vst v12;
	v12 =	vld.idx.msk [tilespmem:v20+s11+$0x0], $0xffff  }
0x468: {  	v20 =	vadd.s32 s26, v9;
	[tilespmem:s20+$0xFFFFFFB0] =	vst v13;
	v13 =	vld.idx.msk [tilespmem:v21+s11+$0x0], $0xffff  }
0x469: {  	v21 =	vadd.s32 s24, v2;
	[tilespmem:s21+$0xFFFFFF20] =	vst v14;
	v14 =	vld.idx.msk [tilespmem:v22+s11+$0x0], $0xffff  }
0x46a: {  	s24 =	simm.s32 $0xC580;
	v22 =	vadd.s32 s4, v3;
	[tilespmem:s23+$0xFFFFFE90] =	vst v15;
	v15 =	vld.idx.msk [tilespmem:v23+s11+$0x0], $0xffff  }
0x46b: {  	[tilespmem:s24+$0xFFFFFE00] =	vst v18;
	v16 =	vld.idx.msk [tilespmem:v16+s11+$0x0], $0xffff;
	v18 =	vadd.s32 s5, v4  }
0x46c: {  	v23 =	vadd.s32 s8, v5;
	v19 =	vld.idx.msk [tilespmem:v19+s11+$0x0], $0xffff;
	[tilespmem:s25+$0x1E0] =	vst v17  }
0x46d: {  	v17 =	vadd.s32 s14, v6;
	[tilespmem:s22+$0x150] =	vst v12;
	v12 =	vld.idx.msk [tilespmem:v20+s11+$0x0], $0xffff  }
0x46e: {  	v20 =	vadd.s32 s16, v7;
	[tilespmem:s19+$0xC0] =	vst v13;
	v13 =	vld.idx.msk [tilespmem:v21+s11+$0x0], $0xffff  }
0x46f: {  	s15 =	simm.s32 $0xE0;
	v21 =	vadd.s32 s26, v8;
	[tilespmem:s20+$0x30] =	vst v14;
	v14 =	vld.idx.msk [tilespmem:v22+s11+$0x0], $0xffff  }
0x470: {  	[tilespmem:s21+$0xFFFFFFA0] =	vst v15;
	v15 =	vld.idx.msk [tilespmem:v18+s11+$0x0], $0xffff;
	v18 =	vadd.s32 s15, v9  }
0x471: {  	v22 =	vadd.s32 s4, v2;
	[tilespmem:s23+$0xFFFFFF10] =	vst v16;
	v16 =	vld.idx.msk [tilespmem:v23+s11+$0x0], $0xffff  }
0x472: {  	[tilespmem:s24+$0xFFFFFE80] =	vst v19;
	v17 =	vld.idx.msk [tilespmem:v17+s11+$0x0], $0xffff;
	v19 =	vadd.s32 s5, v3  }
0x473: {  	v23 =	vadd.s32 s8, v4;
	v20 =	vld.idx.msk [tilespmem:v20+s11+$0x0], $0xffff;
	[tilespmem:s25+$0xFFFFFE70] =	vst v12  }
0x474: {  	v12 =	vadd.s32 s14, v5;
	[tilespmem:s22+$0x1D0] =	vst v13;
	v13 =	vld.idx.msk [tilespmem:v21+s11+$0x0], $0xffff  }
0x475: {  	v21 =	vadd.s32 s16, v6;
	[tilespmem:s19+$0x140] =	vst v14;
	v14 =	vld.idx.msk [tilespmem:v18+s11+$0x0], $0xffff  }
0x476: {  	[tilespmem:s20+$0xB0] =	vst v15;
	v15 =	vld.idx.msk [tilespmem:v22+s11+$0x0], $0xffff;
	v18 =	vadd.s32 s26, v7  }
0x477: {  	s4 =	simm.s32 $0x150;
	[tilespmem:s21+$0x20] =	vst v16;
	v16 =	vld.idx.msk [tilespmem:v19+s11+$0x0], $0xffff;
	v19 =	vadd.s32 s15, v8  }
0x478: {  	v22 =	vadd.s32 s4, v9;
	[tilespmem:s23+$0xFFFFFF90] =	vst v17;
	v17 =	vld.idx.msk [tilespmem:v23+s11+$0x0], $0xffff  }
0x479: {  	[tilespmem:s24+$0xFFFFFF00] =	vst v20;
	v12 =	vld.idx.msk [tilespmem:v12+s11+$0x0], $0xffff;
	v20 =	vadd.s32 s5, v2  }
0x47a: {  	v23 =	vadd.s32 s8, v3;
	v21 =	vld.idx.msk [tilespmem:v21+s11+$0x0], $0xffff;
	[tilespmem:s25+$0xFFFFFEF0] =	vst v13  }
0x47b: {  	v13 =	vadd.s32 s14, v4;
	[tilespmem:s22+$0xFFFFFE60] =	vst v14;
	v14 =	vld.idx.msk [tilespmem:v18+s11+$0x0], $0xffff  }
0x47c: {  	v18 =	vadd.s32 s16, v5;
	[tilespmem:s19+$0x1C0] =	vst v15;
	v15 =	vld.idx.msk [tilespmem:v19+s11+$0x0], $0xffff  }
0x47d: {  	[tilespmem:s20+$0x130] =	vst v16;
	v16 =	vld.idx.msk [tilespmem:v22+s11+$0x0], $0xffff;
	v19 =	vadd.s32 s26, v6  }
0x47e: {  	[tilespmem:s21+$0xA0] =	vst v17;
	v17 =	vld.idx.msk [tilespmem:v20+s11+$0x0], $0xffff;
	v20 =	vadd.s32 s15, v7  }
0x47f: {  	s5 =	simm.s32 $0x1C0;
	v22 =	vadd.s32 s4, v8;
	[tilespmem:s23+$0x10] =	vst v12;
	v12 =	vld.idx.msk [tilespmem:v23+s11+$0x0], $0xffff  }
0x480: {  	[tilespmem:s24+$0xFFFFFF80] =	vst v21;
	v13 =	vld.idx.msk [tilespmem:v13+s11+$0x0], $0xffff;
	v21 =	vadd.s32 s5, v9  }
0x481: {  	v23 =	vadd.s32 s8, v2;
	v18 =	vld.idx.msk [tilespmem:v18+s11+$0x0], $0xffff;
	[tilespmem:s25+$0xFFFFFF70] =	vst v14  }
0x482: {  	v14 =	vadd.s32 s14, v3;
	[tilespmem:s22+$0xFFFFFEE0] =	vst v15;
	v15 =	vld.idx.msk [tilespmem:v19+s11+$0x0], $0xffff  }
0x483: {  	v19 =	vadd.s32 s16, v4;
	[tilespmem:s19+$0xFFFFFE50] =	vst v16;
	v16 =	vld.idx.msk [tilespmem:v20+s11+$0x0], $0xffff  }
0x484: {  	[tilespmem:s20+$0x1B0] =	vst v17;
	v17 =	vld.idx.msk [tilespmem:v22+s11+$0x0], $0xffff;
	v20 =	vadd.s32 s26, v5  }
0x485: {  	[tilespmem:s21+$0x120] =	vst v12;
	v12 =	vld.idx.msk [tilespmem:v21+s11+$0x0], $0xffff;
	v21 =	vadd.s32 s15, v6  }
0x486: {  	v22 =	vadd.s32 s4, v7;
	[tilespmem:s23+$0x90] =	vst v13;
	v13 =	vld.idx.msk [tilespmem:v23+s11+$0x0], $0xffff  }
0x487: {  	s7 =	simm.s32 $0x230;
	[tilespmem:s24+$0x0] =	vst v18;
	v14 =	vld.idx.msk [tilespmem:v14+s11+$0x0], $0xffff;
	v18 =	vadd.s32 s5, v8  }
0x488: {  	v23 =	vadd.s32 s7, v9;
	v19 =	vld.idx.msk [tilespmem:v19+s11+$0x0], $0xffff;
	[tilespmem:s25+$0xFFFFFFF0] =	vst v15  }
0x489: {  	v15 =	vadd.s32 s14, v2;
	[tilespmem:s22+$0xFFFFFF60] =	vst v16;
	v16 =	vld.idx.msk [tilespmem:v20+s11+$0x0], $0xffff  }
0x48a: {  	v20 =	vadd.s32 s16, v3;
	[tilespmem:s19+$0xFFFFFED0] =	vst v17;
	v17 =	vld.idx.msk [tilespmem:v21+s11+$0x0], $0xffff  }
0x48b: {  	[tilespmem:s20+$0xFFFFFE40] =	vst v12;
	v12 =	vld.idx.msk [tilespmem:v22+s11+$0x0], $0xffff;
	v21 =	vadd.s32 s26, v4  }
0x48c: {  	[tilespmem:s21+$0x1A0] =	vst v13;
	v13 =	vld.idx.msk [tilespmem:v18+s11+$0x0], $0xffff;
	v18 =	vadd.s32 s15, v5  }
0x48d: {  	v22 =	vadd.s32 s4, v6;
	[tilespmem:s23+$0x110] =	vst v14;
	v14 =	vld.idx.msk [tilespmem:v23+s11+$0x0], $0xffff  }
0x48e: {  	[tilespmem:s24+$0x80] =	vst v19;
	v15 =	vld.idx.msk [tilespmem:v15+s11+$0x0], $0xffff;
	v19 =	vadd.s32 s5, v7  }
0x48f: {  	v24 =	vadd.s32 s7, v8;
	s14 =	simm.s32 $0x2A0;
	v23 =	vadd.s32 s16, v10;
	v20 =	vld.idx.msk [tilespmem:v20+s11+$0x0], $0xffff;
	[tilespmem:s25+$0x70] =	vst v16  }
0x490: {  	v16 =	vand.u32 $0x1F80, v23;
	v23 =	vadd.s32 s14, v9;
	[tilespmem:s22+$0xFFFFFFE0] =	vst v17;
	v17 =	vld.idx.msk [tilespmem:v21+s11+$0x0], $0xffff  }
0x491: {  	v16 =	vor.u32 v11, v16;
	[tilespmem:s19+$0xFFFFFF50] =	vst v12;
	v12 =	vld.idx.msk [tilespmem:v18+s11+$0x0], $0xffff  }
0x492: {  	[tilespmem:s20+$0xFFFFFEC0] =	vst v13;
	v13 =	vld.idx.msk [tilespmem:v22+s11+$0x0], $0xffff;
	v18 =	vadd.s32 s26, v3  }
0x493: {  	[tilespmem:s21+$0xFFFFFE30] =	vst v14;
	v14 =	vld.idx.msk [tilespmem:v19+s11+$0x0], $0xffff;
	v19 =	vadd.s32 s15, v4  }
0x494: {  	v21 =	vadd.s32 s4, v5;
	[tilespmem:s23+$0x190] =	vst v15;
	v15 =	vld.idx.msk [tilespmem:v24+s11+$0x0], $0xffff  }
0x495: {  	v22 =	vadd.s32 s5, v6;
	[tilespmem:s24+$0x100] =	vst v20;
	v20 =	vld.idx.msk [tilespmem:v23+s11+$0x0], $0xffff  }
0x496: {  	v23 =	vadd.s32 s7, v7;
	v16 =	vld.idx.msk [tilespmem:v16+s11+$0x0], $0xffff;
	[tilespmem:s25+$0xF0] =	vst v17  }
0x497: {  	s9 =	simm.s32 $0x310;
	v17 =	vadd.s32 s14, v8;
	[tilespmem:s22+$0x60] =	vst v12;
	v63 =	vld.idx.msk [tilespmem:v18+s11+$0x0], $0xffff  }
0x498: {  	v25 =	vadd.s32 s9, v9;
	[tilespmem:s19+$0xFFFFFFD0] =	vst v13;
	v26 =	vld.idx.msk [tilespmem:v19+s11+$0x0], $0xffff  }
0x499: {  	v28 =	vadd.s32 s26, v2;
	[tilespmem:s20+$0xFFFFFF40] =	vst v14;
	v27 =	vld.idx.msk [tilespmem:v21+s11+$0x0], $0xffff  }
0x49a: {  	v29 =	vadd.s32 s15, v3;
	[tilespmem:s21+$0xFFFFFEB0] =	vst v15;
	v12 =	vld.idx.msk [tilespmem:v22+s11+$0x0], $0xffff  }
0x49b: {  	v18 =	vadd.s32 s4, v4;
	[tilespmem:s23+$0xFFFFFE20] =	vst v20;
	v13 =	vld.idx.msk [tilespmem:v23+s11+$0x0], $0xffff  }
0x49c: {  	v21 =	vadd.s32 s5, v5;
	[tilespmem:s24+$0x180] =	vst v16;
	v14 =	vld.idx.msk [tilespmem:v17+s11+$0x0], $0xffff  }
0x49d: {  	s29 =	simm.s32 $0x1F0;
	s31 =	simm.s32 $0x3F0;
	s28 =	simm.s32 $0x2F0;
	v19 =	vadd.s32 s7, v6;
	v15 =	vld.idx.msk [tilespmem:v25+s11+$0x0], $0xffff;
	[tilespmem:s25+$0x170] =	vst v63  }
0x49e: {  	s30 =	simm.s32 $0x170;
	s0 =	simm.s32 $0x270;
	s3 =	simm.s32 $0xF0;
	v20 =	vadd.s32 s14, v7;
	[tilespmem:s22+$0xE0] =	vst v26;
	v16 =	vld.idx.msk [tilespmem:v28+s11+$0x0], $0xffff  }
0x49f: {  	s8 =	simm.s32 $0x470;
	s16 =	simm.s32 $0x380;
	s26 =	simm.s32 $0x370;
	v22 =	vadd.s32 s9, v8;
	[tilespmem:s19+$0x50] =	vst v27;
	v17 =	vld.idx.msk [tilespmem:v29+s11+$0x0], $0xffff  }
.LBB2_7:
0x4a0: {  	p0 =	sne.s32 s8, $0xFF0;
	v23 =	vadd.s32 s16, v9;
	[tilespmem:s20+$0xFFFFFFC0] =	vst v12;
	v12 =	vld.idx.msk [tilespmem:v18+s11+$0x0], $0xffff  }
0x4a1: {  	v18 =	vadd.s32 s15, v2;
	[tilespmem:s21+$0xFFFFFF30] =	vst v13;
	v13 =	vld.idx.msk [tilespmem:v21+s11+$0x0], $0xffff  }
0x4a2: {  	[tilespmem:s23+$0xFFFFFEA0] =	vst v14;
	v14 =	vld.idx.msk [tilespmem:v19+s11+$0x0], $0xffff;
	v19 =	vadd.s32 s4, v3  }
0x4a3: {  	[tilespmem:s24+$0xFFFFFE10] =	vst v15;
	v15 =	vld.idx.msk [tilespmem:v20+s11+$0x0], $0xffff;
	v20 =	vadd.s32 s5, v4  }
0x4a4: {  	v21 =	vld.idx.msk [tilespmem:v22+s11+$0x0], $0xffff;
	v22 =	vadd.s32 s7, v5;
	[tilespmem:s25+$0x1F0] =	vst v16;
	s25 =	smov.u32 s22;
	s22 =	smov.u32 s19;
	s19 =	smov.u32 s20  }
0x4a5: {  	s20 =	smov.u32 s21;
	s21 =	smov.u32 s23;
	s23 =	smov.u32 s24;
	v16 =	vld.idx.msk [tilespmem:v23+s11+$0x0], $0xffff;
	v23 =	vadd.s32 s14, v6;
	[tilespmem:s25+$0x160] =	vst v17  }
0x4a6: {  	v17 =	vadd.s32 s9, v7;
	[tilespmem:s22+$0xD0] =	vst v12;
	v12 =	vld.idx.msk [tilespmem:v18+s11+$0x0], $0xffff  }
0x4a7: {  	v18 =	vadd.s32 s16, v8;
	[tilespmem:s19+$0x40] =	vst v13;
	v13 =	vld.idx.msk [tilespmem:v19+s11+$0x0], $0xffff  }
0x4a8: {  	v19 =	vadd.s32 s3, v9;
	[tilespmem:s20+$0xFFFFFFB0] =	vst v14;
	v14 =	vld.idx.msk [tilespmem:v20+s11+$0x0], $0xffff  }
0x4a9: {  	v20 =	vadd.s32 s4, v2;
	[tilespmem:s21+$0xFFFFFF20] =	vst v15;
	v15 =	vld.idx.msk [tilespmem:v22+s11+$0x0], $0xffff  }
0x4aa: {  	s24 =	sadd.s32 $0x400, s24;
	v22 =	vadd.s32 s5, v3;
	[tilespmem:s23+$0xFFFFFE90] =	vst v21;
	v21 =	vld.idx.msk [tilespmem:v23+s11+$0x0], $0xffff  }
0x4ab: {  	[tilespmem:s24+$0xFFFFFE00] =	vst v16;
	v16 =	vld.idx.msk [tilespmem:v17+s11+$0x0], $0xffff;
	v17 =	vadd.s32 s7, v4  }
0x4ac: {  	v23 =	vadd.s32 s14, v5;
	v18 =	vld.idx.msk [tilespmem:v18+s11+$0x0], $0xffff;
	[tilespmem:s25+$0x1E0] =	vst v12  }
0x4ad: {  	v12 =	vadd.s32 s9, v6;
	[tilespmem:s22+$0x150] =	vst v13;
	v13 =	vld.idx.msk [tilespmem:v19+s11+$0x0], $0xffff  }
0x4ae: {  	v19 =	vadd.s32 s16, v7;
	[tilespmem:s19+$0xC0] =	vst v14;
	v14 =	vld.idx.msk [tilespmem:v20+s11+$0x0], $0xffff  }
0x4af: {  	s15 =	sadd.s32 $0xFFFFFFF0, s30;
	v20 =	vadd.s32 s3, v8;
	[tilespmem:s20+$0x30] =	vst v15;
	v15 =	vld.idx.msk [tilespmem:v22+s11+$0x0], $0xffff  }
0x4b0: {  	[tilespmem:s21+$0xFFFFFFA0] =	vst v21;
	v17 =	vld.idx.msk [tilespmem:v17+s11+$0x0], $0xffff;
	v21 =	vadd.s32 s15, v9  }
0x4b1: {  	v22 =	vadd.s32 s5, v2;
	[tilespmem:s23+$0xFFFFFF10] =	vst v16;
	v16 =	vld.idx.msk [tilespmem:v23+s11+$0x0], $0xffff  }
0x4b2: {  	[tilespmem:s24+$0xFFFFFE80] =	vst v18;
	v12 =	vld.idx.msk [tilespmem:v12+s11+$0x0], $0xffff;
	v18 =	vadd.s32 s7, v3  }
0x4b3: {  	v23 =	vadd.s32 s14, v4;
	v19 =	vld.idx.msk [tilespmem:v19+s11+$0x0], $0xffff;
	[tilespmem:s25+$0xFFFFFE70] =	vst v13  }
0x4b4: {  	v13 =	vadd.s32 s9, v5;
	[tilespmem:s22+$0x1D0] =	vst v14;
	v14 =	vld.idx.msk [tilespmem:v20+s11+$0x0], $0xffff  }
0x4b5: {  	v20 =	vadd.s32 s16, v6;
	[tilespmem:s19+$0x140] =	vst v15;
	v15 =	vld.idx.msk [tilespmem:v21+s11+$0x0], $0xffff  }
0x4b6: {  	v21 =	vadd.s32 s3, v7;
	[tilespmem:s20+$0xB0] =	vst v17;
	v17 =	vld.idx.msk [tilespmem:v22+s11+$0x0], $0xffff  }
0x4b7: {  	s4 =	sadd.s32 $0xFFFFFFE0, s29;
	[tilespmem:s21+$0x20] =	vst v16;
	v16 =	vld.idx.msk [tilespmem:v18+s11+$0x0], $0xffff;
	v18 =	vadd.s32 s15, v8  }
0x4b8: {  	v22 =	vadd.s32 s4, v9;
	[tilespmem:s23+$0xFFFFFF90] =	vst v12;
	v12 =	vld.idx.msk [tilespmem:v23+s11+$0x0], $0xffff  }
0x4b9: {  	[tilespmem:s24+$0xFFFFFF00] =	vst v19;
	v13 =	vld.idx.msk [tilespmem:v13+s11+$0x0], $0xffff;
	v19 =	vadd.s32 s7, v2  }
0x4ba: {  	v23 =	vadd.s32 s14, v3;
	v20 =	vld.idx.msk [tilespmem:v20+s11+$0x0], $0xffff;
	[tilespmem:s25+$0xFFFFFEF0] =	vst v14  }
0x4bb: {  	v14 =	vadd.s32 s9, v4;
	[tilespmem:s22+$0xFFFFFE60] =	vst v15;
	v15 =	vld.idx.msk [tilespmem:v21+s11+$0x0], $0xffff  }
0x4bc: {  	v21 =	vadd.s32 s16, v5;
	[tilespmem:s19+$0x1C0] =	vst v17;
	v17 =	vld.idx.msk [tilespmem:v18+s11+$0x0], $0xffff  }
0x4bd: {  	v18 =	vadd.s32 s3, v6;
	[tilespmem:s20+$0x130] =	vst v16;
	v16 =	vld.idx.msk [tilespmem:v22+s11+$0x0], $0xffff  }
0x4be: {  	[tilespmem:s21+$0xA0] =	vst v12;
	v12 =	vld.idx.msk [tilespmem:v19+s11+$0x0], $0xffff;
	v19 =	vadd.s32 s15, v7  }
0x4bf: {  	s5 =	sadd.s32 $0xFFFFFFD0, s0;
	v22 =	vadd.s32 s4, v8;
	[tilespmem:s23+$0x10] =	vst v13;
	v13 =	vld.idx.msk [tilespmem:v23+s11+$0x0], $0xffff  }
0x4c0: {  	[tilespmem:s24+$0xFFFFFF80] =	vst v20;
	v14 =	vld.idx.msk [tilespmem:v14+s11+$0x0], $0xffff;
	v20 =	vadd.s32 s5, v9  }
0x4c1: {  	v23 =	vadd.s32 s14, v2;
	v21 =	vld.idx.msk [tilespmem:v21+s11+$0x0], $0xffff;
	[tilespmem:s25+$0xFFFFFF70] =	vst v15  }
0x4c2: {  	v15 =	vadd.s32 s9, v3;
	[tilespmem:s22+$0xFFFFFEE0] =	vst v17;
	v17 =	vld.idx.msk [tilespmem:v18+s11+$0x0], $0xffff  }
0x4c3: {  	v18 =	vadd.s32 s16, v4;
	[tilespmem:s19+$0xFFFFFE50] =	vst v16;
	v16 =	vld.idx.msk [tilespmem:v19+s11+$0x0], $0xffff  }
0x4c4: {  	v19 =	vadd.s32 s3, v5;
	[tilespmem:s20+$0x1B0] =	vst v12;
	v12 =	vld.idx.msk [tilespmem:v22+s11+$0x0], $0xffff  }
0x4c5: {  	[tilespmem:s21+$0x120] =	vst v13;
	v13 =	vld.idx.msk [tilespmem:v20+s11+$0x0], $0xffff;
	v20 =	vadd.s32 s15, v6  }
0x4c6: {  	v22 =	vadd.s32 s4, v7;
	[tilespmem:s23+$0x90] =	vst v14;
	v14 =	vld.idx.msk [tilespmem:v23+s11+$0x0], $0xffff  }
0x4c7: {  	s7 =	sadd.s32 $0xFFFFFFC0, s28;
	[tilespmem:s24+$0x0] =	vst v21;
	v15 =	vld.idx.msk [tilespmem:v15+s11+$0x0], $0xffff;
	v21 =	vadd.s32 s5, v8  }
0x4c8: {  	v23 =	vadd.s32 s7, v9;
	v18 =	vld.idx.msk [tilespmem:v18+s11+$0x0], $0xffff;
	[tilespmem:s25+$0xFFFFFFF0] =	vst v17  }
0x4c9: {  	v17 =	vadd.s32 s9, v2;
	[tilespmem:s22+$0xFFFFFF60] =	vst v16;
	v16 =	vld.idx.msk [tilespmem:v19+s11+$0x0], $0xffff  }
0x4ca: {  	v19 =	vadd.s32 s16, v3;
	[tilespmem:s19+$0xFFFFFED0] =	vst v12;
	v12 =	vld.idx.msk [tilespmem:v20+s11+$0x0], $0xffff  }
0x4cb: {  	v20 =	vadd.s32 s3, v4;
	[tilespmem:s20+$0xFFFFFE40] =	vst v13;
	v13 =	vld.idx.msk [tilespmem:v22+s11+$0x0], $0xffff  }
0x4cc: {  	[tilespmem:s21+$0x1A0] =	vst v14;
	v14 =	vld.idx.msk [tilespmem:v21+s11+$0x0], $0xffff;
	v21 =	vadd.s32 s15, v5  }
0x4cd: {  	v22 =	vadd.s32 s4, v6;
	[tilespmem:s23+$0x110] =	vst v15;
	v15 =	vld.idx.msk [tilespmem:v23+s11+$0x0], $0xffff  }
0x4ce: {  	[tilespmem:s24+$0x80] =	vst v18;
	v17 =	vld.idx.msk [tilespmem:v17+s11+$0x0], $0xffff;
	v18 =	vadd.s32 s5, v7  }
0x4cf: {  	v24 =	vadd.s32 s7, v8;
	s14 =	sadd.s32 $0xFFFFFFB0, s26;
	v23 =	vadd.s32 s16, v10;
	v19 =	vld.idx.msk [tilespmem:v19+s11+$0x0], $0xffff;
	[tilespmem:s25+$0x70] =	vst v16  }
0x4d0: {  	v16 =	vand.u32 $0x1F80, v23;
	v23 =	vadd.s32 s14, v9;
	[tilespmem:s22+$0xFFFFFFE0] =	vst v12;
	v12 =	vld.idx.msk [tilespmem:v20+s11+$0x0], $0xffff  }
0x4d1: {  	v16 =	vor.u32 v11, v16;
	[tilespmem:s19+$0xFFFFFF50] =	vst v13;
	v13 =	vld.idx.msk [tilespmem:v21+s11+$0x0], $0xffff  }
0x4d2: {  	v20 =	vadd.s32 s3, v3;
	[tilespmem:s20+$0xFFFFFEC0] =	vst v14;
	v14 =	vld.idx.msk [tilespmem:v22+s11+$0x0], $0xffff  }
0x4d3: {  	[tilespmem:s21+$0xFFFFFE30] =	vst v15;
	v15 =	vld.idx.msk [tilespmem:v18+s11+$0x0], $0xffff;
	v18 =	vadd.s32 s15, v4  }
0x4d4: {  	v21 =	vadd.s32 s4, v5;
	[tilespmem:s23+$0x190] =	vst v17;
	v17 =	vld.idx.msk [tilespmem:v24+s11+$0x0], $0xffff  }
0x4d5: {  	v22 =	vadd.s32 s5, v6;
	[tilespmem:s24+$0x100] =	vst v19;
	v19 =	vld.idx.msk [tilespmem:v23+s11+$0x0], $0xffff  }
0x4d6: {  	v23 =	vadd.s32 s7, v7;
	v16 =	vld.idx.msk [tilespmem:v16+s11+$0x0], $0xffff;
	[tilespmem:s25+$0xF0] =	vst v12  }
0x4d7: {  	s9 =	sadd.s32 $0xFFFFFFA0, s31;
	v24 =	vadd.s32 s14, v8;
	[tilespmem:s22+$0x60] =	vst v13;
	v20 =	vld.idx.msk [tilespmem:v20+s11+$0x0], $0xffff  }
0x4d8: {  	v25 =	vadd.s32 s9, v9;
	[tilespmem:s19+$0xFFFFFFD0] =	vst v14;
	v26 =	vld.idx.msk [tilespmem:v18+s11+$0x0], $0xffff  }
0x4d9: {  	v28 =	vadd.s32 s3, v2;
	s3 =	smov.u32 s30;
	s30 =	smov.u32 s29;
	s29 =	smov.u32 s0;
	[tilespmem:s20+$0xFFFFFF40] =	vst v15;
	v27 =	vld.idx.msk [tilespmem:v21+s11+$0x0], $0xffff  }
0x4da: {  	s0 =	smov.u32 s28;
	s28 =	smov.u32 s26;
	s26 =	smov.u32 s31;
	[tilespmem:s21+$0xFFFFFEB0] =	vst v17;
	v12 =	vld.idx.msk [tilespmem:v22+s11+$0x0], $0xffff;
	v17 =	vadd.s32 s15, v3  }
.Ltmp2:
0x4db: {  	s31 =	smov.u32 s8;
	v18 =	vadd.s32 s4, v4;
	[tilespmem:s23+$0xFFFFFE20] =	vst v19;
	v13 =	vld.idx.msk [tilespmem:v23+s11+$0x0], $0xffff;
	(pc) =	sbr.rel @p0 .LBB2_7-.Ltmp2, $4  }
0x4dc: {  	v21 =	vadd.s32 s5, v5;
	[tilespmem:s24+$0x180] =	vst v16;
	v14 =	vld.idx.msk [tilespmem:v24+s11+$0x0], $0xffff  }
0x4dd: {  	v19 =	vadd.s32 s7, v6;
	v15 =	vld.idx.msk [tilespmem:v25+s11+$0x0], $0xffff;
	[tilespmem:s25+$0x170] =	vst v20  }
0x4de: {  	v20 =	vadd.s32 s14, v7;
	[tilespmem:s22+$0xE0] =	vst v26;
	v16 =	vld.idx.msk [tilespmem:v28+s11+$0x0], $0xffff  }
0x4df: {  	s8 =	sadd.s32 $0x80, s8;
	s16 =	sadd.s32 $0xFFFFFF90, s31;
	v22 =	vadd.s32 s9, v8;
	[tilespmem:s19+$0x50] =	vst v27;
	v17 =	vld.idx.msk [tilespmem:v17+s11+$0x0], $0xffff  }
0x4e0: {  	_ =	sdelay $0x2  }
0x4e1: {  	[tilespmem:s20+$0xFFFFFFC0] =	vst v12  }
0x4e2: {  	v50 =	vadd.s32 s16, v9;
	v18 =	vld.idx.msk [tilespmem:v18+s11+$0x0], $0xffff;
	[tilespmem:s21+$0xFFFFFF30] =	vst v13  }
0x4e3: {  	v51 =	vadd.s32 s15, v2;
	v21 =	vld.idx.msk [tilespmem:v21+s11+$0x0], $0xffff;
	[tilespmem:s23+$0xFFFFFEA0] =	vst v14  }
0x4e4: {  	v53 =	vadd.s32 s4, v3;
	v52 =	vld.idx.msk [tilespmem:v19+s11+$0x0], $0xffff;
	[tilespmem:s24+$0xFFFFFE10] =	vst v15  }
0x4e5: {  	v55 =	vadd.s32 s5, v4;
	v54 =	vld.idx.msk [tilespmem:v20+s11+$0x0], $0xffff;
	[tilespmem:s25+$0x1F0] =	vst v16  }
0x4e6: {  	v57 =	vadd.s32 s7, v5;
	v56 =	vld.idx.msk [tilespmem:v22+s11+$0x0], $0xffff;
	[tilespmem:s22+$0x160] =	vst v17  }
0x4e7: {  	v23 =	vadd.s32 s14, v6;
	v58 =	vld.idx.msk [tilespmem:v50+s11+$0x0], $0xffff;
	[tilespmem:s19+$0xD0] =	vst v18  }
0x4e8: {  	v59 =	vadd.s32 s9, v7;
	v13 =	vld.idx.msk [tilespmem:v51+s11+$0x0], $0xffff;
	[tilespmem:s20+$0x40] =	vst v21  }
0x4e9: {  	v60 =	vadd.s32 s16, v8;
	v12 =	vld.idx.msk [tilespmem:v53+s11+$0x0], $0xffff;
	[tilespmem:s21+$0xFFFFFFB0] =	vst v52  }
0x4ea: {  	v14 =	vld.idx.msk [tilespmem:v55+s11+$0x0], $0xffff;
	[tilespmem:s23+$0xFFFFFF20] =	vst v54  }
0x4eb: {  	s25 =	sadd.s32 $0x400, s24;
	v15 =	vld.idx.msk [tilespmem:v57+s11+$0x0], $0xffff;
	[tilespmem:s24+$0xFFFFFE90] =	vst v56  }
0x4ec: {  	v61 =	vld.idx.msk [tilespmem:v23+s11+$0x0], $0xffff;
	[tilespmem:s25+$0xFFFFFE00] =	vst v58  }
0x4ed: {  	v17 =	vld.idx.msk [tilespmem:v59+s11+$0x0], $0xffff  }
0x4ee: {  	v18 =	vld.idx.msk [tilespmem:v60+s11+$0x0], $0xffff  }
0x4ef: {  	v62 =	vadd.s32 s16, v7;
	_ =	sdelay $0x3  }
0x4f0: {  	[tilespmem:s25+$0xFFFFFE80] =	vst v18  }
0x4f1: {  	v18 =	vld.idx.msk [tilespmem:v62+s11+$0x0], $0xffff  }
0x4f2: {  	v63 =	vadd.s32 s16, v6;
	_ =	sdelay $0x3  }
0x4f3: {  	[tilespmem:s25+$0xFFFFFF00] =	vst v18  }
0x4f4: {  	v18 =	vld.idx.msk [tilespmem:v63+s11+$0x0], $0xffff  }
0x4f5: {  	v21 =	vadd.s32 s16, v5;
	_ =	sdelay $0x3  }
0x4f6: {  	[tilespmem:s25+$0xFFFFFF80] =	vst v18  }
0x4f7: {  	v18 =	vld.idx.msk [tilespmem:v21+s11+$0x0], $0xffff  }
0x4f8: {  	v22 =	vadd.s32 s16, v4;
	_ =	sdelay $0x3  }
0x4f9: {  	[tilespmem:s25+$0x0] =	vst v18  }
0x4fa: {  	v18 =	vld.idx.msk [tilespmem:v22+s11+$0x0], $0xffff  }
0x4fb: {  	v23 =	vadd.s32 s16, v3;
	_ =	sdelay $0x3  }
0x4fc: {  	v10 =	vadd.s32 s16, v10;
	[tilespmem:s25+$0x80] =	vst v18  }
0x4fd: {  	v10 =	vand.u32 $0x1F80, v10;
	v18 =	vld.idx.msk [tilespmem:v23+s11+$0x0], $0xffff  }
0x4fe: {  	v10 =	vor.u32 v11, v10;
	_ =	sdelay $0x3  }
0x4ff: {  	[tilespmem:s25+$0x100] =	vst v18  }
0x500: {  	s8 =	sadd.s32 $0xFFFFFFA0, s31;
	v10 =	vld.idx.msk [tilespmem:v10+s11+$0x0], $0xffff  }
0x501: {  	v24 =	vadd.s32 s8, v9;
	_ =	sdelay $0x3  }
0x502: {  	[tilespmem:s25+$0x180] =	vst v10  }
0x503: {  	v10 =	vld.idx.msk [tilespmem:v24+s11+$0x0], $0xffff  }
0x504: {  	v25 =	vadd.s32 s8, v8;
	_ =	sdelay $0x3  }
0x505: {  	[tilespmem:s25+$0xFFFFFE10] =	vst v10  }
0x506: {  	v10 =	vld.idx.msk [tilespmem:v25+s11+$0x0], $0xffff  }
0x507: {  	v26 =	vadd.s32 s8, v7;
	_ =	sdelay $0x3  }
0x508: {  	[tilespmem:s25+$0xFFFFFE90] =	vst v10  }
0x509: {  	v27 =	vadd.s32 s9, v6;
	v11 =	vld.idx.msk [tilespmem:v26+s11+$0x0], $0xffff  }
0x50a: {  	v28 =	vadd.s32 s8, v6;
	_ =	sdelay $0x2  }
0x50b: {  	[tilespmem:s24+$0xFFFFFF10] =	vst v17  }
0x50c: {  	v10 =	vld.idx.msk [tilespmem:v27+s11+$0x0], $0xffff;
	[tilespmem:s25+$0xFFFFFF10] =	vst v11  }
0x50d: {  	v29 =	vadd.s32 s9, v5;
	v30 =	vld.idx.msk [tilespmem:v28+s11+$0x0], $0xffff  }
0x50e: {  	v31 =	vadd.s32 s8, v5;
	_ =	sdelay $0x2  }
0x50f: {  	[tilespmem:s24+$0xFFFFFF90] =	vst v10  }
0x510: {  	v10 =	vld.idx.msk [tilespmem:v29+s11+$0x0], $0xffff;
	[tilespmem:s25+$0xFFFFFF90] =	vst v30  }
0x511: {  	v32 =	vadd.s32 s9, v4;
	v17 =	vld.idx.msk [tilespmem:v31+s11+$0x0], $0xffff  }
0x512: {  	v33 =	vadd.s32 s8, v4;
	_ =	sdelay $0x2  }
0x513: {  	[tilespmem:s24+$0x10] =	vst v10  }
0x514: {  	v10 =	vld.idx.msk [tilespmem:v32+s11+$0x0], $0xffff;
	[tilespmem:s25+$0x10] =	vst v17  }
0x515: {  	v34 =	vadd.s32 s9, v3;
	v17 =	vld.idx.msk [tilespmem:v33+s11+$0x0], $0xffff  }
0x516: {  	v35 =	vadd.s32 s8, v3;
	_ =	sdelay $0x2  }
0x517: {  	[tilespmem:s24+$0x90] =	vst v10  }
0x518: {  	v10 =	vld.idx.msk [tilespmem:v34+s11+$0x0], $0xffff;
	[tilespmem:s25+$0x90] =	vst v17  }
0x519: {  	v36 =	vadd.s32 s9, v2;
	v17 =	vld.idx.msk [tilespmem:v35+s11+$0x0], $0xffff  }
0x51a: {  	v37 =	vadd.s32 s8, v2;
	_ =	sdelay $0x2  }
0x51b: {  	[tilespmem:s24+$0x110] =	vst v10  }
0x51c: {  	s15 =	sadd.s32 $0xFFFFFFB0, s26;
	v10 =	vld.idx.msk [tilespmem:v36+s11+$0x0], $0xffff;
	[tilespmem:s25+$0x110] =	vst v17  }
0x51d: {  	v38 =	vadd.s32 s15, v9;
	s16 =	sadd.s32 $0xFFFFFFB0, s31;
	v17 =	vld.idx.msk [tilespmem:v37+s11+$0x0], $0xffff  }
0x51e: {  	v39 =	vadd.s32 s16, v9;
	_ =	sdelay $0x2  }
0x51f: {  	[tilespmem:s24+$0x190] =	vst v10  }
0x520: {  	v10 =	vld.idx.msk [tilespmem:v38+s11+$0x0], $0xffff;
	[tilespmem:s25+$0x190] =	vst v17  }
0x521: {  	v40 =	vadd.s32 s15, v8;
	v17 =	vld.idx.msk [tilespmem:v39+s11+$0x0], $0xffff  }
0x522: {  	v41 =	vadd.s32 s16, v8;
	_ =	sdelay $0x2  }
0x523: {  	[tilespmem:s24+$0xFFFFFE20] =	vst v10  }
0x524: {  	v10 =	vld.idx.msk [tilespmem:v40+s11+$0x0], $0xffff;
	[tilespmem:s25+$0xFFFFFE20] =	vst v17  }
0x525: {  	v42 =	vadd.s32 s15, v7;
	v17 =	vld.idx.msk [tilespmem:v41+s11+$0x0], $0xffff  }
0x526: {  	v43 =	vadd.s32 s16, v7;
	_ =	sdelay $0x2  }
0x527: {  	[tilespmem:s24+$0xFFFFFEA0] =	vst v10  }
0x528: {  	v10 =	vld.idx.msk [tilespmem:v42+s11+$0x0], $0xffff;
	[tilespmem:s25+$0xFFFFFEA0] =	vst v17  }
0x529: {  	v44 =	vadd.s32 s15, v6;
	v17 =	vld.idx.msk [tilespmem:v43+s11+$0x0], $0xffff  }
0x52a: {  	v45 =	vadd.s32 s16, v6;
	_ =	sdelay $0x2  }
0x52b: {  	[tilespmem:s24+$0xFFFFFF20] =	vst v10  }
0x52c: {  	v46 =	vadd.s32 s14, v5;
	v11 =	vld.idx.msk [tilespmem:v44+s11+$0x0], $0xffff;
	[tilespmem:s25+$0xFFFFFF20] =	vst v17  }
0x52d: {  	v47 =	vadd.s32 s15, v5;
	v18 =	vld.idx.msk [tilespmem:v45+s11+$0x0], $0xffff  }
0x52e: {  	v48 =	vadd.s32 s16, v5;
	_ =	sdelay $0x1  }
0x52f: {  	[tilespmem:s23+$0xFFFFFFA0] =	vst v61  }
0x530: {  	v10 =	vld.idx.msk [tilespmem:v46+s11+$0x0], $0xffff;
	[tilespmem:s24+$0xFFFFFFA0] =	vst v11  }
0x531: {  	v49 =	vadd.s32 s14, v4;
	v50 =	vld.idx.msk [tilespmem:v47+s11+$0x0], $0xffff;
	[tilespmem:s25+$0xFFFFFFA0] =	vst v18  }
0x532: {  	v51 =	vadd.s32 s15, v4;
	v18 =	vld.idx.msk [tilespmem:v48+s11+$0x0], $0xffff  }
0x533: {  	v52 =	vadd.s32 s16, v4;
	_ =	sdelay $0x1  }
0x534: {  	[tilespmem:s23+$0x20] =	vst v10  }
0x535: {  	v10 =	vld.idx.msk [tilespmem:v49+s11+$0x0], $0xffff;
	[tilespmem:s24+$0x20] =	vst v50  }
0x536: {  	v53 =	vadd.s32 s14, v3;
	v16 =	vld.idx.msk [tilespmem:v51+s11+$0x0], $0xffff;
	[tilespmem:s25+$0x20] =	vst v18  }
0x537: {  	v54 =	vadd.s32 s15, v3;
	v18 =	vld.idx.msk [tilespmem:v52+s11+$0x0], $0xffff  }
0x538: {  	v55 =	vadd.s32 s16, v3;
	_ =	sdelay $0x1  }
0x539: {  	[tilespmem:s23+$0xA0] =	vst v10  }
0x53a: {  	v10 =	vld.idx.msk [tilespmem:v53+s11+$0x0], $0xffff;
	[tilespmem:s24+$0xA0] =	vst v16  }
0x53b: {  	v56 =	vadd.s32 s14, v2;
	v16 =	vld.idx.msk [tilespmem:v54+s11+$0x0], $0xffff;
	[tilespmem:s25+$0xA0] =	vst v18  }
0x53c: {  	v57 =	vadd.s32 s15, v2;
	v18 =	vld.idx.msk [tilespmem:v55+s11+$0x0], $0xffff  }
0x53d: {  	v58 =	vadd.s32 s16, v2;
	_ =	sdelay $0x1  }
0x53e: {  	[tilespmem:s23+$0x120] =	vst v10  }
0x53f: {  	s14 =	sadd.s32 $0xFFFFFFC0, s28;
	v10 =	vld.idx.msk [tilespmem:v56+s11+$0x0], $0xffff;
	[tilespmem:s24+$0x120] =	vst v16  }
0x540: {  	s15 =	sadd.s32 $0xFFFFFFC0, s26;
	v59 =	vadd.s32 s14, v9;
	v16 =	vld.idx.msk [tilespmem:v57+s11+$0x0], $0xffff;
	[tilespmem:s25+$0x120] =	vst v18  }
0x541: {  	s16 =	sadd.s32 $0xFFFFFFC0, s31;
	v60 =	vadd.s32 s15, v9;
	v18 =	vld.idx.msk [tilespmem:v58+s11+$0x0], $0xffff  }
0x542: {  	v61 =	vadd.s32 s16, v9;
	_ =	sdelay $0x1  }
0x543: {  	[tilespmem:s23+$0x1A0] =	vst v10  }
0x544: {  	v10 =	vld.idx.msk [tilespmem:v59+s11+$0x0], $0xffff;
	[tilespmem:s24+$0x1A0] =	vst v16  }
0x545: {  	v62 =	vadd.s32 s14, v8;
	v16 =	vld.idx.msk [tilespmem:v60+s11+$0x0], $0xffff;
	[tilespmem:s25+$0x1A0] =	vst v18  }
0x546: {  	v63 =	vadd.s32 s15, v8;
	v18 =	vld.idx.msk [tilespmem:v61+s11+$0x0], $0xffff  }
0x547: {  	v21 =	vadd.s32 s16, v8;
	_ =	sdelay $0x1  }
0x548: {  	[tilespmem:s23+$0xFFFFFE30] =	vst v10  }
0x549: {  	v10 =	vld.idx.msk [tilespmem:v62+s11+$0x0], $0xffff;
	[tilespmem:s24+$0xFFFFFE30] =	vst v16  }
0x54a: {  	v22 =	vadd.s32 s14, v7;
	v16 =	vld.idx.msk [tilespmem:v63+s11+$0x0], $0xffff;
	[tilespmem:s25+$0xFFFFFE30] =	vst v18  }
0x54b: {  	v23 =	vadd.s32 s15, v7;
	v18 =	vld.idx.msk [tilespmem:v21+s11+$0x0], $0xffff  }
0x54c: {  	v24 =	vadd.s32 s16, v7;
	_ =	sdelay $0x1  }
0x54d: {  	[tilespmem:s23+$0xFFFFFEB0] =	vst v10  }
0x54e: {  	v10 =	vld.idx.msk [tilespmem:v22+s11+$0x0], $0xffff;
	[tilespmem:s24+$0xFFFFFEB0] =	vst v16  }
0x54f: {  	v25 =	vadd.s32 s14, v6;
	v16 =	vld.idx.msk [tilespmem:v23+s11+$0x0], $0xffff;
	[tilespmem:s25+$0xFFFFFEB0] =	vst v18  }
0x550: {  	v26 =	vadd.s32 s15, v6;
	v18 =	vld.idx.msk [tilespmem:v24+s11+$0x0], $0xffff  }
0x551: {  	v27 =	vadd.s32 s16, v6;
	_ =	sdelay $0x1  }
0x552: {  	[tilespmem:s23+$0xFFFFFF30] =	vst v10  }
0x553: {  	v10 =	vld.idx.msk [tilespmem:v25+s11+$0x0], $0xffff;
	[tilespmem:s24+$0xFFFFFF30] =	vst v16  }
0x554: {  	v28 =	vadd.s32 s14, v5;
	v16 =	vld.idx.msk [tilespmem:v26+s11+$0x0], $0xffff;
	[tilespmem:s25+$0xFFFFFF30] =	vst v18  }
0x555: {  	v29 =	vadd.s32 s15, v5;
	v18 =	vld.idx.msk [tilespmem:v27+s11+$0x0], $0xffff  }
0x556: {  	v30 =	vadd.s32 s16, v5;
	_ =	sdelay $0x1  }
0x557: {  	[tilespmem:s23+$0xFFFFFFB0] =	vst v10  }
0x558: {  	v31 =	vadd.s32 s7, v4;
	v11 =	vld.idx.msk [tilespmem:v28+s11+$0x0], $0xffff;
	[tilespmem:s24+$0xFFFFFFB0] =	vst v16  }
0x559: {  	v32 =	vadd.s32 s14, v4;
	v17 =	vld.idx.msk [tilespmem:v29+s11+$0x0], $0xffff;
	[tilespmem:s25+$0xFFFFFFB0] =	vst v18  }
0x55a: {  	v33 =	vadd.s32 s15, v4;
	v19 =	vld.idx.msk [tilespmem:v30+s11+$0x0], $0xffff  }
0x55b: {  	v34 =	vadd.s32 s16, v4  }
0x55c: {  	[tilespmem:s21+$0x30] =	vst v15  }
0x55d: {  	v10 =	vld.idx.msk [tilespmem:v31+s11+$0x0], $0xffff;
	[tilespmem:s23+$0x30] =	vst v11  }
0x55e: {  	v35 =	vadd.s32 s7, v3;
	v36 =	vld.idx.msk [tilespmem:v32+s11+$0x0], $0xffff;
	[tilespmem:s24+$0x30] =	vst v17  }
0x55f: {  	v37 =	vadd.s32 s14, v3;
	v17 =	vld.idx.msk [tilespmem:v33+s11+$0x0], $0xffff;
	[tilespmem:s25+$0x30] =	vst v19  }
0x560: {  	v38 =	vadd.s32 s15, v3;
	v19 =	vld.idx.msk [tilespmem:v34+s11+$0x0], $0xffff  }
0x561: {  	v39 =	vadd.s32 s16, v3  }
0x562: {  	[tilespmem:s21+$0xB0] =	vst v10  }
0x563: {  	v10 =	vld.idx.msk [tilespmem:v35+s11+$0x0], $0xffff;
	[tilespmem:s23+$0xB0] =	vst v36  }
0x564: {  	v40 =	vadd.s32 s7, v2;
	v15 =	vld.idx.msk [tilespmem:v37+s11+$0x0], $0xffff;
	[tilespmem:s24+$0xB0] =	vst v17  }
0x565: {  	v41 =	vadd.s32 s14, v2;
	v17 =	vld.idx.msk [tilespmem:v38+s11+$0x0], $0xffff;
	[tilespmem:s25+$0xB0] =	vst v19  }
0x566: {  	v42 =	vadd.s32 s15, v2;
	v19 =	vld.idx.msk [tilespmem:v39+s11+$0x0], $0xffff  }
0x567: {  	v43 =	vadd.s32 s16, v2  }
0x568: {  	[tilespmem:s21+$0x130] =	vst v10  }
0x569: {  	s8 =	sadd.s32 $0xFFFFFFD0, s0;
	v10 =	vld.idx.msk [tilespmem:v40+s11+$0x0], $0xffff;
	[tilespmem:s23+$0x130] =	vst v15  }
0x56a: {  	s9 =	sadd.s32 $0xFFFFFFD0, s28;
	v44 =	vadd.s32 s8, v9;
	v15 =	vld.idx.msk [tilespmem:v41+s11+$0x0], $0xffff;
	[tilespmem:s24+$0x130] =	vst v17  }
0x56b: {  	s15 =	sadd.s32 $0xFFFFFFD0, s26;
	v45 =	vadd.s32 s9, v9;
	v17 =	vld.idx.msk [tilespmem:v42+s11+$0x0], $0xffff;
	[tilespmem:s25+$0x130] =	vst v19  }
0x56c: {  	v46 =	vadd.s32 s15, v9;
	s16 =	sadd.s32 $0xFFFFFFD0, s31;
	v19 =	vld.idx.msk [tilespmem:v43+s11+$0x0], $0xffff  }
0x56d: {  	v47 =	vadd.s32 s16, v9  }
0x56e: {  	[tilespmem:s21+$0x1B0] =	vst v10  }
0x56f: {  	v10 =	vld.idx.msk [tilespmem:v44+s11+$0x0], $0xffff;
	[tilespmem:s23+$0x1B0] =	vst v15  }
0x570: {  	v48 =	vadd.s32 s8, v8;
	v15 =	vld.idx.msk [tilespmem:v45+s11+$0x0], $0xffff;
	[tilespmem:s24+$0x1B0] =	vst v17  }
0x571: {  	v49 =	vadd.s32 s9, v8;
	v17 =	vld.idx.msk [tilespmem:v46+s11+$0x0], $0xffff;
	[tilespmem:s25+$0x1B0] =	vst v19  }
0x572: {  	v50 =	vadd.s32 s15, v8;
	v19 =	vld.idx.msk [tilespmem:v47+s11+$0x0], $0xffff  }
0x573: {  	v51 =	vadd.s32 s16, v8  }
0x574: {  	[tilespmem:s21+$0xFFFFFE40] =	vst v10  }
0x575: {  	v10 =	vld.idx.msk [tilespmem:v48+s11+$0x0], $0xffff;
	[tilespmem:s23+$0xFFFFFE40] =	vst v15  }
0x576: {  	v52 =	vadd.s32 s8, v7;
	v15 =	vld.idx.msk [tilespmem:v49+s11+$0x0], $0xffff;
	[tilespmem:s24+$0xFFFFFE40] =	vst v17  }
0x577: {  	v53 =	vadd.s32 s9, v7;
	v17 =	vld.idx.msk [tilespmem:v50+s11+$0x0], $0xffff;
	[tilespmem:s25+$0xFFFFFE40] =	vst v19  }
0x578: {  	v54 =	vadd.s32 s15, v7;
	v19 =	vld.idx.msk [tilespmem:v51+s11+$0x0], $0xffff  }
0x579: {  	v55 =	vadd.s32 s16, v7  }
0x57a: {  	[tilespmem:s21+$0xFFFFFEC0] =	vst v10  }
0x57b: {  	v10 =	vld.idx.msk [tilespmem:v52+s11+$0x0], $0xffff;
	[tilespmem:s23+$0xFFFFFEC0] =	vst v15  }
0x57c: {  	v56 =	vadd.s32 s8, v6;
	v15 =	vld.idx.msk [tilespmem:v53+s11+$0x0], $0xffff;
	[tilespmem:s24+$0xFFFFFEC0] =	vst v17  }
0x57d: {  	v57 =	vadd.s32 s9, v6;
	v17 =	vld.idx.msk [tilespmem:v54+s11+$0x0], $0xffff;
	[tilespmem:s25+$0xFFFFFEC0] =	vst v19  }
0x57e: {  	v58 =	vadd.s32 s15, v6;
	v19 =	vld.idx.msk [tilespmem:v55+s11+$0x0], $0xffff  }
0x57f: {  	v59 =	vadd.s32 s16, v6  }
0x580: {  	[tilespmem:s21+$0xFFFFFF40] =	vst v10  }
0x581: {  	v10 =	vld.idx.msk [tilespmem:v56+s11+$0x0], $0xffff;
	[tilespmem:s23+$0xFFFFFF40] =	vst v15  }
0x582: {  	v60 =	vadd.s32 s8, v5;
	v15 =	vld.idx.msk [tilespmem:v57+s11+$0x0], $0xffff;
	[tilespmem:s24+$0xFFFFFF40] =	vst v17  }
0x583: {  	v61 =	vadd.s32 s9, v5;
	v17 =	vld.idx.msk [tilespmem:v58+s11+$0x0], $0xffff;
	[tilespmem:s25+$0xFFFFFF40] =	vst v19  }
0x584: {  	v62 =	vadd.s32 s15, v5;
	v19 =	vld.idx.msk [tilespmem:v59+s11+$0x0], $0xffff  }
0x585: {  	v63 =	vadd.s32 s16, v5  }
0x586: {  	[tilespmem:s21+$0xFFFFFFC0] =	vst v10  }
0x587: {  	v10 =	vld.idx.msk [tilespmem:v60+s11+$0x0], $0xffff;
	[tilespmem:s23+$0xFFFFFFC0] =	vst v15  }
0x588: {  	v24 =	vadd.s32 s8, v4;
	v15 =	vld.idx.msk [tilespmem:v61+s11+$0x0], $0xffff;
	[tilespmem:s24+$0xFFFFFFC0] =	vst v17  }
0x589: {  	v25 =	vadd.s32 s9, v4;
	v17 =	vld.idx.msk [tilespmem:v62+s11+$0x0], $0xffff;
	[tilespmem:s25+$0xFFFFFFC0] =	vst v19  }
0x58a: {  	v26 =	vadd.s32 s15, v4;
	v19 =	vld.idx.msk [tilespmem:v63+s11+$0x0], $0xffff  }
0x58b: {  	v27 =	vadd.s32 s16, v4  }
0x58c: {  	[tilespmem:s21+$0x40] =	vst v10  }
0x58d: {  	v28 =	vadd.s32 s5, v3;
	v11 =	vld.idx.msk [tilespmem:v24+s11+$0x0], $0xffff;
	[tilespmem:s23+$0x40] =	vst v15  }
0x58e: {  	v29 =	vadd.s32 s8, v3;
	v16 =	vld.idx.msk [tilespmem:v25+s11+$0x0], $0xffff;
	[tilespmem:s24+$0x40] =	vst v17  }
0x58f: {  	v30 =	vadd.s32 s9, v3;
	v18 =	vld.idx.msk [tilespmem:v26+s11+$0x0], $0xffff;
	[tilespmem:s25+$0x40] =	vst v19  }
0x590: {  	[tilespmem:s22+$0x1E0] =	vst v13;
	v31 =	vadd.s32 s15, v3;
	v19 =	vld.idx.msk [tilespmem:v27+s11+$0x0], $0xffff  }
0x591: {  	[tilespmem:s20+$0xC0] =	vst v14;
	v32 =	vadd.s32 s16, v3  }
0x592: {  	v33 =	vadd.s32 s3, v9;
	v10 =	vld.idx.msk [tilespmem:v28+s11+$0x0], $0xffff;
	[tilespmem:s21+$0xC0] =	vst v11  }
0x593: {  	v34 =	vadd.s32 s5, v2;
	v15 =	vld.idx.msk [tilespmem:v29+s11+$0x0], $0xffff;
	[tilespmem:s23+$0xC0] =	vst v16  }
0x594: {  	v35 =	vadd.s32 s8, v2;
	v17 =	vld.idx.msk [tilespmem:v30+s11+$0x0], $0xffff;
	[tilespmem:s24+$0xC0] =	vst v18  }
0x595: {  	v36 =	vadd.s32 s9, v2;
	v13 =	vld.idx.msk [tilespmem:v31+s11+$0x0], $0xffff;
	[tilespmem:s25+$0xC0] =	vst v19  }
0x596: {  	[tilespmem:s19+$0x150] =	vst v12;
	v37 =	vadd.s32 s15, v2;
	v14 =	vld.idx.msk [tilespmem:v32+s11+$0x0], $0xffff  }
0x597: {  	v38 =	vld.idx.msk [tilespmem:v33+s11+$0x0], $0xffff;
	v39 =	vadd.s32 s16, v2;
	[tilespmem:s20+$0x140] =	vst v10  }
0x598: {  	s8 =	sadd.s32 $0xFFFFFFE0, s29;
	v40 =	vadd.s32 s4, v2;
	v11 =	vld.idx.msk [tilespmem:v34+s11+$0x0], $0xffff;
	[tilespmem:s21+$0x140] =	vst v15  }
0x599: {  	s9 =	sadd.s32 $0xFFFFFFE0, s0;
	v41 =	vadd.s32 s8, v9;
	v16 =	vld.idx.msk [tilespmem:v35+s11+$0x0], $0xffff;
	[tilespmem:s23+$0x140] =	vst v17  }
0x59a: {  	s14 =	sadd.s32 $0xFFFFFFE0, s28;
	v42 =	vadd.s32 s9, v9;
	v18 =	vld.idx.msk [tilespmem:v36+s11+$0x0], $0xffff;
	[tilespmem:s24+$0x140] =	vst v13  }
0x59b: {  	s15 =	sadd.s32 $0xFFFFFFE0, s26;
	v43 =	vadd.s32 s14, v9;
	v12 =	vld.idx.msk [tilespmem:v37+s11+$0x0], $0xffff;
	[tilespmem:s25+$0x140] =	vst v14  }
0x59c: {  	v44 =	vadd.s32 s15, v9;
	[tilespmem:s22+$0xFFFFFE70] =	vst v38;
	s16 =	sadd.s32 $0xFFFFFFE0, s31;
	v10 =	vld.idx.msk [tilespmem:v39+s11+$0x0], $0xffff  }
0x59d: {  	v45 =	vld.idx.msk [tilespmem:v40+s11+$0x0], $0xffff;
	v46 =	vadd.s32 s16, v9;
	[tilespmem:s20+$0x1C0] =	vst v11  }
0x59e: {  	v47 =	vadd.s32 s3, v8;
	v15 =	vld.idx.msk [tilespmem:v41+s11+$0x0], $0xffff;
	[tilespmem:s21+$0x1C0] =	vst v16  }
0x59f: {  	v48 =	vadd.s32 s8, v8;
	v17 =	vld.idx.msk [tilespmem:v42+s11+$0x0], $0xffff;
	[tilespmem:s23+$0x1C0] =	vst v18  }
0x5a0: {  	v49 =	vadd.s32 s9, v8;
	v13 =	vld.idx.msk [tilespmem:v43+s11+$0x0], $0xffff;
	[tilespmem:s24+$0x1C0] =	vst v12  }
0x5a1: {  	v50 =	vadd.s32 s14, v8;
	v14 =	vld.idx.msk [tilespmem:v44+s11+$0x0], $0xffff;
	[tilespmem:s25+$0x1C0] =	vst v10  }
0x5a2: {  	[tilespmem:s19+$0x1D0] =	vst v45;
	v51 =	vadd.s32 s15, v8;
	v11 =	vld.idx.msk [tilespmem:v46+s11+$0x0], $0xffff  }
0x5a3: {  	v53 =	vadd.s32 s16, v8;
	v52 =	vld.idx.msk [tilespmem:v47+s11+$0x0], $0xffff;
	[tilespmem:s20+$0xFFFFFE50] =	vst v15  }
0x5a4: {  	v54 =	vadd.s32 s3, v7;
	v16 =	vld.idx.msk [tilespmem:v48+s11+$0x0], $0xffff;
	[tilespmem:s21+$0xFFFFFE50] =	vst v17  }
0x5a5: {  	v55 =	vadd.s32 s8, v7;
	v18 =	vld.idx.msk [tilespmem:v49+s11+$0x0], $0xffff;
	[tilespmem:s23+$0xFFFFFE50] =	vst v13  }
0x5a6: {  	v56 =	vadd.s32 s9, v7;
	v12 =	vld.idx.msk [tilespmem:v50+s11+$0x0], $0xffff;
	[tilespmem:s24+$0xFFFFFE50] =	vst v14  }
0x5a7: {  	v57 =	vadd.s32 s14, v7;
	v10 =	vld.idx.msk [tilespmem:v51+s11+$0x0], $0xffff;
	[tilespmem:s25+$0xFFFFFE50] =	vst v11  }
0x5a8: {  	[tilespmem:s22+$0xFFFFFEF0] =	vst v52;
	v58 =	vadd.s32 s15, v7;
	v15 =	vld.idx.msk [tilespmem:v53+s11+$0x0], $0xffff  }
0x5a9: {  	v59 =	vadd.s32 s16, v7;
	[tilespmem:s20+$0xFFFFFED0] =	vst v16;
	v19 =	vld.idx.msk [tilespmem:v54+s11+$0x0], $0xffff  }
0x5aa: {  	v60 =	vadd.s32 s3, v6;
	v17 =	vld.idx.msk [tilespmem:v55+s11+$0x0], $0xffff;
	[tilespmem:s21+$0xFFFFFED0] =	vst v18  }
0x5ab: {  	v61 =	vadd.s32 s8, v6;
	v13 =	vld.idx.msk [tilespmem:v56+s11+$0x0], $0xffff;
	[tilespmem:s23+$0xFFFFFED0] =	vst v12  }
0x5ac: {  	v62 =	vadd.s32 s9, v6;
	v14 =	vld.idx.msk [tilespmem:v57+s11+$0x0], $0xffff;
	[tilespmem:s24+$0xFFFFFED0] =	vst v10  }
0x5ad: {  	v63 =	vadd.s32 s14, v6;
	v11 =	vld.idx.msk [tilespmem:v58+s11+$0x0], $0xffff;
	[tilespmem:s25+$0xFFFFFED0] =	vst v15  }
0x5ae: {  	v24 =	vadd.s32 s15, v6;
	[tilespmem:s22+$0xFFFFFF70] =	vst v19;
	v16 =	vld.idx.msk [tilespmem:v59+s11+$0x0], $0xffff  }
0x5af: {  	v25 =	vadd.s32 s16, v6;
	[tilespmem:s20+$0xFFFFFF50] =	vst v17;
	v19 =	vld.idx.msk [tilespmem:v60+s11+$0x0], $0xffff  }
0x5b0: {  	v26 =	vadd.s32 s3, v5;
	v18 =	vld.idx.msk [tilespmem:v61+s11+$0x0], $0xffff;
	[tilespmem:s21+$0xFFFFFF50] =	vst v13  }
0x5b1: {  	v27 =	vadd.s32 s8, v5;
	v12 =	vld.idx.msk [tilespmem:v62+s11+$0x0], $0xffff;
	[tilespmem:s23+$0xFFFFFF50] =	vst v14  }
0x5b2: {  	v28 =	vadd.s32 s9, v5;
	v10 =	vld.idx.msk [tilespmem:v63+s11+$0x0], $0xffff;
	[tilespmem:s24+$0xFFFFFF50] =	vst v11  }
0x5b3: {  	v29 =	vadd.s32 s14, v5;
	v15 =	vld.idx.msk [tilespmem:v24+s11+$0x0], $0xffff;
	[tilespmem:s25+$0xFFFFFF50] =	vst v16  }
0x5b4: {  	v30 =	vadd.s32 s15, v5;
	[tilespmem:s22+$0xFFFFFFF0] =	vst v19;
	v17 =	vld.idx.msk [tilespmem:v25+s11+$0x0], $0xffff  }
0x5b5: {  	v31 =	vadd.s32 s16, v5;
	[tilespmem:s20+$0xFFFFFFD0] =	vst v18;
	v19 =	vld.idx.msk [tilespmem:v26+s11+$0x0], $0xffff  }
0x5b6: {  	v32 =	vadd.s32 s3, v4;
	v13 =	vld.idx.msk [tilespmem:v27+s11+$0x0], $0xffff;
	[tilespmem:s21+$0xFFFFFFD0] =	vst v12  }
0x5b7: {  	v33 =	vadd.s32 s8, v4;
	v14 =	vld.idx.msk [tilespmem:v28+s11+$0x0], $0xffff;
	[tilespmem:s23+$0xFFFFFFD0] =	vst v10  }
0x5b8: {  	v34 =	vadd.s32 s9, v4;
	v11 =	vld.idx.msk [tilespmem:v29+s11+$0x0], $0xffff;
	[tilespmem:s24+$0xFFFFFFD0] =	vst v15  }
0x5b9: {  	v35 =	vadd.s32 s14, v4;
	v16 =	vld.idx.msk [tilespmem:v30+s11+$0x0], $0xffff;
	[tilespmem:s25+$0xFFFFFFD0] =	vst v17  }
0x5ba: {  	v36 =	vadd.s32 s15, v4;
	[tilespmem:s22+$0x70] =	vst v19;
	v18 =	vld.idx.msk [tilespmem:v31+s11+$0x0], $0xffff  }
0x5bb: {  	v37 =	vadd.s32 s16, v4;
	[tilespmem:s20+$0x50] =	vst v13;
	v19 =	vld.idx.msk [tilespmem:v32+s11+$0x0], $0xffff  }
0x5bc: {  	v38 =	vadd.s32 s3, v3;
	v12 =	vld.idx.msk [tilespmem:v33+s11+$0x0], $0xffff;
	[tilespmem:s21+$0x50] =	vst v14  }
0x5bd: {  	v39 =	vadd.s32 s8, v3;
	v10 =	vld.idx.msk [tilespmem:v34+s11+$0x0], $0xffff;
	[tilespmem:s23+$0x50] =	vst v11  }
0x5be: {  	v40 =	vadd.s32 s9, v3;
	v15 =	vld.idx.msk [tilespmem:v35+s11+$0x0], $0xffff;
	[tilespmem:s24+$0x50] =	vst v16  }
0x5bf: {  	v41 =	vadd.s32 s14, v3;
	v17 =	vld.idx.msk [tilespmem:v36+s11+$0x0], $0xffff;
	[tilespmem:s25+$0x50] =	vst v18  }
0x5c0: {  	v42 =	vadd.s32 s15, v3;
	[tilespmem:s22+$0xF0] =	vst v19;
	v13 =	vld.idx.msk [tilespmem:v37+s11+$0x0], $0xffff  }
0x5c1: {  	v43 =	vadd.s32 s16, v3;
	[tilespmem:s20+$0xD0] =	vst v12;
	v19 =	vld.idx.msk [tilespmem:v38+s11+$0x0], $0xffff  }
0x5c2: {  	v44 =	vadd.s32 s3, v2;
	v14 =	vld.idx.msk [tilespmem:v39+s11+$0x0], $0xffff;
	[tilespmem:s21+$0xD0] =	vst v10  }
0x5c3: {  	v45 =	vadd.s32 s8, v2;
	v11 =	vld.idx.msk [tilespmem:v40+s11+$0x0], $0xffff;
	[tilespmem:s23+$0xD0] =	vst v15  }
0x5c4: {  	v46 =	vadd.s32 s9, v2;
	v16 =	vld.idx.msk [tilespmem:v41+s11+$0x0], $0xffff;
	[tilespmem:s24+$0xD0] =	vst v17  }
0x5c5: {  	v47 =	vadd.s32 s14, v2;
	v18 =	vld.idx.msk [tilespmem:v42+s11+$0x0], $0xffff;
	[tilespmem:s25+$0xD0] =	vst v13  }
0x5c6: {  	v48 =	vadd.s32 s15, v2;
	[tilespmem:s22+$0x170] =	vst v19;
	v12 =	vld.idx.msk [tilespmem:v43+s11+$0x0], $0xffff  }
0x5c7: {  	v49 =	vadd.s32 s16, v2;
	s8 =	sadd.s32 $0xFFFFFFF0, s30;
	[tilespmem:s20+$0x150] =	vst v14;
	v19 =	vld.idx.msk [tilespmem:v44+s11+$0x0], $0xffff  }
0x5c8: {  	v50 =	vadd.s32 s8, v9;
	s9 =	sadd.s32 $0xFFFFFFF0, s29;
	v10 =	vld.idx.msk [tilespmem:v45+s11+$0x0], $0xffff;
	[tilespmem:s21+$0x150] =	vst v11  }
0x5c9: {  	s14 =	sadd.s32 $0xFFFFFFF0, s0;
	v51 =	vadd.s32 s9, v9;
	v15 =	vld.idx.msk [tilespmem:v46+s11+$0x0], $0xffff;
	[tilespmem:s23+$0x150] =	vst v16  }
0x5ca: {  	v52 =	vadd.s32 s14, v9;
	s15 =	sadd.s32 $0xFFFFFFF0, s28;
	v17 =	vld.idx.msk [tilespmem:v47+s11+$0x0], $0xffff;
	[tilespmem:s24+$0x150] =	vst v18  }
0x5cb: {  	s16 =	sadd.s32 $0xFFFFFFF0, s26;
	v53 =	vadd.s32 s15, v9;
	v13 =	vld.idx.msk [tilespmem:v48+s11+$0x0], $0xffff;
	[tilespmem:s25+$0x150] =	vst v12  }
0x5cc: {  	v54 =	vadd.s32 s16, v9;
	[tilespmem:s22+$0x1F0] =	vst v19;
	s22 =	sadd.s32 $0xFFFFFFF0, s31;
	v14 =	vld.idx.msk [tilespmem:v49+s11+$0x0], $0xffff  }
0x5cd: {  	v55 =	vld.idx.msk [tilespmem:v50+s11+$0x0], $0xffff;
	[tilespmem:s20+$0x1D0] =	vst v10;
	v56 =	vadd.s32 s22, v9  }
0x5ce: {  	v57 =	vadd.s32 s8, v8;
	v11 =	vld.idx.msk [tilespmem:v51+s11+$0x0], $0xffff;
	[tilespmem:s21+$0x1D0] =	vst v15  }
0x5cf: {  	v58 =	vadd.s32 s9, v8;
	v16 =	vld.idx.msk [tilespmem:v52+s11+$0x0], $0xffff;
	[tilespmem:s23+$0x1D0] =	vst v17  }
0x5d0: {  	v59 =	vadd.s32 s14, v8;
	v18 =	vld.idx.msk [tilespmem:v53+s11+$0x0], $0xffff;
	[tilespmem:s24+$0x1D0] =	vst v13  }
0x5d1: {  	v60 =	vadd.s32 s15, v8;
	v12 =	vld.idx.msk [tilespmem:v54+s11+$0x0], $0xffff;
	[tilespmem:s25+$0x1D0] =	vst v14  }
0x5d2: {  	v61 =	vadd.s32 s16, v8;
	[tilespmem:s19+$0xFFFFFE60] =	vst v55;
	v10 =	vld.idx.msk [tilespmem:v56+s11+$0x0], $0xffff  }
0x5d3: {  	v19 =	vld.idx.msk [tilespmem:v57+s11+$0x0], $0xffff;
	v62 =	vadd.s32 s22, v8;
	[tilespmem:s20+$0xFFFFFE60] =	vst v11  }
0x5d4: {  	v63 =	vadd.s32 s8, v7;
	v15 =	vld.idx.msk [tilespmem:v58+s11+$0x0], $0xffff;
	[tilespmem:s21+$0xFFFFFE60] =	vst v16  }
0x5d5: {  	v24 =	vadd.s32 s9, v7;
	v17 =	vld.idx.msk [tilespmem:v59+s11+$0x0], $0xffff;
	[tilespmem:s23+$0xFFFFFE60] =	vst v18  }
0x5d6: {  	v25 =	vadd.s32 s14, v7;
	v13 =	vld.idx.msk [tilespmem:v60+s11+$0x0], $0xffff;
	[tilespmem:s24+$0xFFFFFE60] =	vst v12  }
0x5d7: {  	v26 =	vadd.s32 s15, v7;
	v14 =	vld.idx.msk [tilespmem:v61+s11+$0x0], $0xffff;
	[tilespmem:s25+$0xFFFFFE60] =	vst v10  }
0x5d8: {  	v27 =	vadd.s32 s16, v7;
	[tilespmem:s19+$0xFFFFFEE0] =	vst v19;
	v11 =	vld.idx.msk [tilespmem:v62+s11+$0x0], $0xffff  }
0x5d9: {  	v28 =	vadd.s32 s22, v7;
	v19 =	vld.idx.msk [tilespmem:v63+s11+$0x0], $0xffff;
	[tilespmem:s20+$0xFFFFFEE0] =	vst v15  }
0x5da: {  	v29 =	vadd.s32 s8, v6;
	v16 =	vld.idx.msk [tilespmem:v24+s11+$0x0], $0xffff;
	[tilespmem:s21+$0xFFFFFEE0] =	vst v17  }
0x5db: {  	v30 =	vadd.s32 s9, v6;
	v18 =	vld.idx.msk [tilespmem:v25+s11+$0x0], $0xffff;
	[tilespmem:s23+$0xFFFFFEE0] =	vst v13  }
0x5dc: {  	v31 =	vadd.s32 s14, v6;
	v12 =	vld.idx.msk [tilespmem:v26+s11+$0x0], $0xffff;
	[tilespmem:s24+$0xFFFFFEE0] =	vst v14  }
0x5dd: {  	v32 =	vadd.s32 s15, v6;
	v10 =	vld.idx.msk [tilespmem:v27+s11+$0x0], $0xffff;
	[tilespmem:s25+$0xFFFFFEE0] =	vst v11  }
0x5de: {  	v33 =	vadd.s32 s16, v6;
	[tilespmem:s19+$0xFFFFFF60] =	vst v19;
	v15 =	vld.idx.msk [tilespmem:v28+s11+$0x0], $0xffff  }
0x5df: {  	v34 =	vadd.s32 s22, v6;
	v19 =	vld.idx.msk [tilespmem:v29+s11+$0x0], $0xffff;
	[tilespmem:s20+$0xFFFFFF60] =	vst v16  }
0x5e0: {  	v35 =	vadd.s32 s8, v5;
	v17 =	vld.idx.msk [tilespmem:v30+s11+$0x0], $0xffff;
	[tilespmem:s21+$0xFFFFFF60] =	vst v18  }
0x5e1: {  	v36 =	vadd.s32 s9, v5;
	v13 =	vld.idx.msk [tilespmem:v31+s11+$0x0], $0xffff;
	[tilespmem:s23+$0xFFFFFF60] =	vst v12  }
0x5e2: {  	v37 =	vadd.s32 s14, v5;
	v14 =	vld.idx.msk [tilespmem:v32+s11+$0x0], $0xffff;
	[tilespmem:s24+$0xFFFFFF60] =	vst v10  }
0x5e3: {  	v38 =	vadd.s32 s15, v5;
	v11 =	vld.idx.msk [tilespmem:v33+s11+$0x0], $0xffff;
	[tilespmem:s25+$0xFFFFFF60] =	vst v15  }
0x5e4: {  	v39 =	vadd.s32 s16, v5;
	[tilespmem:s19+$0xFFFFFFE0] =	vst v19;
	v16 =	vld.idx.msk [tilespmem:v34+s11+$0x0], $0xffff  }
0x5e5: {  	v40 =	vadd.s32 s22, v5;
	v19 =	vld.idx.msk [tilespmem:v35+s11+$0x0], $0xffff;
	[tilespmem:s20+$0xFFFFFFE0] =	vst v17  }
0x5e6: {  	v41 =	vadd.s32 s8, v4;
	v18 =	vld.idx.msk [tilespmem:v36+s11+$0x0], $0xffff;
	[tilespmem:s21+$0xFFFFFFE0] =	vst v13  }
0x5e7: {  	v42 =	vadd.s32 s9, v4;
	v12 =	vld.idx.msk [tilespmem:v37+s11+$0x0], $0xffff;
	[tilespmem:s23+$0xFFFFFFE0] =	vst v14  }
0x5e8: {  	v43 =	vadd.s32 s14, v4;
	v10 =	vld.idx.msk [tilespmem:v38+s11+$0x0], $0xffff;
	[tilespmem:s24+$0xFFFFFFE0] =	vst v11  }
0x5e9: {  	v44 =	vadd.s32 s15, v4;
	v15 =	vld.idx.msk [tilespmem:v39+s11+$0x0], $0xffff;
	[tilespmem:s25+$0xFFFFFFE0] =	vst v16  }
0x5ea: {  	v45 =	vadd.s32 s16, v4;
	[tilespmem:s19+$0x60] =	vst v19;
	v17 =	vld.idx.msk [tilespmem:v40+s11+$0x0], $0xffff  }
0x5eb: {  	v46 =	vadd.s32 s22, v4;
	v19 =	vld.idx.msk [tilespmem:v41+s11+$0x0], $0xffff;
	[tilespmem:s20+$0x60] =	vst v18  }
0x5ec: {  	v47 =	vadd.s32 s8, v3;
	v13 =	vld.idx.msk [tilespmem:v42+s11+$0x0], $0xffff;
	[tilespmem:s21+$0x60] =	vst v12  }
0x5ed: {  	v48 =	vadd.s32 s9, v3;
	v14 =	vld.idx.msk [tilespmem:v43+s11+$0x0], $0xffff;
	[tilespmem:s23+$0x60] =	vst v10  }
0x5ee: {  	v49 =	vadd.s32 s14, v3;
	v11 =	vld.idx.msk [tilespmem:v44+s11+$0x0], $0xffff;
	[tilespmem:s24+$0x60] =	vst v15  }
0x5ef: {  	v50 =	vadd.s32 s15, v3;
	v16 =	vld.idx.msk [tilespmem:v45+s11+$0x0], $0xffff;
	[tilespmem:s25+$0x60] =	vst v17  }
0x5f0: {  	v51 =	vadd.s32 s16, v3;
	[tilespmem:s19+$0xE0] =	vst v19;
	v18 =	vld.idx.msk [tilespmem:v46+s11+$0x0], $0xffff  }
0x5f1: {  	v52 =	vadd.s32 s22, v3;
	v19 =	vld.idx.msk [tilespmem:v47+s11+$0x0], $0xffff;
	[tilespmem:s20+$0xE0] =	vst v13  }
0x5f2: {  	v53 =	vadd.s32 s8, v2;
	v12 =	vld.idx.msk [tilespmem:v48+s11+$0x0], $0xffff;
	[tilespmem:s21+$0xE0] =	vst v14  }
0x5f3: {  	v54 =	vadd.s32 s9, v2;
	v10 =	vld.idx.msk [tilespmem:v49+s11+$0x0], $0xffff;
	[tilespmem:s23+$0xE0] =	vst v11  }
0x5f4: {  	v55 =	vadd.s32 s14, v2;
	v15 =	vld.idx.msk [tilespmem:v50+s11+$0x0], $0xffff;
	[tilespmem:s24+$0xE0] =	vst v16  }
0x5f5: {  	v56 =	vadd.s32 s15, v2;
	v17 =	vld.idx.msk [tilespmem:v51+s11+$0x0], $0xffff;
	[tilespmem:s25+$0xE0] =	vst v18  }
0x5f6: {  	v57 =	vadd.s32 s16, v2;
	[tilespmem:s19+$0x160] =	vst v19;
	v13 =	vld.idx.msk [tilespmem:v52+s11+$0x0], $0xffff  }
0x5f7: {  	v58 =	vadd.s32 s22, v2;
	v20 =	vld.idx.msk [tilespmem:v53+s11+$0x0], $0xffff;
	[tilespmem:s20+$0x160] =	vst v12  }
0x5f8: {  	v59 =	vadd.s32 s30, v9;
	v14 =	vld.idx.msk [tilespmem:v54+s11+$0x0], $0xffff;
	[tilespmem:s21+$0x160] =	vst v10  }
0x5f9: {  	v60 =	vadd.s32 s29, v9;
	v11 =	vld.idx.msk [tilespmem:v55+s11+$0x0], $0xffff;
	[tilespmem:s23+$0x160] =	vst v15  }
0x5fa: {  	v61 =	vadd.s32 s0, v9;
	v16 =	vld.idx.msk [tilespmem:v56+s11+$0x0], $0xffff;
	[tilespmem:s24+$0x160] =	vst v17  }
0x5fb: {  	v62 =	vadd.s32 s28, v9;
	v18 =	vld.idx.msk [tilespmem:v57+s11+$0x0], $0xffff;
	[tilespmem:s25+$0x160] =	vst v13  }
0x5fc: {  	v63 =	vadd.s32 s26, v9;
	[tilespmem:s19+$0x1E0] =	vst v20;
	v19 =	vld.idx.msk [tilespmem:v58+s11+$0x0], $0xffff  }
0x5fd: {  	v21 =	vadd.s32 s31, v9;
	v12 =	vld.idx.msk [tilespmem:v59+s11+$0x0], $0xffff;
	[tilespmem:s20+$0x1E0] =	vst v14  }
0x5fe: {  	v22 =	vadd.s32 s30, v8;
	v10 =	vld.idx.msk [tilespmem:v60+s11+$0x0], $0xffff;
	[tilespmem:s21+$0x1E0] =	vst v11  }
0x5ff: {  	v23 =	vadd.s32 s29, v8;
	v15 =	vld.idx.msk [tilespmem:v61+s11+$0x0], $0xffff;
	[tilespmem:s23+$0x1E0] =	vst v16  }
0x600: {  	v24 =	vadd.s32 s0, v8;
	v17 =	vld.idx.msk [tilespmem:v62+s11+$0x0], $0xffff;
	[tilespmem:s24+$0x1E0] =	vst v18  }
0x601: {  	v25 =	vadd.s32 s28, v8;
	v13 =	vld.idx.msk [tilespmem:v63+s11+$0x0], $0xffff;
	[tilespmem:s25+$0x1E0] =	vst v19  }
0x602: {  	v26 =	vadd.s32 s26, v8;
	[tilespmem:s19+$0xFFFFFE70] =	vst v12;
	v9 =	vld.idx.msk [tilespmem:v21+s11+$0x0], $0xffff  }
0x603: {  	v27 =	vadd.s32 s31, v8;
	v14 =	vld.idx.msk [tilespmem:v22+s11+$0x0], $0xffff;
	[tilespmem:s20+$0xFFFFFE70] =	vst v10  }
0x604: {  	v28 =	vadd.s32 s30, v7;
	v11 =	vld.idx.msk [tilespmem:v23+s11+$0x0], $0xffff;
	[tilespmem:s21+$0xFFFFFE70] =	vst v15  }
0x605: {  	v29 =	vadd.s32 s29, v7;
	v16 =	vld.idx.msk [tilespmem:v24+s11+$0x0], $0xffff;
	[tilespmem:s23+$0xFFFFFE70] =	vst v17  }
0x606: {  	v30 =	vadd.s32 s0, v7;
	v18 =	vld.idx.msk [tilespmem:v25+s11+$0x0], $0xffff;
	[tilespmem:s24+$0xFFFFFE70] =	vst v13  }
0x607: {  	v31 =	vadd.s32 s28, v7;
	v12 =	vld.idx.msk [tilespmem:v26+s11+$0x0], $0xffff;
	[tilespmem:s25+$0xFFFFFE70] =	vst v9  }
0x608: {  	v32 =	vadd.s32 s26, v7;
	[tilespmem:s19+$0xFFFFFEF0] =	vst v14;
	v8 =	vld.idx.msk [tilespmem:v27+s11+$0x0], $0xffff  }
0x609: {  	v33 =	vadd.s32 s31, v7;
	v10 =	vld.idx.msk [tilespmem:v28+s11+$0x0], $0xffff;
	[tilespmem:s20+$0xFFFFFEF0] =	vst v11  }
0x60a: {  	v34 =	vadd.s32 s30, v6;
	v35 =	vld.idx.msk [tilespmem:v29+s11+$0x0], $0xffff;
	[tilespmem:s21+$0xFFFFFEF0] =	vst v16  }
0x60b: {  	v36 =	vadd.s32 s29, v6;
	v16 =	vld.idx.msk [tilespmem:v30+s11+$0x0], $0xffff;
	[tilespmem:s23+$0xFFFFFEF0] =	vst v18  }
0x60c: {  	v37 =	vadd.s32 s0, v6;
	v13 =	vld.idx.msk [tilespmem:v31+s11+$0x0], $0xffff;
	[tilespmem:s24+$0xFFFFFEF0] =	vst v12  }
0x60d: {  	v38 =	vadd.s32 s28, v6;
	v9 =	vld.idx.msk [tilespmem:v32+s11+$0x0], $0xffff;
	[tilespmem:s25+$0xFFFFFEF0] =	vst v8  }
0x60e: {  	v39 =	vadd.s32 s26, v6;
	[tilespmem:s19+$0xFFFFFF70] =	vst v10;
	v7 =	vld.idx.msk [tilespmem:v33+s11+$0x0], $0xffff  }
0x60f: {  	v40 =	vadd.s32 s31, v6;
	v10 =	vld.idx.msk [tilespmem:v34+s11+$0x0], $0xffff;
	[tilespmem:s20+$0xFFFFFF70] =	vst v35  }
0x610: {  	v41 =	vadd.s32 s30, v5;
	v14 =	vld.idx.msk [tilespmem:v36+s11+$0x0], $0xffff;
	[tilespmem:s21+$0xFFFFFF70] =	vst v16  }
0x611: {  	v42 =	vadd.s32 s29, v5;
	v16 =	vld.idx.msk [tilespmem:v37+s11+$0x0], $0xffff;
	[tilespmem:s23+$0xFFFFFF70] =	vst v13  }
0x612: {  	v43 =	vadd.s32 s0, v5;
	v12 =	vld.idx.msk [tilespmem:v38+s11+$0x0], $0xffff;
	[tilespmem:s24+$0xFFFFFF70] =	vst v9  }
0x613: {  	v44 =	vadd.s32 s28, v5;
	v8 =	vld.idx.msk [tilespmem:v39+s11+$0x0], $0xffff;
	[tilespmem:s25+$0xFFFFFF70] =	vst v7  }
0x614: {  	v45 =	vadd.s32 s26, v5;
	[tilespmem:s19+$0xFFFFFFF0] =	vst v10;
	v6 =	vld.idx.msk [tilespmem:v40+s11+$0x0], $0xffff  }
0x615: {  	v46 =	vadd.s32 s31, v5;
	v10 =	vld.idx.msk [tilespmem:v41+s11+$0x0], $0xffff;
	[tilespmem:s20+$0xFFFFFFF0] =	vst v14  }
0x616: {  	v47 =	vadd.s32 s30, v4;
	v14 =	vld.idx.msk [tilespmem:v42+s11+$0x0], $0xffff;
	[tilespmem:s21+$0xFFFFFFF0] =	vst v16  }
0x617: {  	v48 =	vadd.s32 s29, v4;
	v13 =	vld.idx.msk [tilespmem:v43+s11+$0x0], $0xffff;
	[tilespmem:s23+$0xFFFFFFF0] =	vst v12  }
0x618: {  	v49 =	vadd.s32 s0, v4;
	v9 =	vld.idx.msk [tilespmem:v44+s11+$0x0], $0xffff;
	[tilespmem:s24+$0xFFFFFFF0] =	vst v8  }
0x619: {  	v50 =	vadd.s32 s28, v4;
	v7 =	vld.idx.msk [tilespmem:v45+s11+$0x0], $0xffff;
	[tilespmem:s25+$0xFFFFFFF0] =	vst v6  }
0x61a: {  	v51 =	vadd.s32 s26, v4;
	[tilespmem:s19+$0x70] =	vst v10;
	v5 =	vld.idx.msk [tilespmem:v46+s11+$0x0], $0xffff  }
0x61b: {  	v52 =	vadd.s32 s31, v4;
	v10 =	vld.idx.msk [tilespmem:v47+s11+$0x0], $0xffff;
	[tilespmem:s20+$0x70] =	vst v14  }
0x61c: {  	v53 =	vadd.s32 s30, v3;
	v14 =	vld.idx.msk [tilespmem:v48+s11+$0x0], $0xffff;
	[tilespmem:s21+$0x70] =	vst v13  }
0x61d: {  	v54 =	vadd.s32 s29, v3;
	v12 =	vld.idx.msk [tilespmem:v49+s11+$0x0], $0xffff;
	[tilespmem:s23+$0x70] =	vst v9  }
0x61e: {  	v55 =	vadd.s32 s0, v3;
	v8 =	vld.idx.msk [tilespmem:v50+s11+$0x0], $0xffff;
	[tilespmem:s24+$0x70] =	vst v7  }
0x61f: {  	v56 =	vadd.s32 s28, v3;
	v6 =	vld.idx.msk [tilespmem:v51+s11+$0x0], $0xffff;
	[tilespmem:s25+$0x70] =	vst v5  }
0x620: {  	v57 =	vadd.s32 s26, v3;
	[tilespmem:s19+$0xF0] =	vst v10;
	v4 =	vld.idx.msk [tilespmem:v52+s11+$0x0], $0xffff  }
0x621: {  	v3 =	vadd.s32 s31, v3;
	v10 =	vld.idx.msk [tilespmem:v53+s11+$0x0], $0xffff;
	[tilespmem:s20+$0xF0] =	vst v14  }
0x622: {  	v58 =	vadd.s32 s30, v2;
	v13 =	vld.idx.msk [tilespmem:v54+s11+$0x0], $0xffff;
	[tilespmem:s21+$0xF0] =	vst v12  }
0x623: {  	v59 =	vadd.s32 s29, v2;
	v9 =	vld.idx.msk [tilespmem:v55+s11+$0x0], $0xffff;
	[tilespmem:s23+$0xF0] =	vst v8  }
0x624: {  	v60 =	vadd.s32 s0, v2;
	v7 =	vld.idx.msk [tilespmem:v56+s11+$0x0], $0xffff;
	[tilespmem:s24+$0xF0] =	vst v6  }
0x625: {  	v61 =	vadd.s32 s28, v2;
	v5 =	vld.idx.msk [tilespmem:v57+s11+$0x0], $0xffff;
	[tilespmem:s25+$0xF0] =	vst v4  }
0x626: {  	v62 =	vadd.s32 s26, v2;
	[tilespmem:s19+$0x170] =	vst v10;
	v3 =	vld.idx.msk [tilespmem:v3+s11+$0x0], $0xffff  }
0x627: {  	v2 =	vadd.s32 s31, v2;
	v10 =	vld.idx.msk [tilespmem:v58+s11+$0x0], $0xffff;
	[tilespmem:s20+$0x170] =	vst v13  }
0x628: {  	v63 =	vld.idx.msk [tilespmem:v59+s11+$0x0], $0xffff;
	[tilespmem:s21+$0x170] =	vst v9  }
0x629: {  	v8 =	vld.idx.msk [tilespmem:v60+s11+$0x0], $0xffff;
	[tilespmem:s23+$0x170] =	vst v7  }
0x62a: {  	v6 =	vld.idx.msk [tilespmem:v61+s11+$0x0], $0xffff;
	[tilespmem:s24+$0x170] =	vst v5  }
0x62b: {  	v4 =	vld.idx.msk [tilespmem:v62+s11+$0x0], $0xffff;
	[tilespmem:s25+$0x170] =	vst v3  }
0x62c: {  	s17 =	sadd.s32 $0x1, s17;
	[tilespmem:s19+$0x1F0] =	vst v10;
	v2 =	vld.idx.msk [tilespmem:v2+s11+$0x0], $0xffff  }
0x62d: {  	p0 =	sne.s32 s17, $0x20;
	[tilespmem:s20+$0x1F0] =	vst v63  }
.Ltmp3:
0x62e: {  	s31 =	sadd.s32 s6, s18;
	[tilespmem:s21+$0x1F0] =	vst v8;
	(pc) =	sbr.rel @p0 .LBB2_4-.Ltmp3, $4  }
0x62f: {  	s0 =	sshll.u32 s31, $0xC;
	[tilespmem:s23+$0x1F0] =	vst v6  }
0x630: {  	s0 =	sand.u32 $0x1FFFF000, s0;
	[tilespmem:s24+$0x1F0] =	vst v4  }
0x631: {  	s0 =	sadd.s32 s1, s0;
	[tilespmem:s25+$0x1F0] =	vst v2  }
0x632: {  	[hbm4b:s0+s2] =	stream.linear.scatter [tilespmem:s13], [sflag:$0x2], $0x8000, $0x38;
	[tilespmem:$0x12B80] =	vst v63  }
0x633: {  	s0 =	simm.s32 $0x1  }
0x634: {  	_ =	swait.ge [sflag:s0], $0x8000  }
0x635: {  	[sflag:s0] =	ssyncset.done $0x0  }
0x636: {  	s3 =	simm.s32 $0x2;
	[sflag:s0] =	ssyncadd.s32 $0xFFFF8000  }
0x637: {  	_ =	swait.ge [sflag:s3], $0x8000  }
0x638: {  	s4 =	rddreg [dreg:$0x7]  }
0x639: {  	s31 =	rddreg [dreg:$0x5];
	s4 =	sadd.s32 $0x1, s4  }
0x63a: {  	p0 =	sne.s32 s4, s31  }
.Ltmp4:
0x63b: {  	_ = 	snop;
	(pc) =	sbr.rel @p0 .LBB2_1-.Ltmp4, $3  }
0x63c: {  	_ =	sdelay $0x1  }
0x63d: {  	[sflag:s3] =	ssyncset.done $0x0  }
0x63e: {  	[sflag:s3] =	ssyncadd.s32 $0xFFFF8000  }
0x63f: {  	_ =	sfence.sel $0x180000  }
0x640: {  	[bflag:$0x0] =	sbarrier.arrive $0xFFFF  }
0x641: {  	_ =	strace $0x90000047  }
0x642: {  	s0 =	stileid.u32;
	[bflag:$0x2] =	sbarrier.arrive $0xFFFF  }
0x643: {  	p0 =	sne.s32 s0, $0x0;
	s0 =	rddreg [dreg:$0x2]  }
0x644: {  	s0 =	sadd.s32 @!p0 $0x100000, s0  }
0x645: {  	[sflag:s0] =	ssyncadd.tile.s32 @!p0 $0x1;
	_ =	shalt  }
.Lfunc_end2:
_tile_overlayer_lowered:
.L_overlay_start_2:
0x646: {  	(tag) =	ssettag $0x2  }
0x647: {  	s0 =	rddreg [dreg:$0x0];
	s2 =	stileid.u32  }
0x648: {  	s1 =	rddreg [dreg:$0x1];
	p0 =	sne.s32 s2, $0x0  }
0x649: {  	s3 =	rddreg [dreg:$0x2];
	[bflag:$0x3] =	sbarrier.arrive $0xFFFF;
	s2 =	simm.s32 @!p0 $0x1C03  }
0x64a: {  	[timem:s3], [sflag:s2] =	dma.local @!p0 [hbm:s0], s1  }
0x64b: {  	s0 =	simm.s32 @!p0 $0x3  }
0x64c: {  	_ =	swait.ge @!p0 [sflag:s0], s1  }
0x64d: {  	s1 =	ssub.s32 @!p0 $0x0, s1;
	[sflag:s0] =	ssyncset.done @!p0 $0x0  }
0x64e: {  	[sflag:s0] =	ssyncadd.s32 @!p0 s1  }
0x64f: {  	[bflag:$0x3] =	sbarrier.arrive $0xFFFF  }
0x650: {  	_ =	shalt  }

</sc_bundles>
